<compile_context>
chip_gen: v7x
topology: tpu7x:2x2x1
jax: 0.10.2.dev20260603
libtpu: 0.0.44.dev20260713+nightly
codegen_flags: <defaults>
</compile_context>

<pallas_src>
import functools

import jax
import jax.numpy as jnp
from jax import lax
from jax.experimental import pallas as pl
from jax.experimental.pallas import tpu as pltpu
from jax.experimental.pallas import tpu_sc as plsc

N = 2048
D = 1024
E = 8
H = 4096
TOPK = 2
M = N * TOPK
EP = 128

BMI = 256
BH = 512
KH = H // BH

NC, NS = 2, 16
NW = NC * NS
TPW = N // NW
CCH = 16


def _router_body(x_ref, wg_ref, bg_ref,
                 pos0_ref, pos1_ref, w0_ref, w1_ref, cnt_ref, aux_ref,
                 oh_ref, ranks_ref):
    xv = x_ref[...]
    logits = lax.dot_general(xv, wg_ref[...], (((1,), (1,)), ((), ())),
                             preferred_element_type=jnp.float32)
    logits = logits + bg_ref[...]
    mx = jnp.max(logits, axis=1, keepdims=True)
    ex = jnp.exp(logits - mx)
    p = ex / jnp.sum(ex, axis=1, keepdims=True)

    lane = lax.broadcasted_iota(jnp.int32, (N, EP), 1)
    m1 = jnp.max(p, axis=1, keepdims=True)
    i1 = jnp.min(jnp.where(p == m1, lane, EP), axis=1, keepdims=True)
    p2 = jnp.where(lane == i1, -1.0, p)
    m2 = jnp.max(p2, axis=1, keepdims=True)
    i2 = jnp.min(jnp.where(p2 == m2, lane, EP), axis=1, keepdims=True)
    ws = m1 + m2
    w0_ref[...] = m1 / ws
    w1_ref[...] = m2 / ws

    oh = jnp.where(lane == i1, 1.0, 0.0) + jnp.where(lane == i2, 1.0, 0.0)
    oh_ref[...] = oh

    mean_prob = jnp.mean(p, axis=0, keepdims=True)

    CH = 256
    r = lax.broadcasted_iota(jnp.int32, (CH, CH), 0)
    c = lax.broadcasted_iota(jnp.int32, (CH, CH), 1)
    tri = jnp.where(c < r, 1.0, 0.0)

    def rank_body(i, carry):
        ohc = oh_ref[pl.ds(i * CH, CH), :]
        rc = lax.dot_general(tri, ohc, (((1,), (0,)), ((), ())),
                             precision=lax.Precision.HIGHEST,
                             preferred_element_type=jnp.float32)
        ranks_ref[pl.ds(i * CH, CH), :] = rc + carry
        return carry + jnp.sum(ohc, axis=0, keepdims=True)

    cnt = lax.fori_loop(0, N // CH, rank_body, jnp.zeros((1, EP), jnp.float32))
    cnt_ref[...] = cnt

    aux_ref[...] = (E * jnp.sum(mean_prob * (cnt / N))).reshape(1, 1)

    r2 = lax.broadcasted_iota(jnp.int32, (EP, EP), 0)
    c2 = lax.broadcasted_iota(jnp.int32, (EP, EP), 1)
    tri2 = jnp.where(r2 < c2, 1.0, 0.0)
    offs = lax.dot_general(cnt, tri2, (((1,), (0,)), ((), ())),
                           precision=lax.Precision.HIGHEST,
                           preferred_element_type=jnp.float32)
    posm = ranks_ref[...] + offs
    pos0 = jnp.sum(jnp.where(lane == i1, posm, 0.0), axis=1, keepdims=True)
    pos1 = jnp.sum(jnp.where(lane == i2, posm, 0.0), axis=1, keepdims=True)
    pos0_ref[...] = pos0.astype(jnp.int32)
    pos1_ref[...] = pos1.astype(jnp.int32)


def _router(x_flat, Wgp, bgp):
    return pl.pallas_call(
        _router_body,
        out_shape=[
            jax.ShapeDtypeStruct((N, 1), jnp.int32),
            jax.ShapeDtypeStruct((N, 1), jnp.int32),
            jax.ShapeDtypeStruct((N, 1), jnp.float32),
            jax.ShapeDtypeStruct((N, 1), jnp.float32),
            jax.ShapeDtypeStruct((1, EP), jnp.float32),
            jax.ShapeDtypeStruct((1, 1), jnp.float32),
        ],
        scratch_shapes=[
            pltpu.VMEM((N, EP), jnp.float32),
            pltpu.VMEM((N, EP), jnp.float32),
        ],
        interpret=False,
    )(x_flat, Wgp, bgp)


def _tile_meta(cnt_f):
    cnt = cnt_f[0, :E].astype(jnp.int32)
    ends = jnp.cumsum(cnt)
    offs = ends - cnt
    return jnp.stack([offs, cnt])


def _gelu(h):
    return 0.5 * h * (1.0 + lax.erf(h * 0.7071067811865476))


def _gmm_body(meta_ref, xs_ref, w1_ref, b1_ref, w2_ref, b2_ref, y_ref):
    g = pl.program_id(0)
    kh = pl.program_id(1)
    lo = meta_ref[0, g]
    n = meta_ref[1, g]
    hi = lo + n
    first = kh == 0
    lo8 = pl.multiple_of((lo // 8) * 8, 8)
    nb = (hi - lo8 + BMI - 1) // BMI
    w1 = w1_ref[0]
    w2 = w2_ref[0]
    b1v = b1_ref[0, 0]
    b2v = b2_ref[0]

    def blk(rb, _):
        s0 = lo8 + rb * BMI
        s = pl.multiple_of(jnp.minimum(s0, M - BMI), 8)
        xv = xs_ref[pl.ds(s, BMI), :].astype(jnp.bfloat16)
        h = lax.dot_general(xv, w1.astype(jnp.bfloat16),
                            (((1,), (1,)), ((), ())),
                            preferred_element_type=jnp.float32)
        h = _gelu(h + b1v).astype(jnp.bfloat16)
        y = lax.dot_general(h, w2.astype(jnp.bfloat16),
                            (((1,), (1,)), ((), ())),
                            preferred_element_type=jnp.float32)
        rowid = s + lax.broadcasted_iota(jnp.int32, (BMI, D), 0)
        msk = (rowid >= jnp.maximum(lo, s0)) & (rowid < hi)
        acc = y_ref[pl.ds(s, BMI), :]
        val = jnp.where(first, y + b2v, acc + y)
        y_ref[pl.ds(s, BMI), :] = jnp.where(msk, val, acc)
        return 0

    lax.fori_loop(0, nb, blk, 0)


def _gmm(xs, W1, b1, W2, b2, meta):
    grid_spec = pltpu.PrefetchScalarGridSpec(
        num_scalar_prefetch=1,
        grid=(E, KH),
        in_specs=[
            pl.BlockSpec((M, D), lambda g, kh, m: (0, 0)),
            pl.BlockSpec((1, BH, D), lambda g, kh, m: (g, kh, 0)),
            pl.BlockSpec((1, 1, 1, BH), lambda g, kh, m: (g, kh, 0, 0)),
            pl.BlockSpec((1, D, BH), lambda g, kh, m: (g, 0, kh)),
            pl.BlockSpec((1, 1, D), lambda g, kh, m: (g, 0, 0)),
        ],
        out_specs=pl.BlockSpec((M, D), lambda g, kh, m: (0, 0)),
    )
    return pl.pallas_call(
        _gmm_body,
        grid_spec=grid_spec,
        out_shape=jax.ShapeDtypeStruct((M, D), jnp.float32),
        compiler_params=pltpu.CompilerParams(
            dimension_semantics=("arbitrary", "arbitrary"),
            vmem_limit_bytes=100 * 1024 * 1024,
        ),
        interpret=False,
    )(meta, xs, W1, b1.reshape(E, KH, 1, BH), W2, b2.reshape(E, 1, D))


def _dispatch_body(x_hbm, pos0_hbm, pos1_hbm, xs_hbm,
                   idx0_v, idx1_v, rows_v, sem0, sem1):
    wid = lax.axis_index("s") * NC + lax.axis_index("c")
    base = wid * TPW
    pltpu.sync_copy(pos0_hbm.at[pl.ds(base, TPW)], idx0_v)
    pltpu.sync_copy(pos1_hbm.at[pl.ds(base, TPW)], idx1_v)
    pltpu.sync_copy(x_hbm.at[pl.ds(base, TPW)], rows_v)
    c0 = pltpu.async_copy(rows_v, xs_hbm.at[idx0_v], sem0)
    c1 = pltpu.async_copy(rows_v, xs_hbm.at[idx1_v], sem1)
    c0.wait()
    c1.wait()


def _dispatch(x_flat, pos0, pos1):
    mesh = plsc.VectorSubcoreMesh(core_axis_name="c", subcore_axis_name="s",
                                  num_cores=NC, num_subcores=NS)
    return pl.kernel(
        _dispatch_body,
        out_type=jax.ShapeDtypeStruct((M, D), jnp.float32),
        mesh=mesh,
        scratch_types=[
            pltpu.VMEM((TPW,), jnp.int32),
            pltpu.VMEM((TPW,), jnp.int32),
            pltpu.VMEM((TPW, D), jnp.float32),
            pltpu.SemaphoreType.DMA,
            pltpu.SemaphoreType.DMA,
        ],
        interpret=False,
    )(x_flat, pos0, pos1)


def _combine_body(y_hbm, pos0_hbm, pos1_hbm, w0_hbm, w1_hbm, out_hbm,
                  idx0_v, idx1_v, w0_v, w1_v, rows0_v, rows1_v, out_v,
                  sem0, sem1):
    wid = lax.axis_index("s") * NC + lax.axis_index("c")
    for ci in range(TPW // CCH):
        base = wid * TPW + ci * CCH
        pltpu.sync_copy(pos0_hbm.at[pl.ds(base, CCH)], idx0_v)
        pltpu.sync_copy(pos1_hbm.at[pl.ds(base, CCH)], idx1_v)
        pltpu.sync_copy(w0_hbm.at[pl.ds(base, CCH)], w0_v)
        pltpu.sync_copy(w1_hbm.at[pl.ds(base, CCH)], w1_v)
        c0 = pltpu.async_copy(y_hbm.at[idx0_v], rows0_v, sem0)
        c1 = pltpu.async_copy(y_hbm.at[idx1_v], rows1_v, sem1)
        c0.wait()
        c1.wait()

        def tok_body(i, _):
            s0 = plsc.load_gather(w0_v, [jnp.full((16,), i, jnp.int32)])
            s1 = plsc.load_gather(w1_v, [jnp.full((16,), i, jnp.int32)])
            for cv in range(D // 16):
                out_v[i, pl.ds(cv * 16, 16)] = (
                    s0 * rows0_v[i, pl.ds(cv * 16, 16)]
                    + s1 * rows1_v[i, pl.ds(cv * 16, 16)])
            return 0

        lax.fori_loop(0, CCH, tok_body, 0)
        pltpu.sync_copy(out_v, out_hbm.at[pl.ds(base, CCH)])


def _combine(ys, pos0, pos1, w0, w1):
    mesh = plsc.VectorSubcoreMesh(core_axis_name="c", subcore_axis_name="s",
                                  num_cores=NC, num_subcores=NS)
    return pl.kernel(
        _combine_body,
        out_type=jax.ShapeDtypeStruct((N, D), jnp.float32),
        mesh=mesh,
        scratch_types=[
            pltpu.VMEM((CCH,), jnp.int32),
            pltpu.VMEM((CCH,), jnp.int32),
            pltpu.VMEM((CCH,), jnp.float32),
            pltpu.VMEM((CCH,), jnp.float32),
            pltpu.VMEM((CCH, D), jnp.float32),
            pltpu.VMEM((CCH, D), jnp.float32),
            pltpu.VMEM((CCH, D), jnp.float32),
            pltpu.SemaphoreType.DMA,
            pltpu.SemaphoreType.DMA,
        ],
        compiler_params=pltpu.CompilerParams(needs_layout_passes=False),
        interpret=False,
    )(ys, pos0, pos1, w0, w1)


def kernel(x, Wg, bg, W1, b1, W2, b2):
    batch, T, d = x.shape
    x_flat = x.reshape(N, D)
    Wgp = jnp.pad(Wg, ((0, EP - E), (0, 0)))
    bgp = jnp.pad(bg.reshape(1, E), ((0, 0), (0, EP - E)),
                  constant_values=-1e30)

    pos0, pos1, w0, w1, cnt_f, aux = _router(x_flat, Wgp, bgp)
    meta = _tile_meta(cnt_f)

    pos0 = pos0.reshape(N)
    pos1 = pos1.reshape(N)
    xs = _dispatch(x_flat, pos0, pos1)
    ys = _gmm(xs, W1, b1, W2, b2, meta)
    out = _combine(ys, pos0, pos1, w0.reshape(N), w1.reshape(N))
    return out.reshape(batch, T, d), aux.reshape(())

# --- scband reference (transcript-rebuilt; emitter-appended) ---
"""Pipeline reference for scband-standard-router-46574625358028 (READ-ONLY COPY).

The authoritative reference and input builder live on the scoring server;
editing this copy changes nothing except your own understanding.
"""

import jax, jax.numpy as jnp
import numpy as np

B, T, D, E, TOPK = 1, 2048, 1024, 8, 2
H = 4 * D  # hidden_ratio=4


def setup_inputs(seed: int = 0) -> dict:
    key = jax.random.key(seed)
    ks = jax.random.split(key, 8)
    x = jax.random.normal(ks[0], (B, T, D), dtype=jnp.float32)
    # gate: nn.Linear(d_model, num_experts)
    Wg = jax.random.normal(ks[1], (E, D), dtype=jnp.float32) * (1.0 / np.sqrt(D))
    bg = jnp.zeros((E,), dtype=jnp.float32)
    # experts: per-expert 1x1 convs == per-expert linears
    W1 = jax.random.normal(ks[2], (E, H, D), dtype=jnp.float32) * (1.0 / np.sqrt(D))
    b1 = jnp.zeros((E, H), dtype=jnp.float32)
    W2 = jax.random.normal(ks[3], (E, D, H), dtype=jnp.float32) * (1.0 / np.sqrt(H))
    b2 = jnp.zeros((E, D), dtype=jnp.float32)
    return {"x": x, "Wg": Wg, "bg": bg, "W1": W1, "b1": b1, "W2": W2, "b2": b2}


def reference(x, Wg, bg, W1, b1, W2, b2):
    batch_size, num_tokens, d_model = x.shape
    num_experts = Wg.shape[0]
    x_flat = x.reshape(-1, d_model)                      # [N, D]
    clean_logits = x_flat @ Wg.T + bg                    # [N, E] (eval mode: no noise)
    router_probs = jax.nn.softmax(clean_logits, axis=-1)
    topk_weights, topk_indices = jax.lax.top_k(router_probs, TOPK)
    topk_weights = topk_weights / jnp.sum(topk_weights, axis=-1, keepdims=True)
    # dense expert evaluation: every expert on every token (1x1 conv == linear)
    h = jnp.einsum('nd,ehd->neh', x_flat, W1) + b1       # [N, E, H]
    h = jax.nn.gelu(h, approximate=False)                # torch nn.GELU default = exact erf
    expert_outputs = jnp.einsum('neh,edh->ned', h, W2) + b2  # [N, E, D]
    gather_idx = topk_indices[:, :, None]                # [N, K, 1]
    selected = jnp.take_along_axis(expert_outputs, gather_idx, axis=1)  # [N, K, D]
    weighted_out = jnp.sum(selected * topk_weights[:, :, None], axis=1)  # [N, D]
    mean_prob = router_probs.mean(axis=0)
    n_tok = router_probs.shape[0]
    one_hot = jnp.zeros_like(router_probs).at[jnp.arange(n_tok)[:, None], topk_indices].set(1.0)
    mean_load = one_hot.mean(axis=0)
    aux_loss = num_experts * jnp.sum(mean_prob * mean_load)
    return (weighted_out.reshape(batch_size, num_tokens, d_model), aux_loss)

if __name__ == "__main__":
    import jax
    _d = setup_inputs()
    print(jax.jit(kernel)(*tuple(_d.values())))

</pallas_src>

<mosaic_0001>
#map = affine_map<(d0, d1) -> (0, 0)>
#map1 = affine_map<(d0, d1) -> (0)>
module attributes {stable_mosaic.version = 14 : i64} {
  func.func @_combine_body(%arg0: i32, %arg1: i32, %arg2: memref<4096x1024xf32, #tpu.memory_space<hbm>>, %arg3: memref<2048xi32, #tpu.memory_space<hbm>>, %arg4: memref<2048xi32, #tpu.memory_space<hbm>>, %arg5: memref<2048xf32, #tpu.memory_space<hbm>>, %arg6: memref<2048xf32, #tpu.memory_space<hbm>>, %arg7: memref<2048x1024xf32, #tpu.memory_space<hbm>>, %arg8: memref<16xi32, #tpu.memory_space<vmem>>, %arg9: memref<16xi32, #tpu.memory_space<vmem>>, %arg10: memref<16xf32, #tpu.memory_space<vmem>>, %arg11: memref<16xf32, #tpu.memory_space<vmem>>, %arg12: memref<16x1024xf32, #tpu.memory_space<vmem>>, %arg13: memref<16x1024xf32, #tpu.memory_space<vmem>>, %arg14: memref<16x1024xf32, #tpu.memory_space<vmem>>, %arg15: memref<!tpu.dma_semaphore, #tpu.memory_space<semaphore_mem>>, %arg16: memref<!tpu.dma_semaphore, #tpu.memory_space<semaphore_mem>>) attributes {dimension_semantics = [#tpu.dimension_semantics<core_parallel>, #tpu.dimension_semantics<subcore_parallel>], iteration_bounds = array<i64: 2, 16>, scalar_prefetch = 0 : i64, scratch_operands = 9 : i64, tpu.core_type = #tpu.core_type<sc_vector_subcore>, window_params = [{transform_indices = #map}, {transform_indices = #map1}, {transform_indices = #map1}, {transform_indices = #map1}, {transform_indices = #map1}, {transform_indices = #map}]} {
    %mul3A = arith.constant 2 : i32
    %mul3A_0 = arith.muli %arg1, %mul3A : i32
    %add3A = arith.addi %mul3A_0, %arg0 : i32
    %mul3A_1 = arith.constant 64 : i32
    %mul3A_2 = arith.muli %add3A, %mul3A_1 : i32
    %add3A_3 = arith.constant 0 : i32
    %add3A_4 = arith.addi %mul3A_2, %add3A_3 : i32
    "tpu.region"() ({
      %run_scoped3A = tpu.sem_alloc : memref<!tpu.dma_semaphore, #tpu.memory_space<semaphore_mem>>
      %dma_start3A_90 = tpu.memref_slice %arg3[%add3A_4] : memref<2048xi32, #tpu.memory_space<hbm>> -> memref<16xi32, #tpu.memory_space<hbm>>
      %dma_start3A_91 = tpu.memref_slice %arg3[%add3A_4] : memref<2048xi32, #tpu.memory_space<hbm>> -> memref<16xi32, #tpu.memory_space<hbm>>
      tpu.enqueue_dma source(%dma_start3A_91 : memref<16xi32, #tpu.memory_space<hbm>>) target(%arg8 : memref<16xi32, #tpu.memory_space<vmem>>) target_semaphore(%run_scoped3A : memref<!tpu.dma_semaphore, #tpu.memory_space<semaphore_mem>>)
      %dma_wait3A_92 = tpu.memref_slice %arg3[%add3A_4] : memref<2048xi32, #tpu.memory_space<hbm>> -> memref<16xi32, #tpu.memory_space<hbm>>
      %dma_wait3A_93 = tpu.memref_slice %arg3[%add3A_4] : memref<2048xi32, #tpu.memory_space<hbm>> -> memref<16xi32, #tpu.memory_space<hbm>>
      tpu.wait_dma2 semaphore(%run_scoped3A : memref<!tpu.dma_semaphore, #tpu.memory_space<semaphore_mem>>) src(%dma_wait3A_93 : memref<16xi32, #tpu.memory_space<hbm>>) dst(%arg8 : memref<16xi32, #tpu.memory_space<vmem>>)
      tpu.yield
    }) : () -> ()
    "tpu.region"() ({
      %run_scoped3A = tpu.sem_alloc : memref<!tpu.dma_semaphore, #tpu.memory_space<semaphore_mem>>
      %dma_start3A_90 = tpu.memref_slice %arg4[%add3A_4] : memref<2048xi32, #tpu.memory_space<hbm>> -> memref<16xi32, #tpu.memory_space<hbm>>
      %dma_start3A_91 = tpu.memref_slice %arg4[%add3A_4] : memref<2048xi32, #tpu.memory_space<hbm>> -> memref<16xi32, #tpu.memory_space<hbm>>
      tpu.enqueue_dma source(%dma_start3A_91 : memref<16xi32, #tpu.memory_space<hbm>>) target(%arg9 : memref<16xi32, #tpu.memory_space<vmem>>) target_semaphore(%run_scoped3A : memref<!tpu.dma_semaphore, #tpu.memory_space<semaphore_mem>>)
      %dma_wait3A_92 = tpu.memref_slice %arg4[%add3A_4] : memref<2048xi32, #tpu.memory_space<hbm>> -> memref<16xi32, #tpu.memory_space<hbm>>
      %dma_wait3A_93 = tpu.memref_slice %arg4[%add3A_4] : memref<2048xi32, #tpu.memory_space<hbm>> -> memref<16xi32, #tpu.memory_space<hbm>>
      tpu.wait_dma2 semaphore(%run_scoped3A : memref<!tpu.dma_semaphore, #tpu.memory_space<semaphore_mem>>) src(%dma_wait3A_93 : memref<16xi32, #tpu.memory_space<hbm>>) dst(%arg9 : memref<16xi32, #tpu.memory_space<vmem>>)
      tpu.yield
    }) : () -> ()
    "tpu.region"() ({
      %run_scoped3A = tpu.sem_alloc : memref<!tpu.dma_semaphore, #tpu.memory_space<semaphore_mem>>
      %dma_start3A_90 = tpu.memref_slice %arg5[%add3A_4] : memref<2048xf32, #tpu.memory_space<hbm>> -> memref<16xf32, #tpu.memory_space<hbm>>
      %dma_start3A_91 = tpu.memref_slice %arg5[%add3A_4] : memref<2048xf32, #tpu.memory_space<hbm>> -> memref<16xf32, #tpu.memory_space<hbm>>
      tpu.enqueue_dma source(%dma_start3A_91 : memref<16xf32, #tpu.memory_space<hbm>>) target(%arg10 : memref<16xf32, #tpu.memory_space<vmem>>) target_semaphore(%run_scoped3A : memref<!tpu.dma_semaphore, #tpu.memory_space<semaphore_mem>>)
      %dma_wait3A_92 = tpu.memref_slice %arg5[%add3A_4] : memref<2048xf32, #tpu.memory_space<hbm>> -> memref<16xf32, #tpu.memory_space<hbm>>
      %dma_wait3A_93 = tpu.memref_slice %arg5[%add3A_4] : memref<2048xf32, #tpu.memory_space<hbm>> -> memref<16xf32, #tpu.memory_space<hbm>>
      tpu.wait_dma2 semaphore(%run_scoped3A : memref<!tpu.dma_semaphore, #tpu.memory_space<semaphore_mem>>) src(%dma_wait3A_93 : memref<16xf32, #tpu.memory_space<hbm>>) dst(%arg10 : memref<16xf32, #tpu.memory_space<vmem>>)
      tpu.yield
    }) : () -> ()
    "tpu.region"() ({
      %run_scoped3A = tpu.sem_alloc : memref<!tpu.dma_semaphore, #tpu.memory_space<semaphore_mem>>
      %dma_start3A_90 = tpu.memref_slice %arg6[%add3A_4] : memref<2048xf32, #tpu.memory_space<hbm>> -> memref<16xf32, #tpu.memory_space<hbm>>
      %dma_start3A_91 = tpu.memref_slice %arg6[%add3A_4] : memref<2048xf32, #tpu.memory_space<hbm>> -> memref<16xf32, #tpu.memory_space<hbm>>
      tpu.enqueue_dma source(%dma_start3A_91 : memref<16xf32, #tpu.memory_space<hbm>>) target(%arg11 : memref<16xf32, #tpu.memory_space<vmem>>) target_semaphore(%run_scoped3A : memref<!tpu.dma_semaphore, #tpu.memory_space<semaphore_mem>>)
      %dma_wait3A_92 = tpu.memref_slice %arg6[%add3A_4] : memref<2048xf32, #tpu.memory_space<hbm>> -> memref<16xf32, #tpu.memory_space<hbm>>
      %dma_wait3A_93 = tpu.memref_slice %arg6[%add3A_4] : memref<2048xf32, #tpu.memory_space<hbm>> -> memref<16xf32, #tpu.memory_space<hbm>>
      tpu.wait_dma2 semaphore(%run_scoped3A : memref<!tpu.dma_semaphore, #tpu.memory_space<semaphore_mem>>) src(%dma_wait3A_93 : memref<16xf32, #tpu.memory_space<hbm>>) dst(%arg11 : memref<16xf32, #tpu.memory_space<vmem>>)
      tpu.yield
    }) : () -> ()
    %dma_start3A = arith.constant 0 : i32
    %dma_start3A_5 = arith.constant 0 : i32
    %dma_start3A_6 = tpu.memref_slice %arg2[%dma_start3A, %dma_start3A_5] : memref<4096x1024xf32, #tpu.memory_space<hbm>> -> memref<4096x1024xf32, #tpu.memory_space<hbm>>
    tpu.enqueue_indirect_dma source(%dma_start3A_6 : memref<4096x1024xf32, #tpu.memory_space<hbm>>) target(%arg12 : memref<16x1024xf32, #tpu.memory_space<vmem>>) offsets(%arg8 : memref<16xi32, #tpu.memory_space<vmem>>) semaphore(%arg15 : memref<!tpu.dma_semaphore, #tpu.memory_space<semaphore_mem>>)
    %dma_start3A_7 = arith.constant 0 : i32
    %dma_start3A_8 = arith.constant 0 : i32
    %dma_start3A_9 = tpu.memref_slice %arg2[%dma_start3A_7, %dma_start3A_8] : memref<4096x1024xf32, #tpu.memory_space<hbm>> -> memref<4096x1024xf32, #tpu.memory_space<hbm>>
    tpu.enqueue_indirect_dma source(%dma_start3A_9 : memref<4096x1024xf32, #tpu.memory_space<hbm>>) target(%arg13 : memref<16x1024xf32, #tpu.memory_space<vmem>>) offsets(%arg9 : memref<16xi32, #tpu.memory_space<vmem>>) semaphore(%arg16 : memref<!tpu.dma_semaphore, #tpu.memory_space<semaphore_mem>>)
    %dma_wait3A = arith.constant 0 : i32
    %dma_wait3A_10 = arith.constant 0 : i32
    %dma_wait3A_11 = tpu.memref_slice %arg2[%dma_wait3A, %dma_wait3A_10] : memref<4096x1024xf32, #tpu.memory_space<hbm>> -> memref<4096x1024xf32, #tpu.memory_space<hbm>>
    tpu.wait_indirect_dma semaphore(%arg15 : memref<!tpu.dma_semaphore, #tpu.memory_space<semaphore_mem>>) src(%dma_wait3A_11 : memref<4096x1024xf32, #tpu.memory_space<hbm>>) dst(%arg12 : memref<16x1024xf32, #tpu.memory_space<vmem>>)
    %dma_wait3A_12 = arith.constant 0 : i32
    %dma_wait3A_13 = arith.constant 0 : i32
    %dma_wait3A_14 = tpu.memref_slice %arg2[%dma_wait3A_12, %dma_wait3A_13] : memref<4096x1024xf32, #tpu.memory_space<hbm>> -> memref<4096x1024xf32, #tpu.memory_space<hbm>>
    tpu.wait_indirect_dma semaphore(%arg16 : memref<!tpu.dma_semaphore, #tpu.memory_space<semaphore_mem>>) src(%dma_wait3A_14 : memref<4096x1024xf32, #tpu.memory_space<hbm>>) dst(%arg13 : memref<16x1024xf32, #tpu.memory_space<vmem>>)
    %scan3A = arith.constant 0 : i32
    %scan3A_15 = arith.constant 0 : i32
    %scan3A_16 = arith.constant 16 : i32
    %scan3A_17 = arith.addi %scan3A_15, %scan3A_16 : i32
    %scan3A_18 = arith.constant 1 : i32
    %scan3A_19 = scf.for %scan3A_90 = %scan3A_15 to %scan3A_17 step %scan3A_18 iter_args(%scan3A_91 = %scan3A) -> (i32)  : i32 {
      %broadcast_in_dim3A = vector.broadcast %scan3A_90 : i32 to vector<16xi32>
      %gather3A = tpu.vector_load_idx %arg10[%broadcast_in_dim3A] : memref<16xf32, #tpu.memory_space<vmem>>[vector<16xi32>], vector<16xf32>,
      %broadcast_in_dim3A_92 = vector.broadcast %scan3A_90 : i32 to vector<16xi32>
      %gather3A_93 = tpu.vector_load_idx %arg11[%broadcast_in_dim3A_92] : memref<16xf32, #tpu.memory_space<vmem>>[vector<16xi32>], vector<16xf32>,
      %get3A = arith.index_cast %scan3A_90 : i32 to index
      %get3A_94 = arith.constant 0 : index
      %get3A_95 = tpu.vector_load %arg12[%get3A, %get3A_94] {strides = array<i32>} : memref<16x1024xf32, #tpu.memory_space<vmem>>, vector<16xf32>,
      %mul3A_96 = arith.mulf %gather3A, %get3A_95 : vector<16xf32>
      %get3A_97 = arith.index_cast %scan3A_90 : i32 to index
      %get3A_98 = arith.constant 0 : index
      %get3A_99 = tpu.vector_load %arg13[%get3A_97, %get3A_98] {strides = array<i32>} : memref<16x1024xf32, #tpu.memory_space<vmem>>, vector<16xf32>,
      %mul3A_100 = arith.mulf %gather3A_93, %get3A_99 : vector<16xf32>
      %add3A_101 = arith.addf %mul3A_96, %mul3A_100 : vector<16xf32>
      %swap3A = arith.index_cast %scan3A_90 : i32 to index
      %swap3A_102 = arith.constant 0 : index
      %swap3A_103 = tpu.vector_load %arg14[%swap3A, %swap3A_102] {strides = array<i32>} : memref<16x1024xf32, #tpu.memory_space<vmem>>, vector<16xf32>,
      tpu.vector_store %arg14[%swap3A, %swap3A_102], %add3A_101 {strides = array<i32>} : memref<16x1024xf32, #tpu.memory_space<vmem>>, vector<16xf32>,
      %get3A_104 = arith.index_cast %scan3A_90 : i32 to index
      %get3A_105 = arith.constant 16 : index
      %get3A_106 = tpu.vector_load %arg12[%get3A_104, %get3A_105] {strides = array<i32>} : memref<16x1024xf32, #tpu.memory_space<vmem>>, vector<16xf32>,
      %mul3A_107 = arith.mulf %gather3A, %get3A_106 : vector<16xf32>
      %get3A_108 = arith.index_cast %scan3A_90 : i32 to index
      %get3A_109 = arith.constant 16 : index
      %get3A_110 = tpu.vector_load %arg13[%get3A_108, %get3A_109] {strides = array<i32>} : memref<16x1024xf32, #tpu.memory_space<vmem>>, vector<16xf32>,
      %mul3A_111 = arith.mulf %gather3A_93, %get3A_110 : vector<16xf32>
      %add3A_112 = arith.addf %mul3A_107, %mul3A_111 : vector<16xf32>
      %swap3A_113 = arith.index_cast %scan3A_90 : i32 to index
      %swap3A_114 = arith.constant 16 : index
      %swap3A_115 = tpu.vector_load %arg14[%swap3A_113, %swap3A_114] {strides = array<i32>} : memref<16x1024xf32, #tpu.memory_space<vmem>>, vector<16xf32>,
      tpu.vector_store %arg14[%swap3A_113, %swap3A_114], %add3A_112 {strides = array<i32>} : memref<16x1024xf32, #tpu.memory_space<vmem>>, vector<16xf32>,
      %get3A_116 = arith.index_cast %scan3A_90 : i32 to index
      %get3A_117 = arith.constant 32 : index
      %get3A_118 = tpu.vector_load %arg12[%get3A_116, %get3A_117] {strides = array<i32>} : memref<16x1024xf32, #tpu.memory_space<vmem>>, vector<16xf32>,
      %mul3A_119 = arith.mulf %gather3A, %get3A_118 : vector<16xf32>
      %get3A_120 = arith.index_cast %scan3A_90 : i32 to index
      %get3A_121 = arith.constant 32 : index
      %get3A_122 = tpu.vector_load %arg13[%get3A_120, %get3A_121] {strides = array<i32>} : memref<16x1024xf32, #tpu.memory_space<vmem>>, vector<16xf32>,
      %mul3A_123 = arith.mulf %gather3A_93, %get3A_122 : vector<16xf32>
      %add3A_124 = arith.addf %mul3A_119, %mul3A_123 : vector<16xf32>
      %swap3A_125 = arith.index_cast %scan3A_90 : i32 to index
      %swap3A_126 = arith.constant 32 : index
      %swap3A_127 = tpu.vector_load %arg14[%swap3A_125, %swap3A_126] {strides = array<i32>} : memref<16x1024xf32, #tpu.memory_space<vmem>>, vector<16xf32>,
      tpu.vector_store %arg14[%swap3A_125, %swap3A_126], %add3A_124 {strides = array<i32>} : memref<16x1024xf32, #tpu.memory_space<vmem>>, vector<16xf32>,
      %get3A_128 = arith.index_cast %scan3A_90 : i32 to index
      %get3A_129 = arith.constant 48 : index
      %get3A_130 = tpu.vector_load %arg12[%get3A_128, %get3A_129] {strides = array<i32>} : memref<16x1024xf32, #tpu.memory_space<vmem>>, vector<16xf32>,
      %mul3A_131 = arith.mulf %gather3A, %get3A_130 : vector<16xf32>
      %get3A_132 = arith.index_cast %scan3A_90 : i32 to index
      %get3A_133 = arith.constant 48 : index
      %get3A_134 = tpu.vector_load %arg13[%get3A_132, %get3A_133] {strides = array<i32>} : memref<16x1024xf32, #tpu.memory_space<vmem>>, vector<16xf32>,
      %mul3A_135 = arith.mulf %gather3A_93, %get3A_134 : vector<16xf32>
      %add3A_136 = arith.addf %mul3A_131, %mul3A_135 : vector<16xf32>
      %swap3A_137 = arith.index_cast %scan3A_90 : i32 to index
      %swap3A_138 = arith.constant 48 : index
      %swap3A_139 = tpu.vector_load %arg14[%swap3A_137, %swap3A_138] {strides = array<i32>} : memref<16x1024xf32, #tpu.memory_space<vmem>>, vector<16xf32>,
      tpu.vector_store %arg14[%swap3A_137, %swap3A_138], %add3A_136 {strides = array<i32>} : memref<16x1024xf32, #tpu.memory_space<vmem>>, vector<16xf32>,
      %get3A_140 = arith.index_cast %scan3A_90 : i32 to index
      %get3A_141 = arith.constant 64 : index
      %get3A_142 = tpu.vector_load %arg12[%get3A_140, %get3A_141] {strides = array<i32>} : memref<16x1024xf32, #tpu.memory_space<vmem>>, vector<16xf32>,
      %mul3A_143 = arith.mulf %gather3A, %get3A_142 : vector<16xf32>
      %get3A_144 = arith.index_cast %scan3A_90 : i32 to index
      %get3A_145 = arith.constant 64 : index
      %get3A_146 = tpu.vector_load %arg13[%get3A_144, %get3A_145] {strides = array<i32>} : memref<16x1024xf32, #tpu.memory_space<vmem>>, vector<16xf32>,
      %mul3A_147 = arith.mulf %gather3A_93, %get3A_146 : vector<16xf32>
      %add3A_148 = arith.addf %mul3A_143, %mul3A_147 : vector<16xf32>
      %swap3A_149 = arith.index_cast %scan3A_90 : i32 to index
      %swap3A_150 = arith.constant 64 : index
      %swap3A_151 = tpu.vector_load %arg14[%swap3A_149, %swap3A_150] {strides = array<i32>} : memref<16x1024xf32, #tpu.memory_space<vmem>>, vector<16xf32>,
      tpu.vector_store %arg14[%swap3A_149, %swap3A_150], %add3A_148 {strides = array<i32>} : memref<16x1024xf32, #tpu.memory_space<vmem>>, vector<16xf32>,
      %get3A_152 = arith.index_cast %scan3A_90 : i32 to index
      %get3A_153 = arith.constant 80 : index
      %get3A_154 = tpu.vector_load %arg12[%get3A_152, %get3A_153] {strides = array<i32>} : memref<16x1024xf32, #tpu.memory_space<vmem>>, vector<16xf32>,
      %mul3A_155 = arith.mulf %gather3A, %get3A_154 : vector<16xf32>
      %get3A_156 = arith.index_cast %scan3A_90 : i32 to index
      %get3A_157 = arith.constant 80 : index
      %get3A_158 = tpu.vector_load %arg13[%get3A_156, %get3A_157] {strides = array<i32>} : memref<16x1024xf32, #tpu.memory_space<vmem>>, vector<16xf32>,
      %mul3A_159 = arith.mulf %gather3A_93, %get3A_158 : vector<16xf32>
      %add3A_160 = arith.addf %mul3A_155, %mul3A_159 : vector<16xf32>
      %swap3A_161 = arith.index_cast %scan3A_90 : i32 to index
      %swap3A_162 = arith.constant 80 : index
      %swap3A_163 = tpu.vector_load %arg14[%swap3A_161, %swap3A_162] {strides = array<i32>} : memref<16x1024xf32, #tpu.memory_space<vmem>>, vector<16xf32>,
      tpu.vector_store %arg14[%swap3A_161, %swap3A_162], %add3A_160 {strides = array<i32>} : memref<16x1024xf32, #tpu.memory_space<vmem>>, vector<16xf32>,
      %get3A_164 = arith.index_cast %scan3A_90 : i32 to index
      %get3A_165 = arith.constant 96 : index
      %get3A_166 = tpu.vector_load %arg12[%get3A_164, %get3A_165] {strides = array<i32>} : memref<16x1024xf32, #tpu.memory_space<vmem>>, vector<16xf32>,
      %mul3A_167 = arith.mulf %gather3A, %get3A_166 : vector<16xf32>
      %get3A_168 = arith.index_cast %scan3A_90 : i32 to index
      %get3A_169 = arith.constant 96 : index
      %get3A_170 = tpu.vector_load %arg13[%get3A_168, %get3A_169] {strides = array<i32>} : memref<16x1024xf32, #tpu.memory_space<vmem>>, vector<16xf32>,
      %mul3A_171 = arith.mulf %gather3A_93, %get3A_170 : vector<16xf32>
      %add3A_172 = arith.addf %mul3A_167, %mul3A_171 : vector<16xf32>
      %swap3A_173 = arith.index_cast %scan3A_90 : i32 to index
      %swap3A_174 = arith.constant 96 : index
      %swap3A_175 = tpu.vector_load %arg14[%swap3A_173, %swap3A_174] {strides = array<i32>} : memref<16x1024xf32, #tpu.memory_space<vmem>>, vector<16xf32>,
      tpu.vector_store %arg14[%swap3A_173, %swap3A_174], %add3A_172 {strides = array<i32>} : memref<16x1024xf32, #tpu.memory_space<vmem>>, vector<16xf32>,
      %get3A_176 = arith.index_cast %scan3A_90 : i32 to index
      %get3A_177 = arith.constant 112 : index
      %get3A_178 = tpu.vector_load %arg12[%get3A_176, %get3A_177] {strides = array<i32>} : memref<16x1024xf32, #tpu.memory_space<vmem>>, vector<16xf32>,
      %mul3A_179 = arith.mulf %gather3A, %get3A_178 : vector<16xf32>
      %get3A_180 = arith.index_cast %scan3A_90 : i32 to index
      %get3A_181 = arith.constant 112 : index
      %get3A_182 = tpu.vector_load %arg13[%get3A_180, %get3A_181] {strides = array<i32>} : memref<16x1024xf32, #tpu.memory_space<vmem>>, vector<16xf32>,
      %mul3A_183 = arith.mulf %gather3A_93, %get3A_182 : vector<16xf32>
      %add3A_184 = arith.addf %mul3A_179, %mul3A_183 : vector<16xf32>
      %swap3A_185 = arith.index_cast %scan3A_90 : i32 to index
      %swap3A_186 = arith.constant 112 : index
      %swap3A_187 = tpu.vector_load %arg14[%swap3A_185, %swap3A_186] {strides = array<i32>} : memref<16x1024xf32, #tpu.memory_space<vmem>>, vector<16xf32>,
      tpu.vector_store %arg14[%swap3A_185, %swap3A_186], %add3A_184 {strides = array<i32>} : memref<16x1024xf32, #tpu.memory_space<vmem>>, vector<16xf32>,
      %get3A_188 = arith.index_cast %scan3A_90 : i32 to index
      %get3A_189 = arith.constant 128 : index
      %get3A_190 = tpu.vector_load %arg12[%get3A_188, %get3A_189] {strides = array<i32>} : memref<16x1024xf32, #tpu.memory_space<vmem>>, vector<16xf32>,
      %mul3A_191 = arith.mulf %gather3A, %get3A_190 : vector<16xf32>
      %get3A_192 = arith.index_cast %scan3A_90 : i32 to index
      %get3A_193 = arith.constant 128 : index
      %get3A_194 = tpu.vector_load %arg13[%get3A_192, %get3A_193] {strides = array<i32>} : memref<16x1024xf32, #tpu.memory_space<vmem>>, vector<16xf32>,
      %mul3A_195 = arith.mulf %gather3A_93, %get3A_194 : vector<16xf32>
      %add3A_196 = arith.addf %mul3A_191, %mul3A_195 : vector<16xf32>
      %swap3A_197 = arith.index_cast %scan3A_90 : i32 to index
      %swap3A_198 = arith.constant 128 : index
      %swap3A_199 = tpu.vector_load %arg14[%swap3A_197, %swap3A_198] {strides = array<i32>} : memref<16x1024xf32, #tpu.memory_space<vmem>>, vector<16xf32>,
      tpu.vector_store %arg14[%swap3A_197, %swap3A_198], %add3A_196 {strides = array<i32>} : memref<16x1024xf32, #tpu.memory_space<vmem>>, vector<16xf32>,
      %get3A_200 = arith.index_cast %scan3A_90 : i32 to index
      %get3A_201 = arith.constant 144 : index
      %get3A_202 = tpu.vector_load %arg12[%get3A_200, %get3A_201] {strides = array<i32>} : memref<16x1024xf32, #tpu.memory_space<vmem>>, vector<16xf32>,
      %mul3A_203 = arith.mulf %gather3A, %get3A_202 : vector<16xf32>
      %get3A_204 = arith.index_cast %scan3A_90 : i32 to index
      %get3A_205 = arith.constant 144 : index
      %get3A_206 = tpu.vector_load %arg13[%get3A_204, %get3A_205] {strides = array<i32>} : memref<16x1024xf32, #tpu.memory_space<vmem>>, vector<16xf32>,
      %mul3A_207 = arith.mulf %gather3A_93, %get3A_206 : vector<16xf32>
      %add3A_208 = arith.addf %mul3A_203, %mul3A_207 : vector<16xf32>
      %swap3A_209 = arith.index_cast %scan3A_90 : i32 to index
      %swap3A_210 = arith.constant 144 : index
      %swap3A_211 = tpu.vector_load %arg14[%swap3A_209, %swap3A_210] {strides = array<i32>} : memref<16x1024xf32, #tpu.memory_space<vmem>>, vector<16xf32>,
      tpu.vector_store %arg14[%swap3A_209, %swap3A_210], %add3A_208 {strides = array<i32>} : memref<16x1024xf32, #tpu.memory_space<vmem>>, vector<16xf32>,
      %get3A_212 = arith.index_cast %scan3A_90 : i32 to index
      %get3A_213 = arith.constant 160 : index
      %get3A_214 = tpu.vector_load %arg12[%get3A_212, %get3A_213] {strides = array<i32>} : memref<16x1024xf32, #tpu.memory_space<vmem>>, vector<16xf32>,
      %mul3A_215 = arith.mulf %gather3A, %get3A_214 : vector<16xf32>
      %get3A_216 = arith.index_cast %scan3A_90 : i32 to index
      %get3A_217 = arith.constant 160 : index
      %get3A_218 = tpu.vector_load %arg13[%get3A_216, %get3A_217] {strides = array<i32>} : memref<16x1024xf32, #tpu.memory_space<vmem>>, vector<16xf32>,
      %mul3A_219 = arith.mulf %gather3A_93, %get3A_218 : vector<16xf32>
      %add3A_220 = arith.addf %mul3A_215, %mul3A_219 : vector<16xf32>
      %swap3A_221 = arith.index_cast %scan3A_90 : i32 to index
      %swap3A_222 = arith.constant 160 : index
      %swap3A_223 = tpu.vector_load %arg14[%swap3A_221, %swap3A_222] {strides = array<i32>} : memref<16x1024xf32, #tpu.memory_space<vmem>>, vector<16xf32>,
      tpu.vector_store %arg14[%swap3A_221, %swap3A_222], %add3A_220 {strides = array<i32>} : memref<16x1024xf32, #tpu.memory_space<vmem>>, vector<16xf32>,
      %get3A_224 = arith.index_cast %scan3A_90 : i32 to index
      %get3A_225 = arith.constant 176 : index
      %get3A_226 = tpu.vector_load %arg12[%get3A_224, %get3A_225] {strides = array<i32>} : memref<16x1024xf32, #tpu.memory_space<vmem>>, vector<16xf32>,
      %mul3A_227 = arith.mulf %gather3A, %get3A_226 : vector<16xf32>
      %get3A_228 = arith.index_cast %scan3A_90 : i32 to index
      %get3A_229 = arith.constant 176 : index
      %get3A_230 = tpu.vector_load %arg13[%get3A_228, %get3A_229] {strides = array<i32>} : memref<16x1024xf32, #tpu.memory_space<vmem>>, vector<16xf32>,
      %mul3A_231 = arith.mulf %gather3A_93, %get3A_230 : vector<16xf32>
      %add3A_232 = arith.addf %mul3A_227, %mul3A_231 : vector<16xf32>
      %swap3A_233 = arith.index_cast %scan3A_90 : i32 to index
      %swap3A_234 = arith.constant 176 : index
      %swap3A_235 = tpu.vector_load %arg14[%swap3A_233, %swap3A_234] {strides = array<i32>} : memref<16x1024xf32, #tpu.memory_space<vmem>>, vector<16xf32>,
      tpu.vector_store %arg14[%swap3A_233, %swap3A_234], %add3A_232 {strides = array<i32>} : memref<16x1024xf32, #tpu.memory_space<vmem>>, vector<16xf32>,
      %get3A_236 = arith.index_cast %scan3A_90 : i32 to index
      %get3A_237 = arith.constant 192 : index
      %get3A_238 = tpu.vector_load %arg12[%get3A_236, %get3A_237] {strides = array<i32>} : memref<16x1024xf32, #tpu.memory_space<vmem>>, vector<16xf32>,
      %mul3A_239 = arith.mulf %gather3A, %get3A_238 : vector<16xf32>
      %get3A_240 = arith.index_cast %scan3A_90 : i32 to index
      %get3A_241 = arith.constant 192 : index
      %get3A_242 = tpu.vector_load %arg13[%get3A_240, %get3A_241] {strides = array<i32>} : memref<16x1024xf32, #tpu.memory_space<vmem>>, vector<16xf32>,
      %mul3A_243 = arith.mulf %gather3A_93, %get3A_242 : vector<16xf32>
      %add3A_244 = arith.addf %mul3A_239, %mul3A_243 : vector<16xf32>
      %swap3A_245 = arith.index_cast %scan3A_90 : i32 to index
      %swap3A_246 = arith.constant 192 : index
      %swap3A_247 = tpu.vector_load %arg14[%swap3A_245, %swap3A_246] {strides = array<i32>} : memref<16x1024xf32, #tpu.memory_space<vmem>>, vector<16xf32>,
      tpu.vector_store %arg14[%swap3A_245, %swap3A_246], %add3A_244 {strides = array<i32>} : memref<16x1024xf32, #tpu.memory_space<vmem>>, vector<16xf32>,
      %get3A_248 = arith.index_cast %scan3A_90 : i32 to index
      %get3A_249 = arith.constant 208 : index
      %get3A_250 = tpu.vector_load %arg12[%get3A_248, %get3A_249] {strides = array<i32>} : memref<16x1024xf32, #tpu.memory_space<vmem>>, vector<16xf32>,
      %mul3A_251 = arith.mulf %gather3A, %get3A_250 : vector<16xf32>
      %get3A_252 = arith.index_cast %scan3A_90 : i32 to index
      %get3A_253 = arith.constant 208 : index
      %get3A_254 = tpu.vector_load %arg13[%get3A_252, %get3A_253] {strides = array<i32>} : memref<16x1024xf32, #tpu.memory_space<vmem>>, vector<16xf32>,
      %mul3A_255 = arith.mulf %gather3A_93, %get3A_254 : vector<16xf32>
      %add3A_256 = arith.addf %mul3A_251, %mul3A_255 : vector<16xf32>
      %swap3A_257 = arith.index_cast %scan3A_90 : i32 to index
      %swap3A_258 = arith.constant 208 : index
      %swap3A_259 = tpu.vector_load %arg14[%swap3A_257, %swap3A_258] {strides = array<i32>} : memref<16x1024xf32, #tpu.memory_space<vmem>>, vector<16xf32>,
      tpu.vector_store %arg14[%swap3A_257, %swap3A_258], %add3A_256 {strides = array<i32>} : memref<16x1024xf32, #tpu.memory_space<vmem>>, vector<16xf32>,
      %get3A_260 = arith.index_cast %scan3A_90 : i32 to index
      %get3A_261 = arith.constant 224 : index
      %get3A_262 = tpu.vector_load %arg12[%get3A_260, %get3A_261] {strides = array<i32>} : memref<16x1024xf32, #tpu.memory_space<vmem>>, vector<16xf32>,
      %mul3A_263 = arith.mulf %gather3A, %get3A_262 : vector<16xf32>
      %get3A_264 = arith.index_cast %scan3A_90 : i32 to index
      %get3A_265 = arith.constant 224 : index
      %get3A_266 = tpu.vector_load %arg13[%get3A_264, %get3A_265] {strides = array<i32>} : memref<16x1024xf32, #tpu.memory_space<vmem>>, vector<16xf32>,
      %mul3A_267 = arith.mulf %gather3A_93, %get3A_266 : vector<16xf32>
      %add3A_268 = arith.addf %mul3A_263, %mul3A_267 : vector<16xf32>
      %swap3A_269 = arith.index_cast %scan3A_90 : i32 to index
      %swap3A_270 = arith.constant 224 : index
      %swap3A_271 = tpu.vector_load %arg14[%swap3A_269, %swap3A_270] {strides = array<i32>} : memref<16x1024xf32, #tpu.memory_space<vmem>>, vector<16xf32>,
      tpu.vector_store %arg14[%swap3A_269, %swap3A_270], %add3A_268 {strides = array<i32>} : memref<16x1024xf32, #tpu.memory_space<vmem>>, vector<16xf32>,
      %get3A_272 = arith.index_cast %scan3A_90 : i32 to index
      %get3A_273 = arith.constant 240 : index
      %get3A_274 = tpu.vector_load %arg12[%get3A_272, %get3A_273] {strides = array<i32>} : memref<16x1024xf32, #tpu.memory_space<vmem>>, vector<16xf32>,
      %mul3A_275 = arith.mulf %gather3A, %get3A_274 : vector<16xf32>
      %get3A_276 = arith.index_cast %scan3A_90 : i32 to index
      %get3A_277 = arith.constant 240 : index
      %get3A_278 = tpu.vector_load %arg13[%get3A_276, %get3A_277] {strides = array<i32>} : memref<16x1024xf32, #tpu.memory_space<vmem>>, vector<16xf32>,
      %mul3A_279 = arith.mulf %gather3A_93, %get3A_278 : vector<16xf32>
      %add3A_280 = arith.addf %mul3A_275, %mul3A_279 : vector<16xf32>
      %swap3A_281 = arith.index_cast %scan3A_90 : i32 to index
      %swap3A_282 = arith.constant 240 : index
      %swap3A_283 = tpu.vector_load %arg14[%swap3A_281, %swap3A_282] {strides = array<i32>} : memref<16x1024xf32, #tpu.memory_space<vmem>>, vector<16xf32>,
      tpu.vector_store %arg14[%swap3A_281, %swap3A_282], %add3A_280 {strides = array<i32>} : memref<16x1024xf32, #tpu.memory_space<vmem>>, vector<16xf32>,
      %get3A_284 = arith.index_cast %scan3A_90 : i32 to index
      %get3A_285 = arith.constant 256 : index
      %get3A_286 = tpu.vector_load %arg12[%get3A_284, %get3A_285] {strides = array<i32>} : memref<16x1024xf32, #tpu.memory_space<vmem>>, vector<16xf32>,
      %mul3A_287 = arith.mulf %gather3A, %get3A_286 : vector<16xf32>
      %get3A_288 = arith.index_cast %scan3A_90 : i32 to index
      %get3A_289 = arith.constant 256 : index
      %get3A_290 = tpu.vector_load %arg13[%get3A_288, %get3A_289] {strides = array<i32>} : memref<16x1024xf32, #tpu.memory_space<vmem>>, vector<16xf32>,
      %mul3A_291 = arith.mulf %gather3A_93, %get3A_290 : vector<16xf32>
      %add3A_292 = arith.addf %mul3A_287, %mul3A_291 : vector<16xf32>
      %swap3A_293 = arith.index_cast %scan3A_90 : i32 to index
      %swap3A_294 = arith.constant 256 : index
      %swap3A_295 = tpu.vector_load %arg14[%swap3A_293, %swap3A_294] {strides = array<i32>} : memref<16x1024xf32, #tpu.memory_space<vmem>>, vector<16xf32>,
      tpu.vector_store %arg14[%swap3A_293, %swap3A_294], %add3A_292 {strides = array<i32>} : memref<16x1024xf32, #tpu.memory_space<vmem>>, vector<16xf32>,
      %get3A_296 = arith.index_cast %scan3A_90 : i32 to index
      %get3A_297 = arith.constant 272 : index
      %get3A_298 = tpu.vector_load %arg12[%get3A_296, %get3A_297] {strides = array<i32>} : memref<16x1024xf32, #tpu.memory_space<vmem>>, vector<16xf32>,
      %mul3A_299 = arith.mulf %gather3A, %get3A_298 : vector<16xf32>
      %get3A_300 = arith.index_cast %scan3A_90 : i32 to index
      %get3A_301 = arith.constant 272 : index
      %get3A_302 = tpu.vector_load %arg13[%get3A_300, %get3A_301] {strides = array<i32>} : memref<16x1024xf32, #tpu.memory_space<vmem>>, vector<16xf32>,
      %mul3A_303 = arith.mulf %gather3A_93, %get3A_302 : vector<16xf32>
      %add3A_304 = arith.addf %mul3A_299, %mul3A_303 : vector<16xf32>
      %swap3A_305 = arith.index_cast %scan3A_90 : i32 to index
      %swap3A_306 = arith.constant 272 : index
      %swap3A_307 = tpu.vector_load %arg14[%swap3A_305, %swap3A_306] {strides = array<i32>} : memref<16x1024xf32, #tpu.memory_space<vmem>>, vector<16xf32>,
      tpu.vector_store %arg14[%swap3A_305, %swap3A_306], %add3A_304 {strides = array<i32>} : memref<16x1024xf32, #tpu.memory_space<vmem>>, vector<16xf32>,
      %get3A_308 = arith.index_cast %scan3A_90 : i32 to index
      %get3A_309 = arith.constant 288 : index
      %get3A_310 = tpu.vector_load %arg12[%get3A_308, %get3A_309] {strides = array<i32>} : memref<16x1024xf32, #tpu.memory_space<vmem>>, vector<16xf32>,
      %mul3A_311 = arith.mulf %gather3A, %get3A_310 : vector<16xf32>
      %get3A_312 = arith.index_cast %scan3A_90 : i32 to index
      %get3A_313 = arith.constant 288 : index
      %get3A_314 = tpu.vector_load %arg13[%get3A_312, %get3A_313] {strides = array<i32>} : memref<16x1024xf32, #tpu.memory_space<vmem>>, vector<16xf32>,
      %mul3A_315 = arith.mulf %gather3A_93, %get3A_314 : vector<16xf32>
      %add3A_316 = arith.addf %mul3A_311, %mul3A_315 : vector<16xf32>
      %swap3A_317 = arith.index_cast %scan3A_90 : i32 to index
      %swap3A_318 = arith.constant 288 : index
      %swap3A_319 = tpu.vector_load %arg14[%swap3A_317, %swap3A_318] {strides = array<i32>} : memref<16x1024xf32, #tpu.memory_space<vmem>>, vector<16xf32>,
      tpu.vector_store %arg14[%swap3A_317, %swap3A_318], %add3A_316 {strides = array<i32>} : memref<16x1024xf32, #tpu.memory_space<vmem>>, vector<16xf32>,
      %get3A_320 = arith.index_cast %scan3A_90 : i32 to index
      %get3A_321 = arith.constant 304 : index
      %get3A_322 = tpu.vector_load %arg12[%get3A_320, %get3A_321] {strides = array<i32>} : memref<16x1024xf32, #tpu.memory_space<vmem>>, vector<16xf32>,
      %mul3A_323 = arith.mulf %gather3A, %get3A_322 : vector<16xf32>
      %get3A_324 = arith.index_cast %scan3A_90 : i32 to index
      %get3A_325 = arith.constant 304 : index
      %get3A_326 = tpu.vector_load %arg13[%get3A_324, %get3A_325] {strides = array<i32>} : memref<16x1024xf32, #tpu.memory_space<vmem>>, vector<16xf32>,
      %mul3A_327 = arith.mulf %gather3A_93, %get3A_326 : vector<16xf32>
      %add3A_328 = arith.addf %mul3A_323, %mul3A_327 : vector<16xf32>
      %swap3A_329 = arith.index_cast %scan3A_90 : i32 to index
      %swap3A_330 = arith.constant 304 : index
      %swap3A_331 = tpu.vector_load %arg14[%swap3A_329, %swap3A_330] {strides = array<i32>} : memref<16x1024xf32, #tpu.memory_space<vmem>>, vector<16xf32>,
      tpu.vector_store %arg14[%swap3A_329, %swap3A_330], %add3A_328 {strides = array<i32>} : memref<16x1024xf32, #tpu.memory_space<vmem>>, vector<16xf32>,
      %get3A_332 = arith.index_cast %scan3A_90 : i32 to index
      %get3A_333 = arith.constant 320 : index
      %get3A_334 = tpu.vector_load %arg12[%get3A_332, %get3A_333] {strides = array<i32>} : memref<16x1024xf32, #tpu.memory_space<vmem>>, vector<16xf32>,
      %mul3A_335 = arith.mulf %gather3A, %get3A_334 : vector<16xf32>
      %get3A_336 = arith.index_cast %scan3A_90 : i32 to index
      %get3A_337 = arith.constant 320 : index
      %get3A_338 = tpu.vector_load %arg13[%get3A_336, %get3A_337] {strides = array<i32>} : memref<16x1024xf32, #tpu.memory_space<vmem>>, vector<16xf32>,
      %mul3A_339 = arith.mulf %gather3A_93, %get3A_338 : vector<16xf32>
      %add3A_340 = arith.addf %mul3A_335, %mul3A_339 : vector<16xf32>
      %swap3A_341 = arith.index_cast %scan3A_90 : i32 to index
      %swap3A_342 = arith.constant 320 : index
      %swap3A_343 = tpu.vector_load %arg14[%swap3A_341, %swap3A_342] {strides = array<i32>} : memref<16x1024xf32, #tpu.memory_space<vmem>>, vector<16xf32>,
      tpu.vector_store %arg14[%swap3A_341, %swap3A_342], %add3A_340 {strides = array<i32>} : memref<16x1024xf32, #tpu.memory_space<vmem>>, vector<16xf32>,
      %get3A_344 = arith.index_cast %scan3A_90 : i32 to index
      %get3A_345 = arith.constant 336 : index
      %get3A_346 = tpu.vector_load %arg12[%get3A_344, %get3A_345] {strides = array<i32>} : memref<16x1024xf32, #tpu.memory_space<vmem>>, vector<16xf32>,
      %mul3A_347 = arith.mulf %gather3A, %get3A_346 : vector<16xf32>
      %get3A_348 = arith.index_cast %scan3A_90 : i32 to index
      %get3A_349 = arith.constant 336 : index
      %get3A_350 = tpu.vector_load %arg13[%get3A_348, %get3A_349] {strides = array<i32>} : memref<16x1024xf32, #tpu.memory_space<vmem>>, vector<16xf32>,
      %mul3A_351 = arith.mulf %gather3A_93, %get3A_350 : vector<16xf32>
      %add3A_352 = arith.addf %mul3A_347, %mul3A_351 : vector<16xf32>
      %swap3A_353 = arith.index_cast %scan3A_90 : i32 to index
      %swap3A_354 = arith.constant 336 : index
      %swap3A_355 = tpu.vector_load %arg14[%swap3A_353, %swap3A_354] {strides = array<i32>} : memref<16x1024xf32, #tpu.memory_space<vmem>>, vector<16xf32>,
      tpu.vector_store %arg14[%swap3A_353, %swap3A_354], %add3A_352 {strides = array<i32>} : memref<16x1024xf32, #tpu.memory_space<vmem>>, vector<16xf32>,
      %get3A_356 = arith.index_cast %scan3A_90 : i32 to index
      %get3A_357 = arith.constant 352 : index
      %get3A_358 = tpu.vector_load %arg12[%get3A_356, %get3A_357] {strides = array<i32>} : memref<16x1024xf32, #tpu.memory_space<vmem>>, vector<16xf32>,
      %mul3A_359 = arith.mulf %gather3A, %get3A_358 : vector<16xf32>
      %get3A_360 = arith.index_cast %scan3A_90 : i32 to index
      %get3A_361 = arith.constant 352 : index
      %get3A_362 = tpu.vector_load %arg13[%get3A_360, %get3A_361] {strides = array<i32>} : memref<16x1024xf32, #tpu.memory_space<vmem>>, vector<16xf32>,
      %mul3A_363 = arith.mulf %gather3A_93, %get3A_362 : vector<16xf32>
      %add3A_364 = arith.addf %mul3A_359, %mul3A_363 : vector<16xf32>
      %swap3A_365 = arith.index_cast %scan3A_90 : i32 to index
      %swap3A_366 = arith.constant 352 : index
      %swap3A_367 = tpu.vector_load %arg14[%swap3A_365, %swap3A_366] {strides = array<i32>} : memref<16x1024xf32, #tpu.memory_space<vmem>>, vector<16xf32>,
      tpu.vector_store %arg14[%swap3A_365, %swap3A_366], %add3A_364 {strides = array<i32>} : memref<16x1024xf32, #tpu.memory_space<vmem>>, vector<16xf32>,
      %get3A_368 = arith.index_cast %scan3A_90 : i32 to index
      %get3A_369 = arith.constant 368 : index
      %get3A_370 = tpu.vector_load %arg12[%get3A_368, %get3A_369] {strides = array<i32>} : memref<16x1024xf32, #tpu.memory_space<vmem>>, vector<16xf32>,
      %mul3A_371 = arith.mulf %gather3A, %get3A_370 : vector<16xf32>
      %get3A_372 = arith.index_cast %scan3A_90 : i32 to index
      %get3A_373 = arith.constant 368 : index
      %get3A_374 = tpu.vector_load %arg13[%get3A_372, %get3A_373] {strides = array<i32>} : memref<16x1024xf32, #tpu.memory_space<vmem>>, vector<16xf32>,
      %mul3A_375 = arith.mulf %gather3A_93, %get3A_374 : vector<16xf32>
      %add3A_376 = arith.addf %mul3A_371, %mul3A_375 : vector<16xf32>
      %swap3A_377 = arith.index_cast %scan3A_90 : i32 to index
      %swap3A_378 = arith.constant 368 : index
      %swap3A_379 = tpu.vector_load %arg14[%swap3A_377, %swap3A_378] {strides = array<i32>} : memref<16x1024xf32, #tpu.memory_space<vmem>>, vector<16xf32>,
      tpu.vector_store %arg14[%swap3A_377, %swap3A_378], %add3A_376 {strides = array<i32>} : memref<16x1024xf32, #tpu.memory_space<vmem>>, vector<16xf32>,
      %get3A_380 = arith.index_cast %scan3A_90 : i32 to index
      %get3A_381 = arith.constant 384 : index
      %get3A_382 = tpu.vector_load %arg12[%get3A_380, %get3A_381] {strides = array<i32>} : memref<16x1024xf32, #tpu.memory_space<vmem>>, vector<16xf32>,
      %mul3A_383 = arith.mulf %gather3A, %get3A_382 : vector<16xf32>
      %get3A_384 = arith.index_cast %scan3A_90 : i32 to index
      %get3A_385 = arith.constant 384 : index
      %get3A_386 = tpu.vector_load %arg13[%get3A_384, %get3A_385] {strides = array<i32>} : memref<16x1024xf32, #tpu.memory_space<vmem>>, vector<16xf32>,
      %mul3A_387 = arith.mulf %gather3A_93, %get3A_386 : vector<16xf32>
      %add3A_388 = arith.addf %mul3A_383, %mul3A_387 : vector<16xf32>
      %swap3A_389 = arith.index_cast %scan3A_90 : i32 to index
      %swap3A_390 = arith.constant 384 : index
      %swap3A_391 = tpu.vector_load %arg14[%swap3A_389, %swap3A_390] {strides = array<i32>} : memref<16x1024xf32, #tpu.memory_space<vmem>>, vector<16xf32>,
      tpu.vector_store %arg14[%swap3A_389, %swap3A_390], %add3A_388 {strides = array<i32>} : memref<16x1024xf32, #tpu.memory_space<vmem>>, vector<16xf32>,
      %get3A_392 = arith.index_cast %scan3A_90 : i32 to index
      %get3A_393 = arith.constant 400 : index
      %get3A_394 = tpu.vector_load %arg12[%get3A_392, %get3A_393] {strides = array<i32>} : memref<16x1024xf32, #tpu.memory_space<vmem>>, vector<16xf32>,
      %mul3A_395 = arith.mulf %gather3A, %get3A_394 : vector<16xf32>
      %get3A_396 = arith.index_cast %scan3A_90 : i32 to index
      %get3A_397 = arith.constant 400 : index
      %get3A_398 = tpu.vector_load %arg13[%get3A_396, %get3A_397] {strides = array<i32>} : memref<16x1024xf32, #tpu.memory_space<vmem>>, vector<16xf32>,
      %mul3A_399 = arith.mulf %gather3A_93, %get3A_398 : vector<16xf32>
      %add3A_400 = arith.addf %mul3A_395, %mul3A_399 : vector<16xf32>
      %swap3A_401 = arith.index_cast %scan3A_90 : i32 to index
      %swap3A_402 = arith.constant 400 : index
      %swap3A_403 = tpu.vector_load %arg14[%swap3A_401, %swap3A_402] {strides = array<i32>} : memref<16x1024xf32, #tpu.memory_space<vmem>>, vector<16xf32>,
      tpu.vector_store %arg14[%swap3A_401, %swap3A_402], %add3A_400 {strides = array<i32>} : memref<16x1024xf32, #tpu.memory_space<vmem>>, vector<16xf32>,
      %get3A_404 = arith.index_cast %scan3A_90 : i32 to index
      %get3A_405 = arith.constant 416 : index
      %get3A_406 = tpu.vector_load %arg12[%get3A_404, %get3A_405] {strides = array<i32>} : memref<16x1024xf32, #tpu.memory_space<vmem>>, vector<16xf32>,
      %mul3A_407 = arith.mulf %gather3A, %get3A_406 : vector<16xf32>
      %get3A_408 = arith.index_cast %scan3A_90 : i32 to index
      %get3A_409 = arith.constant 416 : index
      %get3A_410 = tpu.vector_load %arg13[%get3A_408, %get3A_409] {strides = array<i32>} : memref<16x1024xf32, #tpu.memory_space<vmem>>, vector<16xf32>,
      %mul3A_411 = arith.mulf %gather3A_93, %get3A_410 : vector<16xf32>
      %add3A_412 = arith.addf %mul3A_407, %mul3A_411 : vector<16xf32>
      %swap3A_413 = arith.index_cast %scan3A_90 : i32 to index
      %swap3A_414 = arith.constant 416 : index
      %swap3A_415 = tpu.vector_load %arg14[%swap3A_413, %swap3A_414] {strides = array<i32>} : memref<16x1024xf32, #tpu.memory_space<vmem>>, vector<16xf32>,
      tpu.vector_store %arg14[%swap3A_413, %swap3A_414], %add3A_412 {strides = array<i32>} : memref<16x1024xf32, #tpu.memory_space<vmem>>, vector<16xf32>,
      %get3A_416 = arith.index_cast %scan3A_90 : i32 to index
      %get3A_417 = arith.constant 432 : index
      %get3A_418 = tpu.vector_load %arg12[%get3A_416, %get3A_417] {strides = array<i32>} : memref<16x1024xf32, #tpu.memory_space<vmem>>, vector<16xf32>,
      %mul3A_419 = arith.mulf %gather3A, %get3A_418 : vector<16xf32>
      %get3A_420 = arith.index_cast %scan3A_90 : i32 to index
      %get3A_421 = arith.constant 432 : index
      %get3A_422 = tpu.vector_load %arg13[%get3A_420, %get3A_421] {strides = array<i32>} : memref<16x1024xf32, #tpu.memory_space<vmem>>, vector<16xf32>,
      %mul3A_423 = arith.mulf %gather3A_93, %get3A_422 : vector<16xf32>
      %add3A_424 = arith.addf %mul3A_419, %mul3A_423 : vector<16xf32>
      %swap3A_425 = arith.index_cast %scan3A_90 : i32 to index
      %swap3A_426 = arith.constant 432 : index
      %swap3A_427 = tpu.vector_load %arg14[%swap3A_425, %swap3A_426] {strides = array<i32>} : memref<16x1024xf32, #tpu.memory_space<vmem>>, vector<16xf32>,
      tpu.vector_store %arg14[%swap3A_425, %swap3A_426], %add3A_424 {strides = array<i32>} : memref<16x1024xf32, #tpu.memory_space<vmem>>, vector<16xf32>,
      %get3A_428 = arith.index_cast %scan3A_90 : i32 to index
      %get3A_429 = arith.constant 448 : index
      %get3A_430 = tpu.vector_load %arg12[%get3A_428, %get3A_429] {strides = array<i32>} : memref<16x1024xf32, #tpu.memory_space<vmem>>, vector<16xf32>,
      %mul3A_431 = arith.mulf %gather3A, %get3A_430 : vector<16xf32>
      %get3A_432 = arith.index_cast %scan3A_90 : i32 to index
      %get3A_433 = arith.constant 448 : index
      %get3A_434 = tpu.vector_load %arg13[%get3A_432, %get3A_433] {strides = array<i32>} : memref<16x1024xf32, #tpu.memory_space<vmem>>, vector<16xf32>,
      %mul3A_435 = arith.mulf %gather3A_93, %get3A_434 : vector<16xf32>
      %add3A_436 = arith.addf %mul3A_431, %mul3A_435 : vector<16xf32>
      %swap3A_437 = arith.index_cast %scan3A_90 : i32 to index
      %swap3A_438 = arith.constant 448 : index
      %swap3A_439 = tpu.vector_load %arg14[%swap3A_437, %swap3A_438] {strides = array<i32>} : memref<16x1024xf32, #tpu.memory_space<vmem>>, vector<16xf32>,
      tpu.vector_store %arg14[%swap3A_437, %swap3A_438], %add3A_436 {strides = array<i32>} : memref<16x1024xf32, #tpu.memory_space<vmem>>, vector<16xf32>,
      %get3A_440 = arith.index_cast %scan3A_90 : i32 to index
      %get3A_441 = arith.constant 464 : index
      %get3A_442 = tpu.vector_load %arg12[%get3A_440, %get3A_441] {strides = array<i32>} : memref<16x1024xf32, #tpu.memory_space<vmem>>, vector<16xf32>,
      %mul3A_443 = arith.mulf %gather3A, %get3A_442 : vector<16xf32>
      %get3A_444 = arith.index_cast %scan3A_90 : i32 to index
      %get3A_445 = arith.constant 464 : index
      %get3A_446 = tpu.vector_load %arg13[%get3A_444, %get3A_445] {strides = array<i32>} : memref<16x1024xf32, #tpu.memory_space<vmem>>, vector<16xf32>,
      %mul3A_447 = arith.mulf %gather3A_93, %get3A_446 : vector<16xf32>
      %add3A_448 = arith.addf %mul3A_443, %mul3A_447 : vector<16xf32>
      %swap3A_449 = arith.index_cast %scan3A_90 : i32 to index
      %swap3A_450 = arith.constant 464 : index
      %swap3A_451 = tpu.vector_load %arg14[%swap3A_449, %swap3A_450] {strides = array<i32>} : memref<16x1024xf32, #tpu.memory_space<vmem>>, vector<16xf32>,
      tpu.vector_store %arg14[%swap3A_449, %swap3A_450], %add3A_448 {strides = array<i32>} : memref<16x1024xf32, #tpu.memory_space<vmem>>, vector<16xf32>,
      %get3A_452 = arith.index_cast %scan3A_90 : i32 to index
      %get3A_453 = arith.constant 480 : index
      %get3A_454 = tpu.vector_load %arg12[%get3A_452, %get3A_453] {strides = array<i32>} : memref<16x1024xf32, #tpu.memory_space<vmem>>, vector<16xf32>,
      %mul3A_455 = arith.mulf %gather3A, %get3A_454 : vector<16xf32>
      %get3A_456 = arith.index_cast %scan3A_90 : i32 to index
      %get3A_457 = arith.constant 480 : index
      %get3A_458 = tpu.vector_load %arg13[%get3A_456, %get3A_457] {strides = array<i32>} : memref<16x1024xf32, #tpu.memory_space<vmem>>, vector<16xf32>,
      %mul3A_459 = arith.mulf %gather3A_93, %get3A_458 : vector<16xf32>
      %add3A_460 = arith.addf %mul3A_455, %mul3A_459 : vector<16xf32>
      %swap3A_461 = arith.index_cast %scan3A_90 : i32 to index
      %swap3A_462 = arith.constant 480 : index
      %swap3A_463 = tpu.vector_load %arg14[%swap3A_461, %swap3A_462] {strides = array<i32>} : memref<16x1024xf32, #tpu.memory_space<vmem>>, vector<16xf32>,
      tpu.vector_store %arg14[%swap3A_461, %swap3A_462], %add3A_460 {strides = array<i32>} : memref<16x1024xf32, #tpu.memory_space<vmem>>, vector<16xf32>,
      %get3A_464 = arith.index_cast %scan3A_90 : i32 to index
      %get3A_465 = arith.constant 496 : index
      %get3A_466 = tpu.vector_load %arg12[%get3A_464, %get3A_465] {strides = array<i32>} : memref<16x1024xf32, #tpu.memory_space<vmem>>, vector<16xf32>,
      %mul3A_467 = arith.mulf %gather3A, %get3A_466 : vector<16xf32>
      %get3A_468 = arith.index_cast %scan3A_90 : i32 to index
      %get3A_469 = arith.constant 496 : index
      %get3A_470 = tpu.vector_load %arg13[%get3A_468, %get3A_469] {strides = array<i32>} : memref<16x1024xf32, #tpu.memory_space<vmem>>, vector<16xf32>,
      %mul3A_471 = arith.mulf %gather3A_93, %get3A_470 : vector<16xf32>
      %add3A_472 = arith.addf %mul3A_467, %mul3A_471 : vector<16xf32>
      %swap3A_473 = arith.index_cast %scan3A_90 : i32 to index
      %swap3A_474 = arith.constant 496 : index
      %swap3A_475 = tpu.vector_load %arg14[%swap3A_473, %swap3A_474] {strides = array<i32>} : memref<16x1024xf32, #tpu.memory_space<vmem>>, vector<16xf32>,
      tpu.vector_store %arg14[%swap3A_473, %swap3A_474], %add3A_472 {strides = array<i32>} : memref<16x1024xf32, #tpu.memory_space<vmem>>, vector<16xf32>,
      %get3A_476 = arith.index_cast %scan3A_90 : i32 to index
      %get3A_477 = arith.constant 512 : index
      %get3A_478 = tpu.vector_load %arg12[%get3A_476, %get3A_477] {strides = array<i32>} : memref<16x1024xf32, #tpu.memory_space<vmem>>, vector<16xf32>,
      %mul3A_479 = arith.mulf %gather3A, %get3A_478 : vector<16xf32>
      %get3A_480 = arith.index_cast %scan3A_90 : i32 to index
      %get3A_481 = arith.constant 512 : index
      %get3A_482 = tpu.vector_load %arg13[%get3A_480, %get3A_481] {strides = array<i32>} : memref<16x1024xf32, #tpu.memory_space<vmem>>, vector<16xf32>,
      %mul3A_483 = arith.mulf %gather3A_93, %get3A_482 : vector<16xf32>
      %add3A_484 = arith.addf %mul3A_479, %mul3A_483 : vector<16xf32>
      %swap3A_485 = arith.index_cast %scan3A_90 : i32 to index
      %swap3A_486 = arith.constant 512 : index
      %swap3A_487 = tpu.vector_load %arg14[%swap3A_485, %swap3A_486] {strides = array<i32>} : memref<16x1024xf32, #tpu.memory_space<vmem>>, vector<16xf32>,
      tpu.vector_store %arg14[%swap3A_485, %swap3A_486], %add3A_484 {strides = array<i32>} : memref<16x1024xf32, #tpu.memory_space<vmem>>, vector<16xf32>,
      %get3A_488 = arith.index_cast %scan3A_90 : i32 to index
      %get3A_489 = arith.constant 528 : index
      %get3A_490 = tpu.vector_load %arg12[%get3A_488, %get3A_489] {strides = array<i32>} : memref<16x1024xf32, #tpu.memory_space<vmem>>, vector<16xf32>,
      %mul3A_491 = arith.mulf %gather3A, %get3A_490 : vector<16xf32>
      %get3A_492 = arith.index_cast %scan3A_90 : i32 to index
      %get3A_493 = arith.constant 528 : index
      %get3A_494 = tpu.vector_load %arg13[%get3A_492, %get3A_493] {strides = array<i32>} : memref<16x1024xf32, #tpu.memory_space<vmem>>, vector<16xf32>,
      %mul3A_495 = arith.mulf %gather3A_93, %get3A_494 : vector<16xf32>
      %add3A_496 = arith.addf %mul3A_491, %mul3A_495 : vector<16xf32>
      %swap3A_497 = arith.index_cast %scan3A_90 : i32 to index
      %swap3A_498 = arith.constant 528 : index
      %swap3A_499 = tpu.vector_load %arg14[%swap3A_497, %swap3A_498] {strides = array<i32>} : memref<16x1024xf32, #tpu.memory_space<vmem>>, vector<16xf32>,
      tpu.vector_store %arg14[%swap3A_497, %swap3A_498], %add3A_496 {strides = array<i32>} : memref<16x1024xf32, #tpu.memory_space<vmem>>, vector<16xf32>,
      %get3A_500 = arith.index_cast %scan3A_90 : i32 to index
      %get3A_501 = arith.constant 544 : index
      %get3A_502 = tpu.vector_load %arg12[%get3A_500, %get3A_501] {strides = array<i32>} : memref<16x1024xf32, #tpu.memory_space<vmem>>, vector<16xf32>,
      %mul3A_503 = arith.mulf %gather3A, %get3A_502 : vector<16xf32>
      %get3A_504 = arith.index_cast %scan3A_90 : i32 to index
      %get3A_505 = arith.constant 544 : index
      %get3A_506 = tpu.vector_load %arg13[%get3A_504, %get3A_505] {strides = array<i32>} : memref<16x1024xf32, #tpu.memory_space<vmem>>, vector<16xf32>,
      %mul3A_507 = arith.mulf %gather3A_93, %get3A_506 : vector<16xf32>
      %add3A_508 = arith.addf %mul3A_503, %mul3A_507 : vector<16xf32>
      %swap3A_509 = arith.index_cast %scan3A_90 : i32 to index
      %swap3A_510 = arith.constant 544 : index
      %swap3A_511 = tpu.vector_load %arg14[%swap3A_509, %swap3A_510] {strides = array<i32>} : memref<16x1024xf32, #tpu.memory_space<vmem>>, vector<16xf32>,
      tpu.vector_store %arg14[%swap3A_509, %swap3A_510], %add3A_508 {strides = array<i32>} : memref<16x1024xf32, #tpu.memory_space<vmem>>, vector<16xf32>,
      %get3A_512 = arith.index_cast %scan3A_90 : i32 to index
      %get3A_513 = arith.constant 560 : index
      %get3A_514 = tpu.vector_load %arg12[%get3A_512, %get3A_513] {strides = array<i32>} : memref<16x1024xf32, #tpu.memory_space<vmem>>, vector<16xf32>,
      %mul3A_515 = arith.mulf %gather3A, %get3A_514 : vector<16xf32>
      %get3A_516 = arith.index_cast %scan3A_90 : i32 to index
      %get3A_517 = arith.constant 560 : index
      %get3A_518 = tpu.vector_load %arg13[%get3A_516, %get3A_517] {strides = array<i32>} : memref<16x1024xf32, #tpu.memory_space<vmem>>, vector<16xf32>,
      %mul3A_519 = arith.mulf %gather3A_93, %get3A_518 : vector<16xf32>
      %add3A_520 = arith.addf %mul3A_515, %mul3A_519 : vector<16xf32>
      %swap3A_521 = arith.index_cast %scan3A_90 : i32 to index
      %swap3A_522 = arith.constant 560 : index
      %swap3A_523 = tpu.vector_load %arg14[%swap3A_521, %swap3A_522] {strides = array<i32>} : memref<16x1024xf32, #tpu.memory_space<vmem>>, vector<16xf32>,
      tpu.vector_store %arg14[%swap3A_521, %swap3A_522], %add3A_520 {strides = array<i32>} : memref<16x1024xf32, #tpu.memory_space<vmem>>, vector<16xf32>,
      %get3A_524 = arith.index_cast %scan3A_90 : i32 to index
      %get3A_525 = arith.constant 576 : index
      %get3A_526 = tpu.vector_load %arg12[%get3A_524, %get3A_525] {strides = array<i32>} : memref<16x1024xf32, #tpu.memory_space<vmem>>, vector<16xf32>,
      %mul3A_527 = arith.mulf %gather3A, %get3A_526 : vector<16xf32>
      %get3A_528 = arith.index_cast %scan3A_90 : i32 to index
      %get3A_529 = arith.constant 576 : index
      %get3A_530 = tpu.vector_load %arg13[%get3A_528, %get3A_529] {strides = array<i32>} : memref<16x1024xf32, #tpu.memory_space<vmem>>, vector<16xf32>,
      %mul3A_531 = arith.mulf %gather3A_93, %get3A_530 : vector<16xf32>
      %add3A_532 = arith.addf %mul3A_527, %mul3A_531 : vector<16xf32>
      %swap3A_533 = arith.index_cast %scan3A_90 : i32 to index
      %swap3A_534 = arith.constant 576 : index
      %swap3A_535 = tpu.vector_load %arg14[%swap3A_533, %swap3A_534] {strides = array<i32>} : memref<16x1024xf32, #tpu.memory_space<vmem>>, vector<16xf32>,
      tpu.vector_store %arg14[%swap3A_533, %swap3A_534], %add3A_532 {strides = array<i32>} : memref<16x1024xf32, #tpu.memory_space<vmem>>, vector<16xf32>,
      %get3A_536 = arith.index_cast %scan3A_90 : i32 to index
      %get3A_537 = arith.constant 592 : index
      %get3A_538 = tpu.vector_load %arg12[%get3A_536, %get3A_537] {strides = array<i32>} : memref<16x1024xf32, #tpu.memory_space<vmem>>, vector<16xf32>,
      %mul3A_539 = arith.mulf %gather3A, %get3A_538 : vector<16xf32>
      %get3A_540 = arith.index_cast %scan3A_90 : i32 to index
      %get3A_541 = arith.constant 592 : index
      %get3A_542 = tpu.vector_load %arg13[%get3A_540, %get3A_541] {strides = array<i32>} : memref<16x1024xf32, #tpu.memory_space<vmem>>, vector<16xf32>,
      %mul3A_543 = arith.mulf %gather3A_93, %get3A_542 : vector<16xf32>
      %add3A_544 = arith.addf %mul3A_539, %mul3A_543 : vector<16xf32>
      %swap3A_545 = arith.index_cast %scan3A_90 : i32 to index
      %swap3A_546 = arith.constant 592 : index
      %swap3A_547 = tpu.vector_load %arg14[%swap3A_545, %swap3A_546] {strides = array<i32>} : memref<16x1024xf32, #tpu.memory_space<vmem>>, vector<16xf32>,
      tpu.vector_store %arg14[%swap3A_545, %swap3A_546], %add3A_544 {strides = array<i32>} : memref<16x1024xf32, #tpu.memory_space<vmem>>, vector<16xf32>,
      %get3A_548 = arith.index_cast %scan3A_90 : i32 to index
      %get3A_549 = arith.constant 608 : index
      %get3A_550 = tpu.vector_load %arg12[%get3A_548, %get3A_549] {strides = array<i32>} : memref<16x1024xf32, #tpu.memory_space<vmem>>, vector<16xf32>,
      %mul3A_551 = arith.mulf %gather3A, %get3A_550 : vector<16xf32>
      %get3A_552 = arith.index_cast %scan3A_90 : i32 to index
      %get3A_553 = arith.constant 608 : index
      %get3A_554 = tpu.vector_load %arg13[%get3A_552, %get3A_553] {strides = array<i32>} : memref<16x1024xf32, #tpu.memory_space<vmem>>, vector<16xf32>,
      %mul3A_555 = arith.mulf %gather3A_93, %get3A_554 : vector<16xf32>
      %add3A_556 = arith.addf %mul3A_551, %mul3A_555 : vector<16xf32>
      %swap3A_557 = arith.index_cast %scan3A_90 : i32 to index
      %swap3A_558 = arith.constant 608 : index
      %swap3A_559 = tpu.vector_load %arg14[%swap3A_557, %swap3A_558] {strides = array<i32>} : memref<16x1024xf32, #tpu.memory_space<vmem>>, vector<16xf32>,
      tpu.vector_store %arg14[%swap3A_557, %swap3A_558], %add3A_556 {strides = array<i32>} : memref<16x1024xf32, #tpu.memory_space<vmem>>, vector<16xf32>,
      %get3A_560 = arith.index_cast %scan3A_90 : i32 to index
      %get3A_561 = arith.constant 624 : index
      %get3A_562 = tpu.vector_load %arg12[%get3A_560, %get3A_561] {strides = array<i32>} : memref<16x1024xf32, #tpu.memory_space<vmem>>, vector<16xf32>,
      %mul3A_563 = arith.mulf %gather3A, %get3A_562 : vector<16xf32>
      %get3A_564 = arith.index_cast %scan3A_90 : i32 to index
      %get3A_565 = arith.constant 624 : index
      %get3A_566 = tpu.vector_load %arg13[%get3A_564, %get3A_565] {strides = array<i32>} : memref<16x1024xf32, #tpu.memory_space<vmem>>, vector<16xf32>,
      %mul3A_567 = arith.mulf %gather3A_93, %get3A_566 : vector<16xf32>
      %add3A_568 = arith.addf %mul3A_563, %mul3A_567 : vector<16xf32>
      %swap3A_569 = arith.index_cast %scan3A_90 : i32 to index
      %swap3A_570 = arith.constant 624 : index
      %swap3A_571 = tpu.vector_load %arg14[%swap3A_569, %swap3A_570] {strides = array<i32>} : memref<16x1024xf32, #tpu.memory_space<vmem>>, vector<16xf32>,
      tpu.vector_store %arg14[%swap3A_569, %swap3A_570], %add3A_568 {strides = array<i32>} : memref<16x1024xf32, #tpu.memory_space<vmem>>, vector<16xf32>,
      %get3A_572 = arith.index_cast %scan3A_90 : i32 to index
      %get3A_573 = arith.constant 640 : index
      %get3A_574 = tpu.vector_load %arg12[%get3A_572, %get3A_573] {strides = array<i32>} : memref<16x1024xf32, #tpu.memory_space<vmem>>, vector<16xf32>,
      %mul3A_575 = arith.mulf %gather3A, %get3A_574 : vector<16xf32>
      %get3A_576 = arith.index_cast %scan3A_90 : i32 to index
      %get3A_577 = arith.constant 640 : index
      %get3A_578 = tpu.vector_load %arg13[%get3A_576, %get3A_577] {strides = array<i32>} : memref<16x1024xf32, #tpu.memory_space<vmem>>, vector<16xf32>,
      %mul3A_579 = arith.mulf %gather3A_93, %get3A_578 : vector<16xf32>
      %add3A_580 = arith.addf %mul3A_575, %mul3A_579 : vector<16xf32>
      %swap3A_581 = arith.index_cast %scan3A_90 : i32 to index
      %swap3A_582 = arith.constant 640 : index
      %swap3A_583 = tpu.vector_load %arg14[%swap3A_581, %swap3A_582] {strides = array<i32>} : memref<16x1024xf32, #tpu.memory_space<vmem>>, vector<16xf32>,
      tpu.vector_store %arg14[%swap3A_581, %swap3A_582], %add3A_580 {strides = array<i32>} : memref<16x1024xf32, #tpu.memory_space<vmem>>, vector<16xf32>,
      %get3A_584 = arith.index_cast %scan3A_90 : i32 to index
      %get3A_585 = arith.constant 656 : index
      %get3A_586 = tpu.vector_load %arg12[%get3A_584, %get3A_585] {strides = array<i32>} : memref<16x1024xf32, #tpu.memory_space<vmem>>, vector<16xf32>,
      %mul3A_587 = arith.mulf %gather3A, %get3A_586 : vector<16xf32>
      %get3A_588 = arith.index_cast %scan3A_90 : i32 to index
      %get3A_589 = arith.constant 656 : index
      %get3A_590 = tpu.vector_load %arg13[%get3A_588, %get3A_589] {strides = array<i32>} : memref<16x1024xf32, #tpu.memory_space<vmem>>, vector<16xf32>,
      %mul3A_591 = arith.mulf %gather3A_93, %get3A_590 : vector<16xf32>
      %add3A_592 = arith.addf %mul3A_587, %mul3A_591 : vector<16xf32>
      %swap3A_593 = arith.index_cast %scan3A_90 : i32 to index
      %swap3A_594 = arith.constant 656 : index
      %swap3A_595 = tpu.vector_load %arg14[%swap3A_593, %swap3A_594] {strides = array<i32>} : memref<16x1024xf32, #tpu.memory_space<vmem>>, vector<16xf32>,
      tpu.vector_store %arg14[%swap3A_593, %swap3A_594], %add3A_592 {strides = array<i32>} : memref<16x1024xf32, #tpu.memory_space<vmem>>, vector<16xf32>,
      %get3A_596 = arith.index_cast %scan3A_90 : i32 to index
      %get3A_597 = arith.constant 672 : index
      %get3A_598 = tpu.vector_load %arg12[%get3A_596, %get3A_597] {strides = array<i32>} : memref<16x1024xf32, #tpu.memory_space<vmem>>, vector<16xf32>,
      %mul3A_599 = arith.mulf %gather3A, %get3A_598 : vector<16xf32>
      %get3A_600 = arith.index_cast %scan3A_90 : i32 to index
      %get3A_601 = arith.constant 672 : index
      %get3A_602 = tpu.vector_load %arg13[%get3A_600, %get3A_601] {strides = array<i32>} : memref<16x1024xf32, #tpu.memory_space<vmem>>, vector<16xf32>,
      %mul3A_603 = arith.mulf %gather3A_93, %get3A_602 : vector<16xf32>
      %add3A_604 = arith.addf %mul3A_599, %mul3A_603 : vector<16xf32>
      %swap3A_605 = arith.index_cast %scan3A_90 : i32 to index
      %swap3A_606 = arith.constant 672 : index
      %swap3A_607 = tpu.vector_load %arg14[%swap3A_605, %swap3A_606] {strides = array<i32>} : memref<16x1024xf32, #tpu.memory_space<vmem>>, vector<16xf32>,
      tpu.vector_store %arg14[%swap3A_605, %swap3A_606], %add3A_604 {strides = array<i32>} : memref<16x1024xf32, #tpu.memory_space<vmem>>, vector<16xf32>,
      %get3A_608 = arith.index_cast %scan3A_90 : i32 to index
      %get3A_609 = arith.constant 688 : index
      %get3A_610 = tpu.vector_load %arg12[%get3A_608, %get3A_609] {strides = array<i32>} : memref<16x1024xf32, #tpu.memory_space<vmem>>, vector<16xf32>,
      %mul3A_611 = arith.mulf %gather3A, %get3A_610 : vector<16xf32>
      %get3A_612 = arith.index_cast %scan3A_90 : i32 to index
      %get3A_613 = arith.constant 688 : index
      %get3A_614 = tpu.vector_load %arg13[%get3A_612, %get3A_613] {strides = array<i32>} : memref<16x1024xf32, #tpu.memory_space<vmem>>, vector<16xf32>,
      %mul3A_615 = arith.mulf %gather3A_93, %get3A_614 : vector<16xf32>
      %add3A_616 = arith.addf %mul3A_611, %mul3A_615 : vector<16xf32>
      %swap3A_617 = arith.index_cast %scan3A_90 : i32 to index
      %swap3A_618 = arith.constant 688 : index
      %swap3A_619 = tpu.vector_load %arg14[%swap3A_617, %swap3A_618] {strides = array<i32>} : memref<16x1024xf32, #tpu.memory_space<vmem>>, vector<16xf32>,
      tpu.vector_store %arg14[%swap3A_617, %swap3A_618], %add3A_616 {strides = array<i32>} : memref<16x1024xf32, #tpu.memory_space<vmem>>, vector<16xf32>,
      %get3A_620 = arith.index_cast %scan3A_90 : i32 to index
      %get3A_621 = arith.constant 704 : index
      %get3A_622 = tpu.vector_load %arg12[%get3A_620, %get3A_621] {strides = array<i32>} : memref<16x1024xf32, #tpu.memory_space<vmem>>, vector<16xf32>,
      %mul3A_623 = arith.mulf %gather3A, %get3A_622 : vector<16xf32>
      %get3A_624 = arith.index_cast %scan3A_90 : i32 to index
      %get3A_625 = arith.constant 704 : index
      %get3A_626 = tpu.vector_load %arg13[%get3A_624, %get3A_625] {strides = array<i32>} : memref<16x1024xf32, #tpu.memory_space<vmem>>, vector<16xf32>,
      %mul3A_627 = arith.mulf %gather3A_93, %get3A_626 : vector<16xf32>
      %add3A_628 = arith.addf %mul3A_623, %mul3A_627 : vector<16xf32>
      %swap3A_629 = arith.index_cast %scan3A_90 : i32 to index
      %swap3A_630 = arith.constant 704 : index
      %swap3A_631 = tpu.vector_load %arg14[%swap3A_629, %swap3A_630] {strides = array<i32>} : memref<16x1024xf32, #tpu.memory_space<vmem>>, vector<16xf32>,
      tpu.vector_store %arg14[%swap3A_629, %swap3A_630], %add3A_628 {strides = array<i32>} : memref<16x1024xf32, #tpu.memory_space<vmem>>, vector<16xf32>,
      %get3A_632 = arith.index_cast %scan3A_90 : i32 to index
      %get3A_633 = arith.constant 720 : index
      %get3A_634 = tpu.vector_load %arg12[%get3A_632, %get3A_633] {strides = array<i32>} : memref<16x1024xf32, #tpu.memory_space<vmem>>, vector<16xf32>,
      %mul3A_635 = arith.mulf %gather3A, %get3A_634 : vector<16xf32>
      %get3A_636 = arith.index_cast %scan3A_90 : i32 to index
      %get3A_637 = arith.constant 720 : index
      %get3A_638 = tpu.vector_load %arg13[%get3A_636, %get3A_637] {strides = array<i32>} : memref<16x1024xf32, #tpu.memory_space<vmem>>, vector<16xf32>,
      %mul3A_639 = arith.mulf %gather3A_93, %get3A_638 : vector<16xf32>
      %add3A_640 = arith.addf %mul3A_635, %mul3A_639 : vector<16xf32>
      %swap3A_641 = arith.index_cast %scan3A_90 : i32 to index
      %swap3A_642 = arith.constant 720 : index
      %swap3A_643 = tpu.vector_load %arg14[%swap3A_641, %swap3A_642] {strides = array<i32>} : memref<16x1024xf32, #tpu.memory_space<vmem>>, vector<16xf32>,
      tpu.vector_store %arg14[%swap3A_641, %swap3A_642], %add3A_640 {strides = array<i32>} : memref<16x1024xf32, #tpu.memory_space<vmem>>, vector<16xf32>,
      %get3A_644 = arith.index_cast %scan3A_90 : i32 to index
      %get3A_645 = arith.constant 736 : index
      %get3A_646 = tpu.vector_load %arg12[%get3A_644, %get3A_645] {strides = array<i32>} : memref<16x1024xf32, #tpu.memory_space<vmem>>, vector<16xf32>,
      %mul3A_647 = arith.mulf %gather3A, %get3A_646 : vector<16xf32>
      %get3A_648 = arith.index_cast %scan3A_90 : i32 to index
      %get3A_649 = arith.constant 736 : index
      %get3A_650 = tpu.vector_load %arg13[%get3A_648, %get3A_649] {strides = array<i32>} : memref<16x1024xf32, #tpu.memory_space<vmem>>, vector<16xf32>,
      %mul3A_651 = arith.mulf %gather3A_93, %get3A_650 : vector<16xf32>
      %add3A_652 = arith.addf %mul3A_647, %mul3A_651 : vector<16xf32>
      %swap3A_653 = arith.index_cast %scan3A_90 : i32 to index
      %swap3A_654 = arith.constant 736 : index
      %swap3A_655 = tpu.vector_load %arg14[%swap3A_653, %swap3A_654] {strides = array<i32>} : memref<16x1024xf32, #tpu.memory_space<vmem>>, vector<16xf32>,
      tpu.vector_store %arg14[%swap3A_653, %swap3A_654], %add3A_652 {strides = array<i32>} : memref<16x1024xf32, #tpu.memory_space<vmem>>, vector<16xf32>,
      %get3A_656 = arith.index_cast %scan3A_90 : i32 to index
      %get3A_657 = arith.constant 752 : index
      %get3A_658 = tpu.vector_load %arg12[%get3A_656, %get3A_657] {strides = array<i32>} : memref<16x1024xf32, #tpu.memory_space<vmem>>, vector<16xf32>,
      %mul3A_659 = arith.mulf %gather3A, %get3A_658 : vector<16xf32>
      %get3A_660 = arith.index_cast %scan3A_90 : i32 to index
      %get3A_661 = arith.constant 752 : index
      %get3A_662 = tpu.vector_load %arg13[%get3A_660, %get3A_661] {strides = array<i32>} : memref<16x1024xf32, #tpu.memory_space<vmem>>, vector<16xf32>,
      %mul3A_663 = arith.mulf %gather3A_93, %get3A_662 : vector<16xf32>
      %add3A_664 = arith.addf %mul3A_659, %mul3A_663 : vector<16xf32>
      %swap3A_665 = arith.index_cast %scan3A_90 : i32 to index
      %swap3A_666 = arith.constant 752 : index
      %swap3A_667 = tpu.vector_load %arg14[%swap3A_665, %swap3A_666] {strides = array<i32>} : memref<16x1024xf32, #tpu.memory_space<vmem>>, vector<16xf32>,
      tpu.vector_store %arg14[%swap3A_665, %swap3A_666], %add3A_664 {strides = array<i32>} : memref<16x1024xf32, #tpu.memory_space<vmem>>, vector<16xf32>,
      %get3A_668 = arith.index_cast %scan3A_90 : i32 to index
      %get3A_669 = arith.constant 768 : index
      %get3A_670 = tpu.vector_load %arg12[%get3A_668, %get3A_669] {strides = array<i32>} : memref<16x1024xf32, #tpu.memory_space<vmem>>, vector<16xf32>,
      %mul3A_671 = arith.mulf %gather3A, %get3A_670 : vector<16xf32>
      %get3A_672 = arith.index_cast %scan3A_90 : i32 to index
      %get3A_673 = arith.constant 768 : index
      %get3A_674 = tpu.vector_load %arg13[%get3A_672, %get3A_673] {strides = array<i32>} : memref<16x1024xf32, #tpu.memory_space<vmem>>, vector<16xf32>,
      %mul3A_675 = arith.mulf %gather3A_93, %get3A_674 : vector<16xf32>
      %add3A_676 = arith.addf %mul3A_671, %mul3A_675 : vector<16xf32>
      %swap3A_677 = arith.index_cast %scan3A_90 : i32 to index
      %swap3A_678 = arith.constant 768 : index
      %swap3A_679 = tpu.vector_load %arg14[%swap3A_677, %swap3A_678] {strides = array<i32>} : memref<16x1024xf32, #tpu.memory_space<vmem>>, vector<16xf32>,
      tpu.vector_store %arg14[%swap3A_677, %swap3A_678], %add3A_676 {strides = array<i32>} : memref<16x1024xf32, #tpu.memory_space<vmem>>, vector<16xf32>,
      %get3A_680 = arith.index_cast %scan3A_90 : i32 to index
      %get3A_681 = arith.constant 784 : index
      %get3A_682 = tpu.vector_load %arg12[%get3A_680, %get3A_681] {strides = array<i32>} : memref<16x1024xf32, #tpu.memory_space<vmem>>, vector<16xf32>,
      %mul3A_683 = arith.mulf %gather3A, %get3A_682 : vector<16xf32>
      %get3A_684 = arith.index_cast %scan3A_90 : i32 to index
      %get3A_685 = arith.constant 784 : index
      %get3A_686 = tpu.vector_load %arg13[%get3A_684, %get3A_685] {strides = array<i32>} : memref<16x1024xf32, #tpu.memory_space<vmem>>, vector<16xf32>,
      %mul3A_687 = arith.mulf %gather3A_93, %get3A_686 : vector<16xf32>
      %add3A_688 = arith.addf %mul3A_683, %mul3A_687 : vector<16xf32>
      %swap3A_689 = arith.index_cast %scan3A_90 : i32 to index
      %swap3A_690 = arith.constant 784 : index
      %swap3A_691 = tpu.vector_load %arg14[%swap3A_689, %swap3A_690] {strides = array<i32>} : memref<16x1024xf32, #tpu.memory_space<vmem>>, vector<16xf32>,
      tpu.vector_store %arg14[%swap3A_689, %swap3A_690], %add3A_688 {strides = array<i32>} : memref<16x1024xf32, #tpu.memory_space<vmem>>, vector<16xf32>,
      %get3A_692 = arith.index_cast %scan3A_90 : i32 to index
      %get3A_693 = arith.constant 800 : index
      %get3A_694 = tpu.vector_load %arg12[%get3A_692, %get3A_693] {strides = array<i32>} : memref<16x1024xf32, #tpu.memory_space<vmem>>, vector<16xf32>,
      %mul3A_695 = arith.mulf %gather3A, %get3A_694 : vector<16xf32>
      %get3A_696 = arith.index_cast %scan3A_90 : i32 to index
      %get3A_697 = arith.constant 800 : index
      %get3A_698 = tpu.vector_load %arg13[%get3A_696, %get3A_697] {strides = array<i32>} : memref<16x1024xf32, #tpu.memory_space<vmem>>, vector<16xf32>,
      %mul3A_699 = arith.mulf %gather3A_93, %get3A_698 : vector<16xf32>
      %add3A_700 = arith.addf %mul3A_695, %mul3A_699 : vector<16xf32>
      %swap3A_701 = arith.index_cast %scan3A_90 : i32 to index
      %swap3A_702 = arith.constant 800 : index
      %swap3A_703 = tpu.vector_load %arg14[%swap3A_701, %swap3A_702] {strides = array<i32>} : memref<16x1024xf32, #tpu.memory_space<vmem>>, vector<16xf32>,
      tpu.vector_store %arg14[%swap3A_701, %swap3A_702], %add3A_700 {strides = array<i32>} : memref<16x1024xf32, #tpu.memory_space<vmem>>, vector<16xf32>,
      %get3A_704 = arith.index_cast %scan3A_90 : i32 to index
      %get3A_705 = arith.constant 816 : index
      %get3A_706 = tpu.vector_load %arg12[%get3A_704, %get3A_705] {strides = array<i32>} : memref<16x1024xf32, #tpu.memory_space<vmem>>, vector<16xf32>,
      %mul3A_707 = arith.mulf %gather3A, %get3A_706 : vector<16xf32>
      %get3A_708 = arith.index_cast %scan3A_90 : i32 to index
      %get3A_709 = arith.constant 816 : index
      %get3A_710 = tpu.vector_load %arg13[%get3A_708, %get3A_709] {strides = array<i32>} : memref<16x1024xf32, #tpu.memory_space<vmem>>, vector<16xf32>,
      %mul3A_711 = arith.mulf %gather3A_93, %get3A_710 : vector<16xf32>
      %add3A_712 = arith.addf %mul3A_707, %mul3A_711 : vector<16xf32>
      %swap3A_713 = arith.index_cast %scan3A_90 : i32 to index
      %swap3A_714 = arith.constant 816 : index
      %swap3A_715 = tpu.vector_load %arg14[%swap3A_713, %swap3A_714] {strides = array<i32>} : memref<16x1024xf32, #tpu.memory_space<vmem>>, vector<16xf32>,
      tpu.vector_store %arg14[%swap3A_713, %swap3A_714], %add3A_712 {strides = array<i32>} : memref<16x1024xf32, #tpu.memory_space<vmem>>, vector<16xf32>,
      %get3A_716 = arith.index_cast %scan3A_90 : i32 to index
      %get3A_717 = arith.constant 832 : index
      %get3A_718 = tpu.vector_load %arg12[%get3A_716, %get3A_717] {strides = array<i32>} : memref<16x1024xf32, #tpu.memory_space<vmem>>, vector<16xf32>,
      %mul3A_719 = arith.mulf %gather3A, %get3A_718 : vector<16xf32>
      %get3A_720 = arith.index_cast %scan3A_90 : i32 to index
      %get3A_721 = arith.constant 832 : index
      %get3A_722 = tpu.vector_load %arg13[%get3A_720, %get3A_721] {strides = array<i32>} : memref<16x1024xf32, #tpu.memory_space<vmem>>, vector<16xf32>,
      %mul3A_723 = arith.mulf %gather3A_93, %get3A_722 : vector<16xf32>
      %add3A_724 = arith.addf %mul3A_719, %mul3A_723 : vector<16xf32>
      %swap3A_725 = arith.index_cast %scan3A_90 : i32 to index
      %swap3A_726 = arith.constant 832 : index
      %swap3A_727 = tpu.vector_load %arg14[%swap3A_725, %swap3A_726] {strides = array<i32>} : memref<16x1024xf32, #tpu.memory_space<vmem>>, vector<16xf32>,
      tpu.vector_store %arg14[%swap3A_725, %swap3A_726], %add3A_724 {strides = array<i32>} : memref<16x1024xf32, #tpu.memory_space<vmem>>, vector<16xf32>,
      %get3A_728 = arith.index_cast %scan3A_90 : i32 to index
      %get3A_729 = arith.constant 848 : index
      %get3A_730 = tpu.vector_load %arg12[%get3A_728, %get3A_729] {strides = array<i32>} : memref<16x1024xf32, #tpu.memory_space<vmem>>, vector<16xf32>,
      %mul3A_731 = arith.mulf %gather3A, %get3A_730 : vector<16xf32>
      %get3A_732 = arith.index_cast %scan3A_90 : i32 to index
      %get3A_733 = arith.constant 848 : index
      %get3A_734 = tpu.vector_load %arg13[%get3A_732, %get3A_733] {strides = array<i32>} : memref<16x1024xf32, #tpu.memory_space<vmem>>, vector<16xf32>,
      %mul3A_735 = arith.mulf %gather3A_93, %get3A_734 : vector<16xf32>
      %add3A_736 = arith.addf %mul3A_731, %mul3A_735 : vector<16xf32>
      %swap3A_737 = arith.index_cast %scan3A_90 : i32 to index
      %swap3A_738 = arith.constant 848 : index
      %swap3A_739 = tpu.vector_load %arg14[%swap3A_737, %swap3A_738] {strides = array<i32>} : memref<16x1024xf32, #tpu.memory_space<vmem>>, vector<16xf32>,
      tpu.vector_store %arg14[%swap3A_737, %swap3A_738], %add3A_736 {strides = array<i32>} : memref<16x1024xf32, #tpu.memory_space<vmem>>, vector<16xf32>,
      %get3A_740 = arith.index_cast %scan3A_90 : i32 to index
      %get3A_741 = arith.constant 864 : index
      %get3A_742 = tpu.vector_load %arg12[%get3A_740, %get3A_741] {strides = array<i32>} : memref<16x1024xf32, #tpu.memory_space<vmem>>, vector<16xf32>,
      %mul3A_743 = arith.mulf %gather3A, %get3A_742 : vector<16xf32>
      %get3A_744 = arith.index_cast %scan3A_90 : i32 to index
      %get3A_745 = arith.constant 864 : index
      %get3A_746 = tpu.vector_load %arg13[%get3A_744, %get3A_745] {strides = array<i32>} : memref<16x1024xf32, #tpu.memory_space<vmem>>, vector<16xf32>,
      %mul3A_747 = arith.mulf %gather3A_93, %get3A_746 : vector<16xf32>
      %add3A_748 = arith.addf %mul3A_743, %mul3A_747 : vector<16xf32>
      %swap3A_749 = arith.index_cast %scan3A_90 : i32 to index
      %swap3A_750 = arith.constant 864 : index
      %swap3A_751 = tpu.vector_load %arg14[%swap3A_749, %swap3A_750] {strides = array<i32>} : memref<16x1024xf32, #tpu.memory_space<vmem>>, vector<16xf32>,
      tpu.vector_store %arg14[%swap3A_749, %swap3A_750], %add3A_748 {strides = array<i32>} : memref<16x1024xf32, #tpu.memory_space<vmem>>, vector<16xf32>,
      %get3A_752 = arith.index_cast %scan3A_90 : i32 to index
      %get3A_753 = arith.constant 880 : index
      %get3A_754 = tpu.vector_load %arg12[%get3A_752, %get3A_753] {strides = array<i32>} : memref<16x1024xf32, #tpu.memory_space<vmem>>, vector<16xf32>,
      %mul3A_755 = arith.mulf %gather3A, %get3A_754 : vector<16xf32>
      %get3A_756 = arith.index_cast %scan3A_90 : i32 to index
      %get3A_757 = arith.constant 880 : index
      %get3A_758 = tpu.vector_load %arg13[%get3A_756, %get3A_757] {strides = array<i32>} : memref<16x1024xf32, #tpu.memory_space<vmem>>, vector<16xf32>,
      %mul3A_759 = arith.mulf %gather3A_93, %get3A_758 : vector<16xf32>
      %add3A_760 = arith.addf %mul3A_755, %mul3A_759 : vector<16xf32>
      %swap3A_761 = arith.index_cast %scan3A_90 : i32 to index
      %swap3A_762 = arith.constant 880 : index
      %swap3A_763 = tpu.vector_load %arg14[%swap3A_761, %swap3A_762] {strides = array<i32>} : memref<16x1024xf32, #tpu.memory_space<vmem>>, vector<16xf32>,
      tpu.vector_store %arg14[%swap3A_761, %swap3A_762], %add3A_760 {strides = array<i32>} : memref<16x1024xf32, #tpu.memory_space<vmem>>, vector<16xf32>,
      %get3A_764 = arith.index_cast %scan3A_90 : i32 to index
      %get3A_765 = arith.constant 896 : index
      %get3A_766 = tpu.vector_load %arg12[%get3A_764, %get3A_765] {strides = array<i32>} : memref<16x1024xf32, #tpu.memory_space<vmem>>, vector<16xf32>,
      %mul3A_767 = arith.mulf %gather3A, %get3A_766 : vector<16xf32>
      %get3A_768 = arith.index_cast %scan3A_90 : i32 to index
      %get3A_769 = arith.constant 896 : index
      %get3A_770 = tpu.vector_load %arg13[%get3A_768, %get3A_769] {strides = array<i32>} : memref<16x1024xf32, #tpu.memory_space<vmem>>, vector<16xf32>,
      %mul3A_771 = arith.mulf %gather3A_93, %get3A_770 : vector<16xf32>
      %add3A_772 = arith.addf %mul3A_767, %mul3A_771 : vector<16xf32>
      %swap3A_773 = arith.index_cast %scan3A_90 : i32 to index
      %swap3A_774 = arith.constant 896 : index
      %swap3A_775 = tpu.vector_load %arg14[%swap3A_773, %swap3A_774] {strides = array<i32>} : memref<16x1024xf32, #tpu.memory_space<vmem>>, vector<16xf32>,
      tpu.vector_store %arg14[%swap3A_773, %swap3A_774], %add3A_772 {strides = array<i32>} : memref<16x1024xf32, #tpu.memory_space<vmem>>, vector<16xf32>,
      %get3A_776 = arith.index_cast %scan3A_90 : i32 to index
      %get3A_777 = arith.constant 912 : index
      %get3A_778 = tpu.vector_load %arg12[%get3A_776, %get3A_777] {strides = array<i32>} : memref<16x1024xf32, #tpu.memory_space<vmem>>, vector<16xf32>,
      %mul3A_779 = arith.mulf %gather3A, %get3A_778 : vector<16xf32>
      %get3A_780 = arith.index_cast %scan3A_90 : i32 to index
      %get3A_781 = arith.constant 912 : index
      %get3A_782 = tpu.vector_load %arg13[%get3A_780, %get3A_781] {strides = array<i32>} : memref<16x1024xf32, #tpu.memory_space<vmem>>, vector<16xf32>,
      %mul3A_783 = arith.mulf %gather3A_93, %get3A_782 : vector<16xf32>
      %add3A_784 = arith.addf %mul3A_779, %mul3A_783 : vector<16xf32>
      %swap3A_785 = arith.index_cast %scan3A_90 : i32 to index
      %swap3A_786 = arith.constant 912 : index
      %swap3A_787 = tpu.vector_load %arg14[%swap3A_785, %swap3A_786] {strides = array<i32>} : memref<16x1024xf32, #tpu.memory_space<vmem>>, vector<16xf32>,
      tpu.vector_store %arg14[%swap3A_785, %swap3A_786], %add3A_784 {strides = array<i32>} : memref<16x1024xf32, #tpu.memory_space<vmem>>, vector<16xf32>,
      %get3A_788 = arith.index_cast %scan3A_90 : i32 to index
      %get3A_789 = arith.constant 928 : index
      %get3A_790 = tpu.vector_load %arg12[%get3A_788, %get3A_789] {strides = array<i32>} : memref<16x1024xf32, #tpu.memory_space<vmem>>, vector<16xf32>,
      %mul3A_791 = arith.mulf %gather3A, %get3A_790 : vector<16xf32>
      %get3A_792 = arith.index_cast %scan3A_90 : i32 to index
      %get3A_793 = arith.constant 928 : index
      %get3A_794 = tpu.vector_load %arg13[%get3A_792, %get3A_793] {strides = array<i32>} : memref<16x1024xf32, #tpu.memory_space<vmem>>, vector<16xf32>,
      %mul3A_795 = arith.mulf %gather3A_93, %get3A_794 : vector<16xf32>
      %add3A_796 = arith.addf %mul3A_791, %mul3A_795 : vector<16xf32>
      %swap3A_797 = arith.index_cast %scan3A_90 : i32 to index
      %swap3A_798 = arith.constant 928 : index
      %swap3A_799 = tpu.vector_load %arg14[%swap3A_797, %swap3A_798] {strides = array<i32>} : memref<16x1024xf32, #tpu.memory_space<vmem>>, vector<16xf32>,
      tpu.vector_store %arg14[%swap3A_797, %swap3A_798], %add3A_796 {strides = array<i32>} : memref<16x1024xf32, #tpu.memory_space<vmem>>, vector<16xf32>,
      %get3A_800 = arith.index_cast %scan3A_90 : i32 to index
      %get3A_801 = arith.constant 944 : index
      %get3A_802 = tpu.vector_load %arg12[%get3A_800, %get3A_801] {strides = array<i32>} : memref<16x1024xf32, #tpu.memory_space<vmem>>, vector<16xf32>,
      %mul3A_803 = arith.mulf %gather3A, %get3A_802 : vector<16xf32>
      %get3A_804 = arith.index_cast %scan3A_90 : i32 to index
      %get3A_805 = arith.constant 944 : index
      %get3A_806 = tpu.vector_load %arg13[%get3A_804, %get3A_805] {strides = array<i32>} : memref<16x1024xf32, #tpu.memory_space<vmem>>, vector<16xf32>,
      %mul3A_807 = arith.mulf %gather3A_93, %get3A_806 : vector<16xf32>
      %add3A_808 = arith.addf %mul3A_803, %mul3A_807 : vector<16xf32>
      %swap3A_809 = arith.index_cast %scan3A_90 : i32 to index
      %swap3A_810 = arith.constant 944 : index
      %swap3A_811 = tpu.vector_load %arg14[%swap3A_809, %swap3A_810] {strides = array<i32>} : memref<16x1024xf32, #tpu.memory_space<vmem>>, vector<16xf32>,
      tpu.vector_store %arg14[%swap3A_809, %swap3A_810], %add3A_808 {strides = array<i32>} : memref<16x1024xf32, #tpu.memory_space<vmem>>, vector<16xf32>,
      %get3A_812 = arith.index_cast %scan3A_90 : i32 to index
      %get3A_813 = arith.constant 960 : index
      %get3A_814 = tpu.vector_load %arg12[%get3A_812, %get3A_813] {strides = array<i32>} : memref<16x1024xf32, #tpu.memory_space<vmem>>, vector<16xf32>,
      %mul3A_815 = arith.mulf %gather3A, %get3A_814 : vector<16xf32>
      %get3A_816 = arith.index_cast %scan3A_90 : i32 to index
      %get3A_817 = arith.constant 960 : index
      %get3A_818 = tpu.vector_load %arg13[%get3A_816, %get3A_817] {strides = array<i32>} : memref<16x1024xf32, #tpu.memory_space<vmem>>, vector<16xf32>,
      %mul3A_819 = arith.mulf %gather3A_93, %get3A_818 : vector<16xf32>
      %add3A_820 = arith.addf %mul3A_815, %mul3A_819 : vector<16xf32>
      %swap3A_821 = arith.index_cast %scan3A_90 : i32 to index
      %swap3A_822 = arith.constant 960 : index
      %swap3A_823 = tpu.vector_load %arg14[%swap3A_821, %swap3A_822] {strides = array<i32>} : memref<16x1024xf32, #tpu.memory_space<vmem>>, vector<16xf32>,
      tpu.vector_store %arg14[%swap3A_821, %swap3A_822], %add3A_820 {strides = array<i32>} : memref<16x1024xf32, #tpu.memory_space<vmem>>, vector<16xf32>,
      %get3A_824 = arith.index_cast %scan3A_90 : i32 to index
      %get3A_825 = arith.constant 976 : index
      %get3A_826 = tpu.vector_load %arg12[%get3A_824, %get3A_825] {strides = array<i32>} : memref<16x1024xf32, #tpu.memory_space<vmem>>, vector<16xf32>,
      %mul3A_827 = arith.mulf %gather3A, %get3A_826 : vector<16xf32>
      %get3A_828 = arith.index_cast %scan3A_90 : i32 to index
      %get3A_829 = arith.constant 976 : index
      %get3A_830 = tpu.vector_load %arg13[%get3A_828, %get3A_829] {strides = array<i32>} : memref<16x1024xf32, #tpu.memory_space<vmem>>, vector<16xf32>,
      %mul3A_831 = arith.mulf %gather3A_93, %get3A_830 : vector<16xf32>
      %add3A_832 = arith.addf %mul3A_827, %mul3A_831 : vector<16xf32>
      %swap3A_833 = arith.index_cast %scan3A_90 : i32 to index
      %swap3A_834 = arith.constant 976 : index
      %swap3A_835 = tpu.vector_load %arg14[%swap3A_833, %swap3A_834] {strides = array<i32>} : memref<16x1024xf32, #tpu.memory_space<vmem>>, vector<16xf32>,
      tpu.vector_store %arg14[%swap3A_833, %swap3A_834], %add3A_832 {strides = array<i32>} : memref<16x1024xf32, #tpu.memory_space<vmem>>, vector<16xf32>,
      %get3A_836 = arith.index_cast %scan3A_90 : i32 to index
      %get3A_837 = arith.constant 992 : index
      %get3A_838 = tpu.vector_load %arg12[%get3A_836, %get3A_837] {strides = array<i32>} : memref<16x1024xf32, #tpu.memory_space<vmem>>, vector<16xf32>,
      %mul3A_839 = arith.mulf %gather3A, %get3A_838 : vector<16xf32>
      %get3A_840 = arith.index_cast %scan3A_90 : i32 to index
      %get3A_841 = arith.constant 992 : index
      %get3A_842 = tpu.vector_load %arg13[%get3A_840, %get3A_841] {strides = array<i32>} : memref<16x1024xf32, #tpu.memory_space<vmem>>, vector<16xf32>,
      %mul3A_843 = arith.mulf %gather3A_93, %get3A_842 : vector<16xf32>
      %add3A_844 = arith.addf %mul3A_839, %mul3A_843 : vector<16xf32>
      %swap3A_845 = arith.index_cast %scan3A_90 : i32 to index
      %swap3A_846 = arith.constant 992 : index
      %swap3A_847 = tpu.vector_load %arg14[%swap3A_845, %swap3A_846] {strides = array<i32>} : memref<16x1024xf32, #tpu.memory_space<vmem>>, vector<16xf32>,
      tpu.vector_store %arg14[%swap3A_845, %swap3A_846], %add3A_844 {strides = array<i32>} : memref<16x1024xf32, #tpu.memory_space<vmem>>, vector<16xf32>,
      %get3A_848 = arith.index_cast %scan3A_90 : i32 to index
      %get3A_849 = arith.constant 1008 : index
      %get3A_850 = tpu.vector_load %arg12[%get3A_848, %get3A_849] {strides = array<i32>} : memref<16x1024xf32, #tpu.memory_space<vmem>>, vector<16xf32>,
      %mul3A_851 = arith.mulf %gather3A, %get3A_850 : vector<16xf32>
      %get3A_852 = arith.index_cast %scan3A_90 : i32 to index
      %get3A_853 = arith.constant 1008 : index
      %get3A_854 = tpu.vector_load %arg13[%get3A_852, %get3A_853] {strides = array<i32>} : memref<16x1024xf32, #tpu.memory_space<vmem>>, vector<16xf32>,
      %mul3A_855 = arith.mulf %gather3A_93, %get3A_854 : vector<16xf32>
      %add3A_856 = arith.addf %mul3A_851, %mul3A_855 : vector<16xf32>
      %swap3A_857 = arith.index_cast %scan3A_90 : i32 to index
      %swap3A_858 = arith.constant 1008 : index
      %swap3A_859 = tpu.vector_load %arg14[%swap3A_857, %swap3A_858] {strides = array<i32>} : memref<16x1024xf32, #tpu.memory_space<vmem>>, vector<16xf32>,
      tpu.vector_store %arg14[%swap3A_857, %swap3A_858], %add3A_856 {strides = array<i32>} : memref<16x1024xf32, #tpu.memory_space<vmem>>, vector<16xf32>,
      %scan3A_860 = arith.constant 0 : i32
      scf.yield %scan3A_860 : i32
    }
    %scan3A_20 = arith.constant 16 : i32
    "tpu.region"() ({
      %run_scoped3A = tpu.sem_alloc : memref<!tpu.dma_semaphore, #tpu.memory_space<semaphore_mem>>
      %dma_start3A_90 = arith.constant 0 : i32
      %dma_start3A_91 = tpu.memref_slice %arg7[%add3A_4, %dma_start3A_90] : memref<2048x1024xf32, #tpu.memory_space<hbm>> -> memref<16x1024xf32, #tpu.memory_space<hbm>>
      %dma_start3A_92 = arith.constant 0 : i32
      %dma_start3A_93 = tpu.memref_slice %arg7[%add3A_4, %dma_start3A_92] : memref<2048x1024xf32, #tpu.memory_space<hbm>> -> memref<16x1024xf32, #tpu.memory_space<hbm>>
      tpu.enqueue_dma source(%arg14 : memref<16x1024xf32, #tpu.memory_space<vmem>>) target(%dma_start3A_93 : memref<16x1024xf32, #tpu.memory_space<hbm>>) target_semaphore(%run_scoped3A : memref<!tpu.dma_semaphore, #tpu.memory_space<semaphore_mem>>)
      %dma_wait3A_94 = arith.constant 0 : i32
      %dma_wait3A_95 = tpu.memref_slice %arg7[%add3A_4, %dma_wait3A_94] : memref<2048x1024xf32, #tpu.memory_space<hbm>> -> memref<16x1024xf32, #tpu.memory_space<hbm>>
      %dma_wait3A_96 = arith.constant 0 : i32
      %dma_wait3A_97 = tpu.memref_slice %arg7[%add3A_4, %dma_wait3A_96] : memref<2048x1024xf32, #tpu.memory_space<hbm>> -> memref<16x1024xf32, #tpu.memory_space<hbm>>
      tpu.wait_dma2 semaphore(%run_scoped3A : memref<!tpu.dma_semaphore, #tpu.memory_space<semaphore_mem>>) src(%arg14 : memref<16x1024xf32, #tpu.memory_space<vmem>>) dst(%dma_wait3A_97 : memref<16x1024xf32, #tpu.memory_space<hbm>>)
      tpu.yield
    }) : () -> ()
    %mul3A_21 = arith.constant 64 : i32
    %mul3A_22 = arith.muli %add3A, %mul3A_21 : i32
    %add3A_23 = arith.constant 16 : i32
    %add3A_24 = arith.addi %mul3A_22, %add3A_23 : i32
    "tpu.region"() ({
      %run_scoped3A = tpu.sem_alloc : memref<!tpu.dma_semaphore, #tpu.memory_space<semaphore_mem>>
      %dma_start3A_90 = tpu.memref_slice %arg3[%add3A_24] : memref<2048xi32, #tpu.memory_space<hbm>> -> memref<16xi32, #tpu.memory_space<hbm>>
      %dma_start3A_91 = tpu.memref_slice %arg3[%add3A_24] : memref<2048xi32, #tpu.memory_space<hbm>> -> memref<16xi32, #tpu.memory_space<hbm>>
      tpu.enqueue_dma source(%dma_start3A_91 : memref<16xi32, #tpu.memory_space<hbm>>) target(%arg8 : memref<16xi32, #tpu.memory_space<vmem>>) target_semaphore(%run_scoped3A : memref<!tpu.dma_semaphore, #tpu.memory_space<semaphore_mem>>)
      %dma_wait3A_92 = tpu.memref_slice %arg3[%add3A_24] : memref<2048xi32, #tpu.memory_space<hbm>> -> memref<16xi32, #tpu.memory_space<hbm>>
      %dma_wait3A_93 = tpu.memref_slice %arg3[%add3A_24] : memref<2048xi32, #tpu.memory_space<hbm>> -> memref<16xi32, #tpu.memory_space<hbm>>
      tpu.wait_dma2 semaphore(%run_scoped3A : memref<!tpu.dma_semaphore, #tpu.memory_space<semaphore_mem>>) src(%dma_wait3A_93 : memref<16xi32, #tpu.memory_space<hbm>>) dst(%arg8 : memref<16xi32, #tpu.memory_space<vmem>>)
      tpu.yield
    }) : () -> ()
    "tpu.region"() ({
      %run_scoped3A = tpu.sem_alloc : memref<!tpu.dma_semaphore, #tpu.memory_space<semaphore_mem>>
      %dma_start3A_90 = tpu.memref_slice %arg4[%add3A_24] : memref<2048xi32, #tpu.memory_space<hbm>> -> memref<16xi32, #tpu.memory_space<hbm>>
      %dma_start3A_91 = tpu.memref_slice %arg4[%add3A_24] : memref<2048xi32, #tpu.memory_space<hbm>> -> memref<16xi32, #tpu.memory_space<hbm>>
      tpu.enqueue_dma source(%dma_start3A_91 : memref<16xi32, #tpu.memory_space<hbm>>) target(%arg9 : memref<16xi32, #tpu.memory_space<vmem>>) target_semaphore(%run_scoped3A : memref<!tpu.dma_semaphore, #tpu.memory_space<semaphore_mem>>)
      %dma_wait3A_92 = tpu.memref_slice %arg4[%add3A_24] : memref<2048xi32, #tpu.memory_space<hbm>> -> memref<16xi32, #tpu.memory_space<hbm>>
      %dma_wait3A_93 = tpu.memref_slice %arg4[%add3A_24] : memref<2048xi32, #tpu.memory_space<hbm>> -> memref<16xi32, #tpu.memory_space<hbm>>
      tpu.wait_dma2 semaphore(%run_scoped3A : memref<!tpu.dma_semaphore, #tpu.memory_space<semaphore_mem>>) src(%dma_wait3A_93 : memref<16xi32, #tpu.memory_space<hbm>>) dst(%arg9 : memref<16xi32, #tpu.memory_space<vmem>>)
      tpu.yield
    }) : () -> ()
    "tpu.region"() ({
      %run_scoped3A = tpu.sem_alloc : memref<!tpu.dma_semaphore, #tpu.memory_space<semaphore_mem>>
      %dma_start3A_90 = tpu.memref_slice %arg5[%add3A_24] : memref<2048xf32, #tpu.memory_space<hbm>> -> memref<16xf32, #tpu.memory_space<hbm>>
      %dma_start3A_91 = tpu.memref_slice %arg5[%add3A_24] : memref<2048xf32, #tpu.memory_space<hbm>> -> memref<16xf32, #tpu.memory_space<hbm>>
      tpu.enqueue_dma source(%dma_start3A_91 : memref<16xf32, #tpu.memory_space<hbm>>) target(%arg10 : memref<16xf32, #tpu.memory_space<vmem>>) target_semaphore(%run_scoped3A : memref<!tpu.dma_semaphore, #tpu.memory_space<semaphore_mem>>)
      %dma_wait3A_92 = tpu.memref_slice %arg5[%add3A_24] : memref<2048xf32, #tpu.memory_space<hbm>> -> memref<16xf32, #tpu.memory_space<hbm>>
      %dma_wait3A_93 = tpu.memref_slice %arg5[%add3A_24] : memref<2048xf32, #tpu.memory_space<hbm>> -> memref<16xf32, #tpu.memory_space<hbm>>
      tpu.wait_dma2 semaphore(%run_scoped3A : memref<!tpu.dma_semaphore, #tpu.memory_space<semaphore_mem>>) src(%dma_wait3A_93 : memref<16xf32, #tpu.memory_space<hbm>>) dst(%arg10 : memref<16xf32, #tpu.memory_space<vmem>>)
      tpu.yield
    }) : () -> ()
    "tpu.region"() ({
      %run_scoped3A = tpu.sem_alloc : memref<!tpu.dma_semaphore, #tpu.memory_space<semaphore_mem>>
      %dma_start3A_90 = tpu.memref_slice %arg6[%add3A_24] : memref<2048xf32, #tpu.memory_space<hbm>> -> memref<16xf32, #tpu.memory_space<hbm>>
      %dma_start3A_91 = tpu.memref_slice %arg6[%add3A_24] : memref<2048xf32, #tpu.memory_space<hbm>> -> memref<16xf32, #tpu.memory_space<hbm>>
      tpu.enqueue_dma source(%dma_start3A_91 : memref<16xf32, #tpu.memory_space<hbm>>) target(%arg11 : memref<16xf32, #tpu.memory_space<vmem>>) target_semaphore(%run_scoped3A : memref<!tpu.dma_semaphore, #tpu.memory_space<semaphore_mem>>)
      %dma_wait3A_92 = tpu.memref_slice %arg6[%add3A_24] : memref<2048xf32, #tpu.memory_space<hbm>> -> memref<16xf32, #tpu.memory_space<hbm>>
      %dma_wait3A_93 = tpu.memref_slice %arg6[%add3A_24] : memref<2048xf32, #tpu.memory_space<hbm>> -> memref<16xf32, #tpu.memory_space<hbm>>
      tpu.wait_dma2 semaphore(%run_scoped3A : memref<!tpu.dma_semaphore, #tpu.memory_space<semaphore_mem>>) src(%dma_wait3A_93 : memref<16xf32, #tpu.memory_space<hbm>>) dst(%arg11 : memref<16xf32, #tpu.memory_space<vmem>>)
      tpu.yield
    }) : () -> ()
    %dma_start3A_25 = arith.constant 0 : i32
    %dma_start3A_26 = arith.constant 0 : i32
    %dma_start3A_27 = tpu.memref_slice %arg2[%dma_start3A_25, %dma_start3A_26] : memref<4096x1024xf32, #tpu.memory_space<hbm>> -> memref<4096x1024xf32, #tpu.memory_space<hbm>>
    tpu.enqueue_indirect_dma source(%dma_start3A_27 : memref<4096x1024xf32, #tpu.memory_space<hbm>>) target(%arg12 : memref<16x1024xf32, #tpu.memory_space<vmem>>) offsets(%arg8 : memref<16xi32, #tpu.memory_space<vmem>>) semaphore(%arg15 : memref<!tpu.dma_semaphore, #tpu.memory_space<semaphore_mem>>)
    %dma_start3A_28 = arith.constant 0 : i32
    %dma_start3A_29 = arith.constant 0 : i32
    %dma_start3A_30 = tpu.memref_slice %arg2[%dma_start3A_28, %dma_start3A_29] : memref<4096x1024xf32, #tpu.memory_space<hbm>> -> memref<4096x1024xf32, #tpu.memory_space<hbm>>
    tpu.enqueue_indirect_dma source(%dma_start3A_30 : memref<4096x1024xf32, #tpu.memory_space<hbm>>) target(%arg13 : memref<16x1024xf32, #tpu.memory_space<vmem>>) offsets(%arg9 : memref<16xi32, #tpu.memory_space<vmem>>) semaphore(%arg16 : memref<!tpu.dma_semaphore, #tpu.memory_space<semaphore_mem>>)
    %dma_wait3A_31 = arith.constant 0 : i32
    %dma_wait3A_32 = arith.constant 0 : i32
    %dma_wait3A_33 = tpu.memref_slice %arg2[%dma_wait3A_31, %dma_wait3A_32] : memref<4096x1024xf32, #tpu.memory_space<hbm>> -> memref<4096x1024xf32, #tpu.memory_space<hbm>>
    tpu.wait_indirect_dma semaphore(%arg15 : memref<!tpu.dma_semaphore, #tpu.memory_space<semaphore_mem>>) src(%dma_wait3A_33 : memref<4096x1024xf32, #tpu.memory_space<hbm>>) dst(%arg12 : memref<16x1024xf32, #tpu.memory_space<vmem>>)
    %dma_wait3A_34 = arith.constant 0 : i32
    %dma_wait3A_35 = arith.constant 0 : i32
    %dma_wait3A_36 = tpu.memref_slice %arg2[%dma_wait3A_34, %dma_wait3A_35] : memref<4096x1024xf32, #tpu.memory_space<hbm>> -> memref<4096x1024xf32, #tpu.memory_space<hbm>>
    tpu.wait_indirect_dma semaphore(%arg16 : memref<!tpu.dma_semaphore, #tpu.memory_space<semaphore_mem>>) src(%dma_wait3A_36 : memref<4096x1024xf32, #tpu.memory_space<hbm>>) dst(%arg13 : memref<16x1024xf32, #tpu.memory_space<vmem>>)
    %scan3A_37 = arith.constant 0 : i32
    %scan3A_38 = arith.constant 0 : i32
    %scan3A_39 = arith.constant 16 : i32
    %scan3A_40 = arith.addi %scan3A_38, %scan3A_39 : i32
    %scan3A_41 = arith.constant 1 : i32
    %scan3A_42 = scf.for %scan3A_90 = %scan3A_38 to %scan3A_40 step %scan3A_41 iter_args(%scan3A_91 = %scan3A_37) -> (i32)  : i32 {
      %broadcast_in_dim3A = vector.broadcast %scan3A_90 : i32 to vector<16xi32>
      %gather3A = tpu.vector_load_idx %arg10[%broadcast_in_dim3A] : memref<16xf32, #tpu.memory_space<vmem>>[vector<16xi32>], vector<16xf32>,
      %broadcast_in_dim3A_92 = vector.broadcast %scan3A_90 : i32 to vector<16xi32>
      %gather3A_93 = tpu.vector_load_idx %arg11[%broadcast_in_dim3A_92] : memref<16xf32, #tpu.memory_space<vmem>>[vector<16xi32>], vector<16xf32>,
      %get3A = arith.index_cast %scan3A_90 : i32 to index
      %get3A_94 = arith.constant 0 : index
      %get3A_95 = tpu.vector_load %arg12[%get3A, %get3A_94] {strides = array<i32>} : memref<16x1024xf32, #tpu.memory_space<vmem>>, vector<16xf32>,
      %mul3A_96 = arith.mulf %gather3A, %get3A_95 : vector<16xf32>
      %get3A_97 = arith.index_cast %scan3A_90 : i32 to index
      %get3A_98 = arith.constant 0 : index
      %get3A_99 = tpu.vector_load %arg13[%get3A_97, %get3A_98] {strides = array<i32>} : memref<16x1024xf32, #tpu.memory_space<vmem>>, vector<16xf32>,
      %mul3A_100 = arith.mulf %gather3A_93, %get3A_99 : vector<16xf32>
      %add3A_101 = arith.addf %mul3A_96, %mul3A_100 : vector<16xf32>
      %swap3A = arith.index_cast %scan3A_90 : i32 to index
      %swap3A_102 = arith.constant 0 : index
      %swap3A_103 = tpu.vector_load %arg14[%swap3A, %swap3A_102] {strides = array<i32>} : memref<16x1024xf32, #tpu.memory_space<vmem>>, vector<16xf32>,
      tpu.vector_store %arg14[%swap3A, %swap3A_102], %add3A_101 {strides = array<i32>} : memref<16x1024xf32, #tpu.memory_space<vmem>>, vector<16xf32>,
      %get3A_104 = arith.index_cast %scan3A_90 : i32 to index
      %get3A_105 = arith.constant 16 : index
      %get3A_106 = tpu.vector_load %arg12[%get3A_104, %get3A_105] {strides = array<i32>} : memref<16x1024xf32, #tpu.memory_space<vmem>>, vector<16xf32>,
      %mul3A_107 = arith.mulf %gather3A, %get3A_106 : vector<16xf32>
      %get3A_108 = arith.index_cast %scan3A_90 : i32 to index
      %get3A_109 = arith.constant 16 : index
      %get3A_110 = tpu.vector_load %arg13[%get3A_108, %get3A_109] {strides = array<i32>} : memref<16x1024xf32, #tpu.memory_space<vmem>>, vector<16xf32>,
      %mul3A_111 = arith.mulf %gather3A_93, %get3A_110 : vector<16xf32>
      %add3A_112 = arith.addf %mul3A_107, %mul3A_111 : vector<16xf32>
      %swap3A_113 = arith.index_cast %scan3A_90 : i32 to index
      %swap3A_114 = arith.constant 16 : index
      %swap3A_115 = tpu.vector_load %arg14[%swap3A_113, %swap3A_114] {strides = array<i32>} : memref<16x1024xf32, #tpu.memory_space<vmem>>, vector<16xf32>,
      tpu.vector_store %arg14[%swap3A_113, %swap3A_114], %add3A_112 {strides = array<i32>} : memref<16x1024xf32, #tpu.memory_space<vmem>>, vector<16xf32>,
      %get3A_116 = arith.index_cast %scan3A_90 : i32 to index
      %get3A_117 = arith.constant 32 : index
      %get3A_118 = tpu.vector_load %arg12[%get3A_116, %get3A_117] {strides = array<i32>} : memref<16x1024xf32, #tpu.memory_space<vmem>>, vector<16xf32>,
      %mul3A_119 = arith.mulf %gather3A, %get3A_118 : vector<16xf32>
      %get3A_120 = arith.index_cast %scan3A_90 : i32 to index
      %get3A_121 = arith.constant 32 : index
      %get3A_122 = tpu.vector_load %arg13[%get3A_120, %get3A_121] {strides = array<i32>} : memref<16x1024xf32, #tpu.memory_space<vmem>>, vector<16xf32>,
      %mul3A_123 = arith.mulf %gather3A_93, %get3A_122 : vector<16xf32>
      %add3A_124 = arith.addf %mul3A_119, %mul3A_123 : vector<16xf32>
      %swap3A_125 = arith.index_cast %scan3A_90 : i32 to index
      %swap3A_126 = arith.constant 32 : index
      %swap3A_127 = tpu.vector_load %arg14[%swap3A_125, %swap3A_126] {strides = array<i32>} : memref<16x1024xf32, #tpu.memory_space<vmem>>, vector<16xf32>,
      tpu.vector_store %arg14[%swap3A_125, %swap3A_126], %add3A_124 {strides = array<i32>} : memref<16x1024xf32, #tpu.memory_space<vmem>>, vector<16xf32>,
      %get3A_128 = arith.index_cast %scan3A_90 : i32 to index
      %get3A_129 = arith.constant 48 : index
      %get3A_130 = tpu.vector_load %arg12[%get3A_128, %get3A_129] {strides = array<i32>} : memref<16x1024xf32, #tpu.memory_space<vmem>>, vector<16xf32>,
      %mul3A_131 = arith.mulf %gather3A, %get3A_130 : vector<16xf32>
      %get3A_132 = arith.index_cast %scan3A_90 : i32 to index
      %get3A_133 = arith.constant 48 : index
      %get3A_134 = tpu.vector_load %arg13[%get3A_132, %get3A_133] {strides = array<i32>} : memref<16x1024xf32, #tpu.memory_space<vmem>>, vector<16xf32>,
      %mul3A_135 = arith.mulf %gather3A_93, %get3A_134 : vector<16xf32>
      %add3A_136 = arith.addf %mul3A_131, %mul3A_135 : vector<16xf32>
      %swap3A_137 = arith.index_cast %scan3A_90 : i32 to index
      %swap3A_138 = arith.constant 48 : index
      %swap3A_139 = tpu.vector_load %arg14[%swap3A_137, %swap3A_138] {strides = array<i32>} : memref<16x1024xf32, #tpu.memory_space<vmem>>, vector<16xf32>,
      tpu.vector_store %arg14[%swap3A_137, %swap3A_138], %add3A_136 {strides = array<i32>} : memref<16x1024xf32, #tpu.memory_space<vmem>>, vector<16xf32>,
      %get3A_140 = arith.index_cast %scan3A_90 : i32 to index
      %get3A_141 = arith.constant 64 : index
      %get3A_142 = tpu.vector_load %arg12[%get3A_140, %get3A_141] {strides = array<i32>} : memref<16x1024xf32, #tpu.memory_space<vmem>>, vector<16xf32>,
      %mul3A_143 = arith.mulf %gather3A, %get3A_142 : vector<16xf32>
      %get3A_144 = arith.index_cast %scan3A_90 : i32 to index
      %get3A_145 = arith.constant 64 : index
      %get3A_146 = tpu.vector_load %arg13[%get3A_144, %get3A_145] {strides = array<i32>} : memref<16x1024xf32, #tpu.memory_space<vmem>>, vector<16xf32>,
      %mul3A_147 = arith.mulf %gather3A_93, %get3A_146 : vector<16xf32>
      %add3A_148 = arith.addf %mul3A_143, %mul3A_147 : vector<16xf32>
      %swap3A_149 = arith.index_cast %scan3A_90 : i32 to index
      %swap3A_150 = arith.constant 64 : index
      %swap3A_151 = tpu.vector_load %arg14[%swap3A_149, %swap3A_150] {strides = array<i32>} : memref<16x1024xf32, #tpu.memory_space<vmem>>, vector<16xf32>,
      tpu.vector_store %arg14[%swap3A_149, %swap3A_150], %add3A_148 {strides = array<i32>} : memref<16x1024xf32, #tpu.memory_space<vmem>>, vector<16xf32>,
      %get3A_152 = arith.index_cast %scan3A_90 : i32 to index
      %get3A_153 = arith.constant 80 : index
      %get3A_154 = tpu.vector_load %arg12[%get3A_152, %get3A_153] {strides = array<i32>} : memref<16x1024xf32, #tpu.memory_space<vmem>>, vector<16xf32>,
      %mul3A_155 = arith.mulf %gather3A, %get3A_154 : vector<16xf32>
      %get3A_156 = arith.index_cast %scan3A_90 : i32 to index
      %get3A_157 = arith.constant 80 : index
      %get3A_158 = tpu.vector_load %arg13[%get3A_156, %get3A_157] {strides = array<i32>} : memref<16x1024xf32, #tpu.memory_space<vmem>>, vector<16xf32>,
      %mul3A_159 = arith.mulf %gather3A_93, %get3A_158 : vector<16xf32>
      %add3A_160 = arith.addf %mul3A_155, %mul3A_159 : vector<16xf32>
      %swap3A_161 = arith.index_cast %scan3A_90 : i32 to index
      %swap3A_162 = arith.constant 80 : index
      %swap3A_163 = tpu.vector_load %arg14[%swap3A_161, %swap3A_162] {strides = array<i32>} : memref<16x1024xf32, #tpu.memory_space<vmem>>, vector<16xf32>,
      tpu.vector_store %arg14[%swap3A_161, %swap3A_162], %add3A_160 {strides = array<i32>} : memref<16x1024xf32, #tpu.memory_space<vmem>>, vector<16xf32>,
      %get3A_164 = arith.index_cast %scan3A_90 : i32 to index
      %get3A_165 = arith.constant 96 : index
      %get3A_166 = tpu.vector_load %arg12[%get3A_164, %get3A_165] {strides = array<i32>} : memref<16x1024xf32, #tpu.memory_space<vmem>>, vector<16xf32>,
      %mul3A_167 = arith.mulf %gather3A, %get3A_166 : vector<16xf32>
      %get3A_168 = arith.index_cast %scan3A_90 : i32 to index
      %get3A_169 = arith.constant 96 : index
      %get3A_170 = tpu.vector_load %arg13[%get3A_168, %get3A_169] {strides = array<i32>} : memref<16x1024xf32, #tpu.memory_space<vmem>>, vector<16xf32>,
      %mul3A_171 = arith.mulf %gather3A_93, %get3A_170 : vector<16xf32>
      %add3A_172 = arith.addf %mul3A_167, %mul3A_171 : vector<16xf32>
      %swap3A_173 = arith.index_cast %scan3A_90 : i32 to index
      %swap3A_174 = arith.constant 96 : index
      %swap3A_175 = tpu.vector_load %arg14[%swap3A_173, %swap3A_174] {strides = array<i32>} : memref<16x1024xf32, #tpu.memory_space<vmem>>, vector<16xf32>,
      tpu.vector_store %arg14[%swap3A_173, %swap3A_174], %add3A_172 {strides = array<i32>} : memref<16x1024xf32, #tpu.memory_space<vmem>>, vector<16xf32>,
      %get3A_176 = arith.index_cast %scan3A_90 : i32 to index
      %get3A_177 = arith.constant 112 : index
      %get3A_178 = tpu.vector_load %arg12[%get3A_176, %get3A_177] {strides = array<i32>} : memref<16x1024xf32, #tpu.memory_space<vmem>>, vector<16xf32>,
      %mul3A_179 = arith.mulf %gather3A, %get3A_178 : vector<16xf32>
      %get3A_180 = arith.index_cast %scan3A_90 : i32 to index
      %get3A_181 = arith.constant 112 : index
      %get3A_182 = tpu.vector_load %arg13[%get3A_180, %get3A_181] {strides = array<i32>} : memref<16x1024xf32, #tpu.memory_space<vmem>>, vector<16xf32>,
      %mul3A_183 = arith.mulf %gather3A_93, %get3A_182 : vector<16xf32>
      %add3A_184 = arith.addf %mul3A_179, %mul3A_183 : vector<16xf32>
      %swap3A_185 = arith.index_cast %scan3A_90 : i32 to index
      %swap3A_186 = arith.constant 112 : index
      %swap3A_187 = tpu.vector_load %arg14[%swap3A_185, %swap3A_186] {strides = array<i32>} : memref<16x1024xf32, #tpu.memory_space<vmem>>, vector<16xf32>,
      tpu.vector_store %arg14[%swap3A_185, %swap3A_186], %add3A_184 {strides = array<i32>} : memref<16x1024xf32, #tpu.memory_space<vmem>>, vector<16xf32>,
      %get3A_188 = arith.index_cast %scan3A_90 : i32 to index
      %get3A_189 = arith.constant 128 : index
      %get3A_190 = tpu.vector_load %arg12[%get3A_188, %get3A_189] {strides = array<i32>} : memref<16x1024xf32, #tpu.memory_space<vmem>>, vector<16xf32>,
      %mul3A_191 = arith.mulf %gather3A, %get3A_190 : vector<16xf32>
      %get3A_192 = arith.index_cast %scan3A_90 : i32 to index
      %get3A_193 = arith.constant 128 : index
      %get3A_194 = tpu.vector_load %arg13[%get3A_192, %get3A_193] {strides = array<i32>} : memref<16x1024xf32, #tpu.memory_space<vmem>>, vector<16xf32>,
      %mul3A_195 = arith.mulf %gather3A_93, %get3A_194 : vector<16xf32>
      %add3A_196 = arith.addf %mul3A_191, %mul3A_195 : vector<16xf32>
      %swap3A_197 = arith.index_cast %scan3A_90 : i32 to index
      %swap3A_198 = arith.constant 128 : index
      %swap3A_199 = tpu.vector_load %arg14[%swap3A_197, %swap3A_198] {strides = array<i32>} : memref<16x1024xf32, #tpu.memory_space<vmem>>, vector<16xf32>,
      tpu.vector_store %arg14[%swap3A_197, %swap3A_198], %add3A_196 {strides = array<i32>} : memref<16x1024xf32, #tpu.memory_space<vmem>>, vector<16xf32>,
      %get3A_200 = arith.index_cast %scan3A_90 : i32 to index
      %get3A_201 = arith.constant 144 : index
      %get3A_202 = tpu.vector_load %arg12[%get3A_200, %get3A_201] {strides = array<i32>} : memref<16x1024xf32, #tpu.memory_space<vmem>>, vector<16xf32>,
      %mul3A_203 = arith.mulf %gather3A, %get3A_202 : vector<16xf32>
      %get3A_204 = arith.index_cast %scan3A_90 : i32 to index
      %get3A_205 = arith.constant 144 : index
      %get3A_206 = tpu.vector_load %arg13[%get3A_204, %get3A_205] {strides = array<i32>} : memref<16x1024xf32, #tpu.memory_space<vmem>>, vector<16xf32>,
      %mul3A_207 = arith.mulf %gather3A_93, %get3A_206 : vector<16xf32>
      %add3A_208 = arith.addf %mul3A_203, %mul3A_207 : vector<16xf32>
      %swap3A_209 = arith.index_cast %scan3A_90 : i32 to index
      %swap3A_210 = arith.constant 144 : index
      %swap3A_211 = tpu.vector_load %arg14[%swap3A_209, %swap3A_210] {strides = array<i32>} : memref<16x1024xf32, #tpu.memory_space<vmem>>, vector<16xf32>,
      tpu.vector_store %arg14[%swap3A_209, %swap3A_210], %add3A_208 {strides = array<i32>} : memref<16x1024xf32, #tpu.memory_space<vmem>>, vector<16xf32>,
      %get3A_212 = arith.index_cast %scan3A_90 : i32 to index
      %get3A_213 = arith.constant 160 : index
      %get3A_214 = tpu.vector_load %arg12[%get3A_212, %get3A_213] {strides = array<i32>} : memref<16x1024xf32, #tpu.memory_space<vmem>>, vector<16xf32>,
      %mul3A_215 = arith.mulf %gather3A, %get3A_214 : vector<16xf32>
      %get3A_216 = arith.index_cast %scan3A_90 : i32 to index
      %get3A_217 = arith.constant 160 : index
      %get3A_218 = tpu.vector_load %arg13[%get3A_216, %get3A_217] {strides = array<i32>} : memref<16x1024xf32, #tpu.memory_space<vmem>>, vector<16xf32>,
      %mul3A_219 = arith.mulf %gather3A_93, %get3A_218 : vector<16xf32>
      %add3A_220 = arith.addf %mul3A_215, %mul3A_219 : vector<16xf32>
      %swap3A_221 = arith.index_cast %scan3A_90 : i32 to index
      %swap3A_222 = arith.constant 160 : index
      %swap3A_223 = tpu.vector_load %arg14[%swap3A_221, %swap3A_222] {strides = array<i32>} : memref<16x1024xf32, #tpu.memory_space<vmem>>, vector<16xf32>,
      tpu.vector_store %arg14[%swap3A_221, %swap3A_222], %add3A_220 {strides = array<i32>} : memref<16x1024xf32, #tpu.memory_space<vmem>>, vector<16xf32>,
      %get3A_224 = arith.index_cast %scan3A_90 : i32 to index
      %get3A_225 = arith.constant 176 : index
      %get3A_226 = tpu.vector_load %arg12[%get3A_224, %get3A_225] {strides = array<i32>} : memref<16x1024xf32, #tpu.memory_space<vmem>>, vector<16xf32>,
      %mul3A_227 = arith.mulf %gather3A, %get3A_226 : vector<16xf32>
      %get3A_228 = arith.index_cast %scan3A_90 : i32 to index
      %get3A_229 = arith.constant 176 : index
      %get3A_230 = tpu.vector_load %arg13[%get3A_228, %get3A_229] {strides = array<i32>} : memref<16x1024xf32, #tpu.memory_space<vmem>>, vector<16xf32>,
      %mul3A_231 = arith.mulf %gather3A_93, %get3A_230 : vector<16xf32>
      %add3A_232 = arith.addf %mul3A_227, %mul3A_231 : vector<16xf32>
      %swap3A_233 = arith.index_cast %scan3A_90 : i32 to index
      %swap3A_234 = arith.constant 176 : index
      %swap3A_235 = tpu.vector_load %arg14[%swap3A_233, %swap3A_234] {strides = array<i32>} : memref<16x1024xf32, #tpu.memory_space<vmem>>, vector<16xf32>,
      tpu.vector_store %arg14[%swap3A_233, %swap3A_234], %add3A_232 {strides = array<i32>} : memref<16x1024xf32, #tpu.memory_space<vmem>>, vector<16xf32>,
      %get3A_236 = arith.index_cast %scan3A_90 : i32 to index
      %get3A_237 = arith.constant 192 : index
      %get3A_238 = tpu.vector_load %arg12[%get3A_236, %get3A_237] {strides = array<i32>} : memref<16x1024xf32, #tpu.memory_space<vmem>>, vector<16xf32>,
      %mul3A_239 = arith.mulf %gather3A, %get3A_238 : vector<16xf32>
      %get3A_240 = arith.index_cast %scan3A_90 : i32 to index
      %get3A_241 = arith.constant 192 : index
      %get3A_242 = tpu.vector_load %arg13[%get3A_240, %get3A_241] {strides = array<i32>} : memref<16x1024xf32, #tpu.memory_space<vmem>>, vector<16xf32>,
      %mul3A_243 = arith.mulf %gather3A_93, %get3A_242 : vector<16xf32>
      %add3A_244 = arith.addf %mul3A_239, %mul3A_243 : vector<16xf32>
      %swap3A_245 = arith.index_cast %scan3A_90 : i32 to index
      %swap3A_246 = arith.constant 192 : index
      %swap3A_247 = tpu.vector_load %arg14[%swap3A_245, %swap3A_246] {strides = array<i32>} : memref<16x1024xf32, #tpu.memory_space<vmem>>, vector<16xf32>,
      tpu.vector_store %arg14[%swap3A_245, %swap3A_246], %add3A_244 {strides = array<i32>} : memref<16x1024xf32, #tpu.memory_space<vmem>>, vector<16xf32>,
      %get3A_248 = arith.index_cast %scan3A_90 : i32 to index
      %get3A_249 = arith.constant 208 : index
      %get3A_250 = tpu.vector_load %arg12[%get3A_248, %get3A_249] {strides = array<i32>} : memref<16x1024xf32, #tpu.memory_space<vmem>>, vector<16xf32>,
      %mul3A_251 = arith.mulf %gather3A, %get3A_250 : vector<16xf32>
      %get3A_252 = arith.index_cast %scan3A_90 : i32 to index
      %get3A_253 = arith.constant 208 : index
      %get3A_254 = tpu.vector_load %arg13[%get3A_252, %get3A_253] {strides = array<i32>} : memref<16x1024xf32, #tpu.memory_space<vmem>>, vector<16xf32>,
      %mul3A_255 = arith.mulf %gather3A_93, %get3A_254 : vector<16xf32>
      %add3A_256 = arith.addf %mul3A_251, %mul3A_255 : vector<16xf32>
      %swap3A_257 = arith.index_cast %scan3A_90 : i32 to index
      %swap3A_258 = arith.constant 208 : index
      %swap3A_259 = tpu.vector_load %arg14[%swap3A_257, %swap3A_258] {strides = array<i32>} : memref<16x1024xf32, #tpu.memory_space<vmem>>, vector<16xf32>,
      tpu.vector_store %arg14[%swap3A_257, %swap3A_258], %add3A_256 {strides = array<i32>} : memref<16x1024xf32, #tpu.memory_space<vmem>>, vector<16xf32>,
      %get3A_260 = arith.index_cast %scan3A_90 : i32 to index
      %get3A_261 = arith.constant 224 : index
      %get3A_262 = tpu.vector_load %arg12[%get3A_260, %get3A_261] {strides = array<i32>} : memref<16x1024xf32, #tpu.memory_space<vmem>>, vector<16xf32>,
      %mul3A_263 = arith.mulf %gather3A, %get3A_262 : vector<16xf32>
      %get3A_264 = arith.index_cast %scan3A_90 : i32 to index
      %get3A_265 = arith.constant 224 : index
      %get3A_266 = tpu.vector_load %arg13[%get3A_264, %get3A_265] {strides = array<i32>} : memref<16x1024xf32, #tpu.memory_space<vmem>>, vector<16xf32>,
      %mul3A_267 = arith.mulf %gather3A_93, %get3A_266 : vector<16xf32>
      %add3A_268 = arith.addf %mul3A_263, %mul3A_267 : vector<16xf32>
      %swap3A_269 = arith.index_cast %scan3A_90 : i32 to index
      %swap3A_270 = arith.constant 224 : index
      %swap3A_271 = tpu.vector_load %arg14[%swap3A_269, %swap3A_270] {strides = array<i32>} : memref<16x1024xf32, #tpu.memory_space<vmem>>, vector<16xf32>,
      tpu.vector_store %arg14[%swap3A_269, %swap3A_270], %add3A_268 {strides = array<i32>} : memref<16x1024xf32, #tpu.memory_space<vmem>>, vector<16xf32>,
      %get3A_272 = arith.index_cast %scan3A_90 : i32 to index
      %get3A_273 = arith.constant 240 : index
      %get3A_274 = tpu.vector_load %arg12[%get3A_272, %get3A_273] {strides = array<i32>} : memref<16x1024xf32, #tpu.memory_space<vmem>>, vector<16xf32>,
      %mul3A_275 = arith.mulf %gather3A, %get3A_274 : vector<16xf32>
      %get3A_276 = arith.index_cast %scan3A_90 : i32 to index
      %get3A_277 = arith.constant 240 : index
      %get3A_278 = tpu.vector_load %arg13[%get3A_276, %get3A_277] {strides = array<i32>} : memref<16x1024xf32, #tpu.memory_space<vmem>>, vector<16xf32>,
      %mul3A_279 = arith.mulf %gather3A_93, %get3A_278 : vector<16xf32>
      %add3A_280 = arith.addf %mul3A_275, %mul3A_279 : vector<16xf32>
      %swap3A_281 = arith.index_cast %scan3A_90 : i32 to index
      %swap3A_282 = arith.constant 240 : index
      %swap3A_283 = tpu.vector_load %arg14[%swap3A_281, %swap3A_282] {strides = array<i32>} : memref<16x1024xf32, #tpu.memory_space<vmem>>, vector<16xf32>,
      tpu.vector_store %arg14[%swap3A_281, %swap3A_282], %add3A_280 {strides = array<i32>} : memref<16x1024xf32, #tpu.memory_space<vmem>>, vector<16xf32>,
      %get3A_284 = arith.index_cast %scan3A_90 : i32 to index
      %get3A_285 = arith.constant 256 : index
      %get3A_286 = tpu.vector_load %arg12[%get3A_284, %get3A_285] {strides = array<i32>} : memref<16x1024xf32, #tpu.memory_space<vmem>>, vector<16xf32>,
      %mul3A_287 = arith.mulf %gather3A, %get3A_286 : vector<16xf32>
      %get3A_288 = arith.index_cast %scan3A_90 : i32 to index
      %get3A_289 = arith.constant 256 : index
      %get3A_290 = tpu.vector_load %arg13[%get3A_288, %get3A_289] {strides = array<i32>} : memref<16x1024xf32, #tpu.memory_space<vmem>>, vector<16xf32>,
      %mul3A_291 = arith.mulf %gather3A_93, %get3A_290 : vector<16xf32>
      %add3A_292 = arith.addf %mul3A_287, %mul3A_291 : vector<16xf32>
      %swap3A_293 = arith.index_cast %scan3A_90 : i32 to index
      %swap3A_294 = arith.constant 256 : index
      %swap3A_295 = tpu.vector_load %arg14[%swap3A_293, %swap3A_294] {strides = array<i32>} : memref<16x1024xf32, #tpu.memory_space<vmem>>, vector<16xf32>,
      tpu.vector_store %arg14[%swap3A_293, %swap3A_294], %add3A_292 {strides = array<i32>} : memref<16x1024xf32, #tpu.memory_space<vmem>>, vector<16xf32>,
      %get3A_296 = arith.index_cast %scan3A_90 : i32 to index
      %get3A_297 = arith.constant 272 : index
      %get3A_298 = tpu.vector_load %arg12[%get3A_296, %get3A_297] {strides = array<i32>} : memref<16x1024xf32, #tpu.memory_space<vmem>>, vector<16xf32>,
      %mul3A_299 = arith.mulf %gather3A, %get3A_298 : vector<16xf32>
      %get3A_300 = arith.index_cast %scan3A_90 : i32 to index
      %get3A_301 = arith.constant 272 : index
      %get3A_302 = tpu.vector_load %arg13[%get3A_300, %get3A_301] {strides = array<i32>} : memref<16x1024xf32, #tpu.memory_space<vmem>>, vector<16xf32>,
      %mul3A_303 = arith.mulf %gather3A_93, %get3A_302 : vector<16xf32>
      %add3A_304 = arith.addf %mul3A_299, %mul3A_303 : vector<16xf32>
      %swap3A_305 = arith.index_cast %scan3A_90 : i32 to index
      %swap3A_306 = arith.constant 272 : index
      %swap3A_307 = tpu.vector_load %arg14[%swap3A_305, %swap3A_306] {strides = array<i32>} : memref<16x1024xf32, #tpu.memory_space<vmem>>, vector<16xf32>,
      tpu.vector_store %arg14[%swap3A_305, %swap3A_306], %add3A_304 {strides = array<i32>} : memref<16x1024xf32, #tpu.memory_space<vmem>>, vector<16xf32>,
      %get3A_308 = arith.index_cast %scan3A_90 : i32 to index
      %get3A_309 = arith.constant 288 : index
      %get3A_310 = tpu.vector_load %arg12[%get3A_308, %get3A_309] {strides = array<i32>} : memref<16x1024xf32, #tpu.memory_space<vmem>>, vector<16xf32>,
      %mul3A_311 = arith.mulf %gather3A, %get3A_310 : vector<16xf32>
      %get3A_312 = arith.index_cast %scan3A_90 : i32 to index
      %get3A_313 = arith.constant 288 : index
      %get3A_314 = tpu.vector_load %arg13[%get3A_312, %get3A_313] {strides = array<i32>} : memref<16x1024xf32, #tpu.memory_space<vmem>>, vector<16xf32>,
      %mul3A_315 = arith.mulf %gather3A_93, %get3A_314 : vector<16xf32>
      %add3A_316 = arith.addf %mul3A_311, %mul3A_315 : vector<16xf32>
      %swap3A_317 = arith.index_cast %scan3A_90 : i32 to index
      %swap3A_318 = arith.constant 288 : index
      %swap3A_319 = tpu.vector_load %arg14[%swap3A_317, %swap3A_318] {strides = array<i32>} : memref<16x1024xf32, #tpu.memory_space<vmem>>, vector<16xf32>,
      tpu.vector_store %arg14[%swap3A_317, %swap3A_318], %add3A_316 {strides = array<i32>} : memref<16x1024xf32, #tpu.memory_space<vmem>>, vector<16xf32>,
      %get3A_320 = arith.index_cast %scan3A_90 : i32 to index
      %get3A_321 = arith.constant 304 : index
      %get3A_322 = tpu.vector_load %arg12[%get3A_320, %get3A_321] {strides = array<i32>} : memref<16x1024xf32, #tpu.memory_space<vmem>>, vector<16xf32>,
      %mul3A_323 = arith.mulf %gather3A, %get3A_322 : vector<16xf32>
      %get3A_324 = arith.index_cast %scan3A_90 : i32 to index
      %get3A_325 = arith.constant 304 : index
      %get3A_326 = tpu.vector_load %arg13[%get3A_324, %get3A_325] {strides = array<i32>} : memref<16x1024xf32, #tpu.memory_space<vmem>>, vector<16xf32>,
      %mul3A_327 = arith.mulf %gather3A_93, %get3A_326 : vector<16xf32>
      %add3A_328 = arith.addf %mul3A_323, %mul3A_327 : vector<16xf32>
      %swap3A_329 = arith.index_cast %scan3A_90 : i32 to index
      %swap3A_330 = arith.constant 304 : index
      %swap3A_331 = tpu.vector_load %arg14[%swap3A_329, %swap3A_330] {strides = array<i32>} : memref<16x1024xf32, #tpu.memory_space<vmem>>, vector<16xf32>,
      tpu.vector_store %arg14[%swap3A_329, %swap3A_330], %add3A_328 {strides = array<i32>} : memref<16x1024xf32, #tpu.memory_space<vmem>>, vector<16xf32>,
      %get3A_332 = arith.index_cast %scan3A_90 : i32 to index
      %get3A_333 = arith.constant 320 : index
      %get3A_334 = tpu.vector_load %arg12[%get3A_332, %get3A_333] {strides = array<i32>} : memref<16x1024xf32, #tpu.memory_space<vmem>>, vector<16xf32>,
      %mul3A_335 = arith.mulf %gather3A, %get3A_334 : vector<16xf32>
      %get3A_336 = arith.index_cast %scan3A_90 : i32 to index
      %get3A_337 = arith.constant 320 : index
      %get3A_338 = tpu.vector_load %arg13[%get3A_336, %get3A_337] {strides = array<i32>} : memref<16x1024xf32, #tpu.memory_space<vmem>>, vector<16xf32>,
      %mul3A_339 = arith.mulf %gather3A_93, %get3A_338 : vector<16xf32>
      %add3A_340 = arith.addf %mul3A_335, %mul3A_339 : vector<16xf32>
      %swap3A_341 = arith.index_cast %scan3A_90 : i32 to index
      %swap3A_342 = arith.constant 320 : index
      %swap3A_343 = tpu.vector_load %arg14[%swap3A_341, %swap3A_342] {strides = array<i32>} : memref<16x1024xf32, #tpu.memory_space<vmem>>, vector<16xf32>,
      tpu.vector_store %arg14[%swap3A_341, %swap3A_342], %add3A_340 {strides = array<i32>} : memref<16x1024xf32, #tpu.memory_space<vmem>>, vector<16xf32>,
      %get3A_344 = arith.index_cast %scan3A_90 : i32 to index
      %get3A_345 = arith.constant 336 : index
      %get3A_346 = tpu.vector_load %arg12[%get3A_344, %get3A_345] {strides = array<i32>} : memref<16x1024xf32, #tpu.memory_space<vmem>>, vector<16xf32>,
      %mul3A_347 = arith.mulf %gather3A, %get3A_346 : vector<16xf32>
      %get3A_348 = arith.index_cast %scan3A_90 : i32 to index
      %get3A_349 = arith.constant 336 : index
      %get3A_350 = tpu.vector_load %arg13[%get3A_348, %get3A_349] {strides = array<i32>} : memref<16x1024xf32, #tpu.memory_space<vmem>>, vector<16xf32>,
      %mul3A_351 = arith.mulf %gather3A_93, %get3A_350 : vector<16xf32>
      %add3A_352 = arith.addf %mul3A_347, %mul3A_351 : vector<16xf32>
      %swap3A_353 = arith.index_cast %scan3A_90 : i32 to index
      %swap3A_354 = arith.constant 336 : index
      %swap3A_355 = tpu.vector_load %arg14[%swap3A_353, %swap3A_354] {strides = array<i32>} : memref<16x1024xf32, #tpu.memory_space<vmem>>, vector<16xf32>,
      tpu.vector_store %arg14[%swap3A_353, %swap3A_354], %add3A_352 {strides = array<i32>} : memref<16x1024xf32, #tpu.memory_space<vmem>>, vector<16xf32>,
      %get3A_356 = arith.index_cast %scan3A_90 : i32 to index
      %get3A_357 = arith.constant 352 : index
      %get3A_358 = tpu.vector_load %arg12[%get3A_356, %get3A_357] {strides = array<i32>} : memref<16x1024xf32, #tpu.memory_space<vmem>>, vector<16xf32>,
      %mul3A_359 = arith.mulf %gather3A, %get3A_358 : vector<16xf32>
      %get3A_360 = arith.index_cast %scan3A_90 : i32 to index
      %get3A_361 = arith.constant 352 : index
      %get3A_362 = tpu.vector_load %arg13[%get3A_360, %get3A_361] {strides = array<i32>} : memref<16x1024xf32, #tpu.memory_space<vmem>>, vector<16xf32>,
      %mul3A_363 = arith.mulf %gather3A_93, %get3A_362 : vector<16xf32>
      %add3A_364 = arith.addf %mul3A_359, %mul3A_363 : vector<16xf32>
      %swap3A_365 = arith.index_cast %scan3A_90 : i32 to index
      %swap3A_366 = arith.constant 352 : index
      %swap3A_367 = tpu.vector_load %arg14[%swap3A_365, %swap3A_366] {strides = array<i32>} : memref<16x1024xf32, #tpu.memory_space<vmem>>, vector<16xf32>,
      tpu.vector_store %arg14[%swap3A_365, %swap3A_366], %add3A_364 {strides = array<i32>} : memref<16x1024xf32, #tpu.memory_space<vmem>>, vector<16xf32>,
      %get3A_368 = arith.index_cast %scan3A_90 : i32 to index
      %get3A_369 = arith.constant 368 : index
      %get3A_370 = tpu.vector_load %arg12[%get3A_368, %get3A_369] {strides = array<i32>} : memref<16x1024xf32, #tpu.memory_space<vmem>>, vector<16xf32>,
      %mul3A_371 = arith.mulf %gather3A, %get3A_370 : vector<16xf32>
      %get3A_372 = arith.index_cast %scan3A_90 : i32 to index
      %get3A_373 = arith.constant 368 : index
      %get3A_374 = tpu.vector_load %arg13[%get3A_372, %get3A_373] {strides = array<i32>} : memref<16x1024xf32, #tpu.memory_space<vmem>>, vector<16xf32>,
      %mul3A_375 = arith.mulf %gather3A_93, %get3A_374 : vector<16xf32>
      %add3A_376 = arith.addf %mul3A_371, %mul3A_375 : vector<16xf32>
      %swap3A_377 = arith.index_cast %scan3A_90 : i32 to index
      %swap3A_378 = arith.constant 368 : index
      %swap3A_379 = tpu.vector_load %arg14[%swap3A_377, %swap3A_378] {strides = array<i32>} : memref<16x1024xf32, #tpu.memory_space<vmem>>, vector<16xf32>,
      tpu.vector_store %arg14[%swap3A_377, %swap3A_378], %add3A_376 {strides = array<i32>} : memref<16x1024xf32, #tpu.memory_space<vmem>>, vector<16xf32>,
      %get3A_380 = arith.index_cast %scan3A_90 : i32 to index
      %get3A_381 = arith.constant 384 : index
      %get3A_382 = tpu.vector_load %arg12[%get3A_380, %get3A_381] {strides = array<i32>} : memref<16x1024xf32, #tpu.memory_space<vmem>>, vector<16xf32>,
      %mul3A_383 = arith.mulf %gather3A, %get3A_382 : vector<16xf32>
      %get3A_384 = arith.index_cast %scan3A_90 : i32 to index
      %get3A_385 = arith.constant 384 : index
      %get3A_386 = tpu.vector_load %arg13[%get3A_384, %get3A_385] {strides = array<i32>} : memref<16x1024xf32, #tpu.memory_space<vmem>>, vector<16xf32>,
      %mul3A_387 = arith.mulf %gather3A_93, %get3A_386 : vector<16xf32>
      %add3A_388 = arith.addf %mul3A_383, %mul3A_387 : vector<16xf32>
      %swap3A_389 = arith.index_cast %scan3A_90 : i32 to index
      %swap3A_390 = arith.constant 384 : index
      %swap3A_391 = tpu.vector_load %arg14[%swap3A_389, %swap3A_390] {strides = array<i32>} : memref<16x1024xf32, #tpu.memory_space<vmem>>, vector<16xf32>,
      tpu.vector_store %arg14[%swap3A_389, %swap3A_390], %add3A_388 {strides = array<i32>} : memref<16x1024xf32, #tpu.memory_space<vmem>>, vector<16xf32>,
      %get3A_392 = arith.index_cast %scan3A_90 : i32 to index
      %get3A_393 = arith.constant 400 : index
      %get3A_394 = tpu.vector_load %arg12[%get3A_392, %get3A_393] {strides = array<i32>} : memref<16x1024xf32, #tpu.memory_space<vmem>>, vector<16xf32>,
      %mul3A_395 = arith.mulf %gather3A, %get3A_394 : vector<16xf32>
      %get3A_396 = arith.index_cast %scan3A_90 : i32 to index
      %get3A_397 = arith.constant 400 : index
      %get3A_398 = tpu.vector_load %arg13[%get3A_396, %get3A_397] {strides = array<i32>} : memref<16x1024xf32, #tpu.memory_space<vmem>>, vector<16xf32>,
      %mul3A_399 = arith.mulf %gather3A_93, %get3A_398 : vector<16xf32>
      %add3A_400 = arith.addf %mul3A_395, %mul3A_399 : vector<16xf32>
      %swap3A_401 = arith.index_cast %scan3A_90 : i32 to index
      %swap3A_402 = arith.constant 400 : index
      %swap3A_403 = tpu.vector_load %arg14[%swap3A_401, %swap3A_402] {strides = array<i32>} : memref<16x1024xf32, #tpu.memory_space<vmem>>, vector<16xf32>,
      tpu.vector_store %arg14[%swap3A_401, %swap3A_402], %add3A_400 {strides = array<i32>} : memref<16x1024xf32, #tpu.memory_space<vmem>>, vector<16xf32>,
      %get3A_404 = arith.index_cast %scan3A_90 : i32 to index
      %get3A_405 = arith.constant 416 : index
      %get3A_406 = tpu.vector_load %arg12[%get3A_404, %get3A_405] {strides = array<i32>} : memref<16x1024xf32, #tpu.memory_space<vmem>>, vector<16xf32>,
      %mul3A_407 = arith.mulf %gather3A, %get3A_406 : vector<16xf32>
      %get3A_408 = arith.index_cast %scan3A_90 : i32 to index
      %get3A_409 = arith.constant 416 : index
      %get3A_410 = tpu.vector_load %arg13[%get3A_408, %get3A_409] {strides = array<i32>} : memref<16x1024xf32, #tpu.memory_space<vmem>>, vector<16xf32>,
      %mul3A_411 = arith.mulf %gather3A_93, %get3A_410 : vector<16xf32>
      %add3A_412 = arith.addf %mul3A_407, %mul3A_411 : vector<16xf32>
      %swap3A_413 = arith.index_cast %scan3A_90 : i32 to index
      %swap3A_414 = arith.constant 416 : index
      %swap3A_415 = tpu.vector_load %arg14[%swap3A_413, %swap3A_414] {strides = array<i32>} : memref<16x1024xf32, #tpu.memory_space<vmem>>, vector<16xf32>,
      tpu.vector_store %arg14[%swap3A_413, %swap3A_414], %add3A_412 {strides = array<i32>} : memref<16x1024xf32, #tpu.memory_space<vmem>>, vector<16xf32>,
      %get3A_416 = arith.index_cast %scan3A_90 : i32 to index
      %get3A_417 = arith.constant 432 : index
      %get3A_418 = tpu.vector_load %arg12[%get3A_416, %get3A_417] {strides = array<i32>} : memref<16x1024xf32, #tpu.memory_space<vmem>>, vector<16xf32>,
      %mul3A_419 = arith.mulf %gather3A, %get3A_418 : vector<16xf32>
      %get3A_420 = arith.index_cast %scan3A_90 : i32 to index
      %get3A_421 = arith.constant 432 : index
      %get3A_422 = tpu.vector_load %arg13[%get3A_420, %get3A_421] {strides = array<i32>} : memref<16x1024xf32, #tpu.memory_space<vmem>>, vector<16xf32>,
      %mul3A_423 = arith.mulf %gather3A_93, %get3A_422 : vector<16xf32>
      %add3A_424 = arith.addf %mul3A_419, %mul3A_423 : vector<16xf32>
      %swap3A_425 = arith.index_cast %scan3A_90 : i32 to index
      %swap3A_426 = arith.constant 432 : index
      %swap3A_427 = tpu.vector_load %arg14[%swap3A_425, %swap3A_426] {strides = array<i32>} : memref<16x1024xf32, #tpu.memory_space<vmem>>, vector<16xf32>,
      tpu.vector_store %arg14[%swap3A_425, %swap3A_426], %add3A_424 {strides = array<i32>} : memref<16x1024xf32, #tpu.memory_space<vmem>>, vector<16xf32>,
      %get3A_428 = arith.index_cast %scan3A_90 : i32 to index
      %get3A_429 = arith.constant 448 : index
      %get3A_430 = tpu.vector_load %arg12[%get3A_428, %get3A_429] {strides = array<i32>} : memref<16x1024xf32, #tpu.memory_space<vmem>>, vector<16xf32>,
      %mul3A_431 = arith.mulf %gather3A, %get3A_430 : vector<16xf32>
      %get3A_432 = arith.index_cast %scan3A_90 : i32 to index
      %get3A_433 = arith.constant 448 : index
      %get3A_434 = tpu.vector_load %arg13[%get3A_432, %get3A_433] {strides = array<i32>} : memref<16x1024xf32, #tpu.memory_space<vmem>>, vector<16xf32>,
      %mul3A_435 = arith.mulf %gather3A_93, %get3A_434 : vector<16xf32>
      %add3A_436 = arith.addf %mul3A_431, %mul3A_435 : vector<16xf32>
      %swap3A_437 = arith.index_cast %scan3A_90 : i32 to index
      %swap3A_438 = arith.constant 448 : index
      %swap3A_439 = tpu.vector_load %arg14[%swap3A_437, %swap3A_438] {strides = array<i32>} : memref<16x1024xf32, #tpu.memory_space<vmem>>, vector<16xf32>,
      tpu.vector_store %arg14[%swap3A_437, %swap3A_438], %add3A_436 {strides = array<i32>} : memref<16x1024xf32, #tpu.memory_space<vmem>>, vector<16xf32>,
      %get3A_440 = arith.index_cast %scan3A_90 : i32 to index
      %get3A_441 = arith.constant 464 : index
      %get3A_442 = tpu.vector_load %arg12[%get3A_440, %get3A_441] {strides = array<i32>} : memref<16x1024xf32, #tpu.memory_space<vmem>>, vector<16xf32>,
      %mul3A_443 = arith.mulf %gather3A, %get3A_442 : vector<16xf32>
      %get3A_444 = arith.index_cast %scan3A_90 : i32 to index
      %get3A_445 = arith.constant 464 : index
      %get3A_446 = tpu.vector_load %arg13[%get3A_444, %get3A_445] {strides = array<i32>} : memref<16x1024xf32, #tpu.memory_space<vmem>>, vector<16xf32>,
      %mul3A_447 = arith.mulf %gather3A_93, %get3A_446 : vector<16xf32>
      %add3A_448 = arith.addf %mul3A_443, %mul3A_447 : vector<16xf32>
      %swap3A_449 = arith.index_cast %scan3A_90 : i32 to index
      %swap3A_450 = arith.constant 464 : index
      %swap3A_451 = tpu.vector_load %arg14[%swap3A_449, %swap3A_450] {strides = array<i32>} : memref<16x1024xf32, #tpu.memory_space<vmem>>, vector<16xf32>,
      tpu.vector_store %arg14[%swap3A_449, %swap3A_450], %add3A_448 {strides = array<i32>} : memref<16x1024xf32, #tpu.memory_space<vmem>>, vector<16xf32>,
      %get3A_452 = arith.index_cast %scan3A_90 : i32 to index
      %get3A_453 = arith.constant 480 : index
      %get3A_454 = tpu.vector_load %arg12[%get3A_452, %get3A_453] {strides = array<i32>} : memref<16x1024xf32, #tpu.memory_space<vmem>>, vector<16xf32>,
      %mul3A_455 = arith.mulf %gather3A, %get3A_454 : vector<16xf32>
      %get3A_456 = arith.index_cast %scan3A_90 : i32 to index
      %get3A_457 = arith.constant 480 : index
      %get3A_458 = tpu.vector_load %arg13[%get3A_456, %get3A_457] {strides = array<i32>} : memref<16x1024xf32, #tpu.memory_space<vmem>>, vector<16xf32>,
      %mul3A_459 = arith.mulf %gather3A_93, %get3A_458 : vector<16xf32>
      %add3A_460 = arith.addf %mul3A_455, %mul3A_459 : vector<16xf32>
      %swap3A_461 = arith.index_cast %scan3A_90 : i32 to index
      %swap3A_462 = arith.constant 480 : index
      %swap3A_463 = tpu.vector_load %arg14[%swap3A_461, %swap3A_462] {strides = array<i32>} : memref<16x1024xf32, #tpu.memory_space<vmem>>, vector<16xf32>,
      tpu.vector_store %arg14[%swap3A_461, %swap3A_462], %add3A_460 {strides = array<i32>} : memref<16x1024xf32, #tpu.memory_space<vmem>>, vector<16xf32>,
      %get3A_464 = arith.index_cast %scan3A_90 : i32 to index
      %get3A_465 = arith.constant 496 : index
      %get3A_466 = tpu.vector_load %arg12[%get3A_464, %get3A_465] {strides = array<i32>} : memref<16x1024xf32, #tpu.memory_space<vmem>>, vector<16xf32>,
      %mul3A_467 = arith.mulf %gather3A, %get3A_466 : vector<16xf32>
      %get3A_468 = arith.index_cast %scan3A_90 : i32 to index
      %get3A_469 = arith.constant 496 : index
      %get3A_470 = tpu.vector_load %arg13[%get3A_468, %get3A_469] {strides = array<i32>} : memref<16x1024xf32, #tpu.memory_space<vmem>>, vector<16xf32>,
      %mul3A_471 = arith.mulf %gather3A_93, %get3A_470 : vector<16xf32>
      %add3A_472 = arith.addf %mul3A_467, %mul3A_471 : vector<16xf32>
      %swap3A_473 = arith.index_cast %scan3A_90 : i32 to index
      %swap3A_474 = arith.constant 496 : index
      %swap3A_475 = tpu.vector_load %arg14[%swap3A_473, %swap3A_474] {strides = array<i32>} : memref<16x1024xf32, #tpu.memory_space<vmem>>, vector<16xf32>,
      tpu.vector_store %arg14[%swap3A_473, %swap3A_474], %add3A_472 {strides = array<i32>} : memref<16x1024xf32, #tpu.memory_space<vmem>>, vector<16xf32>,
      %get3A_476 = arith.index_cast %scan3A_90 : i32 to index
      %get3A_477 = arith.constant 512 : index
      %get3A_478 = tpu.vector_load %arg12[%get3A_476, %get3A_477] {strides = array<i32>} : memref<16x1024xf32, #tpu.memory_space<vmem>>, vector<16xf32>,
      %mul3A_479 = arith.mulf %gather3A, %get3A_478 : vector<16xf32>
      %get3A_480 = arith.index_cast %scan3A_90 : i32 to index
      %get3A_481 = arith.constant 512 : index
      %get3A_482 = tpu.vector_load %arg13[%get3A_480, %get3A_481] {strides = array<i32>} : memref<16x1024xf32, #tpu.memory_space<vmem>>, vector<16xf32>,
      %mul3A_483 = arith.mulf %gather3A_93, %get3A_482 : vector<16xf32>
      %add3A_484 = arith.addf %mul3A_479, %mul3A_483 : vector<16xf32>
      %swap3A_485 = arith.index_cast %scan3A_90 : i32 to index
      %swap3A_486 = arith.constant 512 : index
      %swap3A_487 = tpu.vector_load %arg14[%swap3A_485, %swap3A_486] {strides = array<i32>} : memref<16x1024xf32, #tpu.memory_space<vmem>>, vector<16xf32>,
      tpu.vector_store %arg14[%swap3A_485, %swap3A_486], %add3A_484 {strides = array<i32>} : memref<16x1024xf32, #tpu.memory_space<vmem>>, vector<16xf32>,
      %get3A_488 = arith.index_cast %scan3A_90 : i32 to index
      %get3A_489 = arith.constant 528 : index
      %get3A_490 = tpu.vector_load %arg12[%get3A_488, %get3A_489] {strides = array<i32>} : memref<16x1024xf32, #tpu.memory_space<vmem>>, vector<16xf32>,
      %mul3A_491 = arith.mulf %gather3A, %get3A_490 : vector<16xf32>
      %get3A_492 = arith.index_cast %scan3A_90 : i32 to index
      %get3A_493 = arith.constant 528 : index
      %get3A_494 = tpu.vector_load %arg13[%get3A_492, %get3A_493] {strides = array<i32>} : memref<16x1024xf32, #tpu.memory_space<vmem>>, vector<16xf32>,
      %mul3A_495 = arith.mulf %gather3A_93, %get3A_494 : vector<16xf32>
      %add3A_496 = arith.addf %mul3A_491, %mul3A_495 : vector<16xf32>
      %swap3A_497 = arith.index_cast %scan3A_90 : i32 to index
      %swap3A_498 = arith.constant 528 : index
      %swap3A_499 = tpu.vector_load %arg14[%swap3A_497, %swap3A_498] {strides = array<i32>} : memref<16x1024xf32, #tpu.memory_space<vmem>>, vector<16xf32>,
      tpu.vector_store %arg14[%swap3A_497, %swap3A_498], %add3A_496 {strides = array<i32>} : memref<16x1024xf32, #tpu.memory_space<vmem>>, vector<16xf32>,
      %get3A_500 = arith.index_cast %scan3A_90 : i32 to index
      %get3A_501 = arith.constant 544 : index
      %get3A_502 = tpu.vector_load %arg12[%get3A_500, %get3A_501] {strides = array<i32>} : memref<16x1024xf32, #tpu.memory_space<vmem>>, vector<16xf32>,
      %mul3A_503 = arith.mulf %gather3A, %get3A_502 : vector<16xf32>
      %get3A_504 = arith.index_cast %scan3A_90 : i32 to index
      %get3A_505 = arith.constant 544 : index
      %get3A_506 = tpu.vector_load %arg13[%get3A_504, %get3A_505] {strides = array<i32>} : memref<16x1024xf32, #tpu.memory_space<vmem>>, vector<16xf32>,
      %mul3A_507 = arith.mulf %gather3A_93, %get3A_506 : vector<16xf32>
      %add3A_508 = arith.addf %mul3A_503, %mul3A_507 : vector<16xf32>
      %swap3A_509 = arith.index_cast %scan3A_90 : i32 to index
      %swap3A_510 = arith.constant 544 : index
      %swap3A_511 = tpu.vector_load %arg14[%swap3A_509, %swap3A_510] {strides = array<i32>} : memref<16x1024xf32, #tpu.memory_space<vmem>>, vector<16xf32>,
      tpu.vector_store %arg14[%swap3A_509, %swap3A_510], %add3A_508 {strides = array<i32>} : memref<16x1024xf32, #tpu.memory_space<vmem>>, vector<16xf32>,
      %get3A_512 = arith.index_cast %scan3A_90 : i32 to index
      %get3A_513 = arith.constant 560 : index
      %get3A_514 = tpu.vector_load %arg12[%get3A_512, %get3A_513] {strides = array<i32>} : memref<16x1024xf32, #tpu.memory_space<vmem>>, vector<16xf32>,
      %mul3A_515 = arith.mulf %gather3A, %get3A_514 : vector<16xf32>
      %get3A_516 = arith.index_cast %scan3A_90 : i32 to index
      %get3A_517 = arith.constant 560 : index
      %get3A_518 = tpu.vector_load %arg13[%get3A_516, %get3A_517] {strides = array<i32>} : memref<16x1024xf32, #tpu.memory_space<vmem>>, vector<16xf32>,
      %mul3A_519 = arith.mulf %gather3A_93, %get3A_518 : vector<16xf32>
      %add3A_520 = arith.addf %mul3A_515, %mul3A_519 : vector<16xf32>
      %swap3A_521 = arith.index_cast %scan3A_90 : i32 to index
      %swap3A_522 = arith.constant 560 : index
      %swap3A_523 = tpu.vector_load %arg14[%swap3A_521, %swap3A_522] {strides = array<i32>} : memref<16x1024xf32, #tpu.memory_space<vmem>>, vector<16xf32>,
      tpu.vector_store %arg14[%swap3A_521, %swap3A_522], %add3A_520 {strides = array<i32>} : memref<16x1024xf32, #tpu.memory_space<vmem>>, vector<16xf32>,
      %get3A_524 = arith.index_cast %scan3A_90 : i32 to index
      %get3A_525 = arith.constant 576 : index
      %get3A_526 = tpu.vector_load %arg12[%get3A_524, %get3A_525] {strides = array<i32>} : memref<16x1024xf32, #tpu.memory_space<vmem>>, vector<16xf32>,
      %mul3A_527 = arith.mulf %gather3A, %get3A_526 : vector<16xf32>
      %get3A_528 = arith.index_cast %scan3A_90 : i32 to index
      %get3A_529 = arith.constant 576 : index
      %get3A_530 = tpu.vector_load %arg13[%get3A_528, %get3A_529] {strides = array<i32>} : memref<16x1024xf32, #tpu.memory_space<vmem>>, vector<16xf32>,
      %mul3A_531 = arith.mulf %gather3A_93, %get3A_530 : vector<16xf32>
      %add3A_532 = arith.addf %mul3A_527, %mul3A_531 : vector<16xf32>
      %swap3A_533 = arith.index_cast %scan3A_90 : i32 to index
      %swap3A_534 = arith.constant 576 : index
      %swap3A_535 = tpu.vector_load %arg14[%swap3A_533, %swap3A_534] {strides = array<i32>} : memref<16x1024xf32, #tpu.memory_space<vmem>>, vector<16xf32>,
      tpu.vector_store %arg14[%swap3A_533, %swap3A_534], %add3A_532 {strides = array<i32>} : memref<16x1024xf32, #tpu.memory_space<vmem>>, vector<16xf32>,
      %get3A_536 = arith.index_cast %scan3A_90 : i32 to index
      %get3A_537 = arith.constant 592 : index
      %get3A_538 = tpu.vector_load %arg12[%get3A_536, %get3A_537] {strides = array<i32>} : memref<16x1024xf32, #tpu.memory_space<vmem>>, vector<16xf32>,
      %mul3A_539 = arith.mulf %gather3A, %get3A_538 : vector<16xf32>
      %get3A_540 = arith.index_cast %scan3A_90 : i32 to index
      %get3A_541 = arith.constant 592 : index
      %get3A_542 = tpu.vector_load %arg13[%get3A_540, %get3A_541] {strides = array<i32>} : memref<16x1024xf32, #tpu.memory_space<vmem>>, vector<16xf32>,
      %mul3A_543 = arith.mulf %gather3A_93, %get3A_542 : vector<16xf32>
      %add3A_544 = arith.addf %mul3A_539, %mul3A_543 : vector<16xf32>
      %swap3A_545 = arith.index_cast %scan3A_90 : i32 to index
      %swap3A_546 = arith.constant 592 : index
      %swap3A_547 = tpu.vector_load %arg14[%swap3A_545, %swap3A_546] {strides = array<i32>} : memref<16x1024xf32, #tpu.memory_space<vmem>>, vector<16xf32>,
      tpu.vector_store %arg14[%swap3A_545, %swap3A_546], %add3A_544 {strides = array<i32>} : memref<16x1024xf32, #tpu.memory_space<vmem>>, vector<16xf32>,
      %get3A_548 = arith.index_cast %scan3A_90 : i32 to index
      %get3A_549 = arith.constant 608 : index
      %get3A_550 = tpu.vector_load %arg12[%get3A_548, %get3A_549] {strides = array<i32>} : memref<16x1024xf32, #tpu.memory_space<vmem>>, vector<16xf32>,
      %mul3A_551 = arith.mulf %gather3A, %get3A_550 : vector<16xf32>
      %get3A_552 = arith.index_cast %scan3A_90 : i32 to index
      %get3A_553 = arith.constant 608 : index
      %get3A_554 = tpu.vector_load %arg13[%get3A_552, %get3A_553] {strides = array<i32>} : memref<16x1024xf32, #tpu.memory_space<vmem>>, vector<16xf32>,
      %mul3A_555 = arith.mulf %gather3A_93, %get3A_554 : vector<16xf32>
      %add3A_556 = arith.addf %mul3A_551, %mul3A_555 : vector<16xf32>
      %swap3A_557 = arith.index_cast %scan3A_90 : i32 to index
      %swap3A_558 = arith.constant 608 : index
      %swap3A_559 = tpu.vector_load %arg14[%swap3A_557, %swap3A_558] {strides = array<i32>} : memref<16x1024xf32, #tpu.memory_space<vmem>>, vector<16xf32>,
      tpu.vector_store %arg14[%swap3A_557, %swap3A_558], %add3A_556 {strides = array<i32>} : memref<16x1024xf32, #tpu.memory_space<vmem>>, vector<16xf32>,
      %get3A_560 = arith.index_cast %scan3A_90 : i32 to index
      %get3A_561 = arith.constant 624 : index
      %get3A_562 = tpu.vector_load %arg12[%get3A_560, %get3A_561] {strides = array<i32>} : memref<16x1024xf32, #tpu.memory_space<vmem>>, vector<16xf32>,
      %mul3A_563 = arith.mulf %gather3A, %get3A_562 : vector<16xf32>
      %get3A_564 = arith.index_cast %scan3A_90 : i32 to index
      %get3A_565 = arith.constant 624 : index
      %get3A_566 = tpu.vector_load %arg13[%get3A_564, %get3A_565] {strides = array<i32>} : memref<16x1024xf32, #tpu.memory_space<vmem>>, vector<16xf32>,
      %mul3A_567 = arith.mulf %gather3A_93, %get3A_566 : vector<16xf32>
      %add3A_568 = arith.addf %mul3A_563, %mul3A_567 : vector<16xf32>
      %swap3A_569 = arith.index_cast %scan3A_90 : i32 to index
      %swap3A_570 = arith.constant 624 : index
      %swap3A_571 = tpu.vector_load %arg14[%swap3A_569, %swap3A_570] {strides = array<i32>} : memref<16x1024xf32, #tpu.memory_space<vmem>>, vector<16xf32>,
      tpu.vector_store %arg14[%swap3A_569, %swap3A_570], %add3A_568 {strides = array<i32>} : memref<16x1024xf32, #tpu.memory_space<vmem>>, vector<16xf32>,
      %get3A_572 = arith.index_cast %scan3A_90 : i32 to index
      %get3A_573 = arith.constant 640 : index
      %get3A_574 = tpu.vector_load %arg12[%get3A_572, %get3A_573] {strides = array<i32>} : memref<16x1024xf32, #tpu.memory_space<vmem>>, vector<16xf32>,
      %mul3A_575 = arith.mulf %gather3A, %get3A_574 : vector<16xf32>
      %get3A_576 = arith.index_cast %scan3A_90 : i32 to index
      %get3A_577 = arith.constant 640 : index
      %get3A_578 = tpu.vector_load %arg13[%get3A_576, %get3A_577] {strides = array<i32>} : memref<16x1024xf32, #tpu.memory_space<vmem>>, vector<16xf32>,
      %mul3A_579 = arith.mulf %gather3A_93, %get3A_578 : vector<16xf32>
      %add3A_580 = arith.addf %mul3A_575, %mul3A_579 : vector<16xf32>
      %swap3A_581 = arith.index_cast %scan3A_90 : i32 to index
      %swap3A_582 = arith.constant 640 : index
      %swap3A_583 = tpu.vector_load %arg14[%swap3A_581, %swap3A_582] {strides = array<i32>} : memref<16x1024xf32, #tpu.memory_space<vmem>>, vector<16xf32>,
      tpu.vector_store %arg14[%swap3A_581, %swap3A_582], %add3A_580 {strides = array<i32>} : memref<16x1024xf32, #tpu.memory_space<vmem>>, vector<16xf32>,
      %get3A_584 = arith.index_cast %scan3A_90 : i32 to index
      %get3A_585 = arith.constant 656 : index
      %get3A_586 = tpu.vector_load %arg12[%get3A_584, %get3A_585] {strides = array<i32>} : memref<16x1024xf32, #tpu.memory_space<vmem>>, vector<16xf32>,
      %mul3A_587 = arith.mulf %gather3A, %get3A_586 : vector<16xf32>
      %get3A_588 = arith.index_cast %scan3A_90 : i32 to index
      %get3A_589 = arith.constant 656 : index
      %get3A_590 = tpu.vector_load %arg13[%get3A_588, %get3A_589] {strides = array<i32>} : memref<16x1024xf32, #tpu.memory_space<vmem>>, vector<16xf32>,
      %mul3A_591 = arith.mulf %gather3A_93, %get3A_590 : vector<16xf32>
      %add3A_592 = arith.addf %mul3A_587, %mul3A_591 : vector<16xf32>
      %swap3A_593 = arith.index_cast %scan3A_90 : i32 to index
      %swap3A_594 = arith.constant 656 : index
      %swap3A_595 = tpu.vector_load %arg14[%swap3A_593, %swap3A_594] {strides = array<i32>} : memref<16x1024xf32, #tpu.memory_space<vmem>>, vector<16xf32>,
      tpu.vector_store %arg14[%swap3A_593, %swap3A_594], %add3A_592 {strides = array<i32>} : memref<16x1024xf32, #tpu.memory_space<vmem>>, vector<16xf32>,
      %get3A_596 = arith.index_cast %scan3A_90 : i32 to index
      %get3A_597 = arith.constant 672 : index
      %get3A_598 = tpu.vector_load %arg12[%get3A_596, %get3A_597] {strides = array<i32>} : memref<16x1024xf32, #tpu.memory_space<vmem>>, vector<16xf32>,
      %mul3A_599 = arith.mulf %gather3A, %get3A_598 : vector<16xf32>
      %get3A_600 = arith.index_cast %scan3A_90 : i32 to index
      %get3A_601 = arith.constant 672 : index
      %get3A_602 = tpu.vector_load %arg13[%get3A_600, %get3A_601] {strides = array<i32>} : memref<16x1024xf32, #tpu.memory_space<vmem>>, vector<16xf32>,
      %mul3A_603 = arith.mulf %gather3A_93, %get3A_602 : vector<16xf32>
      %add3A_604 = arith.addf %mul3A_599, %mul3A_603 : vector<16xf32>
      %swap3A_605 = arith.index_cast %scan3A_90 : i32 to index
      %swap3A_606 = arith.constant 672 : index
      %swap3A_607 = tpu.vector_load %arg14[%swap3A_605, %swap3A_606] {strides = array<i32>} : memref<16x1024xf32, #tpu.memory_space<vmem>>, vector<16xf32>,
      tpu.vector_store %arg14[%swap3A_605, %swap3A_606], %add3A_604 {strides = array<i32>} : memref<16x1024xf32, #tpu.memory_space<vmem>>, vector<16xf32>,
      %get3A_608 = arith.index_cast %scan3A_90 : i32 to index
      %get3A_609 = arith.constant 688 : index
      %get3A_610 = tpu.vector_load %arg12[%get3A_608, %get3A_609] {strides = array<i32>} : memref<16x1024xf32, #tpu.memory_space<vmem>>, vector<16xf32>,
      %mul3A_611 = arith.mulf %gather3A, %get3A_610 : vector<16xf32>
      %get3A_612 = arith.index_cast %scan3A_90 : i32 to index
      %get3A_613 = arith.constant 688 : index
      %get3A_614 = tpu.vector_load %arg13[%get3A_612, %get3A_613] {strides = array<i32>} : memref<16x1024xf32, #tpu.memory_space<vmem>>, vector<16xf32>,
      %mul3A_615 = arith.mulf %gather3A_93, %get3A_614 : vector<16xf32>
      %add3A_616 = arith.addf %mul3A_611, %mul3A_615 : vector<16xf32>
      %swap3A_617 = arith.index_cast %scan3A_90 : i32 to index
      %swap3A_618 = arith.constant 688 : index
      %swap3A_619 = tpu.vector_load %arg14[%swap3A_617, %swap3A_618] {strides = array<i32>} : memref<16x1024xf32, #tpu.memory_space<vmem>>, vector<16xf32>,
      tpu.vector_store %arg14[%swap3A_617, %swap3A_618], %add3A_616 {strides = array<i32>} : memref<16x1024xf32, #tpu.memory_space<vmem>>, vector<16xf32>,
      %get3A_620 = arith.index_cast %scan3A_90 : i32 to index
      %get3A_621 = arith.constant 704 : index
      %get3A_622 = tpu.vector_load %arg12[%get3A_620, %get3A_621] {strides = array<i32>} : memref<16x1024xf32, #tpu.memory_space<vmem>>, vector<16xf32>,
      %mul3A_623 = arith.mulf %gather3A, %get3A_622 : vector<16xf32>
      %get3A_624 = arith.index_cast %scan3A_90 : i32 to index
      %get3A_625 = arith.constant 704 : index
      %get3A_626 = tpu.vector_load %arg13[%get3A_624, %get3A_625] {strides = array<i32>} : memref<16x1024xf32, #tpu.memory_space<vmem>>, vector<16xf32>,
      %mul3A_627 = arith.mulf %gather3A_93, %get3A_626 : vector<16xf32>
      %add3A_628 = arith.addf %mul3A_623, %mul3A_627 : vector<16xf32>
      %swap3A_629 = arith.index_cast %scan3A_90 : i32 to index
      %swap3A_630 = arith.constant 704 : index
      %swap3A_631 = tpu.vector_load %arg14[%swap3A_629, %swap3A_630] {strides = array<i32>} : memref<16x1024xf32, #tpu.memory_space<vmem>>, vector<16xf32>,
      tpu.vector_store %arg14[%swap3A_629, %swap3A_630], %add3A_628 {strides = array<i32>} : memref<16x1024xf32, #tpu.memory_space<vmem>>, vector<16xf32>,
      %get3A_632 = arith.index_cast %scan3A_90 : i32 to index
      %get3A_633 = arith.constant 720 : index
      %get3A_634 = tpu.vector_load %arg12[%get3A_632, %get3A_633] {strides = array<i32>} : memref<16x1024xf32, #tpu.memory_space<vmem>>, vector<16xf32>,
      %mul3A_635 = arith.mulf %gather3A, %get3A_634 : vector<16xf32>
      %get3A_636 = arith.index_cast %scan3A_90 : i32 to index
      %get3A_637 = arith.constant 720 : index
      %get3A_638 = tpu.vector_load %arg13[%get3A_636, %get3A_637] {strides = array<i32>} : memref<16x1024xf32, #tpu.memory_space<vmem>>, vector<16xf32>,
      %mul3A_639 = arith.mulf %gather3A_93, %get3A_638 : vector<16xf32>
      %add3A_640 = arith.addf %mul3A_635, %mul3A_639 : vector<16xf32>
      %swap3A_641 = arith.index_cast %scan3A_90 : i32 to index
      %swap3A_642 = arith.constant 720 : index
      %swap3A_643 = tpu.vector_load %arg14[%swap3A_641, %swap3A_642] {strides = array<i32>} : memref<16x1024xf32, #tpu.memory_space<vmem>>, vector<16xf32>,
      tpu.vector_store %arg14[%swap3A_641, %swap3A_642], %add3A_640 {strides = array<i32>} : memref<16x1024xf32, #tpu.memory_space<vmem>>, vector<16xf32>,
      %get3A_644 = arith.index_cast %scan3A_90 : i32 to index
      %get3A_645 = arith.constant 736 : index
      %get3A_646 = tpu.vector_load %arg12[%get3A_644, %get3A_645] {strides = array<i32>} : memref<16x1024xf32, #tpu.memory_space<vmem>>, vector<16xf32>,
      %mul3A_647 = arith.mulf %gather3A, %get3A_646 : vector<16xf32>
      %get3A_648 = arith.index_cast %scan3A_90 : i32 to index
      %get3A_649 = arith.constant 736 : index
      %get3A_650 = tpu.vector_load %arg13[%get3A_648, %get3A_649] {strides = array<i32>} : memref<16x1024xf32, #tpu.memory_space<vmem>>, vector<16xf32>,
      %mul3A_651 = arith.mulf %gather3A_93, %get3A_650 : vector<16xf32>
      %add3A_652 = arith.addf %mul3A_647, %mul3A_651 : vector<16xf32>
      %swap3A_653 = arith.index_cast %scan3A_90 : i32 to index
      %swap3A_654 = arith.constant 736 : index
      %swap3A_655 = tpu.vector_load %arg14[%swap3A_653, %swap3A_654] {strides = array<i32>} : memref<16x1024xf32, #tpu.memory_space<vmem>>, vector<16xf32>,
      tpu.vector_store %arg14[%swap3A_653, %swap3A_654], %add3A_652 {strides = array<i32>} : memref<16x1024xf32, #tpu.memory_space<vmem>>, vector<16xf32>,
      %get3A_656 = arith.index_cast %scan3A_90 : i32 to index
      %get3A_657 = arith.constant 752 : index
      %get3A_658 = tpu.vector_load %arg12[%get3A_656, %get3A_657] {strides = array<i32>} : memref<16x1024xf32, #tpu.memory_space<vmem>>, vector<16xf32>,
      %mul3A_659 = arith.mulf %gather3A, %get3A_658 : vector<16xf32>
      %get3A_660 = arith.index_cast %scan3A_90 : i32 to index
      %get3A_661 = arith.constant 752 : index
      %get3A_662 = tpu.vector_load %arg13[%get3A_660, %get3A_661] {strides = array<i32>} : memref<16x1024xf32, #tpu.memory_space<vmem>>, vector<16xf32>,
      %mul3A_663 = arith.mulf %gather3A_93, %get3A_662 : vector<16xf32>
      %add3A_664 = arith.addf %mul3A_659, %mul3A_663 : vector<16xf32>
      %swap3A_665 = arith.index_cast %scan3A_90 : i32 to index
      %swap3A_666 = arith.constant 752 : index
      %swap3A_667 = tpu.vector_load %arg14[%swap3A_665, %swap3A_666] {strides = array<i32>} : memref<16x1024xf32, #tpu.memory_space<vmem>>, vector<16xf32>,
      tpu.vector_store %arg14[%swap3A_665, %swap3A_666], %add3A_664 {strides = array<i32>} : memref<16x1024xf32, #tpu.memory_space<vmem>>, vector<16xf32>,
      %get3A_668 = arith.index_cast %scan3A_90 : i32 to index
      %get3A_669 = arith.constant 768 : index
      %get3A_670 = tpu.vector_load %arg12[%get3A_668, %get3A_669] {strides = array<i32>} : memref<16x1024xf32, #tpu.memory_space<vmem>>, vector<16xf32>,
      %mul3A_671 = arith.mulf %gather3A, %get3A_670 : vector<16xf32>
      %get3A_672 = arith.index_cast %scan3A_90 : i32 to index
      %get3A_673 = arith.constant 768 : index
      %get3A_674 = tpu.vector_load %arg13[%get3A_672, %get3A_673] {strides = array<i32>} : memref<16x1024xf32, #tpu.memory_space<vmem>>, vector<16xf32>,
      %mul3A_675 = arith.mulf %gather3A_93, %get3A_674 : vector<16xf32>
      %add3A_676 = arith.addf %mul3A_671, %mul3A_675 : vector<16xf32>
      %swap3A_677 = arith.index_cast %scan3A_90 : i32 to index
      %swap3A_678 = arith.constant 768 : index
      %swap3A_679 = tpu.vector_load %arg14[%swap3A_677, %swap3A_678] {strides = array<i32>} : memref<16x1024xf32, #tpu.memory_space<vmem>>, vector<16xf32>,
      tpu.vector_store %arg14[%swap3A_677, %swap3A_678], %add3A_676 {strides = array<i32>} : memref<16x1024xf32, #tpu.memory_space<vmem>>, vector<16xf32>,
      %get3A_680 = arith.index_cast %scan3A_90 : i32 to index
      %get3A_681 = arith.constant 784 : index
      %get3A_682 = tpu.vector_load %arg12[%get3A_680, %get3A_681] {strides = array<i32>} : memref<16x1024xf32, #tpu.memory_space<vmem>>, vector<16xf32>,
      %mul3A_683 = arith.mulf %gather3A, %get3A_682 : vector<16xf32>
      %get3A_684 = arith.index_cast %scan3A_90 : i32 to index
      %get3A_685 = arith.constant 784 : index
      %get3A_686 = tpu.vector_load %arg13[%get3A_684, %get3A_685] {strides = array<i32>} : memref<16x1024xf32, #tpu.memory_space<vmem>>, vector<16xf32>,
      %mul3A_687 = arith.mulf %gather3A_93, %get3A_686 : vector<16xf32>
      %add3A_688 = arith.addf %mul3A_683, %mul3A_687 : vector<16xf32>
      %swap3A_689 = arith.index_cast %scan3A_90 : i32 to index
      %swap3A_690 = arith.constant 784 : index
      %swap3A_691 = tpu.vector_load %arg14[%swap3A_689, %swap3A_690] {strides = array<i32>} : memref<16x1024xf32, #tpu.memory_space<vmem>>, vector<16xf32>,
      tpu.vector_store %arg14[%swap3A_689, %swap3A_690], %add3A_688 {strides = array<i32>} : memref<16x1024xf32, #tpu.memory_space<vmem>>, vector<16xf32>,
      %get3A_692 = arith.index_cast %scan3A_90 : i32 to index
      %get3A_693 = arith.constant 800 : index
      %get3A_694 = tpu.vector_load %arg12[%get3A_692, %get3A_693] {strides = array<i32>} : memref<16x1024xf32, #tpu.memory_space<vmem>>, vector<16xf32>,
      %mul3A_695 = arith.mulf %gather3A, %get3A_694 : vector<16xf32>
      %get3A_696 = arith.index_cast %scan3A_90 : i32 to index
      %get3A_697 = arith.constant 800 : index
      %get3A_698 = tpu.vector_load %arg13[%get3A_696, %get3A_697] {strides = array<i32>} : memref<16x1024xf32, #tpu.memory_space<vmem>>, vector<16xf32>,
      %mul3A_699 = arith.mulf %gather3A_93, %get3A_698 : vector<16xf32>
      %add3A_700 = arith.addf %mul3A_695, %mul3A_699 : vector<16xf32>
      %swap3A_701 = arith.index_cast %scan3A_90 : i32 to index
      %swap3A_702 = arith.constant 800 : index
      %swap3A_703 = tpu.vector_load %arg14[%swap3A_701, %swap3A_702] {strides = array<i32>} : memref<16x1024xf32, #tpu.memory_space<vmem>>, vector<16xf32>,
      tpu.vector_store %arg14[%swap3A_701, %swap3A_702], %add3A_700 {strides = array<i32>} : memref<16x1024xf32, #tpu.memory_space<vmem>>, vector<16xf32>,
      %get3A_704 = arith.index_cast %scan3A_90 : i32 to index
      %get3A_705 = arith.constant 816 : index
      %get3A_706 = tpu.vector_load %arg12[%get3A_704, %get3A_705] {strides = array<i32>} : memref<16x1024xf32, #tpu.memory_space<vmem>>, vector<16xf32>,
      %mul3A_707 = arith.mulf %gather3A, %get3A_706 : vector<16xf32>
      %get3A_708 = arith.index_cast %scan3A_90 : i32 to index
      %get3A_709 = arith.constant 816 : index
      %get3A_710 = tpu.vector_load %arg13[%get3A_708, %get3A_709] {strides = array<i32>} : memref<16x1024xf32, #tpu.memory_space<vmem>>, vector<16xf32>,
      %mul3A_711 = arith.mulf %gather3A_93, %get3A_710 : vector<16xf32>
      %add3A_712 = arith.addf %mul3A_707, %mul3A_711 : vector<16xf32>
      %swap3A_713 = arith.index_cast %scan3A_90 : i32 to index
      %swap3A_714 = arith.constant 816 : index
      %swap3A_715 = tpu.vector_load %arg14[%swap3A_713, %swap3A_714] {strides = array<i32>} : memref<16x1024xf32, #tpu.memory_space<vmem>>, vector<16xf32>,
      tpu.vector_store %arg14[%swap3A_713, %swap3A_714], %add3A_712 {strides = array<i32>} : memref<16x1024xf32, #tpu.memory_space<vmem>>, vector<16xf32>,
      %get3A_716 = arith.index_cast %scan3A_90 : i32 to index
      %get3A_717 = arith.constant 832 : index
      %get3A_718 = tpu.vector_load %arg12[%get3A_716, %get3A_717] {strides = array<i32>} : memref<16x1024xf32, #tpu.memory_space<vmem>>, vector<16xf32>,
      %mul3A_719 = arith.mulf %gather3A, %get3A_718 : vector<16xf32>
      %get3A_720 = arith.index_cast %scan3A_90 : i32 to index
      %get3A_721 = arith.constant 832 : index
      %get3A_722 = tpu.vector_load %arg13[%get3A_720, %get3A_721] {strides = array<i32>} : memref<16x1024xf32, #tpu.memory_space<vmem>>, vector<16xf32>,
      %mul3A_723 = arith.mulf %gather3A_93, %get3A_722 : vector<16xf32>
      %add3A_724 = arith.addf %mul3A_719, %mul3A_723 : vector<16xf32>
      %swap3A_725 = arith.index_cast %scan3A_90 : i32 to index
      %swap3A_726 = arith.constant 832 : index
      %swap3A_727 = tpu.vector_load %arg14[%swap3A_725, %swap3A_726] {strides = array<i32>} : memref<16x1024xf32, #tpu.memory_space<vmem>>, vector<16xf32>,
      tpu.vector_store %arg14[%swap3A_725, %swap3A_726], %add3A_724 {strides = array<i32>} : memref<16x1024xf32, #tpu.memory_space<vmem>>, vector<16xf32>,
      %get3A_728 = arith.index_cast %scan3A_90 : i32 to index
      %get3A_729 = arith.constant 848 : index
      %get3A_730 = tpu.vector_load %arg12[%get3A_728, %get3A_729] {strides = array<i32>} : memref<16x1024xf32, #tpu.memory_space<vmem>>, vector<16xf32>,
      %mul3A_731 = arith.mulf %gather3A, %get3A_730 : vector<16xf32>
      %get3A_732 = arith.index_cast %scan3A_90 : i32 to index
      %get3A_733 = arith.constant 848 : index
      %get3A_734 = tpu.vector_load %arg13[%get3A_732, %get3A_733] {strides = array<i32>} : memref<16x1024xf32, #tpu.memory_space<vmem>>, vector<16xf32>,
      %mul3A_735 = arith.mulf %gather3A_93, %get3A_734 : vector<16xf32>
      %add3A_736 = arith.addf %mul3A_731, %mul3A_735 : vector<16xf32>
      %swap3A_737 = arith.index_cast %scan3A_90 : i32 to index
      %swap3A_738 = arith.constant 848 : index
      %swap3A_739 = tpu.vector_load %arg14[%swap3A_737, %swap3A_738] {strides = array<i32>} : memref<16x1024xf32, #tpu.memory_space<vmem>>, vector<16xf32>,
      tpu.vector_store %arg14[%swap3A_737, %swap3A_738], %add3A_736 {strides = array<i32>} : memref<16x1024xf32, #tpu.memory_space<vmem>>, vector<16xf32>,
      %get3A_740 = arith.index_cast %scan3A_90 : i32 to index
      %get3A_741 = arith.constant 864 : index
      %get3A_742 = tpu.vector_load %arg12[%get3A_740, %get3A_741] {strides = array<i32>} : memref<16x1024xf32, #tpu.memory_space<vmem>>, vector<16xf32>,
      %mul3A_743 = arith.mulf %gather3A, %get3A_742 : vector<16xf32>
      %get3A_744 = arith.index_cast %scan3A_90 : i32 to index
      %get3A_745 = arith.constant 864 : index
      %get3A_746 = tpu.vector_load %arg13[%get3A_744, %get3A_745] {strides = array<i32>} : memref<16x1024xf32, #tpu.memory_space<vmem>>, vector<16xf32>,
      %mul3A_747 = arith.mulf %gather3A_93, %get3A_746 : vector<16xf32>
      %add3A_748 = arith.addf %mul3A_743, %mul3A_747 : vector<16xf32>
      %swap3A_749 = arith.index_cast %scan3A_90 : i32 to index
      %swap3A_750 = arith.constant 864 : index
      %swap3A_751 = tpu.vector_load %arg14[%swap3A_749, %swap3A_750] {strides = array<i32>} : memref<16x1024xf32, #tpu.memory_space<vmem>>, vector<16xf32>,
      tpu.vector_store %arg14[%swap3A_749, %swap3A_750], %add3A_748 {strides = array<i32>} : memref<16x1024xf32, #tpu.memory_space<vmem>>, vector<16xf32>,
      %get3A_752 = arith.index_cast %scan3A_90 : i32 to index
      %get3A_753 = arith.constant 880 : index
      %get3A_754 = tpu.vector_load %arg12[%get3A_752, %get3A_753] {strides = array<i32>} : memref<16x1024xf32, #tpu.memory_space<vmem>>, vector<16xf32>,
      %mul3A_755 = arith.mulf %gather3A, %get3A_754 : vector<16xf32>
      %get3A_756 = arith.index_cast %scan3A_90 : i32 to index
      %get3A_757 = arith.constant 880 : index
      %get3A_758 = tpu.vector_load %arg13[%get3A_756, %get3A_757] {strides = array<i32>} : memref<16x1024xf32, #tpu.memory_space<vmem>>, vector<16xf32>,
      %mul3A_759 = arith.mulf %gather3A_93, %get3A_758 : vector<16xf32>
      %add3A_760 = arith.addf %mul3A_755, %mul3A_759 : vector<16xf32>
      %swap3A_761 = arith.index_cast %scan3A_90 : i32 to index
      %swap3A_762 = arith.constant 880 : index
      %swap3A_763 = tpu.vector_load %arg14[%swap3A_761, %swap3A_762] {strides = array<i32>} : memref<16x1024xf32, #tpu.memory_space<vmem>>, vector<16xf32>,
      tpu.vector_store %arg14[%swap3A_761, %swap3A_762], %add3A_760 {strides = array<i32>} : memref<16x1024xf32, #tpu.memory_space<vmem>>, vector<16xf32>,
      %get3A_764 = arith.index_cast %scan3A_90 : i32 to index
      %get3A_765 = arith.constant 896 : index
      %get3A_766 = tpu.vector_load %arg12[%get3A_764, %get3A_765] {strides = array<i32>} : memref<16x1024xf32, #tpu.memory_space<vmem>>, vector<16xf32>,
      %mul3A_767 = arith.mulf %gather3A, %get3A_766 : vector<16xf32>
      %get3A_768 = arith.index_cast %scan3A_90 : i32 to index
      %get3A_769 = arith.constant 896 : index
      %get3A_770 = tpu.vector_load %arg13[%get3A_768, %get3A_769] {strides = array<i32>} : memref<16x1024xf32, #tpu.memory_space<vmem>>, vector<16xf32>,
      %mul3A_771 = arith.mulf %gather3A_93, %get3A_770 : vector<16xf32>
      %add3A_772 = arith.addf %mul3A_767, %mul3A_771 : vector<16xf32>
      %swap3A_773 = arith.index_cast %scan3A_90 : i32 to index
      %swap3A_774 = arith.constant 896 : index
      %swap3A_775 = tpu.vector_load %arg14[%swap3A_773, %swap3A_774] {strides = array<i32>} : memref<16x1024xf32, #tpu.memory_space<vmem>>, vector<16xf32>,
      tpu.vector_store %arg14[%swap3A_773, %swap3A_774], %add3A_772 {strides = array<i32>} : memref<16x1024xf32, #tpu.memory_space<vmem>>, vector<16xf32>,
      %get3A_776 = arith.index_cast %scan3A_90 : i32 to index
      %get3A_777 = arith.constant 912 : index
      %get3A_778 = tpu.vector_load %arg12[%get3A_776, %get3A_777] {strides = array<i32>} : memref<16x1024xf32, #tpu.memory_space<vmem>>, vector<16xf32>,
      %mul3A_779 = arith.mulf %gather3A, %get3A_778 : vector<16xf32>
      %get3A_780 = arith.index_cast %scan3A_90 : i32 to index
      %get3A_781 = arith.constant 912 : index
      %get3A_782 = tpu.vector_load %arg13[%get3A_780, %get3A_781] {strides = array<i32>} : memref<16x1024xf32, #tpu.memory_space<vmem>>, vector<16xf32>,
      %mul3A_783 = arith.mulf %gather3A_93, %get3A_782 : vector<16xf32>
      %add3A_784 = arith.addf %mul3A_779, %mul3A_783 : vector<16xf32>
      %swap3A_785 = arith.index_cast %scan3A_90 : i32 to index
      %swap3A_786 = arith.constant 912 : index
      %swap3A_787 = tpu.vector_load %arg14[%swap3A_785, %swap3A_786] {strides = array<i32>} : memref<16x1024xf32, #tpu.memory_space<vmem>>, vector<16xf32>,
      tpu.vector_store %arg14[%swap3A_785, %swap3A_786], %add3A_784 {strides = array<i32>} : memref<16x1024xf32, #tpu.memory_space<vmem>>, vector<16xf32>,
      %get3A_788 = arith.index_cast %scan3A_90 : i32 to index
      %get3A_789 = arith.constant 928 : index
      %get3A_790 = tpu.vector_load %arg12[%get3A_788, %get3A_789] {strides = array<i32>} : memref<16x1024xf32, #tpu.memory_space<vmem>>, vector<16xf32>,
      %mul3A_791 = arith.mulf %gather3A, %get3A_790 : vector<16xf32>
      %get3A_792 = arith.index_cast %scan3A_90 : i32 to index
      %get3A_793 = arith.constant 928 : index
      %get3A_794 = tpu.vector_load %arg13[%get3A_792, %get3A_793] {strides = array<i32>} : memref<16x1024xf32, #tpu.memory_space<vmem>>, vector<16xf32>,
      %mul3A_795 = arith.mulf %gather3A_93, %get3A_794 : vector<16xf32>
      %add3A_796 = arith.addf %mul3A_791, %mul3A_795 : vector<16xf32>
      %swap3A_797 = arith.index_cast %scan3A_90 : i32 to index
      %swap3A_798 = arith.constant 928 : index
      %swap3A_799 = tpu.vector_load %arg14[%swap3A_797, %swap3A_798] {strides = array<i32>} : memref<16x1024xf32, #tpu.memory_space<vmem>>, vector<16xf32>,
      tpu.vector_store %arg14[%swap3A_797, %swap3A_798], %add3A_796 {strides = array<i32>} : memref<16x1024xf32, #tpu.memory_space<vmem>>, vector<16xf32>,
      %get3A_800 = arith.index_cast %scan3A_90 : i32 to index
      %get3A_801 = arith.constant 944 : index
      %get3A_802 = tpu.vector_load %arg12[%get3A_800, %get3A_801] {strides = array<i32>} : memref<16x1024xf32, #tpu.memory_space<vmem>>, vector<16xf32>,
      %mul3A_803 = arith.mulf %gather3A, %get3A_802 : vector<16xf32>
      %get3A_804 = arith.index_cast %scan3A_90 : i32 to index
      %get3A_805 = arith.constant 944 : index
      %get3A_806 = tpu.vector_load %arg13[%get3A_804, %get3A_805] {strides = array<i32>} : memref<16x1024xf32, #tpu.memory_space<vmem>>, vector<16xf32>,
      %mul3A_807 = arith.mulf %gather3A_93, %get3A_806 : vector<16xf32>
      %add3A_808 = arith.addf %mul3A_803, %mul3A_807 : vector<16xf32>
      %swap3A_809 = arith.index_cast %scan3A_90 : i32 to index
      %swap3A_810 = arith.constant 944 : index
      %swap3A_811 = tpu.vector_load %arg14[%swap3A_809, %swap3A_810] {strides = array<i32>} : memref<16x1024xf32, #tpu.memory_space<vmem>>, vector<16xf32>,
      tpu.vector_store %arg14[%swap3A_809, %swap3A_810], %add3A_808 {strides = array<i32>} : memref<16x1024xf32, #tpu.memory_space<vmem>>, vector<16xf32>,
      %get3A_812 = arith.index_cast %scan3A_90 : i32 to index
      %get3A_813 = arith.constant 960 : index
      %get3A_814 = tpu.vector_load %arg12[%get3A_812, %get3A_813] {strides = array<i32>} : memref<16x1024xf32, #tpu.memory_space<vmem>>, vector<16xf32>,
      %mul3A_815 = arith.mulf %gather3A, %get3A_814 : vector<16xf32>
      %get3A_816 = arith.index_cast %scan3A_90 : i32 to index
      %get3A_817 = arith.constant 960 : index
      %get3A_818 = tpu.vector_load %arg13[%get3A_816, %get3A_817] {strides = array<i32>} : memref<16x1024xf32, #tpu.memory_space<vmem>>, vector<16xf32>,
      %mul3A_819 = arith.mulf %gather3A_93, %get3A_818 : vector<16xf32>
      %add3A_820 = arith.addf %mul3A_815, %mul3A_819 : vector<16xf32>
      %swap3A_821 = arith.index_cast %scan3A_90 : i32 to index
      %swap3A_822 = arith.constant 960 : index
      %swap3A_823 = tpu.vector_load %arg14[%swap3A_821, %swap3A_822] {strides = array<i32>} : memref<16x1024xf32, #tpu.memory_space<vmem>>, vector<16xf32>,
      tpu.vector_store %arg14[%swap3A_821, %swap3A_822], %add3A_820 {strides = array<i32>} : memref<16x1024xf32, #tpu.memory_space<vmem>>, vector<16xf32>,
      %get3A_824 = arith.index_cast %scan3A_90 : i32 to index
      %get3A_825 = arith.constant 976 : index
      %get3A_826 = tpu.vector_load %arg12[%get3A_824, %get3A_825] {strides = array<i32>} : memref<16x1024xf32, #tpu.memory_space<vmem>>, vector<16xf32>,
      %mul3A_827 = arith.mulf %gather3A, %get3A_826 : vector<16xf32>
      %get3A_828 = arith.index_cast %scan3A_90 : i32 to index
      %get3A_829 = arith.constant 976 : index
      %get3A_830 = tpu.vector_load %arg13[%get3A_828, %get3A_829] {strides = array<i32>} : memref<16x1024xf32, #tpu.memory_space<vmem>>, vector<16xf32>,
      %mul3A_831 = arith.mulf %gather3A_93, %get3A_830 : vector<16xf32>
      %add3A_832 = arith.addf %mul3A_827, %mul3A_831 : vector<16xf32>
      %swap3A_833 = arith.index_cast %scan3A_90 : i32 to index
      %swap3A_834 = arith.constant 976 : index
      %swap3A_835 = tpu.vector_load %arg14[%swap3A_833, %swap3A_834] {strides = array<i32>} : memref<16x1024xf32, #tpu.memory_space<vmem>>, vector<16xf32>,
      tpu.vector_store %arg14[%swap3A_833, %swap3A_834], %add3A_832 {strides = array<i32>} : memref<16x1024xf32, #tpu.memory_space<vmem>>, vector<16xf32>,
      %get3A_836 = arith.index_cast %scan3A_90 : i32 to index
      %get3A_837 = arith.constant 992 : index
      %get3A_838 = tpu.vector_load %arg12[%get3A_836, %get3A_837] {strides = array<i32>} : memref<16x1024xf32, #tpu.memory_space<vmem>>, vector<16xf32>,
      %mul3A_839 = arith.mulf %gather3A, %get3A_838 : vector<16xf32>
      %get3A_840 = arith.index_cast %scan3A_90 : i32 to index
      %get3A_841 = arith.constant 992 : index
      %get3A_842 = tpu.vector_load %arg13[%get3A_840, %get3A_841] {strides = array<i32>} : memref<16x1024xf32, #tpu.memory_space<vmem>>, vector<16xf32>,
      %mul3A_843 = arith.mulf %gather3A_93, %get3A_842 : vector<16xf32>
      %add3A_844 = arith.addf %mul3A_839, %mul3A_843 : vector<16xf32>
      %swap3A_845 = arith.index_cast %scan3A_90 : i32 to index
      %swap3A_846 = arith.constant 992 : index
      %swap3A_847 = tpu.vector_load %arg14[%swap3A_845, %swap3A_846] {strides = array<i32>} : memref<16x1024xf32, #tpu.memory_space<vmem>>, vector<16xf32>,
      tpu.vector_store %arg14[%swap3A_845, %swap3A_846], %add3A_844 {strides = array<i32>} : memref<16x1024xf32, #tpu.memory_space<vmem>>, vector<16xf32>,
      %get3A_848 = arith.index_cast %scan3A_90 : i32 to index
      %get3A_849 = arith.constant 1008 : index
      %get3A_850 = tpu.vector_load %arg12[%get3A_848, %get3A_849] {strides = array<i32>} : memref<16x1024xf32, #tpu.memory_space<vmem>>, vector<16xf32>,
      %mul3A_851 = arith.mulf %gather3A, %get3A_850 : vector<16xf32>
      %get3A_852 = arith.index_cast %scan3A_90 : i32 to index
      %get3A_853 = arith.constant 1008 : index
      %get3A_854 = tpu.vector_load %arg13[%get3A_852, %get3A_853] {strides = array<i32>} : memref<16x1024xf32, #tpu.memory_space<vmem>>, vector<16xf32>,
      %mul3A_855 = arith.mulf %gather3A_93, %get3A_854 : vector<16xf32>
      %add3A_856 = arith.addf %mul3A_851, %mul3A_855 : vector<16xf32>
      %swap3A_857 = arith.index_cast %scan3A_90 : i32 to index
      %swap3A_858 = arith.constant 1008 : index
      %swap3A_859 = tpu.vector_load %arg14[%swap3A_857, %swap3A_858] {strides = array<i32>} : memref<16x1024xf32, #tpu.memory_space<vmem>>, vector<16xf32>,
      tpu.vector_store %arg14[%swap3A_857, %swap3A_858], %add3A_856 {strides = array<i32>} : memref<16x1024xf32, #tpu.memory_space<vmem>>, vector<16xf32>,
      %scan3A_860 = arith.constant 0 : i32
      scf.yield %scan3A_860 : i32
    }
    %scan3A_43 = arith.constant 16 : i32
    "tpu.region"() ({
      %run_scoped3A = tpu.sem_alloc : memref<!tpu.dma_semaphore, #tpu.memory_space<semaphore_mem>>
      %dma_start3A_90 = arith.constant 0 : i32
      %dma_start3A_91 = tpu.memref_slice %arg7[%add3A_24, %dma_start3A_90] : memref<2048x1024xf32, #tpu.memory_space<hbm>> -> memref<16x1024xf32, #tpu.memory_space<hbm>>
      %dma_start3A_92 = arith.constant 0 : i32
      %dma_start3A_93 = tpu.memref_slice %arg7[%add3A_24, %dma_start3A_92] : memref<2048x1024xf32, #tpu.memory_space<hbm>> -> memref<16x1024xf32, #tpu.memory_space<hbm>>
      tpu.enqueue_dma source(%arg14 : memref<16x1024xf32, #tpu.memory_space<vmem>>) target(%dma_start3A_93 : memref<16x1024xf32, #tpu.memory_space<hbm>>) target_semaphore(%run_scoped3A : memref<!tpu.dma_semaphore, #tpu.memory_space<semaphore_mem>>)
      %dma_wait3A_94 = arith.constant 0 : i32
      %dma_wait3A_95 = tpu.memref_slice %arg7[%add3A_24, %dma_wait3A_94] : memref<2048x1024xf32, #tpu.memory_space<hbm>> -> memref<16x1024xf32, #tpu.memory_space<hbm>>
      %dma_wait3A_96 = arith.constant 0 : i32
      %dma_wait3A_97 = tpu.memref_slice %arg7[%add3A_24, %dma_wait3A_96] : memref<2048x1024xf32, #tpu.memory_space<hbm>> -> memref<16x1024xf32, #tpu.memory_space<hbm>>
      tpu.wait_dma2 semaphore(%run_scoped3A : memref<!tpu.dma_semaphore, #tpu.memory_space<semaphore_mem>>) src(%arg14 : memref<16x1024xf32, #tpu.memory_space<vmem>>) dst(%dma_wait3A_97 : memref<16x1024xf32, #tpu.memory_space<hbm>>)
      tpu.yield
    }) : () -> ()
    %mul3A_44 = arith.constant 64 : i32
    %mul3A_45 = arith.muli %add3A, %mul3A_44 : i32
    %add3A_46 = arith.constant 32 : i32
    %add3A_47 = arith.addi %mul3A_45, %add3A_46 : i32
    "tpu.region"() ({
      %run_scoped3A = tpu.sem_alloc : memref<!tpu.dma_semaphore, #tpu.memory_space<semaphore_mem>>
      %dma_start3A_90 = tpu.memref_slice %arg3[%add3A_47] : memref<2048xi32, #tpu.memory_space<hbm>> -> memref<16xi32, #tpu.memory_space<hbm>>
      %dma_start3A_91 = tpu.memref_slice %arg3[%add3A_47] : memref<2048xi32, #tpu.memory_space<hbm>> -> memref<16xi32, #tpu.memory_space<hbm>>
      tpu.enqueue_dma source(%dma_start3A_91 : memref<16xi32, #tpu.memory_space<hbm>>) target(%arg8 : memref<16xi32, #tpu.memory_space<vmem>>) target_semaphore(%run_scoped3A : memref<!tpu.dma_semaphore, #tpu.memory_space<semaphore_mem>>)
      %dma_wait3A_92 = tpu.memref_slice %arg3[%add3A_47] : memref<2048xi32, #tpu.memory_space<hbm>> -> memref<16xi32, #tpu.memory_space<hbm>>
      %dma_wait3A_93 = tpu.memref_slice %arg3[%add3A_47] : memref<2048xi32, #tpu.memory_space<hbm>> -> memref<16xi32, #tpu.memory_space<hbm>>
      tpu.wait_dma2 semaphore(%run_scoped3A : memref<!tpu.dma_semaphore, #tpu.memory_space<semaphore_mem>>) src(%dma_wait3A_93 : memref<16xi32, #tpu.memory_space<hbm>>) dst(%arg8 : memref<16xi32, #tpu.memory_space<vmem>>)
      tpu.yield
    }) : () -> ()
    "tpu.region"() ({
      %run_scoped3A = tpu.sem_alloc : memref<!tpu.dma_semaphore, #tpu.memory_space<semaphore_mem>>
      %dma_start3A_90 = tpu.memref_slice %arg4[%add3A_47] : memref<2048xi32, #tpu.memory_space<hbm>> -> memref<16xi32, #tpu.memory_space<hbm>>
      %dma_start3A_91 = tpu.memref_slice %arg4[%add3A_47] : memref<2048xi32, #tpu.memory_space<hbm>> -> memref<16xi32, #tpu.memory_space<hbm>>
      tpu.enqueue_dma source(%dma_start3A_91 : memref<16xi32, #tpu.memory_space<hbm>>) target(%arg9 : memref<16xi32, #tpu.memory_space<vmem>>) target_semaphore(%run_scoped3A : memref<!tpu.dma_semaphore, #tpu.memory_space<semaphore_mem>>)
      %dma_wait3A_92 = tpu.memref_slice %arg4[%add3A_47] : memref<2048xi32, #tpu.memory_space<hbm>> -> memref<16xi32, #tpu.memory_space<hbm>>
      %dma_wait3A_93 = tpu.memref_slice %arg4[%add3A_47] : memref<2048xi32, #tpu.memory_space<hbm>> -> memref<16xi32, #tpu.memory_space<hbm>>
      tpu.wait_dma2 semaphore(%run_scoped3A : memref<!tpu.dma_semaphore, #tpu.memory_space<semaphore_mem>>) src(%dma_wait3A_93 : memref<16xi32, #tpu.memory_space<hbm>>) dst(%arg9 : memref<16xi32, #tpu.memory_space<vmem>>)
      tpu.yield
    }) : () -> ()
    "tpu.region"() ({
      %run_scoped3A = tpu.sem_alloc : memref<!tpu.dma_semaphore, #tpu.memory_space<semaphore_mem>>
      %dma_start3A_90 = tpu.memref_slice %arg5[%add3A_47] : memref<2048xf32, #tpu.memory_space<hbm>> -> memref<16xf32, #tpu.memory_space<hbm>>
      %dma_start3A_91 = tpu.memref_slice %arg5[%add3A_47] : memref<2048xf32, #tpu.memory_space<hbm>> -> memref<16xf32, #tpu.memory_space<hbm>>
      tpu.enqueue_dma source(%dma_start3A_91 : memref<16xf32, #tpu.memory_space<hbm>>) target(%arg10 : memref<16xf32, #tpu.memory_space<vmem>>) target_semaphore(%run_scoped3A : memref<!tpu.dma_semaphore, #tpu.memory_space<semaphore_mem>>)
      %dma_wait3A_92 = tpu.memref_slice %arg5[%add3A_47] : memref<2048xf32, #tpu.memory_space<hbm>> -> memref<16xf32, #tpu.memory_space<hbm>>
      %dma_wait3A_93 = tpu.memref_slice %arg5[%add3A_47] : memref<2048xf32, #tpu.memory_space<hbm>> -> memref<16xf32, #tpu.memory_space<hbm>>
      tpu.wait_dma2 semaphore(%run_scoped3A : memref<!tpu.dma_semaphore, #tpu.memory_space<semaphore_mem>>) src(%dma_wait3A_93 : memref<16xf32, #tpu.memory_space<hbm>>) dst(%arg10 : memref<16xf32, #tpu.memory_space<vmem>>)
      tpu.yield
    }) : () -> ()
    "tpu.region"() ({
      %run_scoped3A = tpu.sem_alloc : memref<!tpu.dma_semaphore, #tpu.memory_space<semaphore_mem>>
      %dma_start3A_90 = tpu.memref_slice %arg6[%add3A_47] : memref<2048xf32, #tpu.memory_space<hbm>> -> memref<16xf32, #tpu.memory_space<hbm>>
      %dma_start3A_91 = tpu.memref_slice %arg6[%add3A_47] : memref<2048xf32, #tpu.memory_space<hbm>> -> memref<16xf32, #tpu.memory_space<hbm>>
      tpu.enqueue_dma source(%dma_start3A_91 : memref<16xf32, #tpu.memory_space<hbm>>) target(%arg11 : memref<16xf32, #tpu.memory_space<vmem>>) target_semaphore(%run_scoped3A : memref<!tpu.dma_semaphore, #tpu.memory_space<semaphore_mem>>)
      %dma_wait3A_92 = tpu.memref_slice %arg6[%add3A_47] : memref<2048xf32, #tpu.memory_space<hbm>> -> memref<16xf32, #tpu.memory_space<hbm>>
      %dma_wait3A_93 = tpu.memref_slice %arg6[%add3A_47] : memref<2048xf32, #tpu.memory_space<hbm>> -> memref<16xf32, #tpu.memory_space<hbm>>
      tpu.wait_dma2 semaphore(%run_scoped3A : memref<!tpu.dma_semaphore, #tpu.memory_space<semaphore_mem>>) src(%dma_wait3A_93 : memref<16xf32, #tpu.memory_space<hbm>>) dst(%arg11 : memref<16xf32, #tpu.memory_space<vmem>>)
      tpu.yield
    }) : () -> ()
    %dma_start3A_48 = arith.constant 0 : i32
    %dma_start3A_49 = arith.constant 0 : i32
    %dma_start3A_50 = tpu.memref_slice %arg2[%dma_start3A_48, %dma_start3A_49] : memref<4096x1024xf32, #tpu.memory_space<hbm>> -> memref<4096x1024xf32, #tpu.memory_space<hbm>>
    tpu.enqueue_indirect_dma source(%dma_start3A_50 : memref<4096x1024xf32, #tpu.memory_space<hbm>>) target(%arg12 : memref<16x1024xf32, #tpu.memory_space<vmem>>) offsets(%arg8 : memref<16xi32, #tpu.memory_space<vmem>>) semaphore(%arg15 : memref<!tpu.dma_semaphore, #tpu.memory_space<semaphore_mem>>)
    %dma_start3A_51 = arith.constant 0 : i32
    %dma_start3A_52 = arith.constant 0 : i32
    %dma_start3A_53 = tpu.memref_slice %arg2[%dma_start3A_51, %dma_start3A_52] : memref<4096x1024xf32, #tpu.memory_space<hbm>> -> memref<4096x1024xf32, #tpu.memory_space<hbm>>
    tpu.enqueue_indirect_dma source(%dma_start3A_53 : memref<4096x1024xf32, #tpu.memory_space<hbm>>) target(%arg13 : memref<16x1024xf32, #tpu.memory_space<vmem>>) offsets(%arg9 : memref<16xi32, #tpu.memory_space<vmem>>) semaphore(%arg16 : memref<!tpu.dma_semaphore, #tpu.memory_space<semaphore_mem>>)
    %dma_wait3A_54 = arith.constant 0 : i32
    %dma_wait3A_55 = arith.constant 0 : i32
    %dma_wait3A_56 = tpu.memref_slice %arg2[%dma_wait3A_54, %dma_wait3A_55] : memref<4096x1024xf32, #tpu.memory_space<hbm>> -> memref<4096x1024xf32, #tpu.memory_space<hbm>>
    tpu.wait_indirect_dma semaphore(%arg15 : memref<!tpu.dma_semaphore, #tpu.memory_space<semaphore_mem>>) src(%dma_wait3A_56 : memref<4096x1024xf32, #tpu.memory_space<hbm>>) dst(%arg12 : memref<16x1024xf32, #tpu.memory_space<vmem>>)
    %dma_wait3A_57 = arith.constant 0 : i32
    %dma_wait3A_58 = arith.constant 0 : i32
    %dma_wait3A_59 = tpu.memref_slice %arg2[%dma_wait3A_57, %dma_wait3A_58] : memref<4096x1024xf32, #tpu.memory_space<hbm>> -> memref<4096x1024xf32, #tpu.memory_space<hbm>>
    tpu.wait_indirect_dma semaphore(%arg16 : memref<!tpu.dma_semaphore, #tpu.memory_space<semaphore_mem>>) src(%dma_wait3A_59 : memref<4096x1024xf32, #tpu.memory_space<hbm>>) dst(%arg13 : memref<16x1024xf32, #tpu.memory_space<vmem>>)
    %scan3A_60 = arith.constant 0 : i32
    %scan3A_61 = arith.constant 0 : i32
    %scan3A_62 = arith.constant 16 : i32
    %scan3A_63 = arith.addi %scan3A_61, %scan3A_62 : i32
    %scan3A_64 = arith.constant 1 : i32
    %scan3A_65 = scf.for %scan3A_90 = %scan3A_61 to %scan3A_63 step %scan3A_64 iter_args(%scan3A_91 = %scan3A_60) -> (i32)  : i32 {
      %broadcast_in_dim3A = vector.broadcast %scan3A_90 : i32 to vector<16xi32>
      %gather3A = tpu.vector_load_idx %arg10[%broadcast_in_dim3A] : memref<16xf32, #tpu.memory_space<vmem>>[vector<16xi32>], vector<16xf32>,
      %broadcast_in_dim3A_92 = vector.broadcast %scan3A_90 : i32 to vector<16xi32>
      %gather3A_93 = tpu.vector_load_idx %arg11[%broadcast_in_dim3A_92] : memref<16xf32, #tpu.memory_space<vmem>>[vector<16xi32>], vector<16xf32>,
      %get3A = arith.index_cast %scan3A_90 : i32 to index
      %get3A_94 = arith.constant 0 : index
      %get3A_95 = tpu.vector_load %arg12[%get3A, %get3A_94] {strides = array<i32>} : memref<16x1024xf32, #tpu.memory_space<vmem>>, vector<16xf32>,
      %mul3A_96 = arith.mulf %gather3A, %get3A_95 : vector<16xf32>
      %get3A_97 = arith.index_cast %scan3A_90 : i32 to index
      %get3A_98 = arith.constant 0 : index
      %get3A_99 = tpu.vector_load %arg13[%get3A_97, %get3A_98] {strides = array<i32>} : memref<16x1024xf32, #tpu.memory_space<vmem>>, vector<16xf32>,
      %mul3A_100 = arith.mulf %gather3A_93, %get3A_99 : vector<16xf32>
      %add3A_101 = arith.addf %mul3A_96, %mul3A_100 : vector<16xf32>
      %swap3A = arith.index_cast %scan3A_90 : i32 to index
      %swap3A_102 = arith.constant 0 : index
      %swap3A_103 = tpu.vector_load %arg14[%swap3A, %swap3A_102] {strides = array<i32>} : memref<16x1024xf32, #tpu.memory_space<vmem>>, vector<16xf32>,
      tpu.vector_store %arg14[%swap3A, %swap3A_102], %add3A_101 {strides = array<i32>} : memref<16x1024xf32, #tpu.memory_space<vmem>>, vector<16xf32>,
      %get3A_104 = arith.index_cast %scan3A_90 : i32 to index
      %get3A_105 = arith.constant 16 : index
      %get3A_106 = tpu.vector_load %arg12[%get3A_104, %get3A_105] {strides = array<i32>} : memref<16x1024xf32, #tpu.memory_space<vmem>>, vector<16xf32>,
      %mul3A_107 = arith.mulf %gather3A, %get3A_106 : vector<16xf32>
      %get3A_108 = arith.index_cast %scan3A_90 : i32 to index
      %get3A_109 = arith.constant 16 : index
      %get3A_110 = tpu.vector_load %arg13[%get3A_108, %get3A_109] {strides = array<i32>} : memref<16x1024xf32, #tpu.memory_space<vmem>>, vector<16xf32>,
      %mul3A_111 = arith.mulf %gather3A_93, %get3A_110 : vector<16xf32>
      %add3A_112 = arith.addf %mul3A_107, %mul3A_111 : vector<16xf32>
      %swap3A_113 = arith.index_cast %scan3A_90 : i32 to index
      %swap3A_114 = arith.constant 16 : index
      %swap3A_115 = tpu.vector_load %arg14[%swap3A_113, %swap3A_114] {strides = array<i32>} : memref<16x1024xf32, #tpu.memory_space<vmem>>, vector<16xf32>,
      tpu.vector_store %arg14[%swap3A_113, %swap3A_114], %add3A_112 {strides = array<i32>} : memref<16x1024xf32, #tpu.memory_space<vmem>>, vector<16xf32>,
      %get3A_116 = arith.index_cast %scan3A_90 : i32 to index
      %get3A_117 = arith.constant 32 : index
      %get3A_118 = tpu.vector_load %arg12[%get3A_116, %get3A_117] {strides = array<i32>} : memref<16x1024xf32, #tpu.memory_space<vmem>>, vector<16xf32>,
      %mul3A_119 = arith.mulf %gather3A, %get3A_118 : vector<16xf32>
      %get3A_120 = arith.index_cast %scan3A_90 : i32 to index
      %get3A_121 = arith.constant 32 : index
      %get3A_122 = tpu.vector_load %arg13[%get3A_120, %get3A_121] {strides = array<i32>} : memref<16x1024xf32, #tpu.memory_space<vmem>>, vector<16xf32>,
      %mul3A_123 = arith.mulf %gather3A_93, %get3A_122 : vector<16xf32>
      %add3A_124 = arith.addf %mul3A_119, %mul3A_123 : vector<16xf32>
      %swap3A_125 = arith.index_cast %scan3A_90 : i32 to index
      %swap3A_126 = arith.constant 32 : index
      %swap3A_127 = tpu.vector_load %arg14[%swap3A_125, %swap3A_126] {strides = array<i32>} : memref<16x1024xf32, #tpu.memory_space<vmem>>, vector<16xf32>,
      tpu.vector_store %arg14[%swap3A_125, %swap3A_126], %add3A_124 {strides = array<i32>} : memref<16x1024xf32, #tpu.memory_space<vmem>>, vector<16xf32>,
      %get3A_128 = arith.index_cast %scan3A_90 : i32 to index
      %get3A_129 = arith.constant 48 : index
      %get3A_130 = tpu.vector_load %arg12[%get3A_128, %get3A_129] {strides = array<i32>} : memref<16x1024xf32, #tpu.memory_space<vmem>>, vector<16xf32>,
      %mul3A_131 = arith.mulf %gather3A, %get3A_130 : vector<16xf32>
      %get3A_132 = arith.index_cast %scan3A_90 : i32 to index
      %get3A_133 = arith.constant 48 : index
      %get3A_134 = tpu.vector_load %arg13[%get3A_132, %get3A_133] {strides = array<i32>} : memref<16x1024xf32, #tpu.memory_space<vmem>>, vector<16xf32>,
      %mul3A_135 = arith.mulf %gather3A_93, %get3A_134 : vector<16xf32>
      %add3A_136 = arith.addf %mul3A_131, %mul3A_135 : vector<16xf32>
      %swap3A_137 = arith.index_cast %scan3A_90 : i32 to index
      %swap3A_138 = arith.constant 48 : index
      %swap3A_139 = tpu.vector_load %arg14[%swap3A_137, %swap3A_138] {strides = array<i32>} : memref<16x1024xf32, #tpu.memory_space<vmem>>, vector<16xf32>,
      tpu.vector_store %arg14[%swap3A_137, %swap3A_138], %add3A_136 {strides = array<i32>} : memref<16x1024xf32, #tpu.memory_space<vmem>>, vector<16xf32>,
      %get3A_140 = arith.index_cast %scan3A_90 : i32 to index
      %get3A_141 = arith.constant 64 : index
      %get3A_142 = tpu.vector_load %arg12[%get3A_140, %get3A_141] {strides = array<i32>} : memref<16x1024xf32, #tpu.memory_space<vmem>>, vector<16xf32>,
      %mul3A_143 = arith.mulf %gather3A, %get3A_142 : vector<16xf32>
      %get3A_144 = arith.index_cast %scan3A_90 : i32 to index
      %get3A_145 = arith.constant 64 : index
      %get3A_146 = tpu.vector_load %arg13[%get3A_144, %get3A_145] {strides = array<i32>} : memref<16x1024xf32, #tpu.memory_space<vmem>>, vector<16xf32>,
      %mul3A_147 = arith.mulf %gather3A_93, %get3A_146 : vector<16xf32>
      %add3A_148 = arith.addf %mul3A_143, %mul3A_147 : vector<16xf32>
      %swap3A_149 = arith.index_cast %scan3A_90 : i32 to index
      %swap3A_150 = arith.constant 64 : index
      %swap3A_151 = tpu.vector_load %arg14[%swap3A_149, %swap3A_150] {strides = array<i32>} : memref<16x1024xf32, #tpu.memory_space<vmem>>, vector<16xf32>,
      tpu.vector_store %arg14[%swap3A_149, %swap3A_150], %add3A_148 {strides = array<i32>} : memref<16x1024xf32, #tpu.memory_space<vmem>>, vector<16xf32>,
      %get3A_152 = arith.index_cast %scan3A_90 : i32 to index
      %get3A_153 = arith.constant 80 : index
      %get3A_154 = tpu.vector_load %arg12[%get3A_152, %get3A_153] {strides = array<i32>} : memref<16x1024xf32, #tpu.memory_space<vmem>>, vector<16xf32>,
      %mul3A_155 = arith.mulf %gather3A, %get3A_154 : vector<16xf32>
      %get3A_156 = arith.index_cast %scan3A_90 : i32 to index
      %get3A_157 = arith.constant 80 : index
      %get3A_158 = tpu.vector_load %arg13[%get3A_156, %get3A_157] {strides = array<i32>} : memref<16x1024xf32, #tpu.memory_space<vmem>>, vector<16xf32>,
      %mul3A_159 = arith.mulf %gather3A_93, %get3A_158 : vector<16xf32>
      %add3A_160 = arith.addf %mul3A_155, %mul3A_159 : vector<16xf32>
      %swap3A_161 = arith.index_cast %scan3A_90 : i32 to index
      %swap3A_162 = arith.constant 80 : index
      %swap3A_163 = tpu.vector_load %arg14[%swap3A_161, %swap3A_162] {strides = array<i32>} : memref<16x1024xf32, #tpu.memory_space<vmem>>, vector<16xf32>,
      tpu.vector_store %arg14[%swap3A_161, %swap3A_162], %add3A_160 {strides = array<i32>} : memref<16x1024xf32, #tpu.memory_space<vmem>>, vector<16xf32>,
      %get3A_164 = arith.index_cast %scan3A_90 : i32 to index
      %get3A_165 = arith.constant 96 : index
      %get3A_166 = tpu.vector_load %arg12[%get3A_164, %get3A_165] {strides = array<i32>} : memref<16x1024xf32, #tpu.memory_space<vmem>>, vector<16xf32>,
      %mul3A_167 = arith.mulf %gather3A, %get3A_166 : vector<16xf32>
      %get3A_168 = arith.index_cast %scan3A_90 : i32 to index
      %get3A_169 = arith.constant 96 : index
      %get3A_170 = tpu.vector_load %arg13[%get3A_168, %get3A_169] {strides = array<i32>} : memref<16x1024xf32, #tpu.memory_space<vmem>>, vector<16xf32>,
      %mul3A_171 = arith.mulf %gather3A_93, %get3A_170 : vector<16xf32>
      %add3A_172 = arith.addf %mul3A_167, %mul3A_171 : vector<16xf32>
      %swap3A_173 = arith.index_cast %scan3A_90 : i32 to index
      %swap3A_174 = arith.constant 96 : index
      %swap3A_175 = tpu.vector_load %arg14[%swap3A_173, %swap3A_174] {strides = array<i32>} : memref<16x1024xf32, #tpu.memory_space<vmem>>, vector<16xf32>,
      tpu.vector_store %arg14[%swap3A_173, %swap3A_174], %add3A_172 {strides = array<i32>} : memref<16x1024xf32, #tpu.memory_space<vmem>>, vector<16xf32>,
      %get3A_176 = arith.index_cast %scan3A_90 : i32 to index
      %get3A_177 = arith.constant 112 : index
      %get3A_178 = tpu.vector_load %arg12[%get3A_176, %get3A_177] {strides = array<i32>} : memref<16x1024xf32, #tpu.memory_space<vmem>>, vector<16xf32>,
      %mul3A_179 = arith.mulf %gather3A, %get3A_178 : vector<16xf32>
      %get3A_180 = arith.index_cast %scan3A_90 : i32 to index
      %get3A_181 = arith.constant 112 : index
      %get3A_182 = tpu.vector_load %arg13[%get3A_180, %get3A_181] {strides = array<i32>} : memref<16x1024xf32, #tpu.memory_space<vmem>>, vector<16xf32>,
      %mul3A_183 = arith.mulf %gather3A_93, %get3A_182 : vector<16xf32>
      %add3A_184 = arith.addf %mul3A_179, %mul3A_183 : vector<16xf32>
      %swap3A_185 = arith.index_cast %scan3A_90 : i32 to index
      %swap3A_186 = arith.constant 112 : index
      %swap3A_187 = tpu.vector_load %arg14[%swap3A_185, %swap3A_186] {strides = array<i32>} : memref<16x1024xf32, #tpu.memory_space<vmem>>, vector<16xf32>,
      tpu.vector_store %arg14[%swap3A_185, %swap3A_186], %add3A_184 {strides = array<i32>} : memref<16x1024xf32, #tpu.memory_space<vmem>>, vector<16xf32>,
      %get3A_188 = arith.index_cast %scan3A_90 : i32 to index
      %get3A_189 = arith.constant 128 : index
      %get3A_190 = tpu.vector_load %arg12[%get3A_188, %get3A_189] {strides = array<i32>} : memref<16x1024xf32, #tpu.memory_space<vmem>>, vector<16xf32>,
      %mul3A_191 = arith.mulf %gather3A, %get3A_190 : vector<16xf32>
      %get3A_192 = arith.index_cast %scan3A_90 : i32 to index
      %get3A_193 = arith.constant 128 : index
      %get3A_194 = tpu.vector_load %arg13[%get3A_192, %get3A_193] {strides = array<i32>} : memref<16x1024xf32, #tpu.memory_space<vmem>>, vector<16xf32>,
      %mul3A_195 = arith.mulf %gather3A_93, %get3A_194 : vector<16xf32>
      %add3A_196 = arith.addf %mul3A_191, %mul3A_195 : vector<16xf32>
      %swap3A_197 = arith.index_cast %scan3A_90 : i32 to index
      %swap3A_198 = arith.constant 128 : index
      %swap3A_199 = tpu.vector_load %arg14[%swap3A_197, %swap3A_198] {strides = array<i32>} : memref<16x1024xf32, #tpu.memory_space<vmem>>, vector<16xf32>,
      tpu.vector_store %arg14[%swap3A_197, %swap3A_198], %add3A_196 {strides = array<i32>} : memref<16x1024xf32, #tpu.memory_space<vmem>>, vector<16xf32>,
      %get3A_200 = arith.index_cast %scan3A_90 : i32 to index
      %get3A_201 = arith.constant 144 : index
      %get3A_202 = tpu.vector_load %arg12[%get3A_200, %get3A_201] {strides = array<i32>} : memref<16x1024xf32, #tpu.memory_space<vmem>>, vector<16xf32>,
      %mul3A_203 = arith.mulf %gather3A, %get3A_202 : vector<16xf32>
      %get3A_204 = arith.index_cast %scan3A_90 : i32 to index
      %get3A_205 = arith.constant 144 : index
      %get3A_206 = tpu.vector_load %arg13[%get3A_204, %get3A_205] {strides = array<i32>} : memref<16x1024xf32, #tpu.memory_space<vmem>>, vector<16xf32>,
      %mul3A_207 = arith.mulf %gather3A_93, %get3A_206 : vector<16xf32>
      %add3A_208 = arith.addf %mul3A_203, %mul3A_207 : vector<16xf32>
      %swap3A_209 = arith.index_cast %scan3A_90 : i32 to index
      %swap3A_210 = arith.constant 144 : index
      %swap3A_211 = tpu.vector_load %arg14[%swap3A_209, %swap3A_210] {strides = array<i32>} : memref<16x1024xf32, #tpu.memory_space<vmem>>, vector<16xf32>,
      tpu.vector_store %arg14[%swap3A_209, %swap3A_210], %add3A_208 {strides = array<i32>} : memref<16x1024xf32, #tpu.memory_space<vmem>>, vector<16xf32>,
      %get3A_212 = arith.index_cast %scan3A_90 : i32 to index
      %get3A_213 = arith.constant 160 : index
      %get3A_214 = tpu.vector_load %arg12[%get3A_212, %get3A_213] {strides = array<i32>} : memref<16x1024xf32, #tpu.memory_space<vmem>>, vector<16xf32>,
      %mul3A_215 = arith.mulf %gather3A, %get3A_214 : vector<16xf32>
      %get3A_216 = arith.index_cast %scan3A_90 : i32 to index
      %get3A_217 = arith.constant 160 : index
      %get3A_218 = tpu.vector_load %arg13[%get3A_216, %get3A_217] {strides = array<i32>} : memref<16x1024xf32, #tpu.memory_space<vmem>>, vector<16xf32>,
      %mul3A_219 = arith.mulf %gather3A_93, %get3A_218 : vector<16xf32>
      %add3A_220 = arith.addf %mul3A_215, %mul3A_219 : vector<16xf32>
      %swap3A_221 = arith.index_cast %scan3A_90 : i32 to index
      %swap3A_222 = arith.constant 160 : index
      %swap3A_223 = tpu.vector_load %arg14[%swap3A_221, %swap3A_222] {strides = array<i32>} : memref<16x1024xf32, #tpu.memory_space<vmem>>, vector<16xf32>,
      tpu.vector_store %arg14[%swap3A_221, %swap3A_222], %add3A_220 {strides = array<i32>} : memref<16x1024xf32, #tpu.memory_space<vmem>>, vector<16xf32>,
      %get3A_224 = arith.index_cast %scan3A_90 : i32 to index
      %get3A_225 = arith.constant 176 : index
      %get3A_226 = tpu.vector_load %arg12[%get3A_224, %get3A_225] {strides = array<i32>} : memref<16x1024xf32, #tpu.memory_space<vmem>>, vector<16xf32>,
      %mul3A_227 = arith.mulf %gather3A, %get3A_226 : vector<16xf32>
      %get3A_228 = arith.index_cast %scan3A_90 : i32 to index
      %get3A_229 = arith.constant 176 : index
      %get3A_230 = tpu.vector_load %arg13[%get3A_228, %get3A_229] {strides = array<i32>} : memref<16x1024xf32, #tpu.memory_space<vmem>>, vector<16xf32>,
      %mul3A_231 = arith.mulf %gather3A_93, %get3A_230 : vector<16xf32>
      %add3A_232 = arith.addf %mul3A_227, %mul3A_231 : vector<16xf32>
      %swap3A_233 = arith.index_cast %scan3A_90 : i32 to index
      %swap3A_234 = arith.constant 176 : index
      %swap3A_235 = tpu.vector_load %arg14[%swap3A_233, %swap3A_234] {strides = array<i32>} : memref<16x1024xf32, #tpu.memory_space<vmem>>, vector<16xf32>,
      tpu.vector_store %arg14[%swap3A_233, %swap3A_234], %add3A_232 {strides = array<i32>} : memref<16x1024xf32, #tpu.memory_space<vmem>>, vector<16xf32>,
      %get3A_236 = arith.index_cast %scan3A_90 : i32 to index
      %get3A_237 = arith.constant 192 : index
      %get3A_238 = tpu.vector_load %arg12[%get3A_236, %get3A_237] {strides = array<i32>} : memref<16x1024xf32, #tpu.memory_space<vmem>>, vector<16xf32>,
      %mul3A_239 = arith.mulf %gather3A, %get3A_238 : vector<16xf32>
      %get3A_240 = arith.index_cast %scan3A_90 : i32 to index
      %get3A_241 = arith.constant 192 : index
      %get3A_242 = tpu.vector_load %arg13[%get3A_240, %get3A_241] {strides = array<i32>} : memref<16x1024xf32, #tpu.memory_space<vmem>>, vector<16xf32>,
      %mul3A_243 = arith.mulf %gather3A_93, %get3A_242 : vector<16xf32>
      %add3A_244 = arith.addf %mul3A_239, %mul3A_243 : vector<16xf32>
      %swap3A_245 = arith.index_cast %scan3A_90 : i32 to index
      %swap3A_246 = arith.constant 192 : index
      %swap3A_247 = tpu.vector_load %arg14[%swap3A_245, %swap3A_246] {strides = array<i32>} : memref<16x1024xf32, #tpu.memory_space<vmem>>, vector<16xf32>,
      tpu.vector_store %arg14[%swap3A_245, %swap3A_246], %add3A_244 {strides = array<i32>} : memref<16x1024xf32, #tpu.memory_space<vmem>>, vector<16xf32>,
      %get3A_248 = arith.index_cast %scan3A_90 : i32 to index
      %get3A_249 = arith.constant 208 : index
      %get3A_250 = tpu.vector_load %arg12[%get3A_248, %get3A_249] {strides = array<i32>} : memref<16x1024xf32, #tpu.memory_space<vmem>>, vector<16xf32>,
      %mul3A_251 = arith.mulf %gather3A, %get3A_250 : vector<16xf32>
      %get3A_252 = arith.index_cast %scan3A_90 : i32 to index
      %get3A_253 = arith.constant 208 : index
      %get3A_254 = tpu.vector_load %arg13[%get3A_252, %get3A_253] {strides = array<i32>} : memref<16x1024xf32, #tpu.memory_space<vmem>>, vector<16xf32>,
      %mul3A_255 = arith.mulf %gather3A_93, %get3A_254 : vector<16xf32>
      %add3A_256 = arith.addf %mul3A_251, %mul3A_255 : vector<16xf32>
      %swap3A_257 = arith.index_cast %scan3A_90 : i32 to index
      %swap3A_258 = arith.constant 208 : index
      %swap3A_259 = tpu.vector_load %arg14[%swap3A_257, %swap3A_258] {strides = array<i32>} : memref<16x1024xf32, #tpu.memory_space<vmem>>, vector<16xf32>,
      tpu.vector_store %arg14[%swap3A_257, %swap3A_258], %add3A_256 {strides = array<i32>} : memref<16x1024xf32, #tpu.memory_space<vmem>>, vector<16xf32>,
      %get3A_260 = arith.index_cast %scan3A_90 : i32 to index
      %get3A_261 = arith.constant 224 : index
      %get3A_262 = tpu.vector_load %arg12[%get3A_260, %get3A_261] {strides = array<i32>} : memref<16x1024xf32, #tpu.memory_space<vmem>>, vector<16xf32>,
      %mul3A_263 = arith.mulf %gather3A, %get3A_262 : vector<16xf32>
      %get3A_264 = arith.index_cast %scan3A_90 : i32 to index
      %get3A_265 = arith.constant 224 : index
      %get3A_266 = tpu.vector_load %arg13[%get3A_264, %get3A_265] {strides = array<i32>} : memref<16x1024xf32, #tpu.memory_space<vmem>>, vector<16xf32>,
      %mul3A_267 = arith.mulf %gather3A_93, %get3A_266 : vector<16xf32>
      %add3A_268 = arith.addf %mul3A_263, %mul3A_267 : vector<16xf32>
      %swap3A_269 = arith.index_cast %scan3A_90 : i32 to index
      %swap3A_270 = arith.constant 224 : index
      %swap3A_271 = tpu.vector_load %arg14[%swap3A_269, %swap3A_270] {strides = array<i32>} : memref<16x1024xf32, #tpu.memory_space<vmem>>, vector<16xf32>,
      tpu.vector_store %arg14[%swap3A_269, %swap3A_270], %add3A_268 {strides = array<i32>} : memref<16x1024xf32, #tpu.memory_space<vmem>>, vector<16xf32>,
      %get3A_272 = arith.index_cast %scan3A_90 : i32 to index
      %get3A_273 = arith.constant 240 : index
      %get3A_274 = tpu.vector_load %arg12[%get3A_272, %get3A_273] {strides = array<i32>} : memref<16x1024xf32, #tpu.memory_space<vmem>>, vector<16xf32>,
      %mul3A_275 = arith.mulf %gather3A, %get3A_274 : vector<16xf32>
      %get3A_276 = arith.index_cast %scan3A_90 : i32 to index
      %get3A_277 = arith.constant 240 : index
      %get3A_278 = tpu.vector_load %arg13[%get3A_276, %get3A_277] {strides = array<i32>} : memref<16x1024xf32, #tpu.memory_space<vmem>>, vector<16xf32>,
      %mul3A_279 = arith.mulf %gather3A_93, %get3A_278 : vector<16xf32>
      %add3A_280 = arith.addf %mul3A_275, %mul3A_279 : vector<16xf32>
      %swap3A_281 = arith.index_cast %scan3A_90 : i32 to index
      %swap3A_282 = arith.constant 240 : index
      %swap3A_283 = tpu.vector_load %arg14[%swap3A_281, %swap3A_282] {strides = array<i32>} : memref<16x1024xf32, #tpu.memory_space<vmem>>, vector<16xf32>,
      tpu.vector_store %arg14[%swap3A_281, %swap3A_282], %add3A_280 {strides = array<i32>} : memref<16x1024xf32, #tpu.memory_space<vmem>>, vector<16xf32>,
      %get3A_284 = arith.index_cast %scan3A_90 : i32 to index
      %get3A_285 = arith.constant 256 : index
      %get3A_286 = tpu.vector_load %arg12[%get3A_284, %get3A_285] {strides = array<i32>} : memref<16x1024xf32, #tpu.memory_space<vmem>>, vector<16xf32>,
      %mul3A_287 = arith.mulf %gather3A, %get3A_286 : vector<16xf32>
      %get3A_288 = arith.index_cast %scan3A_90 : i32 to index
      %get3A_289 = arith.constant 256 : index
      %get3A_290 = tpu.vector_load %arg13[%get3A_288, %get3A_289] {strides = array<i32>} : memref<16x1024xf32, #tpu.memory_space<vmem>>, vector<16xf32>,
      %mul3A_291 = arith.mulf %gather3A_93, %get3A_290 : vector<16xf32>
      %add3A_292 = arith.addf %mul3A_287, %mul3A_291 : vector<16xf32>
      %swap3A_293 = arith.index_cast %scan3A_90 : i32 to index
      %swap3A_294 = arith.constant 256 : index
      %swap3A_295 = tpu.vector_load %arg14[%swap3A_293, %swap3A_294] {strides = array<i32>} : memref<16x1024xf32, #tpu.memory_space<vmem>>, vector<16xf32>,
      tpu.vector_store %arg14[%swap3A_293, %swap3A_294], %add3A_292 {strides = array<i32>} : memref<16x1024xf32, #tpu.memory_space<vmem>>, vector<16xf32>,
      %get3A_296 = arith.index_cast %scan3A_90 : i32 to index
      %get3A_297 = arith.constant 272 : index
      %get3A_298 = tpu.vector_load %arg12[%get3A_296, %get3A_297] {strides = array<i32>} : memref<16x1024xf32, #tpu.memory_space<vmem>>, vector<16xf32>,
      %mul3A_299 = arith.mulf %gather3A, %get3A_298 : vector<16xf32>
      %get3A_300 = arith.index_cast %scan3A_90 : i32 to index
      %get3A_301 = arith.constant 272 : index
      %get3A_302 = tpu.vector_load %arg13[%get3A_300, %get3A_301] {strides = array<i32>} : memref<16x1024xf32, #tpu.memory_space<vmem>>, vector<16xf32>,
      %mul3A_303 = arith.mulf %gather3A_93, %get3A_302 : vector<16xf32>
      %add3A_304 = arith.addf %mul3A_299, %mul3A_303 : vector<16xf32>
      %swap3A_305 = arith.index_cast %scan3A_90 : i32 to index
      %swap3A_306 = arith.constant 272 : index
      %swap3A_307 = tpu.vector_load %arg14[%swap3A_305, %swap3A_306] {strides = array<i32>} : memref<16x1024xf32, #tpu.memory_space<vmem>>, vector<16xf32>,
      tpu.vector_store %arg14[%swap3A_305, %swap3A_306], %add3A_304 {strides = array<i32>} : memref<16x1024xf32, #tpu.memory_space<vmem>>, vector<16xf32>,
      %get3A_308 = arith.index_cast %scan3A_90 : i32 to index
      %get3A_309 = arith.constant 288 : index
      %get3A_310 = tpu.vector_load %arg12[%get3A_308, %get3A_309] {strides = array<i32>} : memref<16x1024xf32, #tpu.memory_space<vmem>>, vector<16xf32>,
      %mul3A_311 = arith.mulf %gather3A, %get3A_310 : vector<16xf32>
      %get3A_312 = arith.index_cast %scan3A_90 : i32 to index
      %get3A_313 = arith.constant 288 : index
      %get3A_314 = tpu.vector_load %arg13[%get3A_312, %get3A_313] {strides = array<i32>} : memref<16x1024xf32, #tpu.memory_space<vmem>>, vector<16xf32>,
      %mul3A_315 = arith.mulf %gather3A_93, %get3A_314 : vector<16xf32>
      %add3A_316 = arith.addf %mul3A_311, %mul3A_315 : vector<16xf32>
      %swap3A_317 = arith.index_cast %scan3A_90 : i32 to index
      %swap3A_318 = arith.constant 288 : index
      %swap3A_319 = tpu.vector_load %arg14[%swap3A_317, %swap3A_318] {strides = array<i32>} : memref<16x1024xf32, #tpu.memory_space<vmem>>, vector<16xf32>,
      tpu.vector_store %arg14[%swap3A_317, %swap3A_318], %add3A_316 {strides = array<i32>} : memref<16x1024xf32, #tpu.memory_space<vmem>>, vector<16xf32>,
      %get3A_320 = arith.index_cast %scan3A_90 : i32 to index
      %get3A_321 = arith.constant 304 : index
      %get3A_322 = tpu.vector_load %arg12[%get3A_320, %get3A_321] {strides = array<i32>} : memref<16x1024xf32, #tpu.memory_space<vmem>>, vector<16xf32>,
      %mul3A_323 = arith.mulf %gather3A, %get3A_322 : vector<16xf32>
      %get3A_324 = arith.index_cast %scan3A_90 : i32 to index
      %get3A_325 = arith.constant 304 : index
      %get3A_326 = tpu.vector_load %arg13[%get3A_324, %get3A_325] {strides = array<i32>} : memref<16x1024xf32, #tpu.memory_space<vmem>>, vector<16xf32>,
      %mul3A_327 = arith.mulf %gather3A_93, %get3A_326 : vector<16xf32>
      %add3A_328 = arith.addf %mul3A_323, %mul3A_327 : vector<16xf32>
      %swap3A_329 = arith.index_cast %scan3A_90 : i32 to index
      %swap3A_330 = arith.constant 304 : index
      %swap3A_331 = tpu.vector_load %arg14[%swap3A_329, %swap3A_330] {strides = array<i32>} : memref<16x1024xf32, #tpu.memory_space<vmem>>, vector<16xf32>,
      tpu.vector_store %arg14[%swap3A_329, %swap3A_330], %add3A_328 {strides = array<i32>} : memref<16x1024xf32, #tpu.memory_space<vmem>>, vector<16xf32>,
      %get3A_332 = arith.index_cast %scan3A_90 : i32 to index
      %get3A_333 = arith.constant 320 : index
      %get3A_334 = tpu.vector_load %arg12[%get3A_332, %get3A_333] {strides = array<i32>} : memref<16x1024xf32, #tpu.memory_space<vmem>>, vector<16xf32>,
      %mul3A_335 = arith.mulf %gather3A, %get3A_334 : vector<16xf32>
      %get3A_336 = arith.index_cast %scan3A_90 : i32 to index
      %get3A_337 = arith.constant 320 : index
      %get3A_338 = tpu.vector_load %arg13[%get3A_336, %get3A_337] {strides = array<i32>} : memref<16x1024xf32, #tpu.memory_space<vmem>>, vector<16xf32>,
      %mul3A_339 = arith.mulf %gather3A_93, %get3A_338 : vector<16xf32>
      %add3A_340 = arith.addf %mul3A_335, %mul3A_339 : vector<16xf32>
      %swap3A_341 = arith.index_cast %scan3A_90 : i32 to index
      %swap3A_342 = arith.constant 320 : index
      %swap3A_343 = tpu.vector_load %arg14[%swap3A_341, %swap3A_342] {strides = array<i32>} : memref<16x1024xf32, #tpu.memory_space<vmem>>, vector<16xf32>,
      tpu.vector_store %arg14[%swap3A_341, %swap3A_342], %add3A_340 {strides = array<i32>} : memref<16x1024xf32, #tpu.memory_space<vmem>>, vector<16xf32>,
      %get3A_344 = arith.index_cast %scan3A_90 : i32 to index
      %get3A_345 = arith.constant 336 : index
      %get3A_346 = tpu.vector_load %arg12[%get3A_344, %get3A_345] {strides = array<i32>} : memref<16x1024xf32, #tpu.memory_space<vmem>>, vector<16xf32>,
      %mul3A_347 = arith.mulf %gather3A, %get3A_346 : vector<16xf32>
      %get3A_348 = arith.index_cast %scan3A_90 : i32 to index
      %get3A_349 = arith.constant 336 : index
      %get3A_350 = tpu.vector_load %arg13[%get3A_348, %get3A_349] {strides = array<i32>} : memref<16x1024xf32, #tpu.memory_space<vmem>>, vector<16xf32>,
      %mul3A_351 = arith.mulf %gather3A_93, %get3A_350 : vector<16xf32>
      %add3A_352 = arith.addf %mul3A_347, %mul3A_351 : vector<16xf32>
      %swap3A_353 = arith.index_cast %scan3A_90 : i32 to index
      %swap3A_354 = arith.constant 336 : index
      %swap3A_355 = tpu.vector_load %arg14[%swap3A_353, %swap3A_354] {strides = array<i32>} : memref<16x1024xf32, #tpu.memory_space<vmem>>, vector<16xf32>,
      tpu.vector_store %arg14[%swap3A_353, %swap3A_354], %add3A_352 {strides = array<i32>} : memref<16x1024xf32, #tpu.memory_space<vmem>>, vector<16xf32>,
      %get3A_356 = arith.index_cast %scan3A_90 : i32 to index
      %get3A_357 = arith.constant 352 : index
      %get3A_358 = tpu.vector_load %arg12[%get3A_356, %get3A_357] {strides = array<i32>} : memref<16x1024xf32, #tpu.memory_space<vmem>>, vector<16xf32>,
      %mul3A_359 = arith.mulf %gather3A, %get3A_358 : vector<16xf32>
      %get3A_360 = arith.index_cast %scan3A_90 : i32 to index
      %get3A_361 = arith.constant 352 : index
      %get3A_362 = tpu.vector_load %arg13[%get3A_360, %get3A_361] {strides = array<i32>} : memref<16x1024xf32, #tpu.memory_space<vmem>>, vector<16xf32>,
      %mul3A_363 = arith.mulf %gather3A_93, %get3A_362 : vector<16xf32>
      %add3A_364 = arith.addf %mul3A_359, %mul3A_363 : vector<16xf32>
      %swap3A_365 = arith.index_cast %scan3A_90 : i32 to index
      %swap3A_366 = arith.constant 352 : index
      %swap3A_367 = tpu.vector_load %arg14[%swap3A_365, %swap3A_366] {strides = array<i32>} : memref<16x1024xf32, #tpu.memory_space<vmem>>, vector<16xf32>,
      tpu.vector_store %arg14[%swap3A_365, %swap3A_366], %add3A_364 {strides = array<i32>} : memref<16x1024xf32, #tpu.memory_space<vmem>>, vector<16xf32>,
      %get3A_368 = arith.index_cast %scan3A_90 : i32 to index
      %get3A_369 = arith.constant 368 : index
      %get3A_370 = tpu.vector_load %arg12[%get3A_368, %get3A_369] {strides = array<i32>} : memref<16x1024xf32, #tpu.memory_space<vmem>>, vector<16xf32>,
      %mul3A_371 = arith.mulf %gather3A, %get3A_370 : vector<16xf32>
      %get3A_372 = arith.index_cast %scan3A_90 : i32 to index
      %get3A_373 = arith.constant 368 : index
      %get3A_374 = tpu.vector_load %arg13[%get3A_372, %get3A_373] {strides = array<i32>} : memref<16x1024xf32, #tpu.memory_space<vmem>>, vector<16xf32>,
      %mul3A_375 = arith.mulf %gather3A_93, %get3A_374 : vector<16xf32>
      %add3A_376 = arith.addf %mul3A_371, %mul3A_375 : vector<16xf32>
      %swap3A_377 = arith.index_cast %scan3A_90 : i32 to index
      %swap3A_378 = arith.constant 368 : index
      %swap3A_379 = tpu.vector_load %arg14[%swap3A_377, %swap3A_378] {strides = array<i32>} : memref<16x1024xf32, #tpu.memory_space<vmem>>, vector<16xf32>,
      tpu.vector_store %arg14[%swap3A_377, %swap3A_378], %add3A_376 {strides = array<i32>} : memref<16x1024xf32, #tpu.memory_space<vmem>>, vector<16xf32>,
      %get3A_380 = arith.index_cast %scan3A_90 : i32 to index
      %get3A_381 = arith.constant 384 : index
      %get3A_382 = tpu.vector_load %arg12[%get3A_380, %get3A_381] {strides = array<i32>} : memref<16x1024xf32, #tpu.memory_space<vmem>>, vector<16xf32>,
      %mul3A_383 = arith.mulf %gather3A, %get3A_382 : vector<16xf32>
      %get3A_384 = arith.index_cast %scan3A_90 : i32 to index
      %get3A_385 = arith.constant 384 : index
      %get3A_386 = tpu.vector_load %arg13[%get3A_384, %get3A_385] {strides = array<i32>} : memref<16x1024xf32, #tpu.memory_space<vmem>>, vector<16xf32>,
      %mul3A_387 = arith.mulf %gather3A_93, %get3A_386 : vector<16xf32>
      %add3A_388 = arith.addf %mul3A_383, %mul3A_387 : vector<16xf32>
      %swap3A_389 = arith.index_cast %scan3A_90 : i32 to index
      %swap3A_390 = arith.constant 384 : index
      %swap3A_391 = tpu.vector_load %arg14[%swap3A_389, %swap3A_390] {strides = array<i32>} : memref<16x1024xf32, #tpu.memory_space<vmem>>, vector<16xf32>,
      tpu.vector_store %arg14[%swap3A_389, %swap3A_390], %add3A_388 {strides = array<i32>} : memref<16x1024xf32, #tpu.memory_space<vmem>>, vector<16xf32>,
      %get3A_392 = arith.index_cast %scan3A_90 : i32 to index
      %get3A_393 = arith.constant 400 : index
      %get3A_394 = tpu.vector_load %arg12[%get3A_392, %get3A_393] {strides = array<i32>} : memref<16x1024xf32, #tpu.memory_space<vmem>>, vector<16xf32>,
      %mul3A_395 = arith.mulf %gather3A, %get3A_394 : vector<16xf32>
      %get3A_396 = arith.index_cast %scan3A_90 : i32 to index
      %get3A_397 = arith.constant 400 : index
      %get3A_398 = tpu.vector_load %arg13[%get3A_396, %get3A_397] {strides = array<i32>} : memref<16x1024xf32, #tpu.memory_space<vmem>>, vector<16xf32>,
      %mul3A_399 = arith.mulf %gather3A_93, %get3A_398 : vector<16xf32>
      %add3A_400 = arith.addf %mul3A_395, %mul3A_399 : vector<16xf32>
      %swap3A_401 = arith.index_cast %scan3A_90 : i32 to index
      %swap3A_402 = arith.constant 400 : index
      %swap3A_403 = tpu.vector_load %arg14[%swap3A_401, %swap3A_402] {strides = array<i32>} : memref<16x1024xf32, #tpu.memory_space<vmem>>, vector<16xf32>,
      tpu.vector_store %arg14[%swap3A_401, %swap3A_402], %add3A_400 {strides = array<i32>} : memref<16x1024xf32, #tpu.memory_space<vmem>>, vector<16xf32>,
      %get3A_404 = arith.index_cast %scan3A_90 : i32 to index
      %get3A_405 = arith.constant 416 : index
      %get3A_406 = tpu.vector_load %arg12[%get3A_404, %get3A_405] {strides = array<i32>} : memref<16x1024xf32, #tpu.memory_space<vmem>>, vector<16xf32>,
      %mul3A_407 = arith.mulf %gather3A, %get3A_406 : vector<16xf32>
      %get3A_408 = arith.index_cast %scan3A_90 : i32 to index
      %get3A_409 = arith.constant 416 : index
      %get3A_410 = tpu.vector_load %arg13[%get3A_408, %get3A_409] {strides = array<i32>} : memref<16x1024xf32, #tpu.memory_space<vmem>>, vector<16xf32>,
      %mul3A_411 = arith.mulf %gather3A_93, %get3A_410 : vector<16xf32>
      %add3A_412 = arith.addf %mul3A_407, %mul3A_411 : vector<16xf32>
      %swap3A_413 = arith.index_cast %scan3A_90 : i32 to index
      %swap3A_414 = arith.constant 416 : index
      %swap3A_415 = tpu.vector_load %arg14[%swap3A_413, %swap3A_414] {strides = array<i32>} : memref<16x1024xf32, #tpu.memory_space<vmem>>, vector<16xf32>,
      tpu.vector_store %arg14[%swap3A_413, %swap3A_414], %add3A_412 {strides = array<i32>} : memref<16x1024xf32, #tpu.memory_space<vmem>>, vector<16xf32>,
      %get3A_416 = arith.index_cast %scan3A_90 : i32 to index
      %get3A_417 = arith.constant 432 : index
      %get3A_418 = tpu.vector_load %arg12[%get3A_416, %get3A_417] {strides = array<i32>} : memref<16x1024xf32, #tpu.memory_space<vmem>>, vector<16xf32>,
      %mul3A_419 = arith.mulf %gather3A, %get3A_418 : vector<16xf32>
      %get3A_420 = arith.index_cast %scan3A_90 : i32 to index
      %get3A_421 = arith.constant 432 : index
      %get3A_422 = tpu.vector_load %arg13[%get3A_420, %get3A_421] {strides = array<i32>} : memref<16x1024xf32, #tpu.memory_space<vmem>>, vector<16xf32>,
      %mul3A_423 = arith.mulf %gather3A_93, %get3A_422 : vector<16xf32>
      %add3A_424 = arith.addf %mul3A_419, %mul3A_423 : vector<16xf32>
      %swap3A_425 = arith.index_cast %scan3A_90 : i32 to index
      %swap3A_426 = arith.constant 432 : index
      %swap3A_427 = tpu.vector_load %arg14[%swap3A_425, %swap3A_426] {strides = array<i32>} : memref<16x1024xf32, #tpu.memory_space<vmem>>, vector<16xf32>,
      tpu.vector_store %arg14[%swap3A_425, %swap3A_426], %add3A_424 {strides = array<i32>} : memref<16x1024xf32, #tpu.memory_space<vmem>>, vector<16xf32>,
      %get3A_428 = arith.index_cast %scan3A_90 : i32 to index
      %get3A_429 = arith.constant 448 : index
      %get3A_430 = tpu.vector_load %arg12[%get3A_428, %get3A_429] {strides = array<i32>} : memref<16x1024xf32, #tpu.memory_space<vmem>>, vector<16xf32>,
      %mul3A_431 = arith.mulf %gather3A, %get3A_430 : vector<16xf32>
      %get3A_432 = arith.index_cast %scan3A_90 : i32 to index
      %get3A_433 = arith.constant 448 : index
      %get3A_434 = tpu.vector_load %arg13[%get3A_432, %get3A_433] {strides = array<i32>} : memref<16x1024xf32, #tpu.memory_space<vmem>>, vector<16xf32>,
      %mul3A_435 = arith.mulf %gather3A_93, %get3A_434 : vector<16xf32>
      %add3A_436 = arith.addf %mul3A_431, %mul3A_435 : vector<16xf32>
      %swap3A_437 = arith.index_cast %scan3A_90 : i32 to index
      %swap3A_438 = arith.constant 448 : index
      %swap3A_439 = tpu.vector_load %arg14[%swap3A_437, %swap3A_438] {strides = array<i32>} : memref<16x1024xf32, #tpu.memory_space<vmem>>, vector<16xf32>,
      tpu.vector_store %arg14[%swap3A_437, %swap3A_438], %add3A_436 {strides = array<i32>} : memref<16x1024xf32, #tpu.memory_space<vmem>>, vector<16xf32>,
      %get3A_440 = arith.index_cast %scan3A_90 : i32 to index
      %get3A_441 = arith.constant 464 : index
      %get3A_442 = tpu.vector_load %arg12[%get3A_440, %get3A_441] {strides = array<i32>} : memref<16x1024xf32, #tpu.memory_space<vmem>>, vector<16xf32>,
      %mul3A_443 = arith.mulf %gather3A, %get3A_442 : vector<16xf32>
      %get3A_444 = arith.index_cast %scan3A_90 : i32 to index
      %get3A_445 = arith.constant 464 : index
      %get3A_446 = tpu.vector_load %arg13[%get3A_444, %get3A_445] {strides = array<i32>} : memref<16x1024xf32, #tpu.memory_space<vmem>>, vector<16xf32>,
      %mul3A_447 = arith.mulf %gather3A_93, %get3A_446 : vector<16xf32>
      %add3A_448 = arith.addf %mul3A_443, %mul3A_447 : vector<16xf32>
      %swap3A_449 = arith.index_cast %scan3A_90 : i32 to index
      %swap3A_450 = arith.constant 464 : index
      %swap3A_451 = tpu.vector_load %arg14[%swap3A_449, %swap3A_450] {strides = array<i32>} : memref<16x1024xf32, #tpu.memory_space<vmem>>, vector<16xf32>,
      tpu.vector_store %arg14[%swap3A_449, %swap3A_450], %add3A_448 {strides = array<i32>} : memref<16x1024xf32, #tpu.memory_space<vmem>>, vector<16xf32>,
      %get3A_452 = arith.index_cast %scan3A_90 : i32 to index
      %get3A_453 = arith.constant 480 : index
      %get3A_454 = tpu.vector_load %arg12[%get3A_452, %get3A_453] {strides = array<i32>} : memref<16x1024xf32, #tpu.memory_space<vmem>>, vector<16xf32>,
      %mul3A_455 = arith.mulf %gather3A, %get3A_454 : vector<16xf32>
      %get3A_456 = arith.index_cast %scan3A_90 : i32 to index
      %get3A_457 = arith.constant 480 : index
      %get3A_458 = tpu.vector_load %arg13[%get3A_456, %get3A_457] {strides = array<i32>} : memref<16x1024xf32, #tpu.memory_space<vmem>>, vector<16xf32>,
      %mul3A_459 = arith.mulf %gather3A_93, %get3A_458 : vector<16xf32>
      %add3A_460 = arith.addf %mul3A_455, %mul3A_459 : vector<16xf32>
      %swap3A_461 = arith.index_cast %scan3A_90 : i32 to index
      %swap3A_462 = arith.constant 480 : index
      %swap3A_463 = tpu.vector_load %arg14[%swap3A_461, %swap3A_462] {strides = array<i32>} : memref<16x1024xf32, #tpu.memory_space<vmem>>, vector<16xf32>,
      tpu.vector_store %arg14[%swap3A_461, %swap3A_462], %add3A_460 {strides = array<i32>} : memref<16x1024xf32, #tpu.memory_space<vmem>>, vector<16xf32>,
      %get3A_464 = arith.index_cast %scan3A_90 : i32 to index
      %get3A_465 = arith.constant 496 : index
      %get3A_466 = tpu.vector_load %arg12[%get3A_464, %get3A_465] {strides = array<i32>} : memref<16x1024xf32, #tpu.memory_space<vmem>>, vector<16xf32>,
      %mul3A_467 = arith.mulf %gather3A, %get3A_466 : vector<16xf32>
      %get3A_468 = arith.index_cast %scan3A_90 : i32 to index
      %get3A_469 = arith.constant 496 : index
      %get3A_470 = tpu.vector_load %arg13[%get3A_468, %get3A_469] {strides = array<i32>} : memref<16x1024xf32, #tpu.memory_space<vmem>>, vector<16xf32>,
      %mul3A_471 = arith.mulf %gather3A_93, %get3A_470 : vector<16xf32>
      %add3A_472 = arith.addf %mul3A_467, %mul3A_471 : vector<16xf32>
      %swap3A_473 = arith.index_cast %scan3A_90 : i32 to index
      %swap3A_474 = arith.constant 496 : index
      %swap3A_475 = tpu.vector_load %arg14[%swap3A_473, %swap3A_474] {strides = array<i32>} : memref<16x1024xf32, #tpu.memory_space<vmem>>, vector<16xf32>,
      tpu.vector_store %arg14[%swap3A_473, %swap3A_474], %add3A_472 {strides = array<i32>} : memref<16x1024xf32, #tpu.memory_space<vmem>>, vector<16xf32>,
      %get3A_476 = arith.index_cast %scan3A_90 : i32 to index
      %get3A_477 = arith.constant 512 : index
      %get3A_478 = tpu.vector_load %arg12[%get3A_476, %get3A_477] {strides = array<i32>} : memref<16x1024xf32, #tpu.memory_space<vmem>>, vector<16xf32>,
      %mul3A_479 = arith.mulf %gather3A, %get3A_478 : vector<16xf32>
      %get3A_480 = arith.index_cast %scan3A_90 : i32 to index
      %get3A_481 = arith.constant 512 : index
      %get3A_482 = tpu.vector_load %arg13[%get3A_480, %get3A_481] {strides = array<i32>} : memref<16x1024xf32, #tpu.memory_space<vmem>>, vector<16xf32>,
      %mul3A_483 = arith.mulf %gather3A_93, %get3A_482 : vector<16xf32>
      %add3A_484 = arith.addf %mul3A_479, %mul3A_483 : vector<16xf32>
      %swap3A_485 = arith.index_cast %scan3A_90 : i32 to index
      %swap3A_486 = arith.constant 512 : index
      %swap3A_487 = tpu.vector_load %arg14[%swap3A_485, %swap3A_486] {strides = array<i32>} : memref<16x1024xf32, #tpu.memory_space<vmem>>, vector<16xf32>,
      tpu.vector_store %arg14[%swap3A_485, %swap3A_486], %add3A_484 {strides = array<i32>} : memref<16x1024xf32, #tpu.memory_space<vmem>>, vector<16xf32>,
      %get3A_488 = arith.index_cast %scan3A_90 : i32 to index
      %get3A_489 = arith.constant 528 : index
      %get3A_490 = tpu.vector_load %arg12[%get3A_488, %get3A_489] {strides = array<i32>} : memref<16x1024xf32, #tpu.memory_space<vmem>>, vector<16xf32>,
      %mul3A_491 = arith.mulf %gather3A, %get3A_490 : vector<16xf32>
      %get3A_492 = arith.index_cast %scan3A_90 : i32 to index
      %get3A_493 = arith.constant 528 : index
      %get3A_494 = tpu.vector_load %arg13[%get3A_492, %get3A_493] {strides = array<i32>} : memref<16x1024xf32, #tpu.memory_space<vmem>>, vector<16xf32>,
      %mul3A_495 = arith.mulf %gather3A_93, %get3A_494 : vector<16xf32>
      %add3A_496 = arith.addf %mul3A_491, %mul3A_495 : vector<16xf32>
      %swap3A_497 = arith.index_cast %scan3A_90 : i32 to index
      %swap3A_498 = arith.constant 528 : index
      %swap3A_499 = tpu.vector_load %arg14[%swap3A_497, %swap3A_498] {strides = array<i32>} : memref<16x1024xf32, #tpu.memory_space<vmem>>, vector<16xf32>,
      tpu.vector_store %arg14[%swap3A_497, %swap3A_498], %add3A_496 {strides = array<i32>} : memref<16x1024xf32, #tpu.memory_space<vmem>>, vector<16xf32>,
      %get3A_500 = arith.index_cast %scan3A_90 : i32 to index
      %get3A_501 = arith.constant 544 : index
      %get3A_502 = tpu.vector_load %arg12[%get3A_500, %get3A_501] {strides = array<i32>} : memref<16x1024xf32, #tpu.memory_space<vmem>>, vector<16xf32>,
      %mul3A_503 = arith.mulf %gather3A, %get3A_502 : vector<16xf32>
      %get3A_504 = arith.index_cast %scan3A_90 : i32 to index
      %get3A_505 = arith.constant 544 : index
      %get3A_506 = tpu.vector_load %arg13[%get3A_504, %get3A_505] {strides = array<i32>} : memref<16x1024xf32, #tpu.memory_space<vmem>>, vector<16xf32>,
      %mul3A_507 = arith.mulf %gather3A_93, %get3A_506 : vector<16xf32>
      %add3A_508 = arith.addf %mul3A_503, %mul3A_507 : vector<16xf32>
      %swap3A_509 = arith.index_cast %scan3A_90 : i32 to index
      %swap3A_510 = arith.constant 544 : index
      %swap3A_511 = tpu.vector_load %arg14[%swap3A_509, %swap3A_510] {strides = array<i32>} : memref<16x1024xf32, #tpu.memory_space<vmem>>, vector<16xf32>,
      tpu.vector_store %arg14[%swap3A_509, %swap3A_510], %add3A_508 {strides = array<i32>} : memref<16x1024xf32, #tpu.memory_space<vmem>>, vector<16xf32>,
      %get3A_512 = arith.index_cast %scan3A_90 : i32 to index
      %get3A_513 = arith.constant 560 : index
      %get3A_514 = tpu.vector_load %arg12[%get3A_512, %get3A_513] {strides = array<i32>} : memref<16x1024xf32, #tpu.memory_space<vmem>>, vector<16xf32>,
      %mul3A_515 = arith.mulf %gather3A, %get3A_514 : vector<16xf32>
      %get3A_516 = arith.index_cast %scan3A_90 : i32 to index
      %get3A_517 = arith.constant 560 : index
      %get3A_518 = tpu.vector_load %arg13[%get3A_516, %get3A_517] {strides = array<i32>} : memref<16x1024xf32, #tpu.memory_space<vmem>>, vector<16xf32>,
      %mul3A_519 = arith.mulf %gather3A_93, %get3A_518 : vector<16xf32>
      %add3A_520 = arith.addf %mul3A_515, %mul3A_519 : vector<16xf32>
      %swap3A_521 = arith.index_cast %scan3A_90 : i32 to index
      %swap3A_522 = arith.constant 560 : index
      %swap3A_523 = tpu.vector_load %arg14[%swap3A_521, %swap3A_522] {strides = array<i32>} : memref<16x1024xf32, #tpu.memory_space<vmem>>, vector<16xf32>,
      tpu.vector_store %arg14[%swap3A_521, %swap3A_522], %add3A_520 {strides = array<i32>} : memref<16x1024xf32, #tpu.memory_space<vmem>>, vector<16xf32>,
      %get3A_524 = arith.index_cast %scan3A_90 : i32 to index
      %get3A_525 = arith.constant 576 : index
      %get3A_526 = tpu.vector_load %arg12[%get3A_524, %get3A_525] {strides = array<i32>} : memref<16x1024xf32, #tpu.memory_space<vmem>>, vector<16xf32>,
      %mul3A_527 = arith.mulf %gather3A, %get3A_526 : vector<16xf32>
      %get3A_528 = arith.index_cast %scan3A_90 : i32 to index
      %get3A_529 = arith.constant 576 : index
      %get3A_530 = tpu.vector_load %arg13[%get3A_528, %get3A_529] {strides = array<i32>} : memref<16x1024xf32, #tpu.memory_space<vmem>>, vector<16xf32>,
      %mul3A_531 = arith.mulf %gather3A_93, %get3A_530 : vector<16xf32>
      %add3A_532 = arith.addf %mul3A_527, %mul3A_531 : vector<16xf32>
      %swap3A_533 = arith.index_cast %scan3A_90 : i32 to index
      %swap3A_534 = arith.constant 576 : index
      %swap3A_535 = tpu.vector_load %arg14[%swap3A_533, %swap3A_534] {strides = array<i32>} : memref<16x1024xf32, #tpu.memory_space<vmem>>, vector<16xf32>,
      tpu.vector_store %arg14[%swap3A_533, %swap3A_534], %add3A_532 {strides = array<i32>} : memref<16x1024xf32, #tpu.memory_space<vmem>>, vector<16xf32>,
      %get3A_536 = arith.index_cast %scan3A_90 : i32 to index
      %get3A_537 = arith.constant 592 : index
      %get3A_538 = tpu.vector_load %arg12[%get3A_536, %get3A_537] {strides = array<i32>} : memref<16x1024xf32, #tpu.memory_space<vmem>>, vector<16xf32>,
      %mul3A_539 = arith.mulf %gather3A, %get3A_538 : vector<16xf32>
      %get3A_540 = arith.index_cast %scan3A_90 : i32 to index
      %get3A_541 = arith.constant 592 : index
      %get3A_542 = tpu.vector_load %arg13[%get3A_540, %get3A_541] {strides = array<i32>} : memref<16x1024xf32, #tpu.memory_space<vmem>>, vector<16xf32>,
      %mul3A_543 = arith.mulf %gather3A_93, %get3A_542 : vector<16xf32>
      %add3A_544 = arith.addf %mul3A_539, %mul3A_543 : vector<16xf32>
      %swap3A_545 = arith.index_cast %scan3A_90 : i32 to index
      %swap3A_546 = arith.constant 592 : index
      %swap3A_547 = tpu.vector_load %arg14[%swap3A_545, %swap3A_546] {strides = array<i32>} : memref<16x1024xf32, #tpu.memory_space<vmem>>, vector<16xf32>,
      tpu.vector_store %arg14[%swap3A_545, %swap3A_546], %add3A_544 {strides = array<i32>} : memref<16x1024xf32, #tpu.memory_space<vmem>>, vector<16xf32>,
      %get3A_548 = arith.index_cast %scan3A_90 : i32 to index
      %get3A_549 = arith.constant 608 : index
      %get3A_550 = tpu.vector_load %arg12[%get3A_548, %get3A_549] {strides = array<i32>} : memref<16x1024xf32, #tpu.memory_space<vmem>>, vector<16xf32>,
      %mul3A_551 = arith.mulf %gather3A, %get3A_550 : vector<16xf32>
      %get3A_552 = arith.index_cast %scan3A_90 : i32 to index
      %get3A_553 = arith.constant 608 : index
      %get3A_554 = tpu.vector_load %arg13[%get3A_552, %get3A_553] {strides = array<i32>} : memref<16x1024xf32, #tpu.memory_space<vmem>>, vector<16xf32>,
      %mul3A_555 = arith.mulf %gather3A_93, %get3A_554 : vector<16xf32>
      %add3A_556 = arith.addf %mul3A_551, %mul3A_555 : vector<16xf32>
      %swap3A_557 = arith.index_cast %scan3A_90 : i32 to index
      %swap3A_558 = arith.constant 608 : index
      %swap3A_559 = tpu.vector_load %arg14[%swap3A_557, %swap3A_558] {strides = array<i32>} : memref<16x1024xf32, #tpu.memory_space<vmem>>, vector<16xf32>,
      tpu.vector_store %arg14[%swap3A_557, %swap3A_558], %add3A_556 {strides = array<i32>} : memref<16x1024xf32, #tpu.memory_space<vmem>>, vector<16xf32>,
      %get3A_560 = arith.index_cast %scan3A_90 : i32 to index
      %get3A_561 = arith.constant 624 : index
      %get3A_562 = tpu.vector_load %arg12[%get3A_560, %get3A_561] {strides = array<i32>} : memref<16x1024xf32, #tpu.memory_space<vmem>>, vector<16xf32>,
      %mul3A_563 = arith.mulf %gather3A, %get3A_562 : vector<16xf32>
      %get3A_564 = arith.index_cast %scan3A_90 : i32 to index
      %get3A_565 = arith.constant 624 : index
      %get3A_566 = tpu.vector_load %arg13[%get3A_564, %get3A_565] {strides = array<i32>} : memref<16x1024xf32, #tpu.memory_space<vmem>>, vector<16xf32>,
      %mul3A_567 = arith.mulf %gather3A_93, %get3A_566 : vector<16xf32>
      %add3A_568 = arith.addf %mul3A_563, %mul3A_567 : vector<16xf32>
      %swap3A_569 = arith.index_cast %scan3A_90 : i32 to index
      %swap3A_570 = arith.constant 624 : index
      %swap3A_571 = tpu.vector_load %arg14[%swap3A_569, %swap3A_570] {strides = array<i32>} : memref<16x1024xf32, #tpu.memory_space<vmem>>, vector<16xf32>,
      tpu.vector_store %arg14[%swap3A_569, %swap3A_570], %add3A_568 {strides = array<i32>} : memref<16x1024xf32, #tpu.memory_space<vmem>>, vector<16xf32>,
      %get3A_572 = arith.index_cast %scan3A_90 : i32 to index
      %get3A_573 = arith.constant 640 : index
      %get3A_574 = tpu.vector_load %arg12[%get3A_572, %get3A_573] {strides = array<i32>} : memref<16x1024xf32, #tpu.memory_space<vmem>>, vector<16xf32>,
      %mul3A_575 = arith.mulf %gather3A, %get3A_574 : vector<16xf32>
      %get3A_576 = arith.index_cast %scan3A_90 : i32 to index
      %get3A_577 = arith.constant 640 : index
      %get3A_578 = tpu.vector_load %arg13[%get3A_576, %get3A_577] {strides = array<i32>} : memref<16x1024xf32, #tpu.memory_space<vmem>>, vector<16xf32>,
      %mul3A_579 = arith.mulf %gather3A_93, %get3A_578 : vector<16xf32>
      %add3A_580 = arith.addf %mul3A_575, %mul3A_579 : vector<16xf32>
      %swap3A_581 = arith.index_cast %scan3A_90 : i32 to index
      %swap3A_582 = arith.constant 640 : index
      %swap3A_583 = tpu.vector_load %arg14[%swap3A_581, %swap3A_582] {strides = array<i32>} : memref<16x1024xf32, #tpu.memory_space<vmem>>, vector<16xf32>,
      tpu.vector_store %arg14[%swap3A_581, %swap3A_582], %add3A_580 {strides = array<i32>} : memref<16x1024xf32, #tpu.memory_space<vmem>>, vector<16xf32>,
      %get3A_584 = arith.index_cast %scan3A_90 : i32 to index
      %get3A_585 = arith.constant 656 : index
      %get3A_586 = tpu.vector_load %arg12[%get3A_584, %get3A_585] {strides = array<i32>} : memref<16x1024xf32, #tpu.memory_space<vmem>>, vector<16xf32>,
      %mul3A_587 = arith.mulf %gather3A, %get3A_586 : vector<16xf32>
      %get3A_588 = arith.index_cast %scan3A_90 : i32 to index
      %get3A_589 = arith.constant 656 : index
      %get3A_590 = tpu.vector_load %arg13[%get3A_588, %get3A_589] {strides = array<i32>} : memref<16x1024xf32, #tpu.memory_space<vmem>>, vector<16xf32>,
      %mul3A_591 = arith.mulf %gather3A_93, %get3A_590 : vector<16xf32>
      %add3A_592 = arith.addf %mul3A_587, %mul3A_591 : vector<16xf32>
      %swap3A_593 = arith.index_cast %scan3A_90 : i32 to index
      %swap3A_594 = arith.constant 656 : index
      %swap3A_595 = tpu.vector_load %arg14[%swap3A_593, %swap3A_594] {strides = array<i32>} : memref<16x1024xf32, #tpu.memory_space<vmem>>, vector<16xf32>,
      tpu.vector_store %arg14[%swap3A_593, %swap3A_594], %add3A_592 {strides = array<i32>} : memref<16x1024xf32, #tpu.memory_space<vmem>>, vector<16xf32>,
      %get3A_596 = arith.index_cast %scan3A_90 : i32 to index
      %get3A_597 = arith.constant 672 : index
      %get3A_598 = tpu.vector_load %arg12[%get3A_596, %get3A_597] {strides = array<i32>} : memref<16x1024xf32, #tpu.memory_space<vmem>>, vector<16xf32>,
      %mul3A_599 = arith.mulf %gather3A, %get3A_598 : vector<16xf32>
      %get3A_600 = arith.index_cast %scan3A_90 : i32 to index
      %get3A_601 = arith.constant 672 : index
      %get3A_602 = tpu.vector_load %arg13[%get3A_600, %get3A_601] {strides = array<i32>} : memref<16x1024xf32, #tpu.memory_space<vmem>>, vector<16xf32>,
      %mul3A_603 = arith.mulf %gather3A_93, %get3A_602 : vector<16xf32>
      %add3A_604 = arith.addf %mul3A_599, %mul3A_603 : vector<16xf32>
      %swap3A_605 = arith.index_cast %scan3A_90 : i32 to index
      %swap3A_606 = arith.constant 672 : index
      %swap3A_607 = tpu.vector_load %arg14[%swap3A_605, %swap3A_606] {strides = array<i32>} : memref<16x1024xf32, #tpu.memory_space<vmem>>, vector<16xf32>,
      tpu.vector_store %arg14[%swap3A_605, %swap3A_606], %add3A_604 {strides = array<i32>} : memref<16x1024xf32, #tpu.memory_space<vmem>>, vector<16xf32>,
      %get3A_608 = arith.index_cast %scan3A_90 : i32 to index
      %get3A_609 = arith.constant 688 : index
      %get3A_610 = tpu.vector_load %arg12[%get3A_608, %get3A_609] {strides = array<i32>} : memref<16x1024xf32, #tpu.memory_space<vmem>>, vector<16xf32>,
      %mul3A_611 = arith.mulf %gather3A, %get3A_610 : vector<16xf32>
      %get3A_612 = arith.index_cast %scan3A_90 : i32 to index
      %get3A_613 = arith.constant 688 : index
      %get3A_614 = tpu.vector_load %arg13[%get3A_612, %get3A_613] {strides = array<i32>} : memref<16x1024xf32, #tpu.memory_space<vmem>>, vector<16xf32>,
      %mul3A_615 = arith.mulf %gather3A_93, %get3A_614 : vector<16xf32>
      %add3A_616 = arith.addf %mul3A_611, %mul3A_615 : vector<16xf32>
      %swap3A_617 = arith.index_cast %scan3A_90 : i32 to index
      %swap3A_618 = arith.constant 688 : index
      %swap3A_619 = tpu.vector_load %arg14[%swap3A_617, %swap3A_618] {strides = array<i32>} : memref<16x1024xf32, #tpu.memory_space<vmem>>, vector<16xf32>,
      tpu.vector_store %arg14[%swap3A_617, %swap3A_618], %add3A_616 {strides = array<i32>} : memref<16x1024xf32, #tpu.memory_space<vmem>>, vector<16xf32>,
      %get3A_620 = arith.index_cast %scan3A_90 : i32 to index
      %get3A_621 = arith.constant 704 : index
      %get3A_622 = tpu.vector_load %arg12[%get3A_620, %get3A_621] {strides = array<i32>} : memref<16x1024xf32, #tpu.memory_space<vmem>>, vector<16xf32>,
      %mul3A_623 = arith.mulf %gather3A, %get3A_622 : vector<16xf32>
      %get3A_624 = arith.index_cast %scan3A_90 : i32 to index
      %get3A_625 = arith.constant 704 : index
      %get3A_626 = tpu.vector_load %arg13[%get3A_624, %get3A_625] {strides = array<i32>} : memref<16x1024xf32, #tpu.memory_space<vmem>>, vector<16xf32>,
      %mul3A_627 = arith.mulf %gather3A_93, %get3A_626 : vector<16xf32>
      %add3A_628 = arith.addf %mul3A_623, %mul3A_627 : vector<16xf32>
      %swap3A_629 = arith.index_cast %scan3A_90 : i32 to index
      %swap3A_630 = arith.constant 704 : index
      %swap3A_631 = tpu.vector_load %arg14[%swap3A_629, %swap3A_630] {strides = array<i32>} : memref<16x1024xf32, #tpu.memory_space<vmem>>, vector<16xf32>,
      tpu.vector_store %arg14[%swap3A_629, %swap3A_630], %add3A_628 {strides = array<i32>} : memref<16x1024xf32, #tpu.memory_space<vmem>>, vector<16xf32>,
      %get3A_632 = arith.index_cast %scan3A_90 : i32 to index
      %get3A_633 = arith.constant 720 : index
      %get3A_634 = tpu.vector_load %arg12[%get3A_632, %get3A_633] {strides = array<i32>} : memref<16x1024xf32, #tpu.memory_space<vmem>>, vector<16xf32>,
      %mul3A_635 = arith.mulf %gather3A, %get3A_634 : vector<16xf32>
      %get3A_636 = arith.index_cast %scan3A_90 : i32 to index
      %get3A_637 = arith.constant 720 : index
      %get3A_638 = tpu.vector_load %arg13[%get3A_636, %get3A_637] {strides = array<i32>} : memref<16x1024xf32, #tpu.memory_space<vmem>>, vector<16xf32>,
      %mul3A_639 = arith.mulf %gather3A_93, %get3A_638 : vector<16xf32>
      %add3A_640 = arith.addf %mul3A_635, %mul3A_639 : vector<16xf32>
      %swap3A_641 = arith.index_cast %scan3A_90 : i32 to index
      %swap3A_642 = arith.constant 720 : index
      %swap3A_643 = tpu.vector_load %arg14[%swap3A_641, %swap3A_642] {strides = array<i32>} : memref<16x1024xf32, #tpu.memory_space<vmem>>, vector<16xf32>,
      tpu.vector_store %arg14[%swap3A_641, %swap3A_642], %add3A_640 {strides = array<i32>} : memref<16x1024xf32, #tpu.memory_space<vmem>>, vector<16xf32>,
      %get3A_644 = arith.index_cast %scan3A_90 : i32 to index
      %get3A_645 = arith.constant 736 : index
      %get3A_646 = tpu.vector_load %arg12[%get3A_644, %get3A_645] {strides = array<i32>} : memref<16x1024xf32, #tpu.memory_space<vmem>>, vector<16xf32>,
      %mul3A_647 = arith.mulf %gather3A, %get3A_646 : vector<16xf32>
      %get3A_648 = arith.index_cast %scan3A_90 : i32 to index
      %get3A_649 = arith.constant 736 : index
      %get3A_650 = tpu.vector_load %arg13[%get3A_648, %get3A_649] {strides = array<i32>} : memref<16x1024xf32, #tpu.memory_space<vmem>>, vector<16xf32>,
      %mul3A_651 = arith.mulf %gather3A_93, %get3A_650 : vector<16xf32>
      %add3A_652 = arith.addf %mul3A_647, %mul3A_651 : vector<16xf32>
      %swap3A_653 = arith.index_cast %scan3A_90 : i32 to index
      %swap3A_654 = arith.constant 736 : index
      %swap3A_655 = tpu.vector_load %arg14[%swap3A_653, %swap3A_654] {strides = array<i32>} : memref<16x1024xf32, #tpu.memory_space<vmem>>, vector<16xf32>,
      tpu.vector_store %arg14[%swap3A_653, %swap3A_654], %add3A_652 {strides = array<i32>} : memref<16x1024xf32, #tpu.memory_space<vmem>>, vector<16xf32>,
      %get3A_656 = arith.index_cast %scan3A_90 : i32 to index
      %get3A_657 = arith.constant 752 : index
      %get3A_658 = tpu.vector_load %arg12[%get3A_656, %get3A_657] {strides = array<i32>} : memref<16x1024xf32, #tpu.memory_space<vmem>>, vector<16xf32>,
      %mul3A_659 = arith.mulf %gather3A, %get3A_658 : vector<16xf32>
      %get3A_660 = arith.index_cast %scan3A_90 : i32 to index
      %get3A_661 = arith.constant 752 : index
      %get3A_662 = tpu.vector_load %arg13[%get3A_660, %get3A_661] {strides = array<i32>} : memref<16x1024xf32, #tpu.memory_space<vmem>>, vector<16xf32>,
      %mul3A_663 = arith.mulf %gather3A_93, %get3A_662 : vector<16xf32>
      %add3A_664 = arith.addf %mul3A_659, %mul3A_663 : vector<16xf32>
      %swap3A_665 = arith.index_cast %scan3A_90 : i32 to index
      %swap3A_666 = arith.constant 752 : index
      %swap3A_667 = tpu.vector_load %arg14[%swap3A_665, %swap3A_666] {strides = array<i32>} : memref<16x1024xf32, #tpu.memory_space<vmem>>, vector<16xf32>,
      tpu.vector_store %arg14[%swap3A_665, %swap3A_666], %add3A_664 {strides = array<i32>} : memref<16x1024xf32, #tpu.memory_space<vmem>>, vector<16xf32>,
      %get3A_668 = arith.index_cast %scan3A_90 : i32 to index
      %get3A_669 = arith.constant 768 : index
      %get3A_670 = tpu.vector_load %arg12[%get3A_668, %get3A_669] {strides = array<i32>} : memref<16x1024xf32, #tpu.memory_space<vmem>>, vector<16xf32>,
      %mul3A_671 = arith.mulf %gather3A, %get3A_670 : vector<16xf32>
      %get3A_672 = arith.index_cast %scan3A_90 : i32 to index
      %get3A_673 = arith.constant 768 : index
      %get3A_674 = tpu.vector_load %arg13[%get3A_672, %get3A_673] {strides = array<i32>} : memref<16x1024xf32, #tpu.memory_space<vmem>>, vector<16xf32>,
      %mul3A_675 = arith.mulf %gather3A_93, %get3A_674 : vector<16xf32>
      %add3A_676 = arith.addf %mul3A_671, %mul3A_675 : vector<16xf32>
      %swap3A_677 = arith.index_cast %scan3A_90 : i32 to index
      %swap3A_678 = arith.constant 768 : index
      %swap3A_679 = tpu.vector_load %arg14[%swap3A_677, %swap3A_678] {strides = array<i32>} : memref<16x1024xf32, #tpu.memory_space<vmem>>, vector<16xf32>,
      tpu.vector_store %arg14[%swap3A_677, %swap3A_678], %add3A_676 {strides = array<i32>} : memref<16x1024xf32, #tpu.memory_space<vmem>>, vector<16xf32>,
      %get3A_680 = arith.index_cast %scan3A_90 : i32 to index
      %get3A_681 = arith.constant 784 : index
      %get3A_682 = tpu.vector_load %arg12[%get3A_680, %get3A_681] {strides = array<i32>} : memref<16x1024xf32, #tpu.memory_space<vmem>>, vector<16xf32>,
      %mul3A_683 = arith.mulf %gather3A, %get3A_682 : vector<16xf32>
      %get3A_684 = arith.index_cast %scan3A_90 : i32 to index
      %get3A_685 = arith.constant 784 : index
      %get3A_686 = tpu.vector_load %arg13[%get3A_684, %get3A_685] {strides = array<i32>} : memref<16x1024xf32, #tpu.memory_space<vmem>>, vector<16xf32>,
      %mul3A_687 = arith.mulf %gather3A_93, %get3A_686 : vector<16xf32>
      %add3A_688 = arith.addf %mul3A_683, %mul3A_687 : vector<16xf32>
      %swap3A_689 = arith.index_cast %scan3A_90 : i32 to index
      %swap3A_690 = arith.constant 784 : index
      %swap3A_691 = tpu.vector_load %arg14[%swap3A_689, %swap3A_690] {strides = array<i32>} : memref<16x1024xf32, #tpu.memory_space<vmem>>, vector<16xf32>,
      tpu.vector_store %arg14[%swap3A_689, %swap3A_690], %add3A_688 {strides = array<i32>} : memref<16x1024xf32, #tpu.memory_space<vmem>>, vector<16xf32>,
      %get3A_692 = arith.index_cast %scan3A_90 : i32 to index
      %get3A_693 = arith.constant 800 : index
      %get3A_694 = tpu.vector_load %arg12[%get3A_692, %get3A_693] {strides = array<i32>} : memref<16x1024xf32, #tpu.memory_space<vmem>>, vector<16xf32>,
      %mul3A_695 = arith.mulf %gather3A, %get3A_694 : vector<16xf32>
      %get3A_696 = arith.index_cast %scan3A_90 : i32 to index
      %get3A_697 = arith.constant 800 : index
      %get3A_698 = tpu.vector_load %arg13[%get3A_696, %get3A_697] {strides = array<i32>} : memref<16x1024xf32, #tpu.memory_space<vmem>>, vector<16xf32>,
      %mul3A_699 = arith.mulf %gather3A_93, %get3A_698 : vector<16xf32>
      %add3A_700 = arith.addf %mul3A_695, %mul3A_699 : vector<16xf32>
      %swap3A_701 = arith.index_cast %scan3A_90 : i32 to index
      %swap3A_702 = arith.constant 800 : index
      %swap3A_703 = tpu.vector_load %arg14[%swap3A_701, %swap3A_702] {strides = array<i32>} : memref<16x1024xf32, #tpu.memory_space<vmem>>, vector<16xf32>,
      tpu.vector_store %arg14[%swap3A_701, %swap3A_702], %add3A_700 {strides = array<i32>} : memref<16x1024xf32, #tpu.memory_space<vmem>>, vector<16xf32>,
      %get3A_704 = arith.index_cast %scan3A_90 : i32 to index
      %get3A_705 = arith.constant 816 : index
      %get3A_706 = tpu.vector_load %arg12[%get3A_704, %get3A_705] {strides = array<i32>} : memref<16x1024xf32, #tpu.memory_space<vmem>>, vector<16xf32>,
      %mul3A_707 = arith.mulf %gather3A, %get3A_706 : vector<16xf32>
      %get3A_708 = arith.index_cast %scan3A_90 : i32 to index
      %get3A_709 = arith.constant 816 : index
      %get3A_710 = tpu.vector_load %arg13[%get3A_708, %get3A_709] {strides = array<i32>} : memref<16x1024xf32, #tpu.memory_space<vmem>>, vector<16xf32>,
      %mul3A_711 = arith.mulf %gather3A_93, %get3A_710 : vector<16xf32>
      %add3A_712 = arith.addf %mul3A_707, %mul3A_711 : vector<16xf32>
      %swap3A_713 = arith.index_cast %scan3A_90 : i32 to index
      %swap3A_714 = arith.constant 816 : index
      %swap3A_715 = tpu.vector_load %arg14[%swap3A_713, %swap3A_714] {strides = array<i32>} : memref<16x1024xf32, #tpu.memory_space<vmem>>, vector<16xf32>,
      tpu.vector_store %arg14[%swap3A_713, %swap3A_714], %add3A_712 {strides = array<i32>} : memref<16x1024xf32, #tpu.memory_space<vmem>>, vector<16xf32>,
      %get3A_716 = arith.index_cast %scan3A_90 : i32 to index
      %get3A_717 = arith.constant 832 : index
      %get3A_718 = tpu.vector_load %arg12[%get3A_716, %get3A_717] {strides = array<i32>} : memref<16x1024xf32, #tpu.memory_space<vmem>>, vector<16xf32>,
      %mul3A_719 = arith.mulf %gather3A, %get3A_718 : vector<16xf32>
      %get3A_720 = arith.index_cast %scan3A_90 : i32 to index
      %get3A_721 = arith.constant 832 : index
      %get3A_722 = tpu.vector_load %arg13[%get3A_720, %get3A_721] {strides = array<i32>} : memref<16x1024xf32, #tpu.memory_space<vmem>>, vector<16xf32>,
      %mul3A_723 = arith.mulf %gather3A_93, %get3A_722 : vector<16xf32>
      %add3A_724 = arith.addf %mul3A_719, %mul3A_723 : vector<16xf32>
      %swap3A_725 = arith.index_cast %scan3A_90 : i32 to index
      %swap3A_726 = arith.constant 832 : index
      %swap3A_727 = tpu.vector_load %arg14[%swap3A_725, %swap3A_726] {strides = array<i32>} : memref<16x1024xf32, #tpu.memory_space<vmem>>, vector<16xf32>,
      tpu.vector_store %arg14[%swap3A_725, %swap3A_726], %add3A_724 {strides = array<i32>} : memref<16x1024xf32, #tpu.memory_space<vmem>>, vector<16xf32>,
      %get3A_728 = arith.index_cast %scan3A_90 : i32 to index
      %get3A_729 = arith.constant 848 : index
      %get3A_730 = tpu.vector_load %arg12[%get3A_728, %get3A_729] {strides = array<i32>} : memref<16x1024xf32, #tpu.memory_space<vmem>>, vector<16xf32>,
      %mul3A_731 = arith.mulf %gather3A, %get3A_730 : vector<16xf32>
      %get3A_732 = arith.index_cast %scan3A_90 : i32 to index
      %get3A_733 = arith.constant 848 : index
      %get3A_734 = tpu.vector_load %arg13[%get3A_732, %get3A_733] {strides = array<i32>} : memref<16x1024xf32, #tpu.memory_space<vmem>>, vector<16xf32>,
      %mul3A_735 = arith.mulf %gather3A_93, %get3A_734 : vector<16xf32>
      %add3A_736 = arith.addf %mul3A_731, %mul3A_735 : vector<16xf32>
      %swap3A_737 = arith.index_cast %scan3A_90 : i32 to index
      %swap3A_738 = arith.constant 848 : index
      %swap3A_739 = tpu.vector_load %arg14[%swap3A_737, %swap3A_738] {strides = array<i32>} : memref<16x1024xf32, #tpu.memory_space<vmem>>, vector<16xf32>,
      tpu.vector_store %arg14[%swap3A_737, %swap3A_738], %add3A_736 {strides = array<i32>} : memref<16x1024xf32, #tpu.memory_space<vmem>>, vector<16xf32>,
      %get3A_740 = arith.index_cast %scan3A_90 : i32 to index
      %get3A_741 = arith.constant 864 : index
      %get3A_742 = tpu.vector_load %arg12[%get3A_740, %get3A_741] {strides = array<i32>} : memref<16x1024xf32, #tpu.memory_space<vmem>>, vector<16xf32>,
      %mul3A_743 = arith.mulf %gather3A, %get3A_742 : vector<16xf32>
      %get3A_744 = arith.index_cast %scan3A_90 : i32 to index
      %get3A_745 = arith.constant 864 : index
      %get3A_746 = tpu.vector_load %arg13[%get3A_744, %get3A_745] {strides = array<i32>} : memref<16x1024xf32, #tpu.memory_space<vmem>>, vector<16xf32>,
      %mul3A_747 = arith.mulf %gather3A_93, %get3A_746 : vector<16xf32>
      %add3A_748 = arith.addf %mul3A_743, %mul3A_747 : vector<16xf32>
      %swap3A_749 = arith.index_cast %scan3A_90 : i32 to index
      %swap3A_750 = arith.constant 864 : index
      %swap3A_751 = tpu.vector_load %arg14[%swap3A_749, %swap3A_750] {strides = array<i32>} : memref<16x1024xf32, #tpu.memory_space<vmem>>, vector<16xf32>,
      tpu.vector_store %arg14[%swap3A_749, %swap3A_750], %add3A_748 {strides = array<i32>} : memref<16x1024xf32, #tpu.memory_space<vmem>>, vector<16xf32>,
      %get3A_752 = arith.index_cast %scan3A_90 : i32 to index
      %get3A_753 = arith.constant 880 : index
      %get3A_754 = tpu.vector_load %arg12[%get3A_752, %get3A_753] {strides = array<i32>} : memref<16x1024xf32, #tpu.memory_space<vmem>>, vector<16xf32>,
      %mul3A_755 = arith.mulf %gather3A, %get3A_754 : vector<16xf32>
      %get3A_756 = arith.index_cast %scan3A_90 : i32 to index
      %get3A_757 = arith.constant 880 : index
      %get3A_758 = tpu.vector_load %arg13[%get3A_756, %get3A_757] {strides = array<i32>} : memref<16x1024xf32, #tpu.memory_space<vmem>>, vector<16xf32>,
      %mul3A_759 = arith.mulf %gather3A_93, %get3A_758 : vector<16xf32>
      %add3A_760 = arith.addf %mul3A_755, %mul3A_759 : vector<16xf32>
      %swap3A_761 = arith.index_cast %scan3A_90 : i32 to index
      %swap3A_762 = arith.constant 880 : index
      %swap3A_763 = tpu.vector_load %arg14[%swap3A_761, %swap3A_762] {strides = array<i32>} : memref<16x1024xf32, #tpu.memory_space<vmem>>, vector<16xf32>,
      tpu.vector_store %arg14[%swap3A_761, %swap3A_762], %add3A_760 {strides = array<i32>} : memref<16x1024xf32, #tpu.memory_space<vmem>>, vector<16xf32>,
      %get3A_764 = arith.index_cast %scan3A_90 : i32 to index
      %get3A_765 = arith.constant 896 : index
      %get3A_766 = tpu.vector_load %arg12[%get3A_764, %get3A_765] {strides = array<i32>} : memref<16x1024xf32, #tpu.memory_space<vmem>>, vector<16xf32>,
      %mul3A_767 = arith.mulf %gather3A, %get3A_766 : vector<16xf32>
      %get3A_768 = arith.index_cast %scan3A_90 : i32 to index
      %get3A_769 = arith.constant 896 : index
      %get3A_770 = tpu.vector_load %arg13[%get3A_768, %get3A_769] {strides = array<i32>} : memref<16x1024xf32, #tpu.memory_space<vmem>>, vector<16xf32>,
      %mul3A_771 = arith.mulf %gather3A_93, %get3A_770 : vector<16xf32>
      %add3A_772 = arith.addf %mul3A_767, %mul3A_771 : vector<16xf32>
      %swap3A_773 = arith.index_cast %scan3A_90 : i32 to index
      %swap3A_774 = arith.constant 896 : index
      %swap3A_775 = tpu.vector_load %arg14[%swap3A_773, %swap3A_774] {strides = array<i32>} : memref<16x1024xf32, #tpu.memory_space<vmem>>, vector<16xf32>,
      tpu.vector_store %arg14[%swap3A_773, %swap3A_774], %add3A_772 {strides = array<i32>} : memref<16x1024xf32, #tpu.memory_space<vmem>>, vector<16xf32>,
      %get3A_776 = arith.index_cast %scan3A_90 : i32 to index
      %get3A_777 = arith.constant 912 : index
      %get3A_778 = tpu.vector_load %arg12[%get3A_776, %get3A_777] {strides = array<i32>} : memref<16x1024xf32, #tpu.memory_space<vmem>>, vector<16xf32>,
      %mul3A_779 = arith.mulf %gather3A, %get3A_778 : vector<16xf32>
      %get3A_780 = arith.index_cast %scan3A_90 : i32 to index
      %get3A_781 = arith.constant 912 : index
      %get3A_782 = tpu.vector_load %arg13[%get3A_780, %get3A_781] {strides = array<i32>} : memref<16x1024xf32, #tpu.memory_space<vmem>>, vector<16xf32>,
      %mul3A_783 = arith.mulf %gather3A_93, %get3A_782 : vector<16xf32>
      %add3A_784 = arith.addf %mul3A_779, %mul3A_783 : vector<16xf32>
      %swap3A_785 = arith.index_cast %scan3A_90 : i32 to index
      %swap3A_786 = arith.constant 912 : index
      %swap3A_787 = tpu.vector_load %arg14[%swap3A_785, %swap3A_786] {strides = array<i32>} : memref<16x1024xf32, #tpu.memory_space<vmem>>, vector<16xf32>,
      tpu.vector_store %arg14[%swap3A_785, %swap3A_786], %add3A_784 {strides = array<i32>} : memref<16x1024xf32, #tpu.memory_space<vmem>>, vector<16xf32>,
      %get3A_788 = arith.index_cast %scan3A_90 : i32 to index
      %get3A_789 = arith.constant 928 : index
      %get3A_790 = tpu.vector_load %arg12[%get3A_788, %get3A_789] {strides = array<i32>} : memref<16x1024xf32, #tpu.memory_space<vmem>>, vector<16xf32>,
      %mul3A_791 = arith.mulf %gather3A, %get3A_790 : vector<16xf32>
      %get3A_792 = arith.index_cast %scan3A_90 : i32 to index
      %get3A_793 = arith.constant 928 : index
      %get3A_794 = tpu.vector_load %arg13[%get3A_792, %get3A_793] {strides = array<i32>} : memref<16x1024xf32, #tpu.memory_space<vmem>>, vector<16xf32>,
      %mul3A_795 = arith.mulf %gather3A_93, %get3A_794 : vector<16xf32>
      %add3A_796 = arith.addf %mul3A_791, %mul3A_795 : vector<16xf32>
      %swap3A_797 = arith.index_cast %scan3A_90 : i32 to index
      %swap3A_798 = arith.constant 928 : index
      %swap3A_799 = tpu.vector_load %arg14[%swap3A_797, %swap3A_798] {strides = array<i32>} : memref<16x1024xf32, #tpu.memory_space<vmem>>, vector<16xf32>,
      tpu.vector_store %arg14[%swap3A_797, %swap3A_798], %add3A_796 {strides = array<i32>} : memref<16x1024xf32, #tpu.memory_space<vmem>>, vector<16xf32>,
      %get3A_800 = arith.index_cast %scan3A_90 : i32 to index
      %get3A_801 = arith.constant 944 : index
      %get3A_802 = tpu.vector_load %arg12[%get3A_800, %get3A_801] {strides = array<i32>} : memref<16x1024xf32, #tpu.memory_space<vmem>>, vector<16xf32>,
      %mul3A_803 = arith.mulf %gather3A, %get3A_802 : vector<16xf32>
      %get3A_804 = arith.index_cast %scan3A_90 : i32 to index
      %get3A_805 = arith.constant 944 : index
      %get3A_806 = tpu.vector_load %arg13[%get3A_804, %get3A_805] {strides = array<i32>} : memref<16x1024xf32, #tpu.memory_space<vmem>>, vector<16xf32>,
      %mul3A_807 = arith.mulf %gather3A_93, %get3A_806 : vector<16xf32>
      %add3A_808 = arith.addf %mul3A_803, %mul3A_807 : vector<16xf32>
      %swap3A_809 = arith.index_cast %scan3A_90 : i32 to index
      %swap3A_810 = arith.constant 944 : index
      %swap3A_811 = tpu.vector_load %arg14[%swap3A_809, %swap3A_810] {strides = array<i32>} : memref<16x1024xf32, #tpu.memory_space<vmem>>, vector<16xf32>,
      tpu.vector_store %arg14[%swap3A_809, %swap3A_810], %add3A_808 {strides = array<i32>} : memref<16x1024xf32, #tpu.memory_space<vmem>>, vector<16xf32>,
      %get3A_812 = arith.index_cast %scan3A_90 : i32 to index
      %get3A_813 = arith.constant 960 : index
      %get3A_814 = tpu.vector_load %arg12[%get3A_812, %get3A_813] {strides = array<i32>} : memref<16x1024xf32, #tpu.memory_space<vmem>>, vector<16xf32>,
      %mul3A_815 = arith.mulf %gather3A, %get3A_814 : vector<16xf32>
      %get3A_816 = arith.index_cast %scan3A_90 : i32 to index
      %get3A_817 = arith.constant 960 : index
      %get3A_818 = tpu.vector_load %arg13[%get3A_816, %get3A_817] {strides = array<i32>} : memref<16x1024xf32, #tpu.memory_space<vmem>>, vector<16xf32>,
      %mul3A_819 = arith.mulf %gather3A_93, %get3A_818 : vector<16xf32>
      %add3A_820 = arith.addf %mul3A_815, %mul3A_819 : vector<16xf32>
      %swap3A_821 = arith.index_cast %scan3A_90 : i32 to index
      %swap3A_822 = arith.constant 960 : index
      %swap3A_823 = tpu.vector_load %arg14[%swap3A_821, %swap3A_822] {strides = array<i32>} : memref<16x1024xf32, #tpu.memory_space<vmem>>, vector<16xf32>,
      tpu.vector_store %arg14[%swap3A_821, %swap3A_822], %add3A_820 {strides = array<i32>} : memref<16x1024xf32, #tpu.memory_space<vmem>>, vector<16xf32>,
      %get3A_824 = arith.index_cast %scan3A_90 : i32 to index
      %get3A_825 = arith.constant 976 : index
      %get3A_826 = tpu.vector_load %arg12[%get3A_824, %get3A_825] {strides = array<i32>} : memref<16x1024xf32, #tpu.memory_space<vmem>>, vector<16xf32>,
      %mul3A_827 = arith.mulf %gather3A, %get3A_826 : vector<16xf32>
      %get3A_828 = arith.index_cast %scan3A_90 : i32 to index
      %get3A_829 = arith.constant 976 : index
      %get3A_830 = tpu.vector_load %arg13[%get3A_828, %get3A_829] {strides = array<i32>} : memref<16x1024xf32, #tpu.memory_space<vmem>>, vector<16xf32>,
      %mul3A_831 = arith.mulf %gather3A_93, %get3A_830 : vector<16xf32>
      %add3A_832 = arith.addf %mul3A_827, %mul3A_831 : vector<16xf32>
      %swap3A_833 = arith.index_cast %scan3A_90 : i32 to index
      %swap3A_834 = arith.constant 976 : index
      %swap3A_835 = tpu.vector_load %arg14[%swap3A_833, %swap3A_834] {strides = array<i32>} : memref<16x1024xf32, #tpu.memory_space<vmem>>, vector<16xf32>,
      tpu.vector_store %arg14[%swap3A_833, %swap3A_834], %add3A_832 {strides = array<i32>} : memref<16x1024xf32, #tpu.memory_space<vmem>>, vector<16xf32>,
      %get3A_836 = arith.index_cast %scan3A_90 : i32 to index
      %get3A_837 = arith.constant 992 : index
      %get3A_838 = tpu.vector_load %arg12[%get3A_836, %get3A_837] {strides = array<i32>} : memref<16x1024xf32, #tpu.memory_space<vmem>>, vector<16xf32>,
      %mul3A_839 = arith.mulf %gather3A, %get3A_838 : vector<16xf32>
      %get3A_840 = arith.index_cast %scan3A_90 : i32 to index
      %get3A_841 = arith.constant 992 : index
      %get3A_842 = tpu.vector_load %arg13[%get3A_840, %get3A_841] {strides = array<i32>} : memref<16x1024xf32, #tpu.memory_space<vmem>>, vector<16xf32>,
      %mul3A_843 = arith.mulf %gather3A_93, %get3A_842 : vector<16xf32>
      %add3A_844 = arith.addf %mul3A_839, %mul3A_843 : vector<16xf32>
      %swap3A_845 = arith.index_cast %scan3A_90 : i32 to index
      %swap3A_846 = arith.constant 992 : index
      %swap3A_847 = tpu.vector_load %arg14[%swap3A_845, %swap3A_846] {strides = array<i32>} : memref<16x1024xf32, #tpu.memory_space<vmem>>, vector<16xf32>,
      tpu.vector_store %arg14[%swap3A_845, %swap3A_846], %add3A_844 {strides = array<i32>} : memref<16x1024xf32, #tpu.memory_space<vmem>>, vector<16xf32>,
      %get3A_848 = arith.index_cast %scan3A_90 : i32 to index
      %get3A_849 = arith.constant 1008 : index
      %get3A_850 = tpu.vector_load %arg12[%get3A_848, %get3A_849] {strides = array<i32>} : memref<16x1024xf32, #tpu.memory_space<vmem>>, vector<16xf32>,
      %mul3A_851 = arith.mulf %gather3A, %get3A_850 : vector<16xf32>
      %get3A_852 = arith.index_cast %scan3A_90 : i32 to index
      %get3A_853 = arith.constant 1008 : index
      %get3A_854 = tpu.vector_load %arg13[%get3A_852, %get3A_853] {strides = array<i32>} : memref<16x1024xf32, #tpu.memory_space<vmem>>, vector<16xf32>,
      %mul3A_855 = arith.mulf %gather3A_93, %get3A_854 : vector<16xf32>
      %add3A_856 = arith.addf %mul3A_851, %mul3A_855 : vector<16xf32>
      %swap3A_857 = arith.index_cast %scan3A_90 : i32 to index
      %swap3A_858 = arith.constant 1008 : index
      %swap3A_859 = tpu.vector_load %arg14[%swap3A_857, %swap3A_858] {strides = array<i32>} : memref<16x1024xf32, #tpu.memory_space<vmem>>, vector<16xf32>,
      tpu.vector_store %arg14[%swap3A_857, %swap3A_858], %add3A_856 {strides = array<i32>} : memref<16x1024xf32, #tpu.memory_space<vmem>>, vector<16xf32>,
      %scan3A_860 = arith.constant 0 : i32
      scf.yield %scan3A_860 : i32
    }
    %scan3A_66 = arith.constant 16 : i32
    "tpu.region"() ({
      %run_scoped3A = tpu.sem_alloc : memref<!tpu.dma_semaphore, #tpu.memory_space<semaphore_mem>>
      %dma_start3A_90 = arith.constant 0 : i32
      %dma_start3A_91 = tpu.memref_slice %arg7[%add3A_47, %dma_start3A_90] : memref<2048x1024xf32, #tpu.memory_space<hbm>> -> memref<16x1024xf32, #tpu.memory_space<hbm>>
      %dma_start3A_92 = arith.constant 0 : i32
      %dma_start3A_93 = tpu.memref_slice %arg7[%add3A_47, %dma_start3A_92] : memref<2048x1024xf32, #tpu.memory_space<hbm>> -> memref<16x1024xf32, #tpu.memory_space<hbm>>
      tpu.enqueue_dma source(%arg14 : memref<16x1024xf32, #tpu.memory_space<vmem>>) target(%dma_start3A_93 : memref<16x1024xf32, #tpu.memory_space<hbm>>) target_semaphore(%run_scoped3A : memref<!tpu.dma_semaphore, #tpu.memory_space<semaphore_mem>>)
      %dma_wait3A_94 = arith.constant 0 : i32
      %dma_wait3A_95 = tpu.memref_slice %arg7[%add3A_47, %dma_wait3A_94] : memref<2048x1024xf32, #tpu.memory_space<hbm>> -> memref<16x1024xf32, #tpu.memory_space<hbm>>
      %dma_wait3A_96 = arith.constant 0 : i32
      %dma_wait3A_97 = tpu.memref_slice %arg7[%add3A_47, %dma_wait3A_96] : memref<2048x1024xf32, #tpu.memory_space<hbm>> -> memref<16x1024xf32, #tpu.memory_space<hbm>>
      tpu.wait_dma2 semaphore(%run_scoped3A : memref<!tpu.dma_semaphore, #tpu.memory_space<semaphore_mem>>) src(%arg14 : memref<16x1024xf32, #tpu.memory_space<vmem>>) dst(%dma_wait3A_97 : memref<16x1024xf32, #tpu.memory_space<hbm>>)
      tpu.yield
    }) : () -> ()
    %mul3A_67 = arith.constant 64 : i32
    %mul3A_68 = arith.muli %add3A, %mul3A_67 : i32
    %add3A_69 = arith.constant 48 : i32
    %add3A_70 = arith.addi %mul3A_68, %add3A_69 : i32
    "tpu.region"() ({
      %run_scoped3A = tpu.sem_alloc : memref<!tpu.dma_semaphore, #tpu.memory_space<semaphore_mem>>
      %dma_start3A_90 = tpu.memref_slice %arg3[%add3A_70] : memref<2048xi32, #tpu.memory_space<hbm>> -> memref<16xi32, #tpu.memory_space<hbm>>
      %dma_start3A_91 = tpu.memref_slice %arg3[%add3A_70] : memref<2048xi32, #tpu.memory_space<hbm>> -> memref<16xi32, #tpu.memory_space<hbm>>
      tpu.enqueue_dma source(%dma_start3A_91 : memref<16xi32, #tpu.memory_space<hbm>>) target(%arg8 : memref<16xi32, #tpu.memory_space<vmem>>) target_semaphore(%run_scoped3A : memref<!tpu.dma_semaphore, #tpu.memory_space<semaphore_mem>>)
      %dma_wait3A_92 = tpu.memref_slice %arg3[%add3A_70] : memref<2048xi32, #tpu.memory_space<hbm>> -> memref<16xi32, #tpu.memory_space<hbm>>
      %dma_wait3A_93 = tpu.memref_slice %arg3[%add3A_70] : memref<2048xi32, #tpu.memory_space<hbm>> -> memref<16xi32, #tpu.memory_space<hbm>>
      tpu.wait_dma2 semaphore(%run_scoped3A : memref<!tpu.dma_semaphore, #tpu.memory_space<semaphore_mem>>) src(%dma_wait3A_93 : memref<16xi32, #tpu.memory_space<hbm>>) dst(%arg8 : memref<16xi32, #tpu.memory_space<vmem>>)
      tpu.yield
    }) : () -> ()
    "tpu.region"() ({
      %run_scoped3A = tpu.sem_alloc : memref<!tpu.dma_semaphore, #tpu.memory_space<semaphore_mem>>
      %dma_start3A_90 = tpu.memref_slice %arg4[%add3A_70] : memref<2048xi32, #tpu.memory_space<hbm>> -> memref<16xi32, #tpu.memory_space<hbm>>
      %dma_start3A_91 = tpu.memref_slice %arg4[%add3A_70] : memref<2048xi32, #tpu.memory_space<hbm>> -> memref<16xi32, #tpu.memory_space<hbm>>
      tpu.enqueue_dma source(%dma_start3A_91 : memref<16xi32, #tpu.memory_space<hbm>>) target(%arg9 : memref<16xi32, #tpu.memory_space<vmem>>) target_semaphore(%run_scoped3A : memref<!tpu.dma_semaphore, #tpu.memory_space<semaphore_mem>>)
      %dma_wait3A_92 = tpu.memref_slice %arg4[%add3A_70] : memref<2048xi32, #tpu.memory_space<hbm>> -> memref<16xi32, #tpu.memory_space<hbm>>
      %dma_wait3A_93 = tpu.memref_slice %arg4[%add3A_70] : memref<2048xi32, #tpu.memory_space<hbm>> -> memref<16xi32, #tpu.memory_space<hbm>>
      tpu.wait_dma2 semaphore(%run_scoped3A : memref<!tpu.dma_semaphore, #tpu.memory_space<semaphore_mem>>) src(%dma_wait3A_93 : memref<16xi32, #tpu.memory_space<hbm>>) dst(%arg9 : memref<16xi32, #tpu.memory_space<vmem>>)
      tpu.yield
    }) : () -> ()
    "tpu.region"() ({
      %run_scoped3A = tpu.sem_alloc : memref<!tpu.dma_semaphore, #tpu.memory_space<semaphore_mem>>
      %dma_start3A_90 = tpu.memref_slice %arg5[%add3A_70] : memref<2048xf32, #tpu.memory_space<hbm>> -> memref<16xf32, #tpu.memory_space<hbm>>
      %dma_start3A_91 = tpu.memref_slice %arg5[%add3A_70] : memref<2048xf32, #tpu.memory_space<hbm>> -> memref<16xf32, #tpu.memory_space<hbm>>
      tpu.enqueue_dma source(%dma_start3A_91 : memref<16xf32, #tpu.memory_space<hbm>>) target(%arg10 : memref<16xf32, #tpu.memory_space<vmem>>) target_semaphore(%run_scoped3A : memref<!tpu.dma_semaphore, #tpu.memory_space<semaphore_mem>>)
      %dma_wait3A_92 = tpu.memref_slice %arg5[%add3A_70] : memref<2048xf32, #tpu.memory_space<hbm>> -> memref<16xf32, #tpu.memory_space<hbm>>
      %dma_wait3A_93 = tpu.memref_slice %arg5[%add3A_70] : memref<2048xf32, #tpu.memory_space<hbm>> -> memref<16xf32, #tpu.memory_space<hbm>>
      tpu.wait_dma2 semaphore(%run_scoped3A : memref<!tpu.dma_semaphore, #tpu.memory_space<semaphore_mem>>) src(%dma_wait3A_93 : memref<16xf32, #tpu.memory_space<hbm>>) dst(%arg10 : memref<16xf32, #tpu.memory_space<vmem>>)
      tpu.yield
    }) : () -> ()
    "tpu.region"() ({
      %run_scoped3A = tpu.sem_alloc : memref<!tpu.dma_semaphore, #tpu.memory_space<semaphore_mem>>
      %dma_start3A_90 = tpu.memref_slice %arg6[%add3A_70] : memref<2048xf32, #tpu.memory_space<hbm>> -> memref<16xf32, #tpu.memory_space<hbm>>
      %dma_start3A_91 = tpu.memref_slice %arg6[%add3A_70] : memref<2048xf32, #tpu.memory_space<hbm>> -> memref<16xf32, #tpu.memory_space<hbm>>
      tpu.enqueue_dma source(%dma_start3A_91 : memref<16xf32, #tpu.memory_space<hbm>>) target(%arg11 : memref<16xf32, #tpu.memory_space<vmem>>) target_semaphore(%run_scoped3A : memref<!tpu.dma_semaphore, #tpu.memory_space<semaphore_mem>>)
      %dma_wait3A_92 = tpu.memref_slice %arg6[%add3A_70] : memref<2048xf32, #tpu.memory_space<hbm>> -> memref<16xf32, #tpu.memory_space<hbm>>
      %dma_wait3A_93 = tpu.memref_slice %arg6[%add3A_70] : memref<2048xf32, #tpu.memory_space<hbm>> -> memref<16xf32, #tpu.memory_space<hbm>>
      tpu.wait_dma2 semaphore(%run_scoped3A : memref<!tpu.dma_semaphore, #tpu.memory_space<semaphore_mem>>) src(%dma_wait3A_93 : memref<16xf32, #tpu.memory_space<hbm>>) dst(%arg11 : memref<16xf32, #tpu.memory_space<vmem>>)
      tpu.yield
    }) : () -> ()
    %dma_start3A_71 = arith.constant 0 : i32
    %dma_start3A_72 = arith.constant 0 : i32
    %dma_start3A_73 = tpu.memref_slice %arg2[%dma_start3A_71, %dma_start3A_72] : memref<4096x1024xf32, #tpu.memory_space<hbm>> -> memref<4096x1024xf32, #tpu.memory_space<hbm>>
    tpu.enqueue_indirect_dma source(%dma_start3A_73 : memref<4096x1024xf32, #tpu.memory_space<hbm>>) target(%arg12 : memref<16x1024xf32, #tpu.memory_space<vmem>>) offsets(%arg8 : memref<16xi32, #tpu.memory_space<vmem>>) semaphore(%arg15 : memref<!tpu.dma_semaphore, #tpu.memory_space<semaphore_mem>>)
    %dma_start3A_74 = arith.constant 0 : i32
    %dma_start3A_75 = arith.constant 0 : i32
    %dma_start3A_76 = tpu.memref_slice %arg2[%dma_start3A_74, %dma_start3A_75] : memref<4096x1024xf32, #tpu.memory_space<hbm>> -> memref<4096x1024xf32, #tpu.memory_space<hbm>>
    tpu.enqueue_indirect_dma source(%dma_start3A_76 : memref<4096x1024xf32, #tpu.memory_space<hbm>>) target(%arg13 : memref<16x1024xf32, #tpu.memory_space<vmem>>) offsets(%arg9 : memref<16xi32, #tpu.memory_space<vmem>>) semaphore(%arg16 : memref<!tpu.dma_semaphore, #tpu.memory_space<semaphore_mem>>)
    %dma_wait3A_77 = arith.constant 0 : i32
    %dma_wait3A_78 = arith.constant 0 : i32
    %dma_wait3A_79 = tpu.memref_slice %arg2[%dma_wait3A_77, %dma_wait3A_78] : memref<4096x1024xf32, #tpu.memory_space<hbm>> -> memref<4096x1024xf32, #tpu.memory_space<hbm>>
    tpu.wait_indirect_dma semaphore(%arg15 : memref<!tpu.dma_semaphore, #tpu.memory_space<semaphore_mem>>) src(%dma_wait3A_79 : memref<4096x1024xf32, #tpu.memory_space<hbm>>) dst(%arg12 : memref<16x1024xf32, #tpu.memory_space<vmem>>)
    %dma_wait3A_80 = arith.constant 0 : i32
    %dma_wait3A_81 = arith.constant 0 : i32
    %dma_wait3A_82 = tpu.memref_slice %arg2[%dma_wait3A_80, %dma_wait3A_81] : memref<4096x1024xf32, #tpu.memory_space<hbm>> -> memref<4096x1024xf32, #tpu.memory_space<hbm>>
    tpu.wait_indirect_dma semaphore(%arg16 : memref<!tpu.dma_semaphore, #tpu.memory_space<semaphore_mem>>) src(%dma_wait3A_82 : memref<4096x1024xf32, #tpu.memory_space<hbm>>) dst(%arg13 : memref<16x1024xf32, #tpu.memory_space<vmem>>)
    %scan3A_83 = arith.constant 0 : i32
    %scan3A_84 = arith.constant 0 : i32
    %scan3A_85 = arith.constant 16 : i32
    %scan3A_86 = arith.addi %scan3A_84, %scan3A_85 : i32
    %scan3A_87 = arith.constant 1 : i32
    %scan3A_88 = scf.for %scan3A_90 = %scan3A_84 to %scan3A_86 step %scan3A_87 iter_args(%scan3A_91 = %scan3A_83) -> (i32)  : i32 {
      %broadcast_in_dim3A = vector.broadcast %scan3A_90 : i32 to vector<16xi32>
      %gather3A = tpu.vector_load_idx %arg10[%broadcast_in_dim3A] : memref<16xf32, #tpu.memory_space<vmem>>[vector<16xi32>], vector<16xf32>,
      %broadcast_in_dim3A_92 = vector.broadcast %scan3A_90 : i32 to vector<16xi32>
      %gather3A_93 = tpu.vector_load_idx %arg11[%broadcast_in_dim3A_92] : memref<16xf32, #tpu.memory_space<vmem>>[vector<16xi32>], vector<16xf32>,
      %get3A = arith.index_cast %scan3A_90 : i32 to index
      %get3A_94 = arith.constant 0 : index
      %get3A_95 = tpu.vector_load %arg12[%get3A, %get3A_94] {strides = array<i32>} : memref<16x1024xf32, #tpu.memory_space<vmem>>, vector<16xf32>,
      %mul3A_96 = arith.mulf %gather3A, %get3A_95 : vector<16xf32>
      %get3A_97 = arith.index_cast %scan3A_90 : i32 to index
      %get3A_98 = arith.constant 0 : index
      %get3A_99 = tpu.vector_load %arg13[%get3A_97, %get3A_98] {strides = array<i32>} : memref<16x1024xf32, #tpu.memory_space<vmem>>, vector<16xf32>,
      %mul3A_100 = arith.mulf %gather3A_93, %get3A_99 : vector<16xf32>
      %add3A_101 = arith.addf %mul3A_96, %mul3A_100 : vector<16xf32>
      %swap3A = arith.index_cast %scan3A_90 : i32 to index
      %swap3A_102 = arith.constant 0 : index
      %swap3A_103 = tpu.vector_load %arg14[%swap3A, %swap3A_102] {strides = array<i32>} : memref<16x1024xf32, #tpu.memory_space<vmem>>, vector<16xf32>,
      tpu.vector_store %arg14[%swap3A, %swap3A_102], %add3A_101 {strides = array<i32>} : memref<16x1024xf32, #tpu.memory_space<vmem>>, vector<16xf32>,
      %get3A_104 = arith.index_cast %scan3A_90 : i32 to index
      %get3A_105 = arith.constant 16 : index
      %get3A_106 = tpu.vector_load %arg12[%get3A_104, %get3A_105] {strides = array<i32>} : memref<16x1024xf32, #tpu.memory_space<vmem>>, vector<16xf32>,
      %mul3A_107 = arith.mulf %gather3A, %get3A_106 : vector<16xf32>
      %get3A_108 = arith.index_cast %scan3A_90 : i32 to index
      %get3A_109 = arith.constant 16 : index
      %get3A_110 = tpu.vector_load %arg13[%get3A_108, %get3A_109] {strides = array<i32>} : memref<16x1024xf32, #tpu.memory_space<vmem>>, vector<16xf32>,
      %mul3A_111 = arith.mulf %gather3A_93, %get3A_110 : vector<16xf32>
      %add3A_112 = arith.addf %mul3A_107, %mul3A_111 : vector<16xf32>
      %swap3A_113 = arith.index_cast %scan3A_90 : i32 to index
      %swap3A_114 = arith.constant 16 : index
      %swap3A_115 = tpu.vector_load %arg14[%swap3A_113, %swap3A_114] {strides = array<i32>} : memref<16x1024xf32, #tpu.memory_space<vmem>>, vector<16xf32>,
      tpu.vector_store %arg14[%swap3A_113, %swap3A_114], %add3A_112 {strides = array<i32>} : memref<16x1024xf32, #tpu.memory_space<vmem>>, vector<16xf32>,
      %get3A_116 = arith.index_cast %scan3A_90 : i32 to index
      %get3A_117 = arith.constant 32 : index
      %get3A_118 = tpu.vector_load %arg12[%get3A_116, %get3A_117] {strides = array<i32>} : memref<16x1024xf32, #tpu.memory_space<vmem>>, vector<16xf32>,
      %mul3A_119 = arith.mulf %gather3A, %get3A_118 : vector<16xf32>
      %get3A_120 = arith.index_cast %scan3A_90 : i32 to index
      %get3A_121 = arith.constant 32 : index
      %get3A_122 = tpu.vector_load %arg13[%get3A_120, %get3A_121] {strides = array<i32>} : memref<16x1024xf32, #tpu.memory_space<vmem>>, vector<16xf32>,
      %mul3A_123 = arith.mulf %gather3A_93, %get3A_122 : vector<16xf32>
      %add3A_124 = arith.addf %mul3A_119, %mul3A_123 : vector<16xf32>
      %swap3A_125 = arith.index_cast %scan3A_90 : i32 to index
      %swap3A_126 = arith.constant 32 : index
      %swap3A_127 = tpu.vector_load %arg14[%swap3A_125, %swap3A_126] {strides = array<i32>} : memref<16x1024xf32, #tpu.memory_space<vmem>>, vector<16xf32>,
      tpu.vector_store %arg14[%swap3A_125, %swap3A_126], %add3A_124 {strides = array<i32>} : memref<16x1024xf32, #tpu.memory_space<vmem>>, vector<16xf32>,
      %get3A_128 = arith.index_cast %scan3A_90 : i32 to index
      %get3A_129 = arith.constant 48 : index
      %get3A_130 = tpu.vector_load %arg12[%get3A_128, %get3A_129] {strides = array<i32>} : memref<16x1024xf32, #tpu.memory_space<vmem>>, vector<16xf32>,
      %mul3A_131 = arith.mulf %gather3A, %get3A_130 : vector<16xf32>
      %get3A_132 = arith.index_cast %scan3A_90 : i32 to index
      %get3A_133 = arith.constant 48 : index
      %get3A_134 = tpu.vector_load %arg13[%get3A_132, %get3A_133] {strides = array<i32>} : memref<16x1024xf32, #tpu.memory_space<vmem>>, vector<16xf32>,
      %mul3A_135 = arith.mulf %gather3A_93, %get3A_134 : vector<16xf32>
      %add3A_136 = arith.addf %mul3A_131, %mul3A_135 : vector<16xf32>
      %swap3A_137 = arith.index_cast %scan3A_90 : i32 to index
      %swap3A_138 = arith.constant 48 : index
      %swap3A_139 = tpu.vector_load %arg14[%swap3A_137, %swap3A_138] {strides = array<i32>} : memref<16x1024xf32, #tpu.memory_space<vmem>>, vector<16xf32>,
      tpu.vector_store %arg14[%swap3A_137, %swap3A_138], %add3A_136 {strides = array<i32>} : memref<16x1024xf32, #tpu.memory_space<vmem>>, vector<16xf32>,
      %get3A_140 = arith.index_cast %scan3A_90 : i32 to index
      %get3A_141 = arith.constant 64 : index
      %get3A_142 = tpu.vector_load %arg12[%get3A_140, %get3A_141] {strides = array<i32>} : memref<16x1024xf32, #tpu.memory_space<vmem>>, vector<16xf32>,
      %mul3A_143 = arith.mulf %gather3A, %get3A_142 : vector<16xf32>
      %get3A_144 = arith.index_cast %scan3A_90 : i32 to index
      %get3A_145 = arith.constant 64 : index
      %get3A_146 = tpu.vector_load %arg13[%get3A_144, %get3A_145] {strides = array<i32>} : memref<16x1024xf32, #tpu.memory_space<vmem>>, vector<16xf32>,
      %mul3A_147 = arith.mulf %gather3A_93, %get3A_146 : vector<16xf32>
      %add3A_148 = arith.addf %mul3A_143, %mul3A_147 : vector<16xf32>
      %swap3A_149 = arith.index_cast %scan3A_90 : i32 to index
      %swap3A_150 = arith.constant 64 : index
      %swap3A_151 = tpu.vector_load %arg14[%swap3A_149, %swap3A_150] {strides = array<i32>} : memref<16x1024xf32, #tpu.memory_space<vmem>>, vector<16xf32>,
      tpu.vector_store %arg14[%swap3A_149, %swap3A_150], %add3A_148 {strides = array<i32>} : memref<16x1024xf32, #tpu.memory_space<vmem>>, vector<16xf32>,
      %get3A_152 = arith.index_cast %scan3A_90 : i32 to index
      %get3A_153 = arith.constant 80 : index
      %get3A_154 = tpu.vector_load %arg12[%get3A_152, %get3A_153] {strides = array<i32>} : memref<16x1024xf32, #tpu.memory_space<vmem>>, vector<16xf32>,
      %mul3A_155 = arith.mulf %gather3A, %get3A_154 : vector<16xf32>
      %get3A_156 = arith.index_cast %scan3A_90 : i32 to index
      %get3A_157 = arith.constant 80 : index
      %get3A_158 = tpu.vector_load %arg13[%get3A_156, %get3A_157] {strides = array<i32>} : memref<16x1024xf32, #tpu.memory_space<vmem>>, vector<16xf32>,
      %mul3A_159 = arith.mulf %gather3A_93, %get3A_158 : vector<16xf32>
      %add3A_160 = arith.addf %mul3A_155, %mul3A_159 : vector<16xf32>
      %swap3A_161 = arith.index_cast %scan3A_90 : i32 to index
      %swap3A_162 = arith.constant 80 : index
      %swap3A_163 = tpu.vector_load %arg14[%swap3A_161, %swap3A_162] {strides = array<i32>} : memref<16x1024xf32, #tpu.memory_space<vmem>>, vector<16xf32>,
      tpu.vector_store %arg14[%swap3A_161, %swap3A_162], %add3A_160 {strides = array<i32>} : memref<16x1024xf32, #tpu.memory_space<vmem>>, vector<16xf32>,
      %get3A_164 = arith.index_cast %scan3A_90 : i32 to index
      %get3A_165 = arith.constant 96 : index
      %get3A_166 = tpu.vector_load %arg12[%get3A_164, %get3A_165] {strides = array<i32>} : memref<16x1024xf32, #tpu.memory_space<vmem>>, vector<16xf32>,
      %mul3A_167 = arith.mulf %gather3A, %get3A_166 : vector<16xf32>
      %get3A_168 = arith.index_cast %scan3A_90 : i32 to index
      %get3A_169 = arith.constant 96 : index
      %get3A_170 = tpu.vector_load %arg13[%get3A_168, %get3A_169] {strides = array<i32>} : memref<16x1024xf32, #tpu.memory_space<vmem>>, vector<16xf32>,
      %mul3A_171 = arith.mulf %gather3A_93, %get3A_170 : vector<16xf32>
      %add3A_172 = arith.addf %mul3A_167, %mul3A_171 : vector<16xf32>
      %swap3A_173 = arith.index_cast %scan3A_90 : i32 to index
      %swap3A_174 = arith.constant 96 : index
      %swap3A_175 = tpu.vector_load %arg14[%swap3A_173, %swap3A_174] {strides = array<i32>} : memref<16x1024xf32, #tpu.memory_space<vmem>>, vector<16xf32>,
      tpu.vector_store %arg14[%swap3A_173, %swap3A_174], %add3A_172 {strides = array<i32>} : memref<16x1024xf32, #tpu.memory_space<vmem>>, vector<16xf32>,
      %get3A_176 = arith.index_cast %scan3A_90 : i32 to index
      %get3A_177 = arith.constant 112 : index
      %get3A_178 = tpu.vector_load %arg12[%get3A_176, %get3A_177] {strides = array<i32>} : memref<16x1024xf32, #tpu.memory_space<vmem>>, vector<16xf32>,
      %mul3A_179 = arith.mulf %gather3A, %get3A_178 : vector<16xf32>
      %get3A_180 = arith.index_cast %scan3A_90 : i32 to index
      %get3A_181 = arith.constant 112 : index
      %get3A_182 = tpu.vector_load %arg13[%get3A_180, %get3A_181] {strides = array<i32>} : memref<16x1024xf32, #tpu.memory_space<vmem>>, vector<16xf32>,
      %mul3A_183 = arith.mulf %gather3A_93, %get3A_182 : vector<16xf32>
      %add3A_184 = arith.addf %mul3A_179, %mul3A_183 : vector<16xf32>
      %swap3A_185 = arith.index_cast %scan3A_90 : i32 to index
      %swap3A_186 = arith.constant 112 : index
      %swap3A_187 = tpu.vector_load %arg14[%swap3A_185, %swap3A_186] {strides = array<i32>} : memref<16x1024xf32, #tpu.memory_space<vmem>>, vector<16xf32>,
      tpu.vector_store %arg14[%swap3A_185, %swap3A_186], %add3A_184 {strides = array<i32>} : memref<16x1024xf32, #tpu.memory_space<vmem>>, vector<16xf32>,
      %get3A_188 = arith.index_cast %scan3A_90 : i32 to index
      %get3A_189 = arith.constant 128 : index
      %get3A_190 = tpu.vector_load %arg12[%get3A_188, %get3A_189] {strides = array<i32>} : memref<16x1024xf32, #tpu.memory_space<vmem>>, vector<16xf32>,
      %mul3A_191 = arith.mulf %gather3A, %get3A_190 : vector<16xf32>
      %get3A_192 = arith.index_cast %scan3A_90 : i32 to index
      %get3A_193 = arith.constant 128 : index
      %get3A_194 = tpu.vector_load %arg13[%get3A_192, %get3A_193] {strides = array<i32>} : memref<16x1024xf32, #tpu.memory_space<vmem>>, vector<16xf32>,
      %mul3A_195 = arith.mulf %gather3A_93, %get3A_194 : vector<16xf32>
      %add3A_196 = arith.addf %mul3A_191, %mul3A_195 : vector<16xf32>
      %swap3A_197 = arith.index_cast %scan3A_90 : i32 to index
      %swap3A_198 = arith.constant 128 : index
      %swap3A_199 = tpu.vector_load %arg14[%swap3A_197, %swap3A_198] {strides = array<i32>} : memref<16x1024xf32, #tpu.memory_space<vmem>>, vector<16xf32>,
      tpu.vector_store %arg14[%swap3A_197, %swap3A_198], %add3A_196 {strides = array<i32>} : memref<16x1024xf32, #tpu.memory_space<vmem>>, vector<16xf32>,
      %get3A_200 = arith.index_cast %scan3A_90 : i32 to index
      %get3A_201 = arith.constant 144 : index
      %get3A_202 = tpu.vector_load %arg12[%get3A_200, %get3A_201] {strides = array<i32>} : memref<16x1024xf32, #tpu.memory_space<vmem>>, vector<16xf32>,
      %mul3A_203 = arith.mulf %gather3A, %get3A_202 : vector<16xf32>
      %get3A_204 = arith.index_cast %scan3A_90 : i32 to index
      %get3A_205 = arith.constant 144 : index
      %get3A_206 = tpu.vector_load %arg13[%get3A_204, %get3A_205] {strides = array<i32>} : memref<16x1024xf32, #tpu.memory_space<vmem>>, vector<16xf32>,
      %mul3A_207 = arith.mulf %gather3A_93, %get3A_206 : vector<16xf32>
      %add3A_208 = arith.addf %mul3A_203, %mul3A_207 : vector<16xf32>
      %swap3A_209 = arith.index_cast %scan3A_90 : i32 to index
      %swap3A_210 = arith.constant 144 : index
      %swap3A_211 = tpu.vector_load %arg14[%swap3A_209, %swap3A_210] {strides = array<i32>} : memref<16x1024xf32, #tpu.memory_space<vmem>>, vector<16xf32>,
      tpu.vector_store %arg14[%swap3A_209, %swap3A_210], %add3A_208 {strides = array<i32>} : memref<16x1024xf32, #tpu.memory_space<vmem>>, vector<16xf32>,
      %get3A_212 = arith.index_cast %scan3A_90 : i32 to index
      %get3A_213 = arith.constant 160 : index
      %get3A_214 = tpu.vector_load %arg12[%get3A_212, %get3A_213] {strides = array<i32>} : memref<16x1024xf32, #tpu.memory_space<vmem>>, vector<16xf32>,
      %mul3A_215 = arith.mulf %gather3A, %get3A_214 : vector<16xf32>
      %get3A_216 = arith.index_cast %scan3A_90 : i32 to index
      %get3A_217 = arith.constant 160 : index
      %get3A_218 = tpu.vector_load %arg13[%get3A_216, %get3A_217] {strides = array<i32>} : memref<16x1024xf32, #tpu.memory_space<vmem>>, vector<16xf32>,
      %mul3A_219 = arith.mulf %gather3A_93, %get3A_218 : vector<16xf32>
      %add3A_220 = arith.addf %mul3A_215, %mul3A_219 : vector<16xf32>
      %swap3A_221 = arith.index_cast %scan3A_90 : i32 to index
      %swap3A_222 = arith.constant 160 : index
      %swap3A_223 = tpu.vector_load %arg14[%swap3A_221, %swap3A_222] {strides = array<i32>} : memref<16x1024xf32, #tpu.memory_space<vmem>>, vector<16xf32>,
      tpu.vector_store %arg14[%swap3A_221, %swap3A_222], %add3A_220 {strides = array<i32>} : memref<16x1024xf32, #tpu.memory_space<vmem>>, vector<16xf32>,
      %get3A_224 = arith.index_cast %scan3A_90 : i32 to index
      %get3A_225 = arith.constant 176 : index
      %get3A_226 = tpu.vector_load %arg12[%get3A_224, %get3A_225] {strides = array<i32>} : memref<16x1024xf32, #tpu.memory_space<vmem>>, vector<16xf32>,
      %mul3A_227 = arith.mulf %gather3A, %get3A_226 : vector<16xf32>
      %get3A_228 = arith.index_cast %scan3A_90 : i32 to index
      %get3A_229 = arith.constant 176 : index
      %get3A_230 = tpu.vector_load %arg13[%get3A_228, %get3A_229] {strides = array<i32>} : memref<16x1024xf32, #tpu.memory_space<vmem>>, vector<16xf32>,
      %mul3A_231 = arith.mulf %gather3A_93, %get3A_230 : vector<16xf32>
      %add3A_232 = arith.addf %mul3A_227, %mul3A_231 : vector<16xf32>
      %swap3A_233 = arith.index_cast %scan3A_90 : i32 to index
      %swap3A_234 = arith.constant 176 : index
      %swap3A_235 = tpu.vector_load %arg14[%swap3A_233, %swap3A_234] {strides = array<i32>} : memref<16x1024xf32, #tpu.memory_space<vmem>>, vector<16xf32>,
      tpu.vector_store %arg14[%swap3A_233, %swap3A_234], %add3A_232 {strides = array<i32>} : memref<16x1024xf32, #tpu.memory_space<vmem>>, vector<16xf32>,
      %get3A_236 = arith.index_cast %scan3A_90 : i32 to index
      %get3A_237 = arith.constant 192 : index
      %get3A_238 = tpu.vector_load %arg12[%get3A_236, %get3A_237] {strides = array<i32>} : memref<16x1024xf32, #tpu.memory_space<vmem>>, vector<16xf32>,
      %mul3A_239 = arith.mulf %gather3A, %get3A_238 : vector<16xf32>
      %get3A_240 = arith.index_cast %scan3A_90 : i32 to index
      %get3A_241 = arith.constant 192 : index
      %get3A_242 = tpu.vector_load %arg13[%get3A_240, %get3A_241] {strides = array<i32>} : memref<16x1024xf32, #tpu.memory_space<vmem>>, vector<16xf32>,
      %mul3A_243 = arith.mulf %gather3A_93, %get3A_242 : vector<16xf32>
      %add3A_244 = arith.addf %mul3A_239, %mul3A_243 : vector<16xf32>
      %swap3A_245 = arith.index_cast %scan3A_90 : i32 to index
      %swap3A_246 = arith.constant 192 : index
      %swap3A_247 = tpu.vector_load %arg14[%swap3A_245, %swap3A_246] {strides = array<i32>} : memref<16x1024xf32, #tpu.memory_space<vmem>>, vector<16xf32>,
      tpu.vector_store %arg14[%swap3A_245, %swap3A_246], %add3A_244 {strides = array<i32>} : memref<16x1024xf32, #tpu.memory_space<vmem>>, vector<16xf32>,
      %get3A_248 = arith.index_cast %scan3A_90 : i32 to index
      %get3A_249 = arith.constant 208 : index
      %get3A_250 = tpu.vector_load %arg12[%get3A_248, %get3A_249] {strides = array<i32>} : memref<16x1024xf32, #tpu.memory_space<vmem>>, vector<16xf32>,
      %mul3A_251 = arith.mulf %gather3A, %get3A_250 : vector<16xf32>
      %get3A_252 = arith.index_cast %scan3A_90 : i32 to index
      %get3A_253 = arith.constant 208 : index
      %get3A_254 = tpu.vector_load %arg13[%get3A_252, %get3A_253] {strides = array<i32>} : memref<16x1024xf32, #tpu.memory_space<vmem>>, vector<16xf32>,
      %mul3A_255 = arith.mulf %gather3A_93, %get3A_254 : vector<16xf32>
      %add3A_256 = arith.addf %mul3A_251, %mul3A_255 : vector<16xf32>
      %swap3A_257 = arith.index_cast %scan3A_90 : i32 to index
      %swap3A_258 = arith.constant 208 : index
      %swap3A_259 = tpu.vector_load %arg14[%swap3A_257, %swap3A_258] {strides = array<i32>} : memref<16x1024xf32, #tpu.memory_space<vmem>>, vector<16xf32>,
      tpu.vector_store %arg14[%swap3A_257, %swap3A_258], %add3A_256 {strides = array<i32>} : memref<16x1024xf32, #tpu.memory_space<vmem>>, vector<16xf32>,
      %get3A_260 = arith.index_cast %scan3A_90 : i32 to index
      %get3A_261 = arith.constant 224 : index
      %get3A_262 = tpu.vector_load %arg12[%get3A_260, %get3A_261] {strides = array<i32>} : memref<16x1024xf32, #tpu.memory_space<vmem>>, vector<16xf32>,
      %mul3A_263 = arith.mulf %gather3A, %get3A_262 : vector<16xf32>
      %get3A_264 = arith.index_cast %scan3A_90 : i32 to index
      %get3A_265 = arith.constant 224 : index
      %get3A_266 = tpu.vector_load %arg13[%get3A_264, %get3A_265] {strides = array<i32>} : memref<16x1024xf32, #tpu.memory_space<vmem>>, vector<16xf32>,
      %mul3A_267 = arith.mulf %gather3A_93, %get3A_266 : vector<16xf32>
      %add3A_268 = arith.addf %mul3A_263, %mul3A_267 : vector<16xf32>
      %swap3A_269 = arith.index_cast %scan3A_90 : i32 to index
      %swap3A_270 = arith.constant 224 : index
      %swap3A_271 = tpu.vector_load %arg14[%swap3A_269, %swap3A_270] {strides = array<i32>} : memref<16x1024xf32, #tpu.memory_space<vmem>>, vector<16xf32>,
      tpu.vector_store %arg14[%swap3A_269, %swap3A_270], %add3A_268 {strides = array<i32>} : memref<16x1024xf32, #tpu.memory_space<vmem>>, vector<16xf32>,
      %get3A_272 = arith.index_cast %scan3A_90 : i32 to index
      %get3A_273 = arith.constant 240 : index
      %get3A_274 = tpu.vector_load %arg12[%get3A_272, %get3A_273] {strides = array<i32>} : memref<16x1024xf32, #tpu.memory_space<vmem>>, vector<16xf32>,
      %mul3A_275 = arith.mulf %gather3A, %get3A_274 : vector<16xf32>
      %get3A_276 = arith.index_cast %scan3A_90 : i32 to index
      %get3A_277 = arith.constant 240 : index
      %get3A_278 = tpu.vector_load %arg13[%get3A_276, %get3A_277] {strides = array<i32>} : memref<16x1024xf32, #tpu.memory_space<vmem>>, vector<16xf32>,
      %mul3A_279 = arith.mulf %gather3A_93, %get3A_278 : vector<16xf32>
      %add3A_280 = arith.addf %mul3A_275, %mul3A_279 : vector<16xf32>
      %swap3A_281 = arith.index_cast %scan3A_90 : i32 to index
      %swap3A_282 = arith.constant 240 : index
      %swap3A_283 = tpu.vector_load %arg14[%swap3A_281, %swap3A_282] {strides = array<i32>} : memref<16x1024xf32, #tpu.memory_space<vmem>>, vector<16xf32>,
      tpu.vector_store %arg14[%swap3A_281, %swap3A_282], %add3A_280 {strides = array<i32>} : memref<16x1024xf32, #tpu.memory_space<vmem>>, vector<16xf32>,
      %get3A_284 = arith.index_cast %scan3A_90 : i32 to index
      %get3A_285 = arith.constant 256 : index
      %get3A_286 = tpu.vector_load %arg12[%get3A_284, %get3A_285] {strides = array<i32>} : memref<16x1024xf32, #tpu.memory_space<vmem>>, vector<16xf32>,
      %mul3A_287 = arith.mulf %gather3A, %get3A_286 : vector<16xf32>
      %get3A_288 = arith.index_cast %scan3A_90 : i32 to index
      %get3A_289 = arith.constant 256 : index
      %get3A_290 = tpu.vector_load %arg13[%get3A_288, %get3A_289] {strides = array<i32>} : memref<16x1024xf32, #tpu.memory_space<vmem>>, vector<16xf32>,
      %mul3A_291 = arith.mulf %gather3A_93, %get3A_290 : vector<16xf32>
      %add3A_292 = arith.addf %mul3A_287, %mul3A_291 : vector<16xf32>
      %swap3A_293 = arith.index_cast %scan3A_90 : i32 to index
      %swap3A_294 = arith.constant 256 : index
      %swap3A_295 = tpu.vector_load %arg14[%swap3A_293, %swap3A_294] {strides = array<i32>} : memref<16x1024xf32, #tpu.memory_space<vmem>>, vector<16xf32>,
      tpu.vector_store %arg14[%swap3A_293, %swap3A_294], %add3A_292 {strides = array<i32>} : memref<16x1024xf32, #tpu.memory_space<vmem>>, vector<16xf32>,
      %get3A_296 = arith.index_cast %scan3A_90 : i32 to index
      %get3A_297 = arith.constant 272 : index
      %get3A_298 = tpu.vector_load %arg12[%get3A_296, %get3A_297] {strides = array<i32>} : memref<16x1024xf32, #tpu.memory_space<vmem>>, vector<16xf32>,
      %mul3A_299 = arith.mulf %gather3A, %get3A_298 : vector<16xf32>
      %get3A_300 = arith.index_cast %scan3A_90 : i32 to index
      %get3A_301 = arith.constant 272 : index
      %get3A_302 = tpu.vector_load %arg13[%get3A_300, %get3A_301] {strides = array<i32>} : memref<16x1024xf32, #tpu.memory_space<vmem>>, vector<16xf32>,
      %mul3A_303 = arith.mulf %gather3A_93, %get3A_302 : vector<16xf32>
      %add3A_304 = arith.addf %mul3A_299, %mul3A_303 : vector<16xf32>
      %swap3A_305 = arith.index_cast %scan3A_90 : i32 to index
      %swap3A_306 = arith.constant 272 : index
      %swap3A_307 = tpu.vector_load %arg14[%swap3A_305, %swap3A_306] {strides = array<i32>} : memref<16x1024xf32, #tpu.memory_space<vmem>>, vector<16xf32>,
      tpu.vector_store %arg14[%swap3A_305, %swap3A_306], %add3A_304 {strides = array<i32>} : memref<16x1024xf32, #tpu.memory_space<vmem>>, vector<16xf32>,
      %get3A_308 = arith.index_cast %scan3A_90 : i32 to index
      %get3A_309 = arith.constant 288 : index
      %get3A_310 = tpu.vector_load %arg12[%get3A_308, %get3A_309] {strides = array<i32>} : memref<16x1024xf32, #tpu.memory_space<vmem>>, vector<16xf32>,
      %mul3A_311 = arith.mulf %gather3A, %get3A_310 : vector<16xf32>
      %get3A_312 = arith.index_cast %scan3A_90 : i32 to index
      %get3A_313 = arith.constant 288 : index
      %get3A_314 = tpu.vector_load %arg13[%get3A_312, %get3A_313] {strides = array<i32>} : memref<16x1024xf32, #tpu.memory_space<vmem>>, vector<16xf32>,
      %mul3A_315 = arith.mulf %gather3A_93, %get3A_314 : vector<16xf32>
      %add3A_316 = arith.addf %mul3A_311, %mul3A_315 : vector<16xf32>
      %swap3A_317 = arith.index_cast %scan3A_90 : i32 to index
      %swap3A_318 = arith.constant 288 : index
      %swap3A_319 = tpu.vector_load %arg14[%swap3A_317, %swap3A_318] {strides = array<i32>} : memref<16x1024xf32, #tpu.memory_space<vmem>>, vector<16xf32>,
      tpu.vector_store %arg14[%swap3A_317, %swap3A_318], %add3A_316 {strides = array<i32>} : memref<16x1024xf32, #tpu.memory_space<vmem>>, vector<16xf32>,
      %get3A_320 = arith.index_cast %scan3A_90 : i32 to index
      %get3A_321 = arith.constant 304 : index
      %get3A_322 = tpu.vector_load %arg12[%get3A_320, %get3A_321] {strides = array<i32>} : memref<16x1024xf32, #tpu.memory_space<vmem>>, vector<16xf32>,
      %mul3A_323 = arith.mulf %gather3A, %get3A_322 : vector<16xf32>
      %get3A_324 = arith.index_cast %scan3A_90 : i32 to index
      %get3A_325 = arith.constant 304 : index
      %get3A_326 = tpu.vector_load %arg13[%get3A_324, %get3A_325] {strides = array<i32>} : memref<16x1024xf32, #tpu.memory_space<vmem>>, vector<16xf32>,
      %mul3A_327 = arith.mulf %gather3A_93, %get3A_326 : vector<16xf32>
      %add3A_328 = arith.addf %mul3A_323, %mul3A_327 : vector<16xf32>
      %swap3A_329 = arith.index_cast %scan3A_90 : i32 to index
      %swap3A_330 = arith.constant 304 : index
      %swap3A_331 = tpu.vector_load %arg14[%swap3A_329, %swap3A_330] {strides = array<i32>} : memref<16x1024xf32, #tpu.memory_space<vmem>>, vector<16xf32>,
      tpu.vector_store %arg14[%swap3A_329, %swap3A_330], %add3A_328 {strides = array<i32>} : memref<16x1024xf32, #tpu.memory_space<vmem>>, vector<16xf32>,
      %get3A_332 = arith.index_cast %scan3A_90 : i32 to index
      %get3A_333 = arith.constant 320 : index
      %get3A_334 = tpu.vector_load %arg12[%get3A_332, %get3A_333] {strides = array<i32>} : memref<16x1024xf32, #tpu.memory_space<vmem>>, vector<16xf32>,
      %mul3A_335 = arith.mulf %gather3A, %get3A_334 : vector<16xf32>
      %get3A_336 = arith.index_cast %scan3A_90 : i32 to index
      %get3A_337 = arith.constant 320 : index
      %get3A_338 = tpu.vector_load %arg13[%get3A_336, %get3A_337] {strides = array<i32>} : memref<16x1024xf32, #tpu.memory_space<vmem>>, vector<16xf32>,
      %mul3A_339 = arith.mulf %gather3A_93, %get3A_338 : vector<16xf32>
      %add3A_340 = arith.addf %mul3A_335, %mul3A_339 : vector<16xf32>
      %swap3A_341 = arith.index_cast %scan3A_90 : i32 to index
      %swap3A_342 = arith.constant 320 : index
      %swap3A_343 = tpu.vector_load %arg14[%swap3A_341, %swap3A_342] {strides = array<i32>} : memref<16x1024xf32, #tpu.memory_space<vmem>>, vector<16xf32>,
      tpu.vector_store %arg14[%swap3A_341, %swap3A_342], %add3A_340 {strides = array<i32>} : memref<16x1024xf32, #tpu.memory_space<vmem>>, vector<16xf32>,
      %get3A_344 = arith.index_cast %scan3A_90 : i32 to index
      %get3A_345 = arith.constant 336 : index
      %get3A_346 = tpu.vector_load %arg12[%get3A_344, %get3A_345] {strides = array<i32>} : memref<16x1024xf32, #tpu.memory_space<vmem>>, vector<16xf32>,
      %mul3A_347 = arith.mulf %gather3A, %get3A_346 : vector<16xf32>
      %get3A_348 = arith.index_cast %scan3A_90 : i32 to index
      %get3A_349 = arith.constant 336 : index
      %get3A_350 = tpu.vector_load %arg13[%get3A_348, %get3A_349] {strides = array<i32>} : memref<16x1024xf32, #tpu.memory_space<vmem>>, vector<16xf32>,
      %mul3A_351 = arith.mulf %gather3A_93, %get3A_350 : vector<16xf32>
      %add3A_352 = arith.addf %mul3A_347, %mul3A_351 : vector<16xf32>
      %swap3A_353 = arith.index_cast %scan3A_90 : i32 to index
      %swap3A_354 = arith.constant 336 : index
      %swap3A_355 = tpu.vector_load %arg14[%swap3A_353, %swap3A_354] {strides = array<i32>} : memref<16x1024xf32, #tpu.memory_space<vmem>>, vector<16xf32>,
      tpu.vector_store %arg14[%swap3A_353, %swap3A_354], %add3A_352 {strides = array<i32>} : memref<16x1024xf32, #tpu.memory_space<vmem>>, vector<16xf32>,
      %get3A_356 = arith.index_cast %scan3A_90 : i32 to index
      %get3A_357 = arith.constant 352 : index
      %get3A_358 = tpu.vector_load %arg12[%get3A_356, %get3A_357] {strides = array<i32>} : memref<16x1024xf32, #tpu.memory_space<vmem>>, vector<16xf32>,
      %mul3A_359 = arith.mulf %gather3A, %get3A_358 : vector<16xf32>
      %get3A_360 = arith.index_cast %scan3A_90 : i32 to index
      %get3A_361 = arith.constant 352 : index
      %get3A_362 = tpu.vector_load %arg13[%get3A_360, %get3A_361] {strides = array<i32>} : memref<16x1024xf32, #tpu.memory_space<vmem>>, vector<16xf32>,
      %mul3A_363 = arith.mulf %gather3A_93, %get3A_362 : vector<16xf32>
      %add3A_364 = arith.addf %mul3A_359, %mul3A_363 : vector<16xf32>
      %swap3A_365 = arith.index_cast %scan3A_90 : i32 to index
      %swap3A_366 = arith.constant 352 : index
      %swap3A_367 = tpu.vector_load %arg14[%swap3A_365, %swap3A_366] {strides = array<i32>} : memref<16x1024xf32, #tpu.memory_space<vmem>>, vector<16xf32>,
      tpu.vector_store %arg14[%swap3A_365, %swap3A_366], %add3A_364 {strides = array<i32>} : memref<16x1024xf32, #tpu.memory_space<vmem>>, vector<16xf32>,
      %get3A_368 = arith.index_cast %scan3A_90 : i32 to index
      %get3A_369 = arith.constant 368 : index
      %get3A_370 = tpu.vector_load %arg12[%get3A_368, %get3A_369] {strides = array<i32>} : memref<16x1024xf32, #tpu.memory_space<vmem>>, vector<16xf32>,
      %mul3A_371 = arith.mulf %gather3A, %get3A_370 : vector<16xf32>
      %get3A_372 = arith.index_cast %scan3A_90 : i32 to index
      %get3A_373 = arith.constant 368 : index
      %get3A_374 = tpu.vector_load %arg13[%get3A_372, %get3A_373] {strides = array<i32>} : memref<16x1024xf32, #tpu.memory_space<vmem>>, vector<16xf32>,
      %mul3A_375 = arith.mulf %gather3A_93, %get3A_374 : vector<16xf32>
      %add3A_376 = arith.addf %mul3A_371, %mul3A_375 : vector<16xf32>
      %swap3A_377 = arith.index_cast %scan3A_90 : i32 to index
      %swap3A_378 = arith.constant 368 : index
      %swap3A_379 = tpu.vector_load %arg14[%swap3A_377, %swap3A_378] {strides = array<i32>} : memref<16x1024xf32, #tpu.memory_space<vmem>>, vector<16xf32>,
      tpu.vector_store %arg14[%swap3A_377, %swap3A_378], %add3A_376 {strides = array<i32>} : memref<16x1024xf32, #tpu.memory_space<vmem>>, vector<16xf32>,
      %get3A_380 = arith.index_cast %scan3A_90 : i32 to index
      %get3A_381 = arith.constant 384 : index
      %get3A_382 = tpu.vector_load %arg12[%get3A_380, %get3A_381] {strides = array<i32>} : memref<16x1024xf32, #tpu.memory_space<vmem>>, vector<16xf32>,
      %mul3A_383 = arith.mulf %gather3A, %get3A_382 : vector<16xf32>
      %get3A_384 = arith.index_cast %scan3A_90 : i32 to index
      %get3A_385 = arith.constant 384 : index
      %get3A_386 = tpu.vector_load %arg13[%get3A_384, %get3A_385] {strides = array<i32>} : memref<16x1024xf32, #tpu.memory_space<vmem>>, vector<16xf32>,
      %mul3A_387 = arith.mulf %gather3A_93, %get3A_386 : vector<16xf32>
      %add3A_388 = arith.addf %mul3A_383, %mul3A_387 : vector<16xf32>
      %swap3A_389 = arith.index_cast %scan3A_90 : i32 to index
      %swap3A_390 = arith.constant 384 : index
      %swap3A_391 = tpu.vector_load %arg14[%swap3A_389, %swap3A_390] {strides = array<i32>} : memref<16x1024xf32, #tpu.memory_space<vmem>>, vector<16xf32>,
      tpu.vector_store %arg14[%swap3A_389, %swap3A_390], %add3A_388 {strides = array<i32>} : memref<16x1024xf32, #tpu.memory_space<vmem>>, vector<16xf32>,
      %get3A_392 = arith.index_cast %scan3A_90 : i32 to index
      %get3A_393 = arith.constant 400 : index
      %get3A_394 = tpu.vector_load %arg12[%get3A_392, %get3A_393] {strides = array<i32>} : memref<16x1024xf32, #tpu.memory_space<vmem>>, vector<16xf32>,
      %mul3A_395 = arith.mulf %gather3A, %get3A_394 : vector<16xf32>
      %get3A_396 = arith.index_cast %scan3A_90 : i32 to index
      %get3A_397 = arith.constant 400 : index
      %get3A_398 = tpu.vector_load %arg13[%get3A_396, %get3A_397] {strides = array<i32>} : memref<16x1024xf32, #tpu.memory_space<vmem>>, vector<16xf32>,
      %mul3A_399 = arith.mulf %gather3A_93, %get3A_398 : vector<16xf32>
      %add3A_400 = arith.addf %mul3A_395, %mul3A_399 : vector<16xf32>
      %swap3A_401 = arith.index_cast %scan3A_90 : i32 to index
      %swap3A_402 = arith.constant 400 : index
      %swap3A_403 = tpu.vector_load %arg14[%swap3A_401, %swap3A_402] {strides = array<i32>} : memref<16x1024xf32, #tpu.memory_space<vmem>>, vector<16xf32>,
      tpu.vector_store %arg14[%swap3A_401, %swap3A_402], %add3A_400 {strides = array<i32>} : memref<16x1024xf32, #tpu.memory_space<vmem>>, vector<16xf32>,
      %get3A_404 = arith.index_cast %scan3A_90 : i32 to index
      %get3A_405 = arith.constant 416 : index
      %get3A_406 = tpu.vector_load %arg12[%get3A_404, %get3A_405] {strides = array<i32>} : memref<16x1024xf32, #tpu.memory_space<vmem>>, vector<16xf32>,
      %mul3A_407 = arith.mulf %gather3A, %get3A_406 : vector<16xf32>
      %get3A_408 = arith.index_cast %scan3A_90 : i32 to index
      %get3A_409 = arith.constant 416 : index
      %get3A_410 = tpu.vector_load %arg13[%get3A_408, %get3A_409] {strides = array<i32>} : memref<16x1024xf32, #tpu.memory_space<vmem>>, vector<16xf32>,
      %mul3A_411 = arith.mulf %gather3A_93, %get3A_410 : vector<16xf32>
      %add3A_412 = arith.addf %mul3A_407, %mul3A_411 : vector<16xf32>
      %swap3A_413 = arith.index_cast %scan3A_90 : i32 to index
      %swap3A_414 = arith.constant 416 : index
      %swap3A_415 = tpu.vector_load %arg14[%swap3A_413, %swap3A_414] {strides = array<i32>} : memref<16x1024xf32, #tpu.memory_space<vmem>>, vector<16xf32>,
      tpu.vector_store %arg14[%swap3A_413, %swap3A_414], %add3A_412 {strides = array<i32>} : memref<16x1024xf32, #tpu.memory_space<vmem>>, vector<16xf32>,
      %get3A_416 = arith.index_cast %scan3A_90 : i32 to index
      %get3A_417 = arith.constant 432 : index
      %get3A_418 = tpu.vector_load %arg12[%get3A_416, %get3A_417] {strides = array<i32>} : memref<16x1024xf32, #tpu.memory_space<vmem>>, vector<16xf32>,
      %mul3A_419 = arith.mulf %gather3A, %get3A_418 : vector<16xf32>
      %get3A_420 = arith.index_cast %scan3A_90 : i32 to index
      %get3A_421 = arith.constant 432 : index
      %get3A_422 = tpu.vector_load %arg13[%get3A_420, %get3A_421] {strides = array<i32>} : memref<16x1024xf32, #tpu.memory_space<vmem>>, vector<16xf32>,
      %mul3A_423 = arith.mulf %gather3A_93, %get3A_422 : vector<16xf32>
      %add3A_424 = arith.addf %mul3A_419, %mul3A_423 : vector<16xf32>
      %swap3A_425 = arith.index_cast %scan3A_90 : i32 to index
      %swap3A_426 = arith.constant 432 : index
      %swap3A_427 = tpu.vector_load %arg14[%swap3A_425, %swap3A_426] {strides = array<i32>} : memref<16x1024xf32, #tpu.memory_space<vmem>>, vector<16xf32>,
      tpu.vector_store %arg14[%swap3A_425, %swap3A_426], %add3A_424 {strides = array<i32>} : memref<16x1024xf32, #tpu.memory_space<vmem>>, vector<16xf32>,
      %get3A_428 = arith.index_cast %scan3A_90 : i32 to index
      %get3A_429 = arith.constant 448 : index
      %get3A_430 = tpu.vector_load %arg12[%get3A_428, %get3A_429] {strides = array<i32>} : memref<16x1024xf32, #tpu.memory_space<vmem>>, vector<16xf32>,
      %mul3A_431 = arith.mulf %gather3A, %get3A_430 : vector<16xf32>
      %get3A_432 = arith.index_cast %scan3A_90 : i32 to index
      %get3A_433 = arith.constant 448 : index
      %get3A_434 = tpu.vector_load %arg13[%get3A_432, %get3A_433] {strides = array<i32>} : memref<16x1024xf32, #tpu.memory_space<vmem>>, vector<16xf32>,
      %mul3A_435 = arith.mulf %gather3A_93, %get3A_434 : vector<16xf32>
      %add3A_436 = arith.addf %mul3A_431, %mul3A_435 : vector<16xf32>
      %swap3A_437 = arith.index_cast %scan3A_90 : i32 to index
      %swap3A_438 = arith.constant 448 : index
      %swap3A_439 = tpu.vector_load %arg14[%swap3A_437, %swap3A_438] {strides = array<i32>} : memref<16x1024xf32, #tpu.memory_space<vmem>>, vector<16xf32>,
      tpu.vector_store %arg14[%swap3A_437, %swap3A_438], %add3A_436 {strides = array<i32>} : memref<16x1024xf32, #tpu.memory_space<vmem>>, vector<16xf32>,
      %get3A_440 = arith.index_cast %scan3A_90 : i32 to index
      %get3A_441 = arith.constant 464 : index
      %get3A_442 = tpu.vector_load %arg12[%get3A_440, %get3A_441] {strides = array<i32>} : memref<16x1024xf32, #tpu.memory_space<vmem>>, vector<16xf32>,
      %mul3A_443 = arith.mulf %gather3A, %get3A_442 : vector<16xf32>
      %get3A_444 = arith.index_cast %scan3A_90 : i32 to index
      %get3A_445 = arith.constant 464 : index
      %get3A_446 = tpu.vector_load %arg13[%get3A_444, %get3A_445] {strides = array<i32>} : memref<16x1024xf32, #tpu.memory_space<vmem>>, vector<16xf32>,
      %mul3A_447 = arith.mulf %gather3A_93, %get3A_446 : vector<16xf32>
      %add3A_448 = arith.addf %mul3A_443, %mul3A_447 : vector<16xf32>
      %swap3A_449 = arith.index_cast %scan3A_90 : i32 to index
      %swap3A_450 = arith.constant 464 : index
      %swap3A_451 = tpu.vector_load %arg14[%swap3A_449, %swap3A_450] {strides = array<i32>} : memref<16x1024xf32, #tpu.memory_space<vmem>>, vector<16xf32>,
      tpu.vector_store %arg14[%swap3A_449, %swap3A_450], %add3A_448 {strides = array<i32>} : memref<16x1024xf32, #tpu.memory_space<vmem>>, vector<16xf32>,
      %get3A_452 = arith.index_cast %scan3A_90 : i32 to index
      %get3A_453 = arith.constant 480 : index
      %get3A_454 = tpu.vector_load %arg12[%get3A_452, %get3A_453] {strides = array<i32>} : memref<16x1024xf32, #tpu.memory_space<vmem>>, vector<16xf32>,
      %mul3A_455 = arith.mulf %gather3A, %get3A_454 : vector<16xf32>
      %get3A_456 = arith.index_cast %scan3A_90 : i32 to index
      %get3A_457 = arith.constant 480 : index
      %get3A_458 = tpu.vector_load %arg13[%get3A_456, %get3A_457] {strides = array<i32>} : memref<16x1024xf32, #tpu.memory_space<vmem>>, vector<16xf32>,
      %mul3A_459 = arith.mulf %gather3A_93, %get3A_458 : vector<16xf32>
      %add3A_460 = arith.addf %mul3A_455, %mul3A_459 : vector<16xf32>
      %swap3A_461 = arith.index_cast %scan3A_90 : i32 to index
      %swap3A_462 = arith.constant 480 : index
      %swap3A_463 = tpu.vector_load %arg14[%swap3A_461, %swap3A_462] {strides = array<i32>} : memref<16x1024xf32, #tpu.memory_space<vmem>>, vector<16xf32>,
      tpu.vector_store %arg14[%swap3A_461, %swap3A_462], %add3A_460 {strides = array<i32>} : memref<16x1024xf32, #tpu.memory_space<vmem>>, vector<16xf32>,
      %get3A_464 = arith.index_cast %scan3A_90 : i32 to index
      %get3A_465 = arith.constant 496 : index
      %get3A_466 = tpu.vector_load %arg12[%get3A_464, %get3A_465] {strides = array<i32>} : memref<16x1024xf32, #tpu.memory_space<vmem>>, vector<16xf32>,
      %mul3A_467 = arith.mulf %gather3A, %get3A_466 : vector<16xf32>
      %get3A_468 = arith.index_cast %scan3A_90 : i32 to index
      %get3A_469 = arith.constant 496 : index
      %get3A_470 = tpu.vector_load %arg13[%get3A_468, %get3A_469] {strides = array<i32>} : memref<16x1024xf32, #tpu.memory_space<vmem>>, vector<16xf32>,
      %mul3A_471 = arith.mulf %gather3A_93, %get3A_470 : vector<16xf32>
      %add3A_472 = arith.addf %mul3A_467, %mul3A_471 : vector<16xf32>
      %swap3A_473 = arith.index_cast %scan3A_90 : i32 to index
      %swap3A_474 = arith.constant 496 : index
      %swap3A_475 = tpu.vector_load %arg14[%swap3A_473, %swap3A_474] {strides = array<i32>} : memref<16x1024xf32, #tpu.memory_space<vmem>>, vector<16xf32>,
      tpu.vector_store %arg14[%swap3A_473, %swap3A_474], %add3A_472 {strides = array<i32>} : memref<16x1024xf32, #tpu.memory_space<vmem>>, vector<16xf32>,
      %get3A_476 = arith.index_cast %scan3A_90 : i32 to index
      %get3A_477 = arith.constant 512 : index
      %get3A_478 = tpu.vector_load %arg12[%get3A_476, %get3A_477] {strides = array<i32>} : memref<16x1024xf32, #tpu.memory_space<vmem>>, vector<16xf32>,
      %mul3A_479 = arith.mulf %gather3A, %get3A_478 : vector<16xf32>
      %get3A_480 = arith.index_cast %scan3A_90 : i32 to index
      %get3A_481 = arith.constant 512 : index
      %get3A_482 = tpu.vector_load %arg13[%get3A_480, %get3A_481] {strides = array<i32>} : memref<16x1024xf32, #tpu.memory_space<vmem>>, vector<16xf32>,
      %mul3A_483 = arith.mulf %gather3A_93, %get3A_482 : vector<16xf32>
      %add3A_484 = arith.addf %mul3A_479, %mul3A_483 : vector<16xf32>
      %swap3A_485 = arith.index_cast %scan3A_90 : i32 to index
      %swap3A_486 = arith.constant 512 : index
      %swap3A_487 = tpu.vector_load %arg14[%swap3A_485, %swap3A_486] {strides = array<i32>} : memref<16x1024xf32, #tpu.memory_space<vmem>>, vector<16xf32>,
      tpu.vector_store %arg14[%swap3A_485, %swap3A_486], %add3A_484 {strides = array<i32>} : memref<16x1024xf32, #tpu.memory_space<vmem>>, vector<16xf32>,
      %get3A_488 = arith.index_cast %scan3A_90 : i32 to index
      %get3A_489 = arith.constant 528 : index
      %get3A_490 = tpu.vector_load %arg12[%get3A_488, %get3A_489] {strides = array<i32>} : memref<16x1024xf32, #tpu.memory_space<vmem>>, vector<16xf32>,
      %mul3A_491 = arith.mulf %gather3A, %get3A_490 : vector<16xf32>
      %get3A_492 = arith.index_cast %scan3A_90 : i32 to index
      %get3A_493 = arith.constant 528 : index
      %get3A_494 = tpu.vector_load %arg13[%get3A_492, %get3A_493] {strides = array<i32>} : memref<16x1024xf32, #tpu.memory_space<vmem>>, vector<16xf32>,
      %mul3A_495 = arith.mulf %gather3A_93, %get3A_494 : vector<16xf32>
      %add3A_496 = arith.addf %mul3A_491, %mul3A_495 : vector<16xf32>
      %swap3A_497 = arith.index_cast %scan3A_90 : i32 to index
      %swap3A_498 = arith.constant 528 : index
      %swap3A_499 = tpu.vector_load %arg14[%swap3A_497, %swap3A_498] {strides = array<i32>} : memref<16x1024xf32, #tpu.memory_space<vmem>>, vector<16xf32>,
      tpu.vector_store %arg14[%swap3A_497, %swap3A_498], %add3A_496 {strides = array<i32>} : memref<16x1024xf32, #tpu.memory_space<vmem>>, vector<16xf32>,
      %get3A_500 = arith.index_cast %scan3A_90 : i32 to index
      %get3A_501 = arith.constant 544 : index
      %get3A_502 = tpu.vector_load %arg12[%get3A_500, %get3A_501] {strides = array<i32>} : memref<16x1024xf32, #tpu.memory_space<vmem>>, vector<16xf32>,
      %mul3A_503 = arith.mulf %gather3A, %get3A_502 : vector<16xf32>
      %get3A_504 = arith.index_cast %scan3A_90 : i32 to index
      %get3A_505 = arith.constant 544 : index
      %get3A_506 = tpu.vector_load %arg13[%get3A_504, %get3A_505] {strides = array<i32>} : memref<16x1024xf32, #tpu.memory_space<vmem>>, vector<16xf32>,
      %mul3A_507 = arith.mulf %gather3A_93, %get3A_506 : vector<16xf32>
      %add3A_508 = arith.addf %mul3A_503, %mul3A_507 : vector<16xf32>
      %swap3A_509 = arith.index_cast %scan3A_90 : i32 to index
      %swap3A_510 = arith.constant 544 : index
      %swap3A_511 = tpu.vector_load %arg14[%swap3A_509, %swap3A_510] {strides = array<i32>} : memref<16x1024xf32, #tpu.memory_space<vmem>>, vector<16xf32>,
      tpu.vector_store %arg14[%swap3A_509, %swap3A_510], %add3A_508 {strides = array<i32>} : memref<16x1024xf32, #tpu.memory_space<vmem>>, vector<16xf32>,
      %get3A_512 = arith.index_cast %scan3A_90 : i32 to index
      %get3A_513 = arith.constant 560 : index
      %get3A_514 = tpu.vector_load %arg12[%get3A_512, %get3A_513] {strides = array<i32>} : memref<16x1024xf32, #tpu.memory_space<vmem>>, vector<16xf32>,
      %mul3A_515 = arith.mulf %gather3A, %get3A_514 : vector<16xf32>
      %get3A_516 = arith.index_cast %scan3A_90 : i32 to index
      %get3A_517 = arith.constant 560 : index
      %get3A_518 = tpu.vector_load %arg13[%get3A_516, %get3A_517] {strides = array<i32>} : memref<16x1024xf32, #tpu.memory_space<vmem>>, vector<16xf32>,
      %mul3A_519 = arith.mulf %gather3A_93, %get3A_518 : vector<16xf32>
      %add3A_520 = arith.addf %mul3A_515, %mul3A_519 : vector<16xf32>
      %swap3A_521 = arith.index_cast %scan3A_90 : i32 to index
      %swap3A_522 = arith.constant 560 : index
      %swap3A_523 = tpu.vector_load %arg14[%swap3A_521, %swap3A_522] {strides = array<i32>} : memref<16x1024xf32, #tpu.memory_space<vmem>>, vector<16xf32>,
      tpu.vector_store %arg14[%swap3A_521, %swap3A_522], %add3A_520 {strides = array<i32>} : memref<16x1024xf32, #tpu.memory_space<vmem>>, vector<16xf32>,
      %get3A_524 = arith.index_cast %scan3A_90 : i32 to index
      %get3A_525 = arith.constant 576 : index
      %get3A_526 = tpu.vector_load %arg12[%get3A_524, %get3A_525] {strides = array<i32>} : memref<16x1024xf32, #tpu.memory_space<vmem>>, vector<16xf32>,
      %mul3A_527 = arith.mulf %gather3A, %get3A_526 : vector<16xf32>
      %get3A_528 = arith.index_cast %scan3A_90 : i32 to index
      %get3A_529 = arith.constant 576 : index
      %get3A_530 = tpu.vector_load %arg13[%get3A_528, %get3A_529] {strides = array<i32>} : memref<16x1024xf32, #tpu.memory_space<vmem>>, vector<16xf32>,
      %mul3A_531 = arith.mulf %gather3A_93, %get3A_530 : vector<16xf32>
      %add3A_532 = arith.addf %mul3A_527, %mul3A_531 : vector<16xf32>
      %swap3A_533 = arith.index_cast %scan3A_90 : i32 to index
      %swap3A_534 = arith.constant 576 : index
      %swap3A_535 = tpu.vector_load %arg14[%swap3A_533, %swap3A_534] {strides = array<i32>} : memref<16x1024xf32, #tpu.memory_space<vmem>>, vector<16xf32>,
      tpu.vector_store %arg14[%swap3A_533, %swap3A_534], %add3A_532 {strides = array<i32>} : memref<16x1024xf32, #tpu.memory_space<vmem>>, vector<16xf32>,
      %get3A_536 = arith.index_cast %scan3A_90 : i32 to index
      %get3A_537 = arith.constant 592 : index
      %get3A_538 = tpu.vector_load %arg12[%get3A_536, %get3A_537] {strides = array<i32>} : memref<16x1024xf32, #tpu.memory_space<vmem>>, vector<16xf32>,
      %mul3A_539 = arith.mulf %gather3A, %get3A_538 : vector<16xf32>
      %get3A_540 = arith.index_cast %scan3A_90 : i32 to index
      %get3A_541 = arith.constant 592 : index
      %get3A_542 = tpu.vector_load %arg13[%get3A_540, %get3A_541] {strides = array<i32>} : memref<16x1024xf32, #tpu.memory_space<vmem>>, vector<16xf32>,
      %mul3A_543 = arith.mulf %gather3A_93, %get3A_542 : vector<16xf32>
      %add3A_544 = arith.addf %mul3A_539, %mul3A_543 : vector<16xf32>
      %swap3A_545 = arith.index_cast %scan3A_90 : i32 to index
      %swap3A_546 = arith.constant 592 : index
      %swap3A_547 = tpu.vector_load %arg14[%swap3A_545, %swap3A_546] {strides = array<i32>} : memref<16x1024xf32, #tpu.memory_space<vmem>>, vector<16xf32>,
      tpu.vector_store %arg14[%swap3A_545, %swap3A_546], %add3A_544 {strides = array<i32>} : memref<16x1024xf32, #tpu.memory_space<vmem>>, vector<16xf32>,
      %get3A_548 = arith.index_cast %scan3A_90 : i32 to index
      %get3A_549 = arith.constant 608 : index
      %get3A_550 = tpu.vector_load %arg12[%get3A_548, %get3A_549] {strides = array<i32>} : memref<16x1024xf32, #tpu.memory_space<vmem>>, vector<16xf32>,
      %mul3A_551 = arith.mulf %gather3A, %get3A_550 : vector<16xf32>
      %get3A_552 = arith.index_cast %scan3A_90 : i32 to index
      %get3A_553 = arith.constant 608 : index
      %get3A_554 = tpu.vector_load %arg13[%get3A_552, %get3A_553] {strides = array<i32>} : memref<16x1024xf32, #tpu.memory_space<vmem>>, vector<16xf32>,
      %mul3A_555 = arith.mulf %gather3A_93, %get3A_554 : vector<16xf32>
      %add3A_556 = arith.addf %mul3A_551, %mul3A_555 : vector<16xf32>
      %swap3A_557 = arith.index_cast %scan3A_90 : i32 to index
      %swap3A_558 = arith.constant 608 : index
      %swap3A_559 = tpu.vector_load %arg14[%swap3A_557, %swap3A_558] {strides = array<i32>} : memref<16x1024xf32, #tpu.memory_space<vmem>>, vector<16xf32>,
      tpu.vector_store %arg14[%swap3A_557, %swap3A_558], %add3A_556 {strides = array<i32>} : memref<16x1024xf32, #tpu.memory_space<vmem>>, vector<16xf32>,
      %get3A_560 = arith.index_cast %scan3A_90 : i32 to index
      %get3A_561 = arith.constant 624 : index
      %get3A_562 = tpu.vector_load %arg12[%get3A_560, %get3A_561] {strides = array<i32>} : memref<16x1024xf32, #tpu.memory_space<vmem>>, vector<16xf32>,
      %mul3A_563 = arith.mulf %gather3A, %get3A_562 : vector<16xf32>
      %get3A_564 = arith.index_cast %scan3A_90 : i32 to index
      %get3A_565 = arith.constant 624 : index
      %get3A_566 = tpu.vector_load %arg13[%get3A_564, %get3A_565] {strides = array<i32>} : memref<16x1024xf32, #tpu.memory_space<vmem>>, vector<16xf32>,
      %mul3A_567 = arith.mulf %gather3A_93, %get3A_566 : vector<16xf32>
      %add3A_568 = arith.addf %mul3A_563, %mul3A_567 : vector<16xf32>
      %swap3A_569 = arith.index_cast %scan3A_90 : i32 to index
      %swap3A_570 = arith.constant 624 : index
      %swap3A_571 = tpu.vector_load %arg14[%swap3A_569, %swap3A_570] {strides = array<i32>} : memref<16x1024xf32, #tpu.memory_space<vmem>>, vector<16xf32>,
      tpu.vector_store %arg14[%swap3A_569, %swap3A_570], %add3A_568 {strides = array<i32>} : memref<16x1024xf32, #tpu.memory_space<vmem>>, vector<16xf32>,
      %get3A_572 = arith.index_cast %scan3A_90 : i32 to index
      %get3A_573 = arith.constant 640 : index
      %get3A_574 = tpu.vector_load %arg12[%get3A_572, %get3A_573] {strides = array<i32>} : memref<16x1024xf32, #tpu.memory_space<vmem>>, vector<16xf32>,
      %mul3A_575 = arith.mulf %gather3A, %get3A_574 : vector<16xf32>
      %get3A_576 = arith.index_cast %scan3A_90 : i32 to index
      %get3A_577 = arith.constant 640 : index
      %get3A_578 = tpu.vector_load %arg13[%get3A_576, %get3A_577] {strides = array<i32>} : memref<16x1024xf32, #tpu.memory_space<vmem>>, vector<16xf32>,
      %mul3A_579 = arith.mulf %gather3A_93, %get3A_578 : vector<16xf32>
      %add3A_580 = arith.addf %mul3A_575, %mul3A_579 : vector<16xf32>
      %swap3A_581 = arith.index_cast %scan3A_90 : i32 to index
      %swap3A_582 = arith.constant 640 : index
      %swap3A_583 = tpu.vector_load %arg14[%swap3A_581, %swap3A_582] {strides = array<i32>} : memref<16x1024xf32, #tpu.memory_space<vmem>>, vector<16xf32>,
      tpu.vector_store %arg14[%swap3A_581, %swap3A_582], %add3A_580 {strides = array<i32>} : memref<16x1024xf32, #tpu.memory_space<vmem>>, vector<16xf32>,
      %get3A_584 = arith.index_cast %scan3A_90 : i32 to index
      %get3A_585 = arith.constant 656 : index
      %get3A_586 = tpu.vector_load %arg12[%get3A_584, %get3A_585] {strides = array<i32>} : memref<16x1024xf32, #tpu.memory_space<vmem>>, vector<16xf32>,
      %mul3A_587 = arith.mulf %gather3A, %get3A_586 : vector<16xf32>
      %get3A_588 = arith.index_cast %scan3A_90 : i32 to index
      %get3A_589 = arith.constant 656 : index
      %get3A_590 = tpu.vector_load %arg13[%get3A_588, %get3A_589] {strides = array<i32>} : memref<16x1024xf32, #tpu.memory_space<vmem>>, vector<16xf32>,
      %mul3A_591 = arith.mulf %gather3A_93, %get3A_590 : vector<16xf32>
      %add3A_592 = arith.addf %mul3A_587, %mul3A_591 : vector<16xf32>
      %swap3A_593 = arith.index_cast %scan3A_90 : i32 to index
      %swap3A_594 = arith.constant 656 : index
      %swap3A_595 = tpu.vector_load %arg14[%swap3A_593, %swap3A_594] {strides = array<i32>} : memref<16x1024xf32, #tpu.memory_space<vmem>>, vector<16xf32>,
      tpu.vector_store %arg14[%swap3A_593, %swap3A_594], %add3A_592 {strides = array<i32>} : memref<16x1024xf32, #tpu.memory_space<vmem>>, vector<16xf32>,
      %get3A_596 = arith.index_cast %scan3A_90 : i32 to index
      %get3A_597 = arith.constant 672 : index
      %get3A_598 = tpu.vector_load %arg12[%get3A_596, %get3A_597] {strides = array<i32>} : memref<16x1024xf32, #tpu.memory_space<vmem>>, vector<16xf32>,
      %mul3A_599 = arith.mulf %gather3A, %get3A_598 : vector<16xf32>
      %get3A_600 = arith.index_cast %scan3A_90 : i32 to index
      %get3A_601 = arith.constant 672 : index
      %get3A_602 = tpu.vector_load %arg13[%get3A_600, %get3A_601] {strides = array<i32>} : memref<16x1024xf32, #tpu.memory_space<vmem>>, vector<16xf32>,
      %mul3A_603 = arith.mulf %gather3A_93, %get3A_602 : vector<16xf32>
      %add3A_604 = arith.addf %mul3A_599, %mul3A_603 : vector<16xf32>
      %swap3A_605 = arith.index_cast %scan3A_90 : i32 to index
      %swap3A_606 = arith.constant 672 : index
      %swap3A_607 = tpu.vector_load %arg14[%swap3A_605, %swap3A_606] {strides = array<i32>} : memref<16x1024xf32, #tpu.memory_space<vmem>>, vector<16xf32>,
      tpu.vector_store %arg14[%swap3A_605, %swap3A_606], %add3A_604 {strides = array<i32>} : memref<16x1024xf32, #tpu.memory_space<vmem>>, vector<16xf32>,
      %get3A_608 = arith.index_cast %scan3A_90 : i32 to index
      %get3A_609 = arith.constant 688 : index
      %get3A_610 = tpu.vector_load %arg12[%get3A_608, %get3A_609] {strides = array<i32>} : memref<16x1024xf32, #tpu.memory_space<vmem>>, vector<16xf32>,
      %mul3A_611 = arith.mulf %gather3A, %get3A_610 : vector<16xf32>
      %get3A_612 = arith.index_cast %scan3A_90 : i32 to index
      %get3A_613 = arith.constant 688 : index
      %get3A_614 = tpu.vector_load %arg13[%get3A_612, %get3A_613] {strides = array<i32>} : memref<16x1024xf32, #tpu.memory_space<vmem>>, vector<16xf32>,
      %mul3A_615 = arith.mulf %gather3A_93, %get3A_614 : vector<16xf32>
      %add3A_616 = arith.addf %mul3A_611, %mul3A_615 : vector<16xf32>
      %swap3A_617 = arith.index_cast %scan3A_90 : i32 to index
      %swap3A_618 = arith.constant 688 : index
      %swap3A_619 = tpu.vector_load %arg14[%swap3A_617, %swap3A_618] {strides = array<i32>} : memref<16x1024xf32, #tpu.memory_space<vmem>>, vector<16xf32>,
      tpu.vector_store %arg14[%swap3A_617, %swap3A_618], %add3A_616 {strides = array<i32>} : memref<16x1024xf32, #tpu.memory_space<vmem>>, vector<16xf32>,
      %get3A_620 = arith.index_cast %scan3A_90 : i32 to index
      %get3A_621 = arith.constant 704 : index
      %get3A_622 = tpu.vector_load %arg12[%get3A_620, %get3A_621] {strides = array<i32>} : memref<16x1024xf32, #tpu.memory_space<vmem>>, vector<16xf32>,
      %mul3A_623 = arith.mulf %gather3A, %get3A_622 : vector<16xf32>
      %get3A_624 = arith.index_cast %scan3A_90 : i32 to index
      %get3A_625 = arith.constant 704 : index
      %get3A_626 = tpu.vector_load %arg13[%get3A_624, %get3A_625] {strides = array<i32>} : memref<16x1024xf32, #tpu.memory_space<vmem>>, vector<16xf32>,
      %mul3A_627 = arith.mulf %gather3A_93, %get3A_626 : vector<16xf32>
      %add3A_628 = arith.addf %mul3A_623, %mul3A_627 : vector<16xf32>
      %swap3A_629 = arith.index_cast %scan3A_90 : i32 to index
      %swap3A_630 = arith.constant 704 : index
      %swap3A_631 = tpu.vector_load %arg14[%swap3A_629, %swap3A_630] {strides = array<i32>} : memref<16x1024xf32, #tpu.memory_space<vmem>>, vector<16xf32>,
      tpu.vector_store %arg14[%swap3A_629, %swap3A_630], %add3A_628 {strides = array<i32>} : memref<16x1024xf32, #tpu.memory_space<vmem>>, vector<16xf32>,
      %get3A_632 = arith.index_cast %scan3A_90 : i32 to index
      %get3A_633 = arith.constant 720 : index
      %get3A_634 = tpu.vector_load %arg12[%get3A_632, %get3A_633] {strides = array<i32>} : memref<16x1024xf32, #tpu.memory_space<vmem>>, vector<16xf32>,
      %mul3A_635 = arith.mulf %gather3A, %get3A_634 : vector<16xf32>
      %get3A_636 = arith.index_cast %scan3A_90 : i32 to index
      %get3A_637 = arith.constant 720 : index
      %get3A_638 = tpu.vector_load %arg13[%get3A_636, %get3A_637] {strides = array<i32>} : memref<16x1024xf32, #tpu.memory_space<vmem>>, vector<16xf32>,
      %mul3A_639 = arith.mulf %gather3A_93, %get3A_638 : vector<16xf32>
      %add3A_640 = arith.addf %mul3A_635, %mul3A_639 : vector<16xf32>
      %swap3A_641 = arith.index_cast %scan3A_90 : i32 to index
      %swap3A_642 = arith.constant 720 : index
      %swap3A_643 = tpu.vector_load %arg14[%swap3A_641, %swap3A_642] {strides = array<i32>} : memref<16x1024xf32, #tpu.memory_space<vmem>>, vector<16xf32>,
      tpu.vector_store %arg14[%swap3A_641, %swap3A_642], %add3A_640 {strides = array<i32>} : memref<16x1024xf32, #tpu.memory_space<vmem>>, vector<16xf32>,
      %get3A_644 = arith.index_cast %scan3A_90 : i32 to index
      %get3A_645 = arith.constant 736 : index
      %get3A_646 = tpu.vector_load %arg12[%get3A_644, %get3A_645] {strides = array<i32>} : memref<16x1024xf32, #tpu.memory_space<vmem>>, vector<16xf32>,
      %mul3A_647 = arith.mulf %gather3A, %get3A_646 : vector<16xf32>
      %get3A_648 = arith.index_cast %scan3A_90 : i32 to index
      %get3A_649 = arith.constant 736 : index
      %get3A_650 = tpu.vector_load %arg13[%get3A_648, %get3A_649] {strides = array<i32>} : memref<16x1024xf32, #tpu.memory_space<vmem>>, vector<16xf32>,
      %mul3A_651 = arith.mulf %gather3A_93, %get3A_650 : vector<16xf32>
      %add3A_652 = arith.addf %mul3A_647, %mul3A_651 : vector<16xf32>
      %swap3A_653 = arith.index_cast %scan3A_90 : i32 to index
      %swap3A_654 = arith.constant 736 : index
      %swap3A_655 = tpu.vector_load %arg14[%swap3A_653, %swap3A_654] {strides = array<i32>} : memref<16x1024xf32, #tpu.memory_space<vmem>>, vector<16xf32>,
      tpu.vector_store %arg14[%swap3A_653, %swap3A_654], %add3A_652 {strides = array<i32>} : memref<16x1024xf32, #tpu.memory_space<vmem>>, vector<16xf32>,
      %get3A_656 = arith.index_cast %scan3A_90 : i32 to index
      %get3A_657 = arith.constant 752 : index
      %get3A_658 = tpu.vector_load %arg12[%get3A_656, %get3A_657] {strides = array<i32>} : memref<16x1024xf32, #tpu.memory_space<vmem>>, vector<16xf32>,
      %mul3A_659 = arith.mulf %gather3A, %get3A_658 : vector<16xf32>
      %get3A_660 = arith.index_cast %scan3A_90 : i32 to index
      %get3A_661 = arith.constant 752 : index
      %get3A_662 = tpu.vector_load %arg13[%get3A_660, %get3A_661] {strides = array<i32>} : memref<16x1024xf32, #tpu.memory_space<vmem>>, vector<16xf32>,
      %mul3A_663 = arith.mulf %gather3A_93, %get3A_662 : vector<16xf32>
      %add3A_664 = arith.addf %mul3A_659, %mul3A_663 : vector<16xf32>
      %swap3A_665 = arith.index_cast %scan3A_90 : i32 to index
      %swap3A_666 = arith.constant 752 : index
      %swap3A_667 = tpu.vector_load %arg14[%swap3A_665, %swap3A_666] {strides = array<i32>} : memref<16x1024xf32, #tpu.memory_space<vmem>>, vector<16xf32>,
      tpu.vector_store %arg14[%swap3A_665, %swap3A_666], %add3A_664 {strides = array<i32>} : memref<16x1024xf32, #tpu.memory_space<vmem>>, vector<16xf32>,
      %get3A_668 = arith.index_cast %scan3A_90 : i32 to index
      %get3A_669 = arith.constant 768 : index
      %get3A_670 = tpu.vector_load %arg12[%get3A_668, %get3A_669] {strides = array<i32>} : memref<16x1024xf32, #tpu.memory_space<vmem>>, vector<16xf32>,
      %mul3A_671 = arith.mulf %gather3A, %get3A_670 : vector<16xf32>
      %get3A_672 = arith.index_cast %scan3A_90 : i32 to index
      %get3A_673 = arith.constant 768 : index
      %get3A_674 = tpu.vector_load %arg13[%get3A_672, %get3A_673] {strides = array<i32>} : memref<16x1024xf32, #tpu.memory_space<vmem>>, vector<16xf32>,
      %mul3A_675 = arith.mulf %gather3A_93, %get3A_674 : vector<16xf32>
      %add3A_676 = arith.addf %mul3A_671, %mul3A_675 : vector<16xf32>
      %swap3A_677 = arith.index_cast %scan3A_90 : i32 to index
      %swap3A_678 = arith.constant 768 : index
      %swap3A_679 = tpu.vector_load %arg14[%swap3A_677, %swap3A_678] {strides = array<i32>} : memref<16x1024xf32, #tpu.memory_space<vmem>>, vector<16xf32>,
      tpu.vector_store %arg14[%swap3A_677, %swap3A_678], %add3A_676 {strides = array<i32>} : memref<16x1024xf32, #tpu.memory_space<vmem>>, vector<16xf32>,
      %get3A_680 = arith.index_cast %scan3A_90 : i32 to index
      %get3A_681 = arith.constant 784 : index
      %get3A_682 = tpu.vector_load %arg12[%get3A_680, %get3A_681] {strides = array<i32>} : memref<16x1024xf32, #tpu.memory_space<vmem>>, vector<16xf32>,
      %mul3A_683 = arith.mulf %gather3A, %get3A_682 : vector<16xf32>
      %get3A_684 = arith.index_cast %scan3A_90 : i32 to index
      %get3A_685 = arith.constant 784 : index
      %get3A_686 = tpu.vector_load %arg13[%get3A_684, %get3A_685] {strides = array<i32>} : memref<16x1024xf32, #tpu.memory_space<vmem>>, vector<16xf32>,
      %mul3A_687 = arith.mulf %gather3A_93, %get3A_686 : vector<16xf32>
      %add3A_688 = arith.addf %mul3A_683, %mul3A_687 : vector<16xf32>
      %swap3A_689 = arith.index_cast %scan3A_90 : i32 to index
      %swap3A_690 = arith.constant 784 : index
      %swap3A_691 = tpu.vector_load %arg14[%swap3A_689, %swap3A_690] {strides = array<i32>} : memref<16x1024xf32, #tpu.memory_space<vmem>>, vector<16xf32>,
      tpu.vector_store %arg14[%swap3A_689, %swap3A_690], %add3A_688 {strides = array<i32>} : memref<16x1024xf32, #tpu.memory_space<vmem>>, vector<16xf32>,
      %get3A_692 = arith.index_cast %scan3A_90 : i32 to index
      %get3A_693 = arith.constant 800 : index
      %get3A_694 = tpu.vector_load %arg12[%get3A_692, %get3A_693] {strides = array<i32>} : memref<16x1024xf32, #tpu.memory_space<vmem>>, vector<16xf32>,
      %mul3A_695 = arith.mulf %gather3A, %get3A_694 : vector<16xf32>
      %get3A_696 = arith.index_cast %scan3A_90 : i32 to index
      %get3A_697 = arith.constant 800 : index
      %get3A_698 = tpu.vector_load %arg13[%get3A_696, %get3A_697] {strides = array<i32>} : memref<16x1024xf32, #tpu.memory_space<vmem>>, vector<16xf32>,
      %mul3A_699 = arith.mulf %gather3A_93, %get3A_698 : vector<16xf32>
      %add3A_700 = arith.addf %mul3A_695, %mul3A_699 : vector<16xf32>
      %swap3A_701 = arith.index_cast %scan3A_90 : i32 to index
      %swap3A_702 = arith.constant 800 : index
      %swap3A_703 = tpu.vector_load %arg14[%swap3A_701, %swap3A_702] {strides = array<i32>} : memref<16x1024xf32, #tpu.memory_space<vmem>>, vector<16xf32>,
      tpu.vector_store %arg14[%swap3A_701, %swap3A_702], %add3A_700 {strides = array<i32>} : memref<16x1024xf32, #tpu.memory_space<vmem>>, vector<16xf32>,
      %get3A_704 = arith.index_cast %scan3A_90 : i32 to index
      %get3A_705 = arith.constant 816 : index
      %get3A_706 = tpu.vector_load %arg12[%get3A_704, %get3A_705] {strides = array<i32>} : memref<16x1024xf32, #tpu.memory_space<vmem>>, vector<16xf32>,
      %mul3A_707 = arith.mulf %gather3A, %get3A_706 : vector<16xf32>
      %get3A_708 = arith.index_cast %scan3A_90 : i32 to index
      %get3A_709 = arith.constant 816 : index
      %get3A_710 = tpu.vector_load %arg13[%get3A_708, %get3A_709] {strides = array<i32>} : memref<16x1024xf32, #tpu.memory_space<vmem>>, vector<16xf32>,
      %mul3A_711 = arith.mulf %gather3A_93, %get3A_710 : vector<16xf32>
      %add3A_712 = arith.addf %mul3A_707, %mul3A_711 : vector<16xf32>
      %swap3A_713 = arith.index_cast %scan3A_90 : i32 to index
      %swap3A_714 = arith.constant 816 : index
      %swap3A_715 = tpu.vector_load %arg14[%swap3A_713, %swap3A_714] {strides = array<i32>} : memref<16x1024xf32, #tpu.memory_space<vmem>>, vector<16xf32>,
      tpu.vector_store %arg14[%swap3A_713, %swap3A_714], %add3A_712 {strides = array<i32>} : memref<16x1024xf32, #tpu.memory_space<vmem>>, vector<16xf32>,
      %get3A_716 = arith.index_cast %scan3A_90 : i32 to index
      %get3A_717 = arith.constant 832 : index
      %get3A_718 = tpu.vector_load %arg12[%get3A_716, %get3A_717] {strides = array<i32>} : memref<16x1024xf32, #tpu.memory_space<vmem>>, vector<16xf32>,
      %mul3A_719 = arith.mulf %gather3A, %get3A_718 : vector<16xf32>
      %get3A_720 = arith.index_cast %scan3A_90 : i32 to index
      %get3A_721 = arith.constant 832 : index
      %get3A_722 = tpu.vector_load %arg13[%get3A_720, %get3A_721] {strides = array<i32>} : memref<16x1024xf32, #tpu.memory_space<vmem>>, vector<16xf32>,
      %mul3A_723 = arith.mulf %gather3A_93, %get3A_722 : vector<16xf32>
      %add3A_724 = arith.addf %mul3A_719, %mul3A_723 : vector<16xf32>
      %swap3A_725 = arith.index_cast %scan3A_90 : i32 to index
      %swap3A_726 = arith.constant 832 : index
      %swap3A_727 = tpu.vector_load %arg14[%swap3A_725, %swap3A_726] {strides = array<i32>} : memref<16x1024xf32, #tpu.memory_space<vmem>>, vector<16xf32>,
      tpu.vector_store %arg14[%swap3A_725, %swap3A_726], %add3A_724 {strides = array<i32>} : memref<16x1024xf32, #tpu.memory_space<vmem>>, vector<16xf32>,
      %get3A_728 = arith.index_cast %scan3A_90 : i32 to index
      %get3A_729 = arith.constant 848 : index
      %get3A_730 = tpu.vector_load %arg12[%get3A_728, %get3A_729] {strides = array<i32>} : memref<16x1024xf32, #tpu.memory_space<vmem>>, vector<16xf32>,
      %mul3A_731 = arith.mulf %gather3A, %get3A_730 : vector<16xf32>
      %get3A_732 = arith.index_cast %scan3A_90 : i32 to index
      %get3A_733 = arith.constant 848 : index
      %get3A_734 = tpu.vector_load %arg13[%get3A_732, %get3A_733] {strides = array<i32>} : memref<16x1024xf32, #tpu.memory_space<vmem>>, vector<16xf32>,
      %mul3A_735 = arith.mulf %gather3A_93, %get3A_734 : vector<16xf32>
      %add3A_736 = arith.addf %mul3A_731, %mul3A_735 : vector<16xf32>
      %swap3A_737 = arith.index_cast %scan3A_90 : i32 to index
      %swap3A_738 = arith.constant 848 : index
      %swap3A_739 = tpu.vector_load %arg14[%swap3A_737, %swap3A_738] {strides = array<i32>} : memref<16x1024xf32, #tpu.memory_space<vmem>>, vector<16xf32>,
      tpu.vector_store %arg14[%swap3A_737, %swap3A_738], %add3A_736 {strides = array<i32>} : memref<16x1024xf32, #tpu.memory_space<vmem>>, vector<16xf32>,
      %get3A_740 = arith.index_cast %scan3A_90 : i32 to index
      %get3A_741 = arith.constant 864 : index
      %get3A_742 = tpu.vector_load %arg12[%get3A_740, %get3A_741] {strides = array<i32>} : memref<16x1024xf32, #tpu.memory_space<vmem>>, vector<16xf32>,
      %mul3A_743 = arith.mulf %gather3A, %get3A_742 : vector<16xf32>
      %get3A_744 = arith.index_cast %scan3A_90 : i32 to index
      %get3A_745 = arith.constant 864 : index
      %get3A_746 = tpu.vector_load %arg13[%get3A_744, %get3A_745] {strides = array<i32>} : memref<16x1024xf32, #tpu.memory_space<vmem>>, vector<16xf32>,
      %mul3A_747 = arith.mulf %gather3A_93, %get3A_746 : vector<16xf32>
      %add3A_748 = arith.addf %mul3A_743, %mul3A_747 : vector<16xf32>
      %swap3A_749 = arith.index_cast %scan3A_90 : i32 to index
      %swap3A_750 = arith.constant 864 : index
      %swap3A_751 = tpu.vector_load %arg14[%swap3A_749, %swap3A_750] {strides = array<i32>} : memref<16x1024xf32, #tpu.memory_space<vmem>>, vector<16xf32>,
      tpu.vector_store %arg14[%swap3A_749, %swap3A_750], %add3A_748 {strides = array<i32>} : memref<16x1024xf32, #tpu.memory_space<vmem>>, vector<16xf32>,
      %get3A_752 = arith.index_cast %scan3A_90 : i32 to index
      %get3A_753 = arith.constant 880 : index
      %get3A_754 = tpu.vector_load %arg12[%get3A_752, %get3A_753] {strides = array<i32>} : memref<16x1024xf32, #tpu.memory_space<vmem>>, vector<16xf32>,
      %mul3A_755 = arith.mulf %gather3A, %get3A_754 : vector<16xf32>
      %get3A_756 = arith.index_cast %scan3A_90 : i32 to index
      %get3A_757 = arith.constant 880 : index
      %get3A_758 = tpu.vector_load %arg13[%get3A_756, %get3A_757] {strides = array<i32>} : memref<16x1024xf32, #tpu.memory_space<vmem>>, vector<16xf32>,
      %mul3A_759 = arith.mulf %gather3A_93, %get3A_758 : vector<16xf32>
      %add3A_760 = arith.addf %mul3A_755, %mul3A_759 : vector<16xf32>
      %swap3A_761 = arith.index_cast %scan3A_90 : i32 to index
      %swap3A_762 = arith.constant 880 : index
      %swap3A_763 = tpu.vector_load %arg14[%swap3A_761, %swap3A_762] {strides = array<i32>} : memref<16x1024xf32, #tpu.memory_space<vmem>>, vector<16xf32>,
      tpu.vector_store %arg14[%swap3A_761, %swap3A_762], %add3A_760 {strides = array<i32>} : memref<16x1024xf32, #tpu.memory_space<vmem>>, vector<16xf32>,
      %get3A_764 = arith.index_cast %scan3A_90 : i32 to index
      %get3A_765 = arith.constant 896 : index
      %get3A_766 = tpu.vector_load %arg12[%get3A_764, %get3A_765] {strides = array<i32>} : memref<16x1024xf32, #tpu.memory_space<vmem>>, vector<16xf32>,
      %mul3A_767 = arith.mulf %gather3A, %get3A_766 : vector<16xf32>
      %get3A_768 = arith.index_cast %scan3A_90 : i32 to index
      %get3A_769 = arith.constant 896 : index
      %get3A_770 = tpu.vector_load %arg13[%get3A_768, %get3A_769] {strides = array<i32>} : memref<16x1024xf32, #tpu.memory_space<vmem>>, vector<16xf32>,
      %mul3A_771 = arith.mulf %gather3A_93, %get3A_770 : vector<16xf32>
      %add3A_772 = arith.addf %mul3A_767, %mul3A_771 : vector<16xf32>
      %swap3A_773 = arith.index_cast %scan3A_90 : i32 to index
      %swap3A_774 = arith.constant 896 : index
      %swap3A_775 = tpu.vector_load %arg14[%swap3A_773, %swap3A_774] {strides = array<i32>} : memref<16x1024xf32, #tpu.memory_space<vmem>>, vector<16xf32>,
      tpu.vector_store %arg14[%swap3A_773, %swap3A_774], %add3A_772 {strides = array<i32>} : memref<16x1024xf32, #tpu.memory_space<vmem>>, vector<16xf32>,
      %get3A_776 = arith.index_cast %scan3A_90 : i32 to index
      %get3A_777 = arith.constant 912 : index
      %get3A_778 = tpu.vector_load %arg12[%get3A_776, %get3A_777] {strides = array<i32>} : memref<16x1024xf32, #tpu.memory_space<vmem>>, vector<16xf32>,
      %mul3A_779 = arith.mulf %gather3A, %get3A_778 : vector<16xf32>
      %get3A_780 = arith.index_cast %scan3A_90 : i32 to index
      %get3A_781 = arith.constant 912 : index
      %get3A_782 = tpu.vector_load %arg13[%get3A_780, %get3A_781] {strides = array<i32>} : memref<16x1024xf32, #tpu.memory_space<vmem>>, vector<16xf32>,
      %mul3A_783 = arith.mulf %gather3A_93, %get3A_782 : vector<16xf32>
      %add3A_784 = arith.addf %mul3A_779, %mul3A_783 : vector<16xf32>
      %swap3A_785 = arith.index_cast %scan3A_90 : i32 to index
      %swap3A_786 = arith.constant 912 : index
      %swap3A_787 = tpu.vector_load %arg14[%swap3A_785, %swap3A_786] {strides = array<i32>} : memref<16x1024xf32, #tpu.memory_space<vmem>>, vector<16xf32>,
      tpu.vector_store %arg14[%swap3A_785, %swap3A_786], %add3A_784 {strides = array<i32>} : memref<16x1024xf32, #tpu.memory_space<vmem>>, vector<16xf32>,
      %get3A_788 = arith.index_cast %scan3A_90 : i32 to index
      %get3A_789 = arith.constant 928 : index
      %get3A_790 = tpu.vector_load %arg12[%get3A_788, %get3A_789] {strides = array<i32>} : memref<16x1024xf32, #tpu.memory_space<vmem>>, vector<16xf32>,
      %mul3A_791 = arith.mulf %gather3A, %get3A_790 : vector<16xf32>
      %get3A_792 = arith.index_cast %scan3A_90 : i32 to index
      %get3A_793 = arith.constant 928 : index
      %get3A_794 = tpu.vector_load %arg13[%get3A_792, %get3A_793] {strides = array<i32>} : memref<16x1024xf32, #tpu.memory_space<vmem>>, vector<16xf32>,
      %mul3A_795 = arith.mulf %gather3A_93, %get3A_794 : vector<16xf32>
      %add3A_796 = arith.addf %mul3A_791, %mul3A_795 : vector<16xf32>
      %swap3A_797 = arith.index_cast %scan3A_90 : i32 to index
      %swap3A_798 = arith.constant 928 : index
      %swap3A_799 = tpu.vector_load %arg14[%swap3A_797, %swap3A_798] {strides = array<i32>} : memref<16x1024xf32, #tpu.memory_space<vmem>>, vector<16xf32>,
      tpu.vector_store %arg14[%swap3A_797, %swap3A_798], %add3A_796 {strides = array<i32>} : memref<16x1024xf32, #tpu.memory_space<vmem>>, vector<16xf32>,
      %get3A_800 = arith.index_cast %scan3A_90 : i32 to index
      %get3A_801 = arith.constant 944 : index
      %get3A_802 = tpu.vector_load %arg12[%get3A_800, %get3A_801] {strides = array<i32>} : memref<16x1024xf32, #tpu.memory_space<vmem>>, vector<16xf32>,
      %mul3A_803 = arith.mulf %gather3A, %get3A_802 : vector<16xf32>
      %get3A_804 = arith.index_cast %scan3A_90 : i32 to index
      %get3A_805 = arith.constant 944 : index
      %get3A_806 = tpu.vector_load %arg13[%get3A_804, %get3A_805] {strides = array<i32>} : memref<16x1024xf32, #tpu.memory_space<vmem>>, vector<16xf32>,
      %mul3A_807 = arith.mulf %gather3A_93, %get3A_806 : vector<16xf32>
      %add3A_808 = arith.addf %mul3A_803, %mul3A_807 : vector<16xf32>
      %swap3A_809 = arith.index_cast %scan3A_90 : i32 to index
      %swap3A_810 = arith.constant 944 : index
      %swap3A_811 = tpu.vector_load %arg14[%swap3A_809, %swap3A_810] {strides = array<i32>} : memref<16x1024xf32, #tpu.memory_space<vmem>>, vector<16xf32>,
      tpu.vector_store %arg14[%swap3A_809, %swap3A_810], %add3A_808 {strides = array<i32>} : memref<16x1024xf32, #tpu.memory_space<vmem>>, vector<16xf32>,
      %get3A_812 = arith.index_cast %scan3A_90 : i32 to index
      %get3A_813 = arith.constant 960 : index
      %get3A_814 = tpu.vector_load %arg12[%get3A_812, %get3A_813] {strides = array<i32>} : memref<16x1024xf32, #tpu.memory_space<vmem>>, vector<16xf32>,
      %mul3A_815 = arith.mulf %gather3A, %get3A_814 : vector<16xf32>
      %get3A_816 = arith.index_cast %scan3A_90 : i32 to index
      %get3A_817 = arith.constant 960 : index
      %get3A_818 = tpu.vector_load %arg13[%get3A_816, %get3A_817] {strides = array<i32>} : memref<16x1024xf32, #tpu.memory_space<vmem>>, vector<16xf32>,
      %mul3A_819 = arith.mulf %gather3A_93, %get3A_818 : vector<16xf32>
      %add3A_820 = arith.addf %mul3A_815, %mul3A_819 : vector<16xf32>
      %swap3A_821 = arith.index_cast %scan3A_90 : i32 to index
      %swap3A_822 = arith.constant 960 : index
      %swap3A_823 = tpu.vector_load %arg14[%swap3A_821, %swap3A_822] {strides = array<i32>} : memref<16x1024xf32, #tpu.memory_space<vmem>>, vector<16xf32>,
      tpu.vector_store %arg14[%swap3A_821, %swap3A_822], %add3A_820 {strides = array<i32>} : memref<16x1024xf32, #tpu.memory_space<vmem>>, vector<16xf32>,
      %get3A_824 = arith.index_cast %scan3A_90 : i32 to index
      %get3A_825 = arith.constant 976 : index
      %get3A_826 = tpu.vector_load %arg12[%get3A_824, %get3A_825] {strides = array<i32>} : memref<16x1024xf32, #tpu.memory_space<vmem>>, vector<16xf32>,
      %mul3A_827 = arith.mulf %gather3A, %get3A_826 : vector<16xf32>
      %get3A_828 = arith.index_cast %scan3A_90 : i32 to index
      %get3A_829 = arith.constant 976 : index
      %get3A_830 = tpu.vector_load %arg13[%get3A_828, %get3A_829] {strides = array<i32>} : memref<16x1024xf32, #tpu.memory_space<vmem>>, vector<16xf32>,
      %mul3A_831 = arith.mulf %gather3A_93, %get3A_830 : vector<16xf32>
      %add3A_832 = arith.addf %mul3A_827, %mul3A_831 : vector<16xf32>
      %swap3A_833 = arith.index_cast %scan3A_90 : i32 to index
      %swap3A_834 = arith.constant 976 : index
      %swap3A_835 = tpu.vector_load %arg14[%swap3A_833, %swap3A_834] {strides = array<i32>} : memref<16x1024xf32, #tpu.memory_space<vmem>>, vector<16xf32>,
      tpu.vector_store %arg14[%swap3A_833, %swap3A_834], %add3A_832 {strides = array<i32>} : memref<16x1024xf32, #tpu.memory_space<vmem>>, vector<16xf32>,
      %get3A_836 = arith.index_cast %scan3A_90 : i32 to index
      %get3A_837 = arith.constant 992 : index
      %get3A_838 = tpu.vector_load %arg12[%get3A_836, %get3A_837] {strides = array<i32>} : memref<16x1024xf32, #tpu.memory_space<vmem>>, vector<16xf32>,
      %mul3A_839 = arith.mulf %gather3A, %get3A_838 : vector<16xf32>
      %get3A_840 = arith.index_cast %scan3A_90 : i32 to index
      %get3A_841 = arith.constant 992 : index
      %get3A_842 = tpu.vector_load %arg13[%get3A_840, %get3A_841] {strides = array<i32>} : memref<16x1024xf32, #tpu.memory_space<vmem>>, vector<16xf32>,
      %mul3A_843 = arith.mulf %gather3A_93, %get3A_842 : vector<16xf32>
      %add3A_844 = arith.addf %mul3A_839, %mul3A_843 : vector<16xf32>
      %swap3A_845 = arith.index_cast %scan3A_90 : i32 to index
      %swap3A_846 = arith.constant 992 : index
      %swap3A_847 = tpu.vector_load %arg14[%swap3A_845, %swap3A_846] {strides = array<i32>} : memref<16x1024xf32, #tpu.memory_space<vmem>>, vector<16xf32>,
      tpu.vector_store %arg14[%swap3A_845, %swap3A_846], %add3A_844 {strides = array<i32>} : memref<16x1024xf32, #tpu.memory_space<vmem>>, vector<16xf32>,
      %get3A_848 = arith.index_cast %scan3A_90 : i32 to index
      %get3A_849 = arith.constant 1008 : index
      %get3A_850 = tpu.vector_load %arg12[%get3A_848, %get3A_849] {strides = array<i32>} : memref<16x1024xf32, #tpu.memory_space<vmem>>, vector<16xf32>,
      %mul3A_851 = arith.mulf %gather3A, %get3A_850 : vector<16xf32>
      %get3A_852 = arith.index_cast %scan3A_90 : i32 to index
      %get3A_853 = arith.constant 1008 : index
      %get3A_854 = tpu.vector_load %arg13[%get3A_852, %get3A_853] {strides = array<i32>} : memref<16x1024xf32, #tpu.memory_space<vmem>>, vector<16xf32>,
      %mul3A_855 = arith.mulf %gather3A_93, %get3A_854 : vector<16xf32>
      %add3A_856 = arith.addf %mul3A_851, %mul3A_855 : vector<16xf32>
      %swap3A_857 = arith.index_cast %scan3A_90 : i32 to index
      %swap3A_858 = arith.constant 1008 : index
      %swap3A_859 = tpu.vector_load %arg14[%swap3A_857, %swap3A_858] {strides = array<i32>} : memref<16x1024xf32, #tpu.memory_space<vmem>>, vector<16xf32>,
      tpu.vector_store %arg14[%swap3A_857, %swap3A_858], %add3A_856 {strides = array<i32>} : memref<16x1024xf32, #tpu.memory_space<vmem>>, vector<16xf32>,
      %scan3A_860 = arith.constant 0 : i32
      scf.yield %scan3A_860 : i32
    }
    %scan3A_89 = arith.constant 16 : i32
    "tpu.region"() ({
      %run_scoped3A = tpu.sem_alloc : memref<!tpu.dma_semaphore, #tpu.memory_space<semaphore_mem>>
      %dma_start3A_90 = arith.constant 0 : i32
      %dma_start3A_91 = tpu.memref_slice %arg7[%add3A_70, %dma_start3A_90] : memref<2048x1024xf32, #tpu.memory_space<hbm>> -> memref<16x1024xf32, #tpu.memory_space<hbm>>
      %dma_start3A_92 = arith.constant 0 : i32
      %dma_start3A_93 = tpu.memref_slice %arg7[%add3A_70, %dma_start3A_92] : memref<2048x1024xf32, #tpu.memory_space<hbm>> -> memref<16x1024xf32, #tpu.memory_space<hbm>>
      tpu.enqueue_dma source(%arg14 : memref<16x1024xf32, #tpu.memory_space<vmem>>) target(%dma_start3A_93 : memref<16x1024xf32, #tpu.memory_space<hbm>>) target_semaphore(%run_scoped3A : memref<!tpu.dma_semaphore, #tpu.memory_space<semaphore_mem>>)
      %dma_wait3A_94 = arith.constant 0 : i32
      %dma_wait3A_95 = tpu.memref_slice %arg7[%add3A_70, %dma_wait3A_94] : memref<2048x1024xf32, #tpu.memory_space<hbm>> -> memref<16x1024xf32, #tpu.memory_space<hbm>>
      %dma_wait3A_96 = arith.constant 0 : i32
      %dma_wait3A_97 = tpu.memref_slice %arg7[%add3A_70, %dma_wait3A_96] : memref<2048x1024xf32, #tpu.memory_space<hbm>> -> memref<16x1024xf32, #tpu.memory_space<hbm>>
      tpu.wait_dma2 semaphore(%run_scoped3A : memref<!tpu.dma_semaphore, #tpu.memory_space<semaphore_mem>>) src(%arg14 : memref<16x1024xf32, #tpu.memory_space<vmem>>) dst(%dma_wait3A_97 : memref<16x1024xf32, #tpu.memory_space<hbm>>)
      tpu.yield
    }) : () -> ()
    return
  }
}

#map = affine_map<(d0, d1) -> (0, 0)>
#map1 = affine_map<(d0, d1) -> (0)>
module attributes {stable_mosaic.version = 14 : i64} {
  func.func @_dispatch_body(%arg0: i32, %arg1: i32, %arg2: memref<2048x1024xf32, #tpu.memory_space<hbm>>, %arg3: memref<2048xi32, #tpu.memory_space<hbm>>, %arg4: memref<2048xi32, #tpu.memory_space<hbm>>, %arg5: memref<4096x1024xf32, #tpu.memory_space<hbm>>, %arg6: memref<64xi32, #tpu.memory_space<vmem>>, %arg7: memref<64xi32, #tpu.memory_space<vmem>>, %arg8: memref<64x1024xf32, #tpu.memory_space<vmem>>, %arg9: memref<!tpu.dma_semaphore, #tpu.memory_space<semaphore_mem>>, %arg10: memref<!tpu.dma_semaphore, #tpu.memory_space<semaphore_mem>>) attributes {dimension_semantics = [#tpu.dimension_semantics<core_parallel>, #tpu.dimension_semantics<subcore_parallel>], iteration_bounds = array<i64: 2, 16>, scalar_prefetch = 0 : i64, scratch_operands = 5 : i64, tpu.core_type = #tpu.core_type<sc_vector_subcore>, window_params = [{transform_indices = #map}, {transform_indices = #map1}, {transform_indices = #map1}, {transform_indices = #map}]} {
    %mul3A = arith.constant 2 : i32
    %mul3A_0 = arith.muli %arg1, %mul3A : i32
    %add3A = arith.addi %mul3A_0, %arg0 : i32
    %mul3A_1 = arith.constant 64 : i32
    %mul3A_2 = arith.muli %add3A, %mul3A_1 : i32
    "tpu.region"() ({
      %run_scoped3A = tpu.sem_alloc : memref<!tpu.dma_semaphore, #tpu.memory_space<semaphore_mem>>
      %dma_start3A_13 = tpu.memref_slice %arg3[%mul3A_2] : memref<2048xi32, #tpu.memory_space<hbm>> -> memref<64xi32, #tpu.memory_space<hbm>>
      %dma_start3A_14 = tpu.memref_slice %arg3[%mul3A_2] : memref<2048xi32, #tpu.memory_space<hbm>> -> memref<64xi32, #tpu.memory_space<hbm>>
      tpu.enqueue_dma source(%dma_start3A_14 : memref<64xi32, #tpu.memory_space<hbm>>) target(%arg6 : memref<64xi32, #tpu.memory_space<vmem>>) target_semaphore(%run_scoped3A : memref<!tpu.dma_semaphore, #tpu.memory_space<semaphore_mem>>)
      %dma_wait3A_15 = tpu.memref_slice %arg3[%mul3A_2] : memref<2048xi32, #tpu.memory_space<hbm>> -> memref<64xi32, #tpu.memory_space<hbm>>
      %dma_wait3A_16 = tpu.memref_slice %arg3[%mul3A_2] : memref<2048xi32, #tpu.memory_space<hbm>> -> memref<64xi32, #tpu.memory_space<hbm>>
      tpu.wait_dma2 semaphore(%run_scoped3A : memref<!tpu.dma_semaphore, #tpu.memory_space<semaphore_mem>>) src(%dma_wait3A_16 : memref<64xi32, #tpu.memory_space<hbm>>) dst(%arg6 : memref<64xi32, #tpu.memory_space<vmem>>)
      tpu.yield
    }) : () -> ()
    "tpu.region"() ({
      %run_scoped3A = tpu.sem_alloc : memref<!tpu.dma_semaphore, #tpu.memory_space<semaphore_mem>>
      %dma_start3A_13 = tpu.memref_slice %arg4[%mul3A_2] : memref<2048xi32, #tpu.memory_space<hbm>> -> memref<64xi32, #tpu.memory_space<hbm>>
      %dma_start3A_14 = tpu.memref_slice %arg4[%mul3A_2] : memref<2048xi32, #tpu.memory_space<hbm>> -> memref<64xi32, #tpu.memory_space<hbm>>
      tpu.enqueue_dma source(%dma_start3A_14 : memref<64xi32, #tpu.memory_space<hbm>>) target(%arg7 : memref<64xi32, #tpu.memory_space<vmem>>) target_semaphore(%run_scoped3A : memref<!tpu.dma_semaphore, #tpu.memory_space<semaphore_mem>>)
      %dma_wait3A_15 = tpu.memref_slice %arg4[%mul3A_2] : memref<2048xi32, #tpu.memory_space<hbm>> -> memref<64xi32, #tpu.memory_space<hbm>>
      %dma_wait3A_16 = tpu.memref_slice %arg4[%mul3A_2] : memref<2048xi32, #tpu.memory_space<hbm>> -> memref<64xi32, #tpu.memory_space<hbm>>
      tpu.wait_dma2 semaphore(%run_scoped3A : memref<!tpu.dma_semaphore, #tpu.memory_space<semaphore_mem>>) src(%dma_wait3A_16 : memref<64xi32, #tpu.memory_space<hbm>>) dst(%arg7 : memref<64xi32, #tpu.memory_space<vmem>>)
      tpu.yield
    }) : () -> ()
    "tpu.region"() ({
      %run_scoped3A = tpu.sem_alloc : memref<!tpu.dma_semaphore, #tpu.memory_space<semaphore_mem>>
      %dma_start3A_13 = arith.constant 0 : i32
      %dma_start3A_14 = tpu.memref_slice %arg2[%mul3A_2, %dma_start3A_13] : memref<2048x1024xf32, #tpu.memory_space<hbm>> -> memref<64x1024xf32, #tpu.memory_space<hbm>>
      %dma_start3A_15 = arith.constant 0 : i32
      %dma_start3A_16 = tpu.memref_slice %arg2[%mul3A_2, %dma_start3A_15] : memref<2048x1024xf32, #tpu.memory_space<hbm>> -> memref<64x1024xf32, #tpu.memory_space<hbm>>
      tpu.enqueue_dma source(%dma_start3A_16 : memref<64x1024xf32, #tpu.memory_space<hbm>>) target(%arg8 : memref<64x1024xf32, #tpu.memory_space<vmem>>) target_semaphore(%run_scoped3A : memref<!tpu.dma_semaphore, #tpu.memory_space<semaphore_mem>>)
      %dma_wait3A_17 = arith.constant 0 : i32
      %dma_wait3A_18 = tpu.memref_slice %arg2[%mul3A_2, %dma_wait3A_17] : memref<2048x1024xf32, #tpu.memory_space<hbm>> -> memref<64x1024xf32, #tpu.memory_space<hbm>>
      %dma_wait3A_19 = arith.constant 0 : i32
      %dma_wait3A_20 = tpu.memref_slice %arg2[%mul3A_2, %dma_wait3A_19] : memref<2048x1024xf32, #tpu.memory_space<hbm>> -> memref<64x1024xf32, #tpu.memory_space<hbm>>
      tpu.wait_dma2 semaphore(%run_scoped3A : memref<!tpu.dma_semaphore, #tpu.memory_space<semaphore_mem>>) src(%dma_wait3A_20 : memref<64x1024xf32, #tpu.memory_space<hbm>>) dst(%arg8 : memref<64x1024xf32, #tpu.memory_space<vmem>>)
      tpu.yield
    }) : () -> ()
    %dma_start3A = arith.constant 0 : i32
    %dma_start3A_3 = arith.constant 0 : i32
    %dma_start3A_4 = tpu.memref_slice %arg5[%dma_start3A, %dma_start3A_3] : memref<4096x1024xf32, #tpu.memory_space<hbm>> -> memref<4096x1024xf32, #tpu.memory_space<hbm>>
    tpu.enqueue_indirect_dma source(%arg8 : memref<64x1024xf32, #tpu.memory_space<vmem>>) target(%dma_start3A_4 : memref<4096x1024xf32, #tpu.memory_space<hbm>>) offsets(%arg6 : memref<64xi32, #tpu.memory_space<vmem>>) semaphore(%arg9 : memref<!tpu.dma_semaphore, #tpu.memory_space<semaphore_mem>>)
    %dma_start3A_5 = arith.constant 0 : i32
    %dma_start3A_6 = arith.constant 0 : i32
    %dma_start3A_7 = tpu.memref_slice %arg5[%dma_start3A_5, %dma_start3A_6] : memref<4096x1024xf32, #tpu.memory_space<hbm>> -> memref<4096x1024xf32, #tpu.memory_space<hbm>>
    tpu.enqueue_indirect_dma source(%arg8 : memref<64x1024xf32, #tpu.memory_space<vmem>>) target(%dma_start3A_7 : memref<4096x1024xf32, #tpu.memory_space<hbm>>) offsets(%arg7 : memref<64xi32, #tpu.memory_space<vmem>>) semaphore(%arg10 : memref<!tpu.dma_semaphore, #tpu.memory_space<semaphore_mem>>)
    %dma_wait3A = arith.constant 0 : i32
    %dma_wait3A_8 = arith.constant 0 : i32
    %dma_wait3A_9 = tpu.memref_slice %arg5[%dma_wait3A, %dma_wait3A_8] : memref<4096x1024xf32, #tpu.memory_space<hbm>> -> memref<4096x1024xf32, #tpu.memory_space<hbm>>
    tpu.wait_indirect_dma semaphore(%arg9 : memref<!tpu.dma_semaphore, #tpu.memory_space<semaphore_mem>>) src(%arg8 : memref<64x1024xf32, #tpu.memory_space<vmem>>) dst(%dma_wait3A_9 : memref<4096x1024xf32, #tpu.memory_space<hbm>>)
    %dma_wait3A_10 = arith.constant 0 : i32
    %dma_wait3A_11 = arith.constant 0 : i32
    %dma_wait3A_12 = tpu.memref_slice %arg5[%dma_wait3A_10, %dma_wait3A_11] : memref<4096x1024xf32, #tpu.memory_space<hbm>> -> memref<4096x1024xf32, #tpu.memory_space<hbm>>
    tpu.wait_indirect_dma semaphore(%arg10 : memref<!tpu.dma_semaphore, #tpu.memory_space<semaphore_mem>>) src(%arg8 : memref<64x1024xf32, #tpu.memory_space<vmem>>) dst(%dma_wait3A_12 : memref<4096x1024xf32, #tpu.memory_space<hbm>>)
    return
  }
}

module attributes {stable_mosaic.version = 14 : i64} {
  func.func @_router_body(%arg0: memref<2048x1024xf32, #tpu.memory_space<vmem>>, %arg1: memref<128x1024xf32, #tpu.memory_space<vmem>>, %arg2: memref<1x128xf32, #tpu.memory_space<vmem>>, %arg3: memref<2048x1xi32, #tpu.memory_space<vmem>>, %arg4: memref<2048x1xi32, #tpu.memory_space<vmem>>, %arg5: memref<2048x1xf32, #tpu.memory_space<vmem>>, %arg6: memref<2048x1xf32, #tpu.memory_space<vmem>>, %arg7: memref<1x128xf32, #tpu.memory_space<vmem>>, %arg8: memref<1x1xf32, #tpu.memory_space<vmem>>, %arg9: memref<2048x128xf32, #tpu.memory_space<vmem>>, %arg10: memref<2048x128xf32, #tpu.memory_space<vmem>>) attributes {dimension_semantics = [], scalar_prefetch = 0 : i64, scratch_operands = 2 : i64, tpu.core_type = #tpu.core_type<tc>} {
    %get3A = arith.constant 0 : index
    %get3A_0 = arith.constant 0 : index
    %get3A_1 = vector.load %arg0[%get3A, %get3A_0] : memref<2048x1024xf32, #tpu.memory_space<vmem>>, vector<2048x1024xf32>
    %get3A_2 = arith.constant 0 : index
    %get3A_3 = arith.constant 0 : index
    %get3A_4 = vector.load %arg1[%get3A_2, %get3A_3] : memref<128x1024xf32, #tpu.memory_space<vmem>>, vector<128x1024xf32>
    %dot_general3A = arith.constant dense<0.000000e+00> : vector<2048x128xf32>
    %dot_general3A_5 = tpu.matmul %get3A_1, %get3A_4, %dot_general3A {dimension_numbers = #tpu.dot_dimension_numbers<[1], [1], [0], [0], [0, 0, 1, 0], [], []>, transpose_lhs_hint = false} : vector<2048x1024xf32>, vector<128x1024xf32>, vector<2048x128xf32> -> vector<2048x128xf32>
    %get3A_6 = arith.constant 0 : index
    %get3A_7 = arith.constant 0 : index
    %get3A_8 = vector.load %arg2[%get3A_6, %get3A_7] : memref<1x128xf32, #tpu.memory_space<vmem>>, vector<1x128xf32>
    %add3A = vector.broadcast %get3A_8 : vector<1x128xf32> to vector<2048x128xf32>
    %add3A_9 = arith.addf %dot_general3A_5, %add3A : vector<2048x128xf32>
    %reduce_max3A = arith.constant dense<0xFF800000> : vector<2048xf32>
    %reduce_max3A_10 = vector.multi_reduction <maximumf>, %add3A_9, %reduce_max3A [1] : vector<2048x128xf32> to vector<2048xf32>
    %broadcast_in_dim3A = vector.shape_cast %reduce_max3A_10 : vector<2048xf32> to vector<2048x1xf32>
    %sub3A = vector.broadcast %broadcast_in_dim3A : vector<2048x1xf32> to vector<2048x128xf32>
    %sub3A_11 = arith.subf %add3A_9, %sub3A : vector<2048x128xf32>
    %exp3A = math.exp %sub3A_11 : vector<2048x128xf32>
    %reduce_sum3A = arith.constant dense<0.000000e+00> : vector<2048xf32>
    %reduce_sum3A_12 = vector.multi_reduction <add>, %exp3A, %reduce_sum3A [1] : vector<2048x128xf32> to vector<2048xf32>
    %broadcast_in_dim3A_13 = vector.shape_cast %reduce_sum3A_12 : vector<2048xf32> to vector<2048x1xf32>
    %div3A = vector.broadcast %broadcast_in_dim3A_13 : vector<2048x1xf32> to vector<2048x128xf32>
    %div3A_14 = arith.divf %exp3A, %div3A : vector<2048x128xf32>
    %iota3A = tpu.iota {dimensions = array<i32: 1>} : vector<2048x128xi32>
    %reduce_max3A_15 = arith.constant dense<0xFF800000> : vector<2048xf32>
    %reduce_max3A_16 = vector.multi_reduction <maximumf>, %div3A_14, %reduce_max3A_15 [1] : vector<2048x128xf32> to vector<2048xf32>
    %broadcast_in_dim3A_17 = vector.shape_cast %reduce_max3A_16 : vector<2048xf32> to vector<2048x1xf32>
    %eq3A = vector.broadcast %broadcast_in_dim3A_17 : vector<2048x1xf32> to vector<2048x128xf32>
    %eq3A_18 = arith.cmpf oeq, %div3A_14, %eq3A : vector<2048x128xf32>
    %jit3A = arith.constant 128 : i32
    %broadcast_in_dim3A_19 = vector.broadcast %jit3A : i32 to vector<2048x128xi32>
    %select_n3A = arith.select %eq3A_18, %iota3A, %broadcast_in_dim3A_19 : vector<2048x128xi1>, vector<2048x128xi32>
    %reduce_min3A = arith.constant dense<2147483647> : vector<2048xi32>
    %reduce_min3A_20 = vector.multi_reduction <minsi>, %select_n3A, %reduce_min3A [1] : vector<2048x128xi32> to vector<2048xi32>
    %broadcast_in_dim3A_21 = vector.shape_cast %reduce_min3A_20 : vector<2048xi32> to vector<2048x1xi32>
    %eq3A_22 = vector.broadcast %broadcast_in_dim3A_21 : vector<2048x1xi32> to vector<2048x128xi32>
    %eq3A_23 = arith.cmpi eq, %iota3A, %eq3A_22 : vector<2048x128xi32>
    %jit3A_24 = arith.constant -1.000000e+00 : f32
    %broadcast_in_dim3A_25 = vector.broadcast %jit3A_24 : f32 to vector<2048x128xf32>
    %select_n3A_26 = arith.select %eq3A_23, %broadcast_in_dim3A_25, %div3A_14 : vector<2048x128xi1>, vector<2048x128xf32>
    %reduce_max3A_27 = arith.constant dense<0xFF800000> : vector<2048xf32>
    %reduce_max3A_28 = vector.multi_reduction <maximumf>, %select_n3A_26, %reduce_max3A_27 [1] : vector<2048x128xf32> to vector<2048xf32>
    %broadcast_in_dim3A_29 = vector.shape_cast %reduce_max3A_28 : vector<2048xf32> to vector<2048x1xf32>
    %eq3A_30 = vector.broadcast %broadcast_in_dim3A_29 : vector<2048x1xf32> to vector<2048x128xf32>
    %eq3A_31 = arith.cmpf oeq, %select_n3A_26, %eq3A_30 : vector<2048x128xf32>
    %jit3A_32 = arith.constant 128 : i32
    %broadcast_in_dim3A_33 = vector.broadcast %jit3A_32 : i32 to vector<2048x128xi32>
    %select_n3A_34 = arith.select %eq3A_31, %iota3A, %broadcast_in_dim3A_33 : vector<2048x128xi1>, vector<2048x128xi32>
    %reduce_min3A_35 = arith.constant dense<2147483647> : vector<2048xi32>
    %reduce_min3A_36 = vector.multi_reduction <minsi>, %select_n3A_34, %reduce_min3A_35 [1] : vector<2048x128xi32> to vector<2048xi32>
    %broadcast_in_dim3A_37 = vector.shape_cast %reduce_min3A_36 : vector<2048xi32> to vector<2048x1xi32>
    %add3A_38 = arith.addf %broadcast_in_dim3A_17, %broadcast_in_dim3A_29 : vector<2048x1xf32>
    %div3A_39 = arith.divf %broadcast_in_dim3A_17, %add3A_38 : vector<2048x1xf32>
    %swap3A = arith.constant 0 : index
    %swap3A_40 = arith.constant 0 : index
    %swap3A_41 = vector.load %arg5[%swap3A, %swap3A_40] : memref<2048x1xf32, #tpu.memory_space<vmem>>, vector<2048x1xf32>
    tpu.vector_store %arg5[%swap3A, %swap3A_40], %div3A_39 {strides = array<i32>} : memref<2048x1xf32, #tpu.memory_space<vmem>>, vector<2048x1xf32>,
    %div3A_42 = arith.divf %broadcast_in_dim3A_29, %add3A_38 : vector<2048x1xf32>
    %swap3A_43 = arith.constant 0 : index
    %swap3A_44 = arith.constant 0 : index
    %swap3A_45 = vector.load %arg6[%swap3A_43, %swap3A_44] : memref<2048x1xf32, #tpu.memory_space<vmem>>, vector<2048x1xf32>
    tpu.vector_store %arg6[%swap3A_43, %swap3A_44], %div3A_42 {strides = array<i32>} : memref<2048x1xf32, #tpu.memory_space<vmem>>, vector<2048x1xf32>,
    %eq3A_46 = vector.broadcast %broadcast_in_dim3A_21 : vector<2048x1xi32> to vector<2048x128xi32>
    %eq3A_47 = arith.cmpi eq, %iota3A, %eq3A_46 : vector<2048x128xi32>
    %jit3A_48 = arith.constant 1.000000e+00 : f32
    %jit3A_49 = arith.constant 0.000000e+00 : f32
    %broadcast_in_dim3A_50 = vector.broadcast %jit3A_48 : f32 to vector<2048x128xf32>
    %broadcast_in_dim3A_51 = vector.broadcast %jit3A_49 : f32 to vector<2048x128xf32>
    %select_n3A_52 = arith.select %eq3A_47, %broadcast_in_dim3A_50, %broadcast_in_dim3A_51 : vector<2048x128xi1>, vector<2048x128xf32>
    %eq3A_53 = vector.broadcast %broadcast_in_dim3A_37 : vector<2048x1xi32> to vector<2048x128xi32>
    %eq3A_54 = arith.cmpi eq, %iota3A, %eq3A_53 : vector<2048x128xi32>
    %jit3A_55 = arith.constant 1.000000e+00 : f32
    %jit3A_56 = arith.constant 0.000000e+00 : f32
    %broadcast_in_dim3A_57 = vector.broadcast %jit3A_55 : f32 to vector<2048x128xf32>
    %broadcast_in_dim3A_58 = vector.broadcast %jit3A_56 : f32 to vector<2048x128xf32>
    %select_n3A_59 = arith.select %eq3A_54, %broadcast_in_dim3A_57, %broadcast_in_dim3A_58 : vector<2048x128xi1>, vector<2048x128xf32>
    %add3A_60 = arith.addf %select_n3A_52, %select_n3A_59 : vector<2048x128xf32>
    %swap3A_61 = arith.constant 0 : index
    %swap3A_62 = arith.constant 0 : index
    %swap3A_63 = vector.load %arg9[%swap3A_61, %swap3A_62] : memref<2048x128xf32, #tpu.memory_space<vmem>>, vector<2048x128xf32>
    tpu.vector_store %arg9[%swap3A_61, %swap3A_62], %add3A_60 {strides = array<i32>} : memref<2048x128xf32, #tpu.memory_space<vmem>>, vector<2048x128xf32>,
    %reduce_sum3A_64 = arith.constant dense<0.000000e+00> : vector<128xf32>
    %reduce_sum3A_65 = vector.multi_reduction <add>, %div3A_14, %reduce_sum3A_64 [0] : vector<2048x128xf32> to vector<128xf32>
    %broadcast_in_dim3A_66 = vector.shape_cast %reduce_sum3A_65 : vector<128xf32> to vector<1x128xf32>
    %div3A_67 = arith.constant 2.048000e+03 : f32
    %div3A_68 = vector.broadcast %div3A_67 : f32 to vector<1x128xf32>
    %div3A_69 = arith.divf %broadcast_in_dim3A_66, %div3A_68 : vector<1x128xf32>
    %iota3A_70 = tpu.iota {dimensions = array<i32: 0>} : vector<256x256xi32>
    %iota3A_71 = tpu.iota {dimensions = array<i32: 1>} : vector<256x256xi32>
    %lt3A = arith.cmpi slt, %iota3A_71, %iota3A_70 : vector<256x256xi32>
    %jit3A_72 = arith.constant 1.000000e+00 : f32
    %jit3A_73 = arith.constant 0.000000e+00 : f32
    %broadcast_in_dim3A_74 = vector.broadcast %jit3A_72 : f32 to vector<256x256xf32>
    %broadcast_in_dim3A_75 = vector.broadcast %jit3A_73 : f32 to vector<256x256xf32>
    %select_n3A_76 = arith.select %lt3A, %broadcast_in_dim3A_74, %broadcast_in_dim3A_75 : vector<256x256xi1>, vector<256x256xf32>
    %broadcast_in_dim3A_77 = arith.constant 0.000000e+00 : f32
    %broadcast_in_dim3A_78 = vector.broadcast %broadcast_in_dim3A_77 : f32 to vector<1x128xf32>
    %scan3A = arith.constant 0 : i32
    %scan3A_79 = arith.constant 8 : i32
    %scan3A_80 = arith.addi %scan3A, %scan3A_79 : i32
    %scan3A_81 = arith.constant 1 : i32
    %scan3A_82 = scf.for %scan3A_138 = %scan3A to %scan3A_80 step %scan3A_81 iter_args(%scan3A_139 = %broadcast_in_dim3A_78) -> (vector<1x128xf32>)  : i32 {
      %mul3A_140 = arith.constant 256 : i32
      %mul3A_141 = arith.muli %scan3A_138, %mul3A_140 : i32
      %get3A_142 = arith.index_cast %mul3A_141 : i32 to index
      %get3A_143 = arith.constant 0 : index
      %get3A_144 = vector.load %arg9[%get3A_142, %get3A_143] : memref<2048x128xf32, #tpu.memory_space<vmem>>, vector<256x128xf32>
      %dot_general3A_145 = arith.constant dense<0.000000e+00> : vector<256x128xf32>
      %dot_general3A_146 = tpu.matmul %select_n3A_76, %get3A_144, %dot_general3A_145 {dimension_numbers = #tpu.dot_dimension_numbers<[1], [0], [0], [1], [0, 0, 1, 1], [], []>, precision = #tpu.contract_precision<fp32>, transpose_lhs_hint = false} : vector<256x256xf32>, vector<256x128xf32>, vector<256x128xf32> -> vector<256x128xf32>
      %add3A_147 = vector.broadcast %scan3A_139 : vector<1x128xf32> to vector<256x128xf32>
      %add3A_148 = arith.addf %dot_general3A_146, %add3A_147 : vector<256x128xf32>
      %mul3A_149 = arith.constant 256 : i32
      %mul3A_150 = arith.muli %scan3A_138, %mul3A_149 : i32
      %swap3A_151 = arith.index_cast %mul3A_150 : i32 to index
      %swap3A_152 = arith.constant 0 : index
      %swap3A_153 = vector.load %arg10[%swap3A_151, %swap3A_152] : memref<2048x128xf32, #tpu.memory_space<vmem>>, vector<256x128xf32>
      tpu.vector_store %arg10[%swap3A_151, %swap3A_152], %add3A_148 {strides = array<i32>} : memref<2048x128xf32, #tpu.memory_space<vmem>>, vector<256x128xf32>,
      %reduce_sum3A_154 = arith.constant dense<0.000000e+00> : vector<128xf32>
      %reduce_sum3A_155 = vector.multi_reduction <add>, %get3A_144, %reduce_sum3A_154 [0] : vector<256x128xf32> to vector<128xf32>
      %broadcast_in_dim3A_156 = vector.shape_cast %reduce_sum3A_155 : vector<128xf32> to vector<1x128xf32>
      %add3A_157 = arith.addf %scan3A_139, %broadcast_in_dim3A_156 : vector<1x128xf32>
      scf.yield %add3A_157 : vector<1x128xf32>
    }
    %scan3A_83 = arith.constant 8 : i32
    %swap3A_84 = arith.constant 0 : index
    %swap3A_85 = arith.constant 0 : index
    %swap3A_86 = vector.load %arg7[%swap3A_84, %swap3A_85] : memref<1x128xf32, #tpu.memory_space<vmem>>, vector<1x128xf32>
    tpu.vector_store %arg7[%swap3A_84, %swap3A_85], %scan3A_82 {strides = array<i32>} : memref<1x128xf32, #tpu.memory_space<vmem>>, vector<1x128xf32>,
    %div3A_87 = arith.constant 2.048000e+03 : f32
    %div3A_88 = vector.broadcast %div3A_87 : f32 to vector<1x128xf32>
    %div3A_89 = arith.divf %scan3A_82, %div3A_88 : vector<1x128xf32>
    %mul3A = arith.mulf %div3A_69, %div3A_89 : vector<1x128xf32>
    %reduce_sum3A_90 = vector.shape_cast %mul3A : vector<1x128xf32> to vector<1x1x128xf32>
    %reduce_sum3A_91 = arith.constant dense<0.000000e+00> : vector<1xf32>
    %reduce_sum3A_92 = vector.multi_reduction <add>, %reduce_sum3A_90, %reduce_sum3A_91 [1, 2] : vector<1x1x128xf32> to vector<1xf32>
    %reduce_sum3A_93 = vector.shape_cast %reduce_sum3A_92 : vector<1xf32> to vector<1x1x1xf32>
    %reduce_sum3A_94 = vector.extract %reduce_sum3A_93[0, 0, 0] : f32 from vector<1x1x1xf32>
    %mul3A_95 = arith.constant 8.000000e+00 : f32
    %mul3A_96 = arith.mulf %mul3A_95, %reduce_sum3A_94 : f32
    %reshape3A = vector.broadcast %mul3A_96 : f32 to vector<1x1xf32>
    %swap3A_97 = arith.constant 0 : index
    %swap3A_98 = arith.constant 0 : index
    %swap3A_99 = vector.load %arg8[%swap3A_97, %swap3A_98] : memref<1x1xf32, #tpu.memory_space<vmem>>, vector<1x1xf32>
    tpu.vector_store %arg8[%swap3A_97, %swap3A_98], %reshape3A {strides = array<i32>} : memref<1x1xf32, #tpu.memory_space<vmem>>, vector<1x1xf32>,
    %iota3A_100 = tpu.iota {dimensions = array<i32: 0>} : vector<128x128xi32>
    %iota3A_101 = tpu.iota {dimensions = array<i32: 1>} : vector<128x128xi32>
    %lt3A_102 = arith.cmpi slt, %iota3A_100, %iota3A_101 : vector<128x128xi32>
    %jit3A_103 = arith.constant 1.000000e+00 : f32
    %jit3A_104 = arith.constant 0.000000e+00 : f32
    %broadcast_in_dim3A_105 = vector.broadcast %jit3A_103 : f32 to vector<128x128xf32>
    %broadcast_in_dim3A_106 = vector.broadcast %jit3A_104 : f32 to vector<128x128xf32>
    %select_n3A_107 = arith.select %lt3A_102, %broadcast_in_dim3A_105, %broadcast_in_dim3A_106 : vector<128x128xi1>, vector<128x128xf32>
    %dot_general3A_108 = arith.constant dense<0.000000e+00> : vector<1x128xf32>
    %dot_general3A_109 = tpu.matmul %scan3A_82, %select_n3A_107, %dot_general3A_108 {dimension_numbers = #tpu.dot_dimension_numbers<[1], [0], [0], [1], [0, 0, 1, 1], [], []>, precision = #tpu.contract_precision<fp32>, transpose_lhs_hint = false} : vector<1x128xf32>, vector<128x128xf32>, vector<1x128xf32> -> vector<1x128xf32>
    %get3A_110 = arith.constant 0 : index
    %get3A_111 = arith.constant 0 : index
    %get3A_112 = vector.load %arg10[%get3A_110, %get3A_111] : memref<2048x128xf32, #tpu.memory_space<vmem>>, vector<2048x128xf32>
    %add3A_113 = vector.broadcast %dot_general3A_109 : vector<1x128xf32> to vector<2048x128xf32>
    %add3A_114 = arith.addf %get3A_112, %add3A_113 : vector<2048x128xf32>
    %eq3A_115 = vector.broadcast %broadcast_in_dim3A_21 : vector<2048x1xi32> to vector<2048x128xi32>
    %eq3A_116 = arith.cmpi eq, %iota3A, %eq3A_115 : vector<2048x128xi32>
    %jit3A_117 = arith.constant 0.000000e+00 : f32
    %broadcast_in_dim3A_118 = vector.broadcast %jit3A_117 : f32 to vector<2048x128xf32>
    %select_n3A_119 = arith.select %eq3A_116, %add3A_114, %broadcast_in_dim3A_118 : vector<2048x128xi1>, vector<2048x128xf32>
    %reduce_sum3A_120 = arith.constant dense<0.000000e+00> : vector<2048xf32>
    %reduce_sum3A_121 = vector.multi_reduction <add>, %select_n3A_119, %reduce_sum3A_120 [1] : vector<2048x128xf32> to vector<2048xf32>
    %broadcast_in_dim3A_122 = vector.shape_cast %reduce_sum3A_121 : vector<2048xf32> to vector<2048x1xf32>
    %eq3A_123 = vector.broadcast %broadcast_in_dim3A_37 : vector<2048x1xi32> to vector<2048x128xi32>
    %eq3A_124 = arith.cmpi eq, %iota3A, %eq3A_123 : vector<2048x128xi32>
    %jit3A_125 = arith.constant 0.000000e+00 : f32
    %broadcast_in_dim3A_126 = vector.broadcast %jit3A_125 : f32 to vector<2048x128xf32>
    %select_n3A_127 = arith.select %eq3A_124, %add3A_114, %broadcast_in_dim3A_126 : vector<2048x128xi1>, vector<2048x128xf32>
    %reduce_sum3A_128 = arith.constant dense<0.000000e+00> : vector<2048xf32>
    %reduce_sum3A_129 = vector.multi_reduction <add>, %select_n3A_127, %reduce_sum3A_128 [1] : vector<2048x128xf32> to vector<2048xf32>
    %broadcast_in_dim3A_130 = vector.shape_cast %reduce_sum3A_129 : vector<2048xf32> to vector<2048x1xf32>
    %convert_element_type3A = arith.fptosi %broadcast_in_dim3A_122 : vector<2048x1xf32> to vector<2048x1xi32>
    %swap3A_131 = arith.constant 0 : index
    %swap3A_132 = arith.constant 0 : index
    %swap3A_133 = vector.load %arg3[%swap3A_131, %swap3A_132] : memref<2048x1xi32, #tpu.memory_space<vmem>>, vector<2048x1xi32>
    tpu.vector_store %arg3[%swap3A_131, %swap3A_132], %convert_element_type3A {strides = array<i32>} : memref<2048x1xi32, #tpu.memory_space<vmem>>, vector<2048x1xi32>,
    %convert_element_type3A_134 = arith.fptosi %broadcast_in_dim3A_130 : vector<2048x1xf32> to vector<2048x1xi32>
    %swap3A_135 = arith.constant 0 : index
    %swap3A_136 = arith.constant 0 : index
    %swap3A_137 = vector.load %arg4[%swap3A_135, %swap3A_136] : memref<2048x1xi32, #tpu.memory_space<vmem>>, vector<2048x1xi32>
    tpu.vector_store %arg4[%swap3A_135, %swap3A_136], %convert_element_type3A_134 {strides = array<i32>} : memref<2048x1xi32, #tpu.memory_space<vmem>>, vector<2048x1xi32>,
    return
  }
}

module attributes {stable_mosaic.version = 14 : i64} {
  func.func @_gmm_body(%arg0: i32, %arg1: i32, %arg2: memref<2x8xi32, #tpu.memory_space<smem>>, %arg3: memref<4096x1024xf32, #tpu.memory_space<vmem>>, %arg4: memref<1x512x1024xf32, #tpu.memory_space<vmem>>, %arg5: memref<1x1x1x512xf32, #tpu.memory_space<vmem>>, %arg6: memref<1x1024x512xf32, #tpu.memory_space<vmem>>, %arg7: memref<1x1x1024xf32, #tpu.memory_space<vmem>>, %arg8: memref<4096x1024xf32, #tpu.memory_space<vmem>>) attributes {dimension_semantics = [#tpu.dimension_semantics<arbitrary>, #tpu.dimension_semantics<arbitrary>], iteration_bounds = array<i64: 8, 8>, scalar_prefetch = 1 : i64, scratch_operands = 0 : i64, tpu.core_type = #tpu.core_type<tc>, window_params = [{pipeline_mode = #tpu.pipeline_mode<synchronous>, transform_indices = @transform_0, window_bounds = array<i64: 4096, 1024>}, {transform_indices = @transform_1, window_bounds = array<i64: 1, 512, 1024>}, {transform_indices = @transform_2, window_bounds = array<i64: 1, 1, 1, 512>}, {transform_indices = @transform_3, window_bounds = array<i64: 1, 1024, 512>}, {transform_indices = @transform_4, window_bounds = array<i64: 1, 1, 1024>}, {pipeline_mode = #tpu.pipeline_mode<synchronous>, transform_indices = @transform_5, window_bounds = array<i64: 4096, 1024>}]} {
    %get3A = arith.constant 0 : index
    %get3A_0 = arith.index_cast %arg0 : i32 to index
    %get3A_1 = memref.load %arg2[%get3A, %get3A_0] : memref<2x8xi32, #tpu.memory_space<smem>>
    %get3A_2 = arith.constant 1 : index
    %get3A_3 = arith.index_cast %arg0 : i32 to index
    %get3A_4 = memref.load %arg2[%get3A_2, %get3A_3] : memref<2x8xi32, #tpu.memory_space<smem>>
    %add3A = arith.addi %get3A_1, %get3A_4 : i32
    %eq3A = arith.constant 0 : i32
    %eq3A_5 = arith.cmpi eq, %arg1, %eq3A : i32
    %jit3A = arith.constant 8 : i32
    %div3A = arith.divsi %get3A_1, %jit3A : i32
    %sign3A = arith.constant 0 : i32
    %sign3A_6 = arith.cmpi sgt, %get3A_1, %sign3A : i32
    %sign3A_7 = arith.extui %sign3A_6 : i1 to i32
    %sign3A_8 = arith.constant 0 : i32
    %sign3A_9 = arith.cmpi slt, %get3A_1, %sign3A_8 : i32
    %sign3A_10 = arith.extui %sign3A_9 : i1 to i32
    %sign3A_11 = arith.subi %sign3A_7, %sign3A_10 : i32
    %sign3A_12 = arith.constant 0 : i32
    %sign3A_13 = arith.cmpi sgt, %jit3A, %sign3A_12 : i32
    %sign3A_14 = arith.extui %sign3A_13 : i1 to i32
    %sign3A_15 = arith.constant 0 : i32
    %sign3A_16 = arith.cmpi slt, %jit3A, %sign3A_15 : i32
    %sign3A_17 = arith.extui %sign3A_16 : i1 to i32
    %sign3A_18 = arith.subi %sign3A_14, %sign3A_17 : i32
    %ne3A = arith.cmpi ne, %sign3A_11, %sign3A_18 : i32
    %rem3A = arith.remsi %get3A_1, %jit3A : i32
    %ne3A_19 = arith.constant 0 : i32
    %ne3A_20 = arith.cmpi ne, %rem3A, %ne3A_19 : i32
    %and3A = arith.andi %ne3A, %ne3A_20 : i1
    %sub3A = arith.constant 1 : i32
    %sub3A_21 = arith.subi %div3A, %sub3A : i32
    %select_n3A = arith.select %and3A, %sub3A_21, %div3A : i32
    %mul3A = arith.constant 8 : i32
    %mul3A_22 = arith.muli %select_n3A, %mul3A : i32
    %multiple_of3A = tpu.assume_multiple %mul3A_22, 8 : i32
    %sub3A_23 = arith.subi %add3A, %multiple_of3A : i32
    %add3A_24 = arith.constant 256 : i32
    %add3A_25 = arith.addi %sub3A_23, %add3A_24 : i32
    %sub3A_26 = arith.constant 1 : i32
    %sub3A_27 = arith.subi %add3A_25, %sub3A_26 : i32
    %jit3A_28 = arith.constant 256 : i32
    %div3A_29 = arith.divsi %sub3A_27, %jit3A_28 : i32
    %sign3A_30 = arith.constant 0 : i32
    %sign3A_31 = arith.cmpi sgt, %sub3A_27, %sign3A_30 : i32
    %sign3A_32 = arith.extui %sign3A_31 : i1 to i32
    %sign3A_33 = arith.constant 0 : i32
    %sign3A_34 = arith.cmpi slt, %sub3A_27, %sign3A_33 : i32
    %sign3A_35 = arith.extui %sign3A_34 : i1 to i32
    %sign3A_36 = arith.subi %sign3A_32, %sign3A_35 : i32
    %sign3A_37 = arith.constant 0 : i32
    %sign3A_38 = arith.cmpi sgt, %jit3A_28, %sign3A_37 : i32
    %sign3A_39 = arith.extui %sign3A_38 : i1 to i32
    %sign3A_40 = arith.constant 0 : i32
    %sign3A_41 = arith.cmpi slt, %jit3A_28, %sign3A_40 : i32
    %sign3A_42 = arith.extui %sign3A_41 : i1 to i32
    %sign3A_43 = arith.subi %sign3A_39, %sign3A_42 : i32
    %ne3A_44 = arith.cmpi ne, %sign3A_36, %sign3A_43 : i32
    %rem3A_45 = arith.remsi %sub3A_27, %jit3A_28 : i32
    %ne3A_46 = arith.constant 0 : i32
    %ne3A_47 = arith.cmpi ne, %rem3A_45, %ne3A_46 : i32
    %and3A_48 = arith.andi %ne3A_44, %ne3A_47 : i1
    %sub3A_49 = arith.constant 1 : i32
    %sub3A_50 = arith.subi %div3A_29, %sub3A_49 : i32
    %select_n3A_51 = arith.select %and3A_48, %sub3A_50, %div3A_29 : i32
    %get3A_52 = arith.constant 0 : index
    %get3A_53 = arith.constant 0 : index
    %get3A_54 = arith.constant 0 : index
    %get3A_55 = vector.load %arg4[%get3A_52, %get3A_53, %get3A_54] : memref<1x512x1024xf32, #tpu.memory_space<vmem>>, vector<1x512x1024xf32>
    %get3A_56 = vector.shape_cast %get3A_55 : vector<1x512x1024xf32> to vector<512x1024xf32>
    %get3A_57 = arith.constant 0 : index
    %get3A_58 = arith.constant 0 : index
    %get3A_59 = arith.constant 0 : index
    %get3A_60 = vector.load %arg6[%get3A_57, %get3A_58, %get3A_59] : memref<1x1024x512xf32, #tpu.memory_space<vmem>>, vector<1x1024x512xf32>
    %get3A_61 = vector.shape_cast %get3A_60 : vector<1x1024x512xf32> to vector<1024x512xf32>
    %get3A_62 = arith.constant 0 : index
    %get3A_63 = arith.constant 0 : index
    %get3A_64 = arith.constant 0 : index
    %get3A_65 = arith.constant 0 : index
    %get3A_66 = vector.load %arg5[%get3A_62, %get3A_63, %get3A_64, %get3A_65] : memref<1x1x1x512xf32, #tpu.memory_space<vmem>>, vector<1x1x1x512xf32>
    %get3A_67 = vector.shape_cast %get3A_66 : vector<1x1x1x512xf32> to vector<1x512xf32>
    %get3A_68 = arith.constant 0 : index
    %get3A_69 = arith.constant 0 : index
    %get3A_70 = arith.constant 0 : index
    %get3A_71 = vector.load %arg7[%get3A_68, %get3A_69, %get3A_70] : memref<1x1x1024xf32, #tpu.memory_space<vmem>>, vector<1x1x1024xf32>
    %get3A_72 = vector.shape_cast %get3A_71 : vector<1x1x1024xf32> to vector<1x1024xf32>
    %while3A = arith.constant 0 : i32
    %while3A_73 = arith.constant 0 : i32
    %while3A_74 = arith.subi %select_n3A_51, %while3A : i32
    %while3A_75 = arith.addi %while3A, %while3A_74 : i32
    %while3A_76 = arith.constant 1 : i32
    %while3A_77 = arith.divsi %while3A_74, %while3A_76 : i32
    %while3A_78 = arith.muli %while3A_77, %while3A_76 : i32
    %while3A_79 = arith.addi %while3A, %while3A_78 : i32
    %while3A_80 = arith.constant 1 : i32
    %while3A_81 = scf.for %while3A_84 = %while3A to %while3A_79 step %while3A_80 iter_args(%while3A_85 = %while3A_73) -> (i32)  : i32 {
      %mul3A_86 = arith.constant 256 : i32
      %mul3A_87 = arith.muli %while3A_84, %mul3A_86 : i32
      %add3A_88 = arith.addi %multiple_of3A, %mul3A_87 : i32
      %min3A = arith.constant 3840 : i32
      %min3A_89 = arith.minsi %add3A_88, %min3A : i32
      %multiple_of3A_90 = tpu.assume_multiple %min3A_89, 8 : i32
      %get3A_91 = arith.index_cast %multiple_of3A_90 : i32 to index
      %get3A_92 = arith.constant 0 : index
      %get3A_93 = vector.load %arg3[%get3A_91, %get3A_92] : memref<4096x1024xf32, #tpu.memory_space<vmem>>, vector<256x1024xf32>
      %convert_element_type3A = arith.truncf %get3A_93 : vector<256x1024xf32> to vector<256x1024xbf16>
      %convert_element_type3A_94 = arith.truncf %get3A_56 : vector<512x1024xf32> to vector<512x1024xbf16>
      %dot_general3A = arith.constant dense<0.000000e+00> : vector<256x512xf32>
      %dot_general3A_95 = tpu.matmul %convert_element_type3A, %convert_element_type3A_94, %dot_general3A {dimension_numbers = #tpu.dot_dimension_numbers<[1], [1], [0], [0], [0, 0, 1, 0], [], []>, transpose_lhs_hint = false} : vector<256x1024xbf16>, vector<512x1024xbf16>, vector<256x512xf32> -> vector<256x512xf32>
      %add3A_96 = vector.broadcast %get3A_67 : vector<1x512xf32> to vector<256x512xf32>
      %add3A_97 = arith.addf %dot_general3A_95, %add3A_96 : vector<256x512xf32>
      %mul3A_98 = arith.constant 5.000000e-01 : f32
      %mul3A_99 = vector.broadcast %mul3A_98 : f32 to vector<256x512xf32>
      %mul3A_100 = arith.mulf %mul3A_99, %add3A_97 : vector<256x512xf32>
      %mul3A_101 = arith.constant 0.707106769 : f32
      %mul3A_102 = vector.broadcast %mul3A_101 : f32 to vector<256x512xf32>
      %mul3A_103 = arith.mulf %add3A_97, %mul3A_102 : vector<256x512xf32>
      %erf3A = math.erf %mul3A_103 : vector<256x512xf32>
      %add3A_104 = arith.constant 1.000000e+00 : f32
      %add3A_105 = vector.broadcast %add3A_104 : f32 to vector<256x512xf32>
      %add3A_106 = arith.addf %add3A_105, %erf3A : vector<256x512xf32>
      %mul3A_107 = arith.mulf %mul3A_100, %add3A_106 : vector<256x512xf32>
      %convert_element_type3A_108 = arith.truncf %mul3A_107 : vector<256x512xf32> to vector<256x512xbf16>
      %convert_element_type3A_109 = arith.truncf %get3A_61 : vector<1024x512xf32> to vector<1024x512xbf16>
      %dot_general3A_110 = arith.constant dense<0.000000e+00> : vector<256x1024xf32>
      %dot_general3A_111 = tpu.matmul %convert_element_type3A_108, %convert_element_type3A_109, %dot_general3A_110 {dimension_numbers = #tpu.dot_dimension_numbers<[1], [1], [0], [0], [0, 0, 1, 0], [], []>, transpose_lhs_hint = false} : vector<256x512xbf16>, vector<1024x512xbf16>, vector<256x1024xf32> -> vector<256x1024xf32>
      %iota3A = tpu.iota {dimensions = array<i32: 0>} : vector<256x1024xi32>
      %add3A_112 = vector.broadcast %multiple_of3A_90 : i32 to vector<256x1024xi32>
      %add3A_113 = arith.addi %add3A_112, %iota3A : vector<256x1024xi32>
      %max3A = arith.maxsi %get3A_1, %add3A_88 : i32
      %ge3A = vector.broadcast %max3A : i32 to vector<256x1024xi32>
      %ge3A_114 = arith.cmpi sge, %add3A_113, %ge3A : vector<256x1024xi32>
      %lt3A = vector.broadcast %add3A : i32 to vector<256x1024xi32>
      %lt3A_115 = arith.cmpi slt, %add3A_113, %lt3A : vector<256x1024xi32>
      %and3A_116 = arith.andi %ge3A_114, %lt3A_115 : vector<256x1024xi1>
      %get3A_117 = arith.index_cast %multiple_of3A_90 : i32 to index
      %get3A_118 = arith.constant 0 : index
      %get3A_119 = vector.load %arg8[%get3A_117, %get3A_118] : memref<4096x1024xf32, #tpu.memory_space<vmem>>, vector<256x1024xf32>
      %add3A_120 = vector.broadcast %get3A_72 : vector<1x1024xf32> to vector<256x1024xf32>
      %add3A_121 = arith.addf %dot_general3A_111, %add3A_120 : vector<256x1024xf32>
      %add3A_122 = arith.addf %get3A_119, %dot_general3A_111 : vector<256x1024xf32>
      %select_n3A_123 = arith.select %eq3A_5, %add3A_121, %add3A_122 : vector<256x1024xf32>
      %select_n3A_124 = arith.select %and3A_116, %select_n3A_123, %get3A_119 : vector<256x1024xi1>, vector<256x1024xf32>
      %swap3A = arith.index_cast %multiple_of3A_90 : i32 to index
      %swap3A_125 = arith.constant 0 : index
      %swap3A_126 = vector.load %arg8[%swap3A, %swap3A_125] : memref<4096x1024xf32, #tpu.memory_space<vmem>>, vector<256x1024xf32>
      tpu.vector_store %arg8[%swap3A, %swap3A_125], %select_n3A_124 {strides = array<i32>} : memref<4096x1024xf32, #tpu.memory_space<vmem>>, vector<256x1024xf32>,
      %while3A_127 = arith.constant 0 : i32
      scf.yield %while3A_127 : i32
    }
    %while3A_82 = arith.constant 1 : i32
    %while3A_83 = scf.for %while3A_84 = %while3A_79 to %while3A_75 step %while3A_82 iter_args(%while3A_85 = %while3A_81) -> (i32)  : i32 {
      %mul3A_86 = arith.constant 256 : i32
      %mul3A_87 = arith.muli %while3A_84, %mul3A_86 : i32
      %add3A_88 = arith.addi %multiple_of3A, %mul3A_87 : i32
      %min3A = arith.constant 3840 : i32
      %min3A_89 = arith.minsi %add3A_88, %min3A : i32
      %multiple_of3A_90 = tpu.assume_multiple %min3A_89, 8 : i32
      %get3A_91 = arith.index_cast %multiple_of3A_90 : i32 to index
      %get3A_92 = arith.constant 0 : index
      %get3A_93 = vector.load %arg3[%get3A_91, %get3A_92] : memref<4096x1024xf32, #tpu.memory_space<vmem>>, vector<256x1024xf32>
      %convert_element_type3A = arith.truncf %get3A_93 : vector<256x1024xf32> to vector<256x1024xbf16>
      %convert_element_type3A_94 = arith.truncf %get3A_56 : vector<512x1024xf32> to vector<512x1024xbf16>
      %dot_general3A = arith.constant dense<0.000000e+00> : vector<256x512xf32>
      %dot_general3A_95 = tpu.matmul %convert_element_type3A, %convert_element_type3A_94, %dot_general3A {dimension_numbers = #tpu.dot_dimension_numbers<[1], [1], [0], [0], [0, 0, 1, 0], [], []>, transpose_lhs_hint = false} : vector<256x1024xbf16>, vector<512x1024xbf16>, vector<256x512xf32> -> vector<256x512xf32>
      %add3A_96 = vector.broadcast %get3A_67 : vector<1x512xf32> to vector<256x512xf32>
      %add3A_97 = arith.addf %dot_general3A_95, %add3A_96 : vector<256x512xf32>
      %mul3A_98 = arith.constant 5.000000e-01 : f32
      %mul3A_99 = vector.broadcast %mul3A_98 : f32 to vector<256x512xf32>
      %mul3A_100 = arith.mulf %mul3A_99, %add3A_97 : vector<256x512xf32>
      %mul3A_101 = arith.constant 0.707106769 : f32
      %mul3A_102 = vector.broadcast %mul3A_101 : f32 to vector<256x512xf32>
      %mul3A_103 = arith.mulf %add3A_97, %mul3A_102 : vector<256x512xf32>
      %erf3A = math.erf %mul3A_103 : vector<256x512xf32>
      %add3A_104 = arith.constant 1.000000e+00 : f32
      %add3A_105 = vector.broadcast %add3A_104 : f32 to vector<256x512xf32>
      %add3A_106 = arith.addf %add3A_105, %erf3A : vector<256x512xf32>
      %mul3A_107 = arith.mulf %mul3A_100, %add3A_106 : vector<256x512xf32>
      %convert_element_type3A_108 = arith.truncf %mul3A_107 : vector<256x512xf32> to vector<256x512xbf16>
      %convert_element_type3A_109 = arith.truncf %get3A_61 : vector<1024x512xf32> to vector<1024x512xbf16>
      %dot_general3A_110 = arith.constant dense<0.000000e+00> : vector<256x1024xf32>
      %dot_general3A_111 = tpu.matmul %convert_element_type3A_108, %convert_element_type3A_109, %dot_general3A_110 {dimension_numbers = #tpu.dot_dimension_numbers<[1], [1], [0], [0], [0, 0, 1, 0], [], []>, transpose_lhs_hint = false} : vector<256x512xbf16>, vector<1024x512xbf16>, vector<256x1024xf32> -> vector<256x1024xf32>
      %iota3A = tpu.iota {dimensions = array<i32: 0>} : vector<256x1024xi32>
      %add3A_112 = vector.broadcast %multiple_of3A_90 : i32 to vector<256x1024xi32>
      %add3A_113 = arith.addi %add3A_112, %iota3A : vector<256x1024xi32>
      %max3A = arith.maxsi %get3A_1, %add3A_88 : i32
      %ge3A = vector.broadcast %max3A : i32 to vector<256x1024xi32>
      %ge3A_114 = arith.cmpi sge, %add3A_113, %ge3A : vector<256x1024xi32>
      %lt3A = vector.broadcast %add3A : i32 to vector<256x1024xi32>
      %lt3A_115 = arith.cmpi slt, %add3A_113, %lt3A : vector<256x1024xi32>
      %and3A_116 = arith.andi %ge3A_114, %lt3A_115 : vector<256x1024xi1>
      %get3A_117 = arith.index_cast %multiple_of3A_90 : i32 to index
      %get3A_118 = arith.constant 0 : index
      %get3A_119 = vector.load %arg8[%get3A_117, %get3A_118] : memref<4096x1024xf32, #tpu.memory_space<vmem>>, vector<256x1024xf32>
      %add3A_120 = vector.broadcast %get3A_72 : vector<1x1024xf32> to vector<256x1024xf32>
      %add3A_121 = arith.addf %dot_general3A_111, %add3A_120 : vector<256x1024xf32>
      %add3A_122 = arith.addf %get3A_119, %dot_general3A_111 : vector<256x1024xf32>
      %select_n3A_123 = arith.select %eq3A_5, %add3A_121, %add3A_122 : vector<256x1024xf32>
      %select_n3A_124 = arith.select %and3A_116, %select_n3A_123, %get3A_119 : vector<256x1024xi1>, vector<256x1024xf32>
      %swap3A = arith.index_cast %multiple_of3A_90 : i32 to index
      %swap3A_125 = arith.constant 0 : index
      %swap3A_126 = vector.load %arg8[%swap3A, %swap3A_125] : memref<4096x1024xf32, #tpu.memory_space<vmem>>, vector<256x1024xf32>
      tpu.vector_store %arg8[%swap3A, %swap3A_125], %select_n3A_124 {strides = array<i32>} : memref<4096x1024xf32, #tpu.memory_space<vmem>>, vector<256x1024xf32>,
      %while3A_127 = arith.constant 0 : i32
      scf.yield %while3A_127 : i32
    }
    return
  }
  func.func @transform_0(%arg0: i32, %arg1: i32, %arg2: memref<2x8xi32, #tpu.memory_space<smem>>) -> (i32, i32) {
    %c0_i32 = arith.constant 0 : i32
    %c0_i32_0 = arith.constant 0 : i32
    %c0_i32_1 = arith.constant 0 : i32
    return %c0_i32, %c0_i32_0 : i32, i32
  }
  func.func @transform_1(%arg0: i32, %arg1: i32, %arg2: memref<2x8xi32, #tpu.memory_space<smem>>) -> (i32, i32, i32) {
    %c0_i32 = arith.constant 0 : i32
    %c0_i32_0 = arith.constant 0 : i32
    return %arg0, %arg1, %c0_i32 : i32, i32, i32
  }
  func.func @transform_2(%arg0: i32, %arg1: i32, %arg2: memref<2x8xi32, #tpu.memory_space<smem>>) -> (i32, i32, i32, i32) {
    %c0_i32 = arith.constant 0 : i32
    %c0_i32_0 = arith.constant 0 : i32
    %c0_i32_1 = arith.constant 0 : i32
    return %arg0, %arg1, %c0_i32, %c0_i32_0 : i32, i32, i32, i32
  }
  func.func @transform_3(%arg0: i32, %arg1: i32, %arg2: memref<2x8xi32, #tpu.memory_space<smem>>) -> (i32, i32, i32) {
    %c0_i32 = arith.constant 0 : i32
    %c0_i32_0 = arith.constant 0 : i32
    return %arg0, %c0_i32, %arg1 : i32, i32, i32
  }
  func.func @transform_4(%arg0: i32, %arg1: i32, %arg2: memref<2x8xi32, #tpu.memory_space<smem>>) -> (i32, i32, i32) {
    %c0_i32 = arith.constant 0 : i32
    %c0_i32_0 = arith.constant 0 : i32
    %c0_i32_1 = arith.constant 0 : i32
    return %arg0, %c0_i32, %c0_i32_0 : i32, i32, i32
  }
  func.func @transform_5(%arg0: i32, %arg1: i32, %arg2: memref<2x8xi32, #tpu.memory_space<smem>>) -> (i32, i32) {
    %c0_i32 = arith.constant 0 : i32
    %c0_i32_0 = arith.constant 0 : i32
    %c0_i32_1 = arith.constant 0 : i32
    return %c0_i32, %c0_i32_0 : i32, i32
  }
}

</mosaic_0001>

<sc_bundles>
// kernel: kernel.6.cloned.1.call-start
scs
__scs_entry_jumppad:
0x0: {  	(pc) =	sbr.rel $0x88, $3  }
0x1: {  	(tag) =	ssettag $0x0;
	lr =	simm.s32 $0x1  }
0x2: {  	[smem:$0x3F9A] =	sst lr;
	_ =	strace $0xD0000000  }
0x3: {  	_ = 	snop  }
0x4: {  	_ = 	snop  }
0x5: {  	_ = 	snop  }
0x6: {  	_ = 	snop  }
0x7: {  	_ = 	snop  }
__scs_overlays_trampoline_lowered:
0x8: {  	[smem:$0x3FA9] =	sst s0  }
0x9: {  	[smem:$0x3FAA] =	sst s1  }
0xa: {  	[smem:$0x3FAB] =	sst s2  }
0xb: {  	[smem:$0x3FAC] =	sst s3  }
0xc: {  	[smem:$0x3FAD] =	sst s4  }
0xd: {  	[smem:$0x3FAE] =	sst s5  }
0xe: {  	[smem:$0x3FAF] =	sst s6  }
0xf: {  	[smem:$0x3FB0] =	sst s7  }
0x10: {  	[smem:$0x3FB1] =	sst s8  }
0x11: {  	[smem:$0x3FB2] =	sst s9;
	s0 =	simm.s32 @!p0 $0x0  }
0x12: {  	s1 =	sld [smem:$0x3F98];
	s0 =	simm.s32 @p0 $0x1  }
0x13: {  	[smem:$0x3FB3] =	sst s0;
	s0 =	simm.s32 @!p1 $0x0  }
0x14: {  	s2 =	sld [smem:$0x3F97];
	s0 =	simm.s32 @p1 $0x1  }
0x15: {  	[smem:$0x3FB4] =	sst s0;
	s0 =	simm.s32 @!p2 $0x0  }
0x16: {  	s3 =	sld [smem:$0x3FDB];
	s0 =	simm.s32 @p2 $0x1  }
0x17: {  	s4 =	simm.s32 $0x1BF5;
	[smem:$0x3FB6] =	sst s0  }
0x18: {  	s0 =	sld [smem:$0x3F99];
	_ =	swait.ge [sflag:s4], $0x0  }
0x19: {  	s7 =	sld [smem:$0x3F9A]  }
0x1a: {  	s8 =	sadd.s32 $0xFFFFE003, lr  }
0x1b: {  	s9 =	sadd.s32 $0xFFFFFEF7, lr;
	s5 =	simm.s32 $0xFFFFFFFF;
	p2 =	slt.u32 s8, $0xFFFFF086  }
0x1c: {  	p1 =	slt.u32 s9, $0xF7A;
	s5 =	simm.s32 @!p2 $0x0  }
0x1d: {  	s5 =	simm.s32 @p1 $0x1;
	p0 =	seq.s32 s7, s2  }
0x1e: {  	s7 =	smul.u32 @!p0 $0xF7A, s2;
	p2 =	seq.s32 @!p0 s5, $0x0  }
0x1f: {  	s9 =	smul.u32 $0xF7A, s1;
	s8 =	simm.s32 @!p0 $0x1BF5;
	p2 =	por !p2, p0  }
0x20: {  	[sflag:s8] =	ssyncset.s32 @!p0 $0xFFFFF086;
	s6 =	sadd.s32 @!p0 s3, s7;
	s7 =	simm.s32 @!p0 $0x108  }
0x21: {  	s3 =	sadd.s32 s3, s9;
	s6 =	sadd.s32 @!p0 $0x88, s6;
	s7 =	simm.s32 @p2 $0x1082  }
0x22: {  	[simem:s7], [sflag:s8] =	dma.local @!p0 [hbm:s6], $0xF7A  }
0x23: {  	s9 =	sor.u32 $0xD0000000, s2;
	s6 =	simm.s32 $0x108;
	_ =	swait.ge @!p0 [sflag:s8], $0x0  }
0x24: {  	s3 =	sadd.s32 $0x88, s3;
	s6 =	simm.s32 @!p1 $0x1082;
	[sflag:s4] =	ssyncset.s32 $0xFFFFF086  }
0x25: {  	[simem:s6], [sflag:s4] =	dma.local [hbm:s3], $0xF7A  }
0x26: {  	[smem:$0x3F9A] =	sst s1;
	(tag) =	ssettag s2;
	_ =	strace s9  }
0x27: {  	s1 =	sld [smem:$0x3FAA]  }
0x28: {  	s2 =	sld [smem:$0x3FAB]  }
0x29: {  	s4 =	sld [smem:$0x3FAD]  }
0x2a: {  	p0 =	seq.s32 s5, $0x0;
	s5 =	sld [smem:$0x3FAE]  }
0x2b: {  	s6 =	sld [smem:$0x3FAF]  }
0x2c: {  	s7 =	sld [smem:$0x3FB0]  }
0x2d: {  	s3 =	simm.s32 $0x108;
	s8 =	sld [smem:$0x3FB1]  }
0x2e: {  	s3 =	simm.s32 @!p0 $0x1082;
	s9 =	sld [smem:$0x3FB2]  }
0x2f: {  	lr =	sadd.s32 s0, s3;
	s0 =	sld [smem:$0x3FA9]  }
0x30: {  	s3 =	sld [smem:$0x3FAC]  }
0x31: {  	[smem:$0x3FB5] =	sst s10  }
0x32: {  	s10 =	sld [smem:$0x3FB3];
	_ =	sdelay $0x3  }
0x33: {  	p0 =	seq.s32 s10, $0x1;
	s10 =	sld [smem:$0x3FB5];
	_ =	sdelay $0x3  }
0x34: {  	[smem:$0x3FB5] =	sst s10  }
0x35: {  	s10 =	sld [smem:$0x3FB4];
	_ =	sdelay $0x3  }
0x36: {  	p1 =	seq.s32 s10, $0x1;
	s10 =	sld [smem:$0x3FB5];
	_ =	sdelay $0x3  }
0x37: {  	[smem:$0x3FB5] =	sst s10  }
0x38: {  	s10 =	sld [smem:$0x3FB6]  }
0x39: {  	_ = 	snop;
	(pc) =	sbr.ind lr, $3  }
0x3a: {  	_ = 	snop  }
0x3b: {  	_ = 	snop  }
0x3c: {  	p2 =	seq.s32 s10, $0x1;
	s10 =	sld [smem:$0x3FB5]  }
0x3d: {  	_ =	shalt  }
0x3e: {  	_ =	shalt  }
0x3f: {  	_ =	shalt  }
0x40: {  	_ =	shalt  }
0x41: {  	_ =	shalt  }
0x42: {  	_ =	shalt  }
0x43: {  	_ =	shalt  }
0x44: {  	_ =	shalt  }
0x45: {  	_ =	shalt  }
0x46: {  	_ =	shalt  }
0x47: {  	_ =	shalt  }
0x48: {  	_ =	shalt  }
0x49: {  	_ =	shalt  }
0x4a: {  	_ =	shalt  }
0x4b: {  	_ =	shalt  }
0x4c: {  	_ =	shalt  }
0x4d: {  	_ =	shalt  }
0x4e: {  	_ =	shalt  }
0x4f: {  	_ =	shalt  }
0x50: {  	_ =	shalt  }
0x51: {  	_ =	shalt  }
0x52: {  	_ =	shalt  }
0x53: {  	_ =	shalt  }
0x54: {  	_ =	shalt  }
0x55: {  	_ =	shalt  }
0x56: {  	_ =	shalt  }
0x57: {  	_ =	shalt  }
0x58: {  	_ =	shalt  }
0x59: {  	_ =	shalt  }
0x5a: {  	_ =	shalt  }
0x5b: {  	_ =	shalt  }
0x5c: {  	_ =	shalt  }
0x5d: {  	_ =	shalt  }
0x5e: {  	_ =	shalt  }
0x5f: {  	_ =	shalt  }
0x60: {  	_ =	shalt  }
0x61: {  	_ =	shalt  }
0x62: {  	_ =	shalt  }
0x63: {  	_ =	shalt  }
0x64: {  	_ =	shalt  }
0x65: {  	_ =	shalt  }
0x66: {  	_ =	shalt  }
0x67: {  	_ =	shalt  }
0x68: {  	_ =	shalt  }
0x69: {  	_ =	shalt  }
0x6a: {  	_ =	shalt  }
0x6b: {  	_ =	shalt  }
0x6c: {  	_ =	shalt  }
0x6d: {  	_ =	shalt  }
0x6e: {  	_ =	shalt  }
0x6f: {  	_ =	shalt  }
0x70: {  	_ =	shalt  }
0x71: {  	_ =	shalt  }
0x72: {  	_ =	shalt  }
0x73: {  	_ =	shalt  }
0x74: {  	_ =	shalt  }
0x75: {  	_ =	shalt  }
0x76: {  	_ =	shalt  }
0x77: {  	_ =	shalt  }
0x78: {  	_ =	shalt  }
0x79: {  	_ =	shalt  }
0x7a: {  	_ =	shalt  }
0x7b: {  	_ =	shalt  }
0x7c: {  	_ =	shalt  }
0x7d: {  	_ =	shalt  }
0x7e: {  	_ =	shalt  }
0x7f: {  	_ =	shalt  }
0x80: {  	_ =	shalt  }
0x81: {  	_ =	shalt  }
0x82: {  	_ =	shalt  }
0x83: {  	_ =	shalt  }
0x84: {  	_ =	shalt  }
0x85: {  	_ =	shalt  }
0x86: {  	_ =	shalt  }
0x87: {  	_ =	shalt  }
.Lfunc_end0:
.L_simem_size_0:
called_computation_lowered:
.L_overlay_start_0:
0x88: {  	s2 =	sld [smem:$0x3FD9]  }
0x89: {  	s3 =	sld [smem:$0x3FFE];
	_ =	sdelay $0x1  }
0x8a: {  	s1 =	srdreg.scid  }
0x8b: {  	s0 =	sand.u32 $0x1, s1  }
0x8c: {  	s17 =	sshll.u32 s0, $0xA;
	s2 =	sadd.s32 s3, s2  }
0x8d: {  	s2 =	sadd.s32 s2, s17  }
0x8e: {  	[smem:$0x3FC1] =	sst s2  }
0x8f: {  	_ = 	snop  }
0x90: {  	s2 =	sld [smem:$0x3FC9];
	(tm) =	ssettm $0x1  }
0x91: {  	s18 =	sld [smem:$0x3FFB];
	_ =	sdelay $0x3  }
0x92: {  	_ =	strace s18  }
0x93: {  	s3 =	sld [smem:$0x3FFC];
	_ =	sdelay $0x3  }
0x94: {  	_ =	strace s3  }
0x95: {  	s3 =	sld [smem:$0x3FFD];
	_ =	sdelay $0x3  }
0x96: {  	_ =	strace s3  }
0x97: {  	_ =	strace $0x8FFFFFFF  }
0x98: {  	s19 =	sld [smem:$0x3FDB];
	_ =	sdelay $0x1  }
0x99: {  	s4 =	simm.s32 $_scs_section_size  }
0x9a: {  	s5 =	simm.s32 $_size__tile_overlayer_lowered;
	s6 =	simm.s32 $_tile_overlayer_lowered  }
0x9b: {  	s22 =	simm.s32 $0x1BFF;
	s21 =	sshll.u32 s6, $0x1;
	s3 =	sadd.s32 s4, s19  }
0x9c: {  	s7 =	simm.s32 $0x0;
	s20 =	sshll.u32 s5, $0x1;
	s5 =	sadd.s32 s21, s3  }
0x9d: {  	[timem:s7], [sflag:s22] =	dma.local [hbm:s5], s20  }
0x9e: {  	_ =	swait.ge [sflag:s22], s20  }
0x9f: {  	s4 =	ssub.s32 $0x0, s20;
	[sflag:s22] =	ssyncset.done $0x0  }
0xa0: {  	[sflag:s22] =	ssyncadd.s32 s4;
	_ =	sdelay $0x1  }
0xa1: {  	s23 =	simm.s32 $0x1B8B  }
0xa2: {  	_ =	swait.ge [sflag:s23], $0x1  }
0xa3: {  	[sflag:s23] =	ssyncset.done $0x0  }
0xa4: {  	s25 =	simm.s32 $0x1B8E;
	s24 =	sld [smem:$0x3FFE];
	[sflag:s23] =	ssyncadd.s32 $0xFFFFFFFF  }
0xa5: {  	s26 =	simm.s32 $execute0_lowered;
	[smem:$0x3FD2] =	sst s25  }
0xa6: {  	s5 =	sshll.u32 s26, $0x1;
	_ =	strace $0x80000046;
	[dreg:$0x1] =	wrdreg $0xFFFFFFFF  }
0xa7: {  	s28 =	simm.s32 $_size_execute0_lowered;
	s3 =	sadd.s32 s3, s5;
	[dreg:$0x0] =	wrdreg $0x0  }
0xa8: {  	s5 =	sshll.u32 s28, $0x1;
	[dreg:$0x2] =	wrdreg s3  }
0xa9: {  	[dreg:$0x3] =	wrdreg s5  }
0xaa: {  	[dreg:$0x4] =	wrdreg $0xC0  }
0xab: {  	_ =	task [dreg:s7], $0x5FFFF  }
0xac: {  	[dreg:$0x1] =	wrdreg $0xFFFFFFFF  }
0xad: {  	[dreg:$0x0] =	wrdreg $0x60  }
0xae: {  	[dreg:$0x2] =	wrdreg s2  }
0xaf: {  	[dreg:$0x3] =	wrdreg s24  }
0xb0: {  	[dreg:$0x4] =	wrdreg $0x9  }
0xb1: {  	_ =	task.clear_ibuf [dreg:s7], $0x5FFFF;
	_ =	strace $0x90000046  }
0xb2: {  	s29 =	simm.s32 $0x9;
	_ =	strace $0x80000048  }
0xb3: {  	_ =	swait.ge [sflag:s29], $0x1  }
0xb4: {  	[sflag:s29] =	ssyncadd.s32 $0xFFFFFFFF  }
0xb5: {  	_ =	strace $0x90000048  }
0xb6: {  	_ =	sfence  }
0xb7: {  	s30 =	sld [smem:$0x0];
	_ =	sdelay $0x2  }
0xb8: {  	s31 =	sshll.u32 s1, $0xD;
	s1 =	sshrl.u32 s1, $0x2  }
0xb9: {  	s3 =	sand.u32 $0x4000, s31;
	s1 =	sadd.s32 s1, s30  }
0xba: {  	s0 =	sor.u32 s3, s0;
	s1 =	sshll.u32 s1, $0x11  }
0xbb: {  	s0 =	sor.u32 s1, s0  }
0xbc: {  	s0 =	sadd.s32 $0x8F2B, s0  }
0xbd: {  	[sflag:s0] =	ssyncadd.remote.s32 $0x1  }
0xbe: {  	_ =	sfence.sel $0xFFFF  }
0xbf: {  	[dreg:$0x0] =	wrdreg $0xFFFFFFFF;
	(pc) =	sbr.abs _section_cstart, $3  }
0xc0: {  	[dreg:$0x1] =	wrdreg $0xFFFFFFFF  }
0xc1: {  	_ =	task.clear_ibuf [dreg:s7], $0x2FFFF;
	_ =	strace $0x9FFFFFFF  }
0xc2: {  	(tm) =	ssettm $0x7FFFFFFF  }
0xc3: {  	_ =	shalt  }
tec
execute0_lowered:
.L_overlay_start_1:
0x0: {  	(tag) =	ssettag $0x1  }
0x1: {  	s0 =	rddreg [dreg:$0x0]  }
0x2: {  	s1 =	rddreg [dreg:$0x1]  }
0x3: {  	s2 =	srdreg.scid;
	s3 =	stileid.u32  }
0x4: {  	s26 =	simm.s32 $0x80;
	s9 =	simm.s32 $0x3;
	s23 =	simm.s32 $0x1900  }
0x5: {  	s24 =	simm.s32 $0x2100;
	s28 =	simm.s32 $0x3900;
	s29 =	simm.s32 $0x4100  }
0x6: {  	s30 =	simm.s32 $0x4900;
	s31 =	simm.s32 $0x5100;
	s11 =	simm.s32 $0x7100  }
0x7: {  	s12 =	simm.s32 $0x7900;
	s13 =	simm.s32 $0x8100;
	s14 =	simm.s32 $0x8900  }
0x8: {  	s15 =	simm.s32 $0x9100;
	s16 =	simm.s32 $0x9900;
	s17 =	simm.s32 $0xA100  }
0x9: {  	s18 =	simm.s32 $0xA900;
	s10 =	simm.s32 $0xB100;
	s20 =	simm.s32 $0xB900  }
0xa: {  	s4 =	sand.u32 $0x1, s2;
	s2 =	simm.s32 $0x0;
	s3 =	sshll.u32 s3, $0x7  }
0xb: {  	s5 =	sshll.u32 s4, $0x6;
	[smem:$0x7FF] =	sst s2;
	s4 =	ssub.s32 $0x2, s4  }
0xc: {  	s5 =	sor.u32 s5, s3;
	_ =	strace $0x80000047;
	s3 =	sadd.s32 $0x400, s1  }
0xd: {  	s25 =	sshrl.u32 s4, $0x1;
	[dreg:$0x5] =	wrdreg s26;
	s26 =	simm.s32 $0x3100  }
0xe: {  	s6 =	sshrl.u32 s5, $0x3;
	s5 =	sshll.u32 s5, $0x7;
	s4 =	ssub.s32 s4, s25  }
0xf: {  	s25 =	simm.s32 $0x2900;
	s7 =	sadd.s32 s1, s6;
	s0 =	sadd.s32 s0, s5  }
0x10: {  	v2 =	vlaneseq.u32;
	s5 =	sadd.s32 $0x500, s1;
	s6 =	sadd.s32 $0x600, s1;
	[dreg:$0x6] =	wrdreg s7  }
0x11: {  	vm0 =	vmmov $0xffff;
	v1 =	vshrl.u32 v2, $0x3;
	s8 =	smax.u32 s4, $0x1;
	s7 =	sadd.s32 $0x200, s7;
	[dreg:$0x4] =	wrdreg s0  }
0x12: {  	v0 =	vand.u32 $0x7, v2;
	v2 =	vor.u32 $0x8, v2;
	v1 =	vmul.u32 $0x8, v1;
	s4 =	simm.s32 $0x6900;
	[dreg:$0x3] =	wrdreg s7;
	s7 =	sadd.s32 $0x700, s1  }
.LBB2_1:
0x13: {  	s21 =	rddreg [dreg:$0x6]  }
0x14: {  	[tilespmem:s2], [sflag:$0x3] =	stream.linear.gather [hbm4b:s21+s2], $0x40, $0x38;
	[tilespmem:$0x10100] =	vst v63  }
0x15: {  	_ =	swait.ge [sflag:s9], $0x40  }
0x16: {  	s0 =	rddreg [dreg:$0x3];
	[sflag:s9] =	ssyncset.done $0x0  }
0x17: {  	s22 =	rddreg [dreg:$0x5];
	[sflag:s9] =	ssyncadd.s32 $0xFFFFFFC0  }
0x18: {  	[tilespmem:s22], [sflag:$0x3] =	stream.linear.gather [hbm4b:s0+s2], $0x40, $0x38;
	[tilespmem:$0x10100] =	vst v63  }
0x19: {  	_ =	swait.ge [sflag:s9], $0x40  }
0x1a: {  	[sflag:s9] =	ssyncset.done $0x0  }
0x1b: {  	s19 =	simm.s32 $0x100;
	s1 =	rddreg [dreg:$0x4];
	[sflag:s9] =	ssyncadd.s32 $0xFFFFFFC0  }
0x1c: {  	[tilespmem:s19], [sflag:$0x3] =	stream.linear.gather [hbm4b:s1+s2], $0x10000, $0x38;
	[tilespmem:$0x10100] =	vst v63  }
0x1d: {  	_ =	swait.ge [sflag:s9], $0x10000  }
0x1e: {  	[sflag:s9] =	ssyncset.done $0x0  }
0x1f: {  	[sflag:s9] =	ssyncadd.s32 $0xFFFF0000  }
0x20: {  	v3 =	vld [tilespmem:$0x0];
	_ =	sdelay $0x4  }
0x21: {  	v4 =	vshll.u32 v3, $0x3  }
0x22: {  	v3 =	vand.u32 $0x7, v3;
	v4 =	vand.u32 $0xFFFFFFC0, v4  }
0x23: {  	v3 =	vor.u32 v3, v4  }
0x24: {  	v4 =	vperm.xlane v3, v0;
	_ =	sdelay $0x1  }
0x25: {  	v4 =	vadd.s32 v1, v4;
	_ =	sdelay $0x4  }
0x26: {  	[hbm4b:s3+s2] =	stream.indirect_vreg.scatter [tilespmem:s19], [sflag:$0x1], $0x80, v4, vm0, $0xb8;
	[tilespmem:$0x10100] =	vst v63  }
0x27: {  	s21 =	simm.s32 $0x900;
	v3 =	vperm.xlane v3, v2  }
0x28: {  	[hbm4b:s5+s2] =	stream.indirect_vreg.scatter [tilespmem:s21], [sflag:$0x1], $0x80, v4, vm0, $0xb8;
	[tilespmem:$0x10100] =	vst v63  }
0x29: {  	s22 =	simm.s32 $0x1100;
	v3 =	vadd.s32 v1, v3  }
0x2a: {  	[hbm4b:s6+s2] =	stream.indirect_vreg.scatter [tilespmem:s22], [sflag:$0x1], $0x80, v4, vm0, $0xb8;
	[tilespmem:$0x10100] =	vst v63  }
0x2b: {  	_ = 	snop  }
0x2c: {  	[hbm4b:s7+s2] =	stream.indirect_vreg.scatter [tilespmem:s23], [sflag:$0x1], $0x80, v4, vm0, $0xb8;
	[tilespmem:$0x10100] =	vst v63  }
0x2d: {  	_ = 	snop  }
0x2e: {  	[hbm4b:s3+s2] =	stream.indirect_vreg.scatter [tilespmem:s24], [sflag:$0x1], $0x80, v3, vm0, $0xb8;
	[tilespmem:$0x10100] =	vst v63  }
0x2f: {  	_ = 	snop  }
0x30: {  	[hbm4b:s5+s2] =	stream.indirect_vreg.scatter [tilespmem:s25], [sflag:$0x1], $0x80, v3, vm0, $0xb8;
	[tilespmem:$0x10100] =	vst v63  }
0x31: {  	_ = 	snop  }
0x32: {  	[hbm4b:s6+s2] =	stream.indirect_vreg.scatter [tilespmem:s26], [sflag:$0x1], $0x80, v3, vm0, $0xb8;
	[tilespmem:$0x10100] =	vst v63  }
0x33: {  	_ = 	snop  }
0x34: {  	[hbm4b:s7+s2] =	stream.indirect_vreg.scatter [tilespmem:s28], [sflag:$0x1], $0x80, v3, vm0, $0xb8;
	[tilespmem:$0x10100] =	vst v63  }
0x35: {  	v3 =	vld [tilespmem:$0x10];
	_ =	sdelay $0x4  }
0x36: {  	v57 =	vshll.u32 v3, $0x3  }
0x37: {  	v3 =	vand.u32 $0x7, v3;
	v4 =	vand.u32 $0xFFFFFFC0, v57  }
0x38: {  	v3 =	vor.u32 v3, v4  }
0x39: {  	v4 =	vperm.xlane v3, v0;
	_ =	sdelay $0x1  }
0x3a: {  	v4 =	vadd.s32 v1, v4;
	_ =	sdelay $0x4  }
0x3b: {  	[hbm4b:s3+s2] =	stream.indirect_vreg.scatter [tilespmem:s29], [sflag:$0x1], $0x80, v4, vm0, $0xb8;
	[tilespmem:$0x10100] =	vst v63  }
0x3c: {  	v3 =	vperm.xlane v3, v2  }
0x3d: {  	[hbm4b:s5+s2] =	stream.indirect_vreg.scatter [tilespmem:s30], [sflag:$0x1], $0x80, v4, vm0, $0xb8;
	[tilespmem:$0x10100] =	vst v63  }
0x3e: {  	v3 =	vadd.s32 v1, v3  }
0x3f: {  	[hbm4b:s6+s2] =	stream.indirect_vreg.scatter [tilespmem:s31], [sflag:$0x1], $0x80, v4, vm0, $0xb8;
	[tilespmem:$0x10100] =	vst v63  }
0x40: {  	s0 =	simm.s32 $0x5900  }
0x41: {  	[hbm4b:s7+s2] =	stream.indirect_vreg.scatter [tilespmem:s0], [sflag:$0x1], $0x80, v4, vm0, $0xb8;
	[tilespmem:$0x10100] =	vst v63  }
0x42: {  	s1 =	simm.s32 $0x6100  }
0x43: {  	[hbm4b:s3+s2] =	stream.indirect_vreg.scatter [tilespmem:s1], [sflag:$0x1], $0x80, v3, vm0, $0xb8;
	[tilespmem:$0x10100] =	vst v63  }
0x44: {  	_ = 	snop  }
0x45: {  	[hbm4b:s5+s2] =	stream.indirect_vreg.scatter [tilespmem:s4], [sflag:$0x1], $0x80, v3, vm0, $0xb8;
	[tilespmem:$0x10100] =	vst v63  }
0x46: {  	_ = 	snop  }
0x47: {  	[hbm4b:s6+s2] =	stream.indirect_vreg.scatter [tilespmem:s11], [sflag:$0x1], $0x80, v3, vm0, $0xb8;
	[tilespmem:$0x10100] =	vst v63  }
0x48: {  	_ = 	snop  }
0x49: {  	[hbm4b:s7+s2] =	stream.indirect_vreg.scatter [tilespmem:s12], [sflag:$0x1], $0x80, v3, vm0, $0xb8;
	[tilespmem:$0x10100] =	vst v63  }
0x4a: {  	v3 =	vld [tilespmem:$0x20];
	_ =	sdelay $0x4  }
0x4b: {  	v58 =	vshll.u32 v3, $0x3  }
0x4c: {  	v3 =	vand.u32 $0x7, v3;
	v4 =	vand.u32 $0xFFFFFFC0, v58  }
0x4d: {  	v3 =	vor.u32 v3, v4  }
0x4e: {  	v4 =	vperm.xlane v3, v0;
	_ =	sdelay $0x1  }
0x4f: {  	v4 =	vadd.s32 v1, v4;
	_ =	sdelay $0x4  }
0x50: {  	[hbm4b:s3+s2] =	stream.indirect_vreg.scatter [tilespmem:s13], [sflag:$0x1], $0x80, v4, vm0, $0xb8;
	[tilespmem:$0x10100] =	vst v63  }
0x51: {  	v3 =	vperm.xlane v3, v2  }
0x52: {  	[hbm4b:s5+s2] =	stream.indirect_vreg.scatter [tilespmem:s14], [sflag:$0x1], $0x80, v4, vm0, $0xb8;
	[tilespmem:$0x10100] =	vst v63  }
0x53: {  	v3 =	vadd.s32 v1, v3  }
0x54: {  	[hbm4b:s6+s2] =	stream.indirect_vreg.scatter [tilespmem:s15], [sflag:$0x1], $0x80, v4, vm0, $0xb8;
	[tilespmem:$0x10100] =	vst v63  }
0x55: {  	_ = 	snop  }
0x56: {  	[hbm4b:s7+s2] =	stream.indirect_vreg.scatter [tilespmem:s16], [sflag:$0x1], $0x80, v4, vm0, $0xb8;
	[tilespmem:$0x10100] =	vst v63  }
0x57: {  	_ = 	snop  }
0x58: {  	[hbm4b:s3+s2] =	stream.indirect_vreg.scatter [tilespmem:s17], [sflag:$0x1], $0x80, v3, vm0, $0xb8;
	[tilespmem:$0x10100] =	vst v63  }
0x59: {  	_ = 	snop  }
0x5a: {  	[hbm4b:s5+s2] =	stream.indirect_vreg.scatter [tilespmem:s18], [sflag:$0x1], $0x80, v3, vm0, $0xb8;
	[tilespmem:$0x10100] =	vst v63  }
0x5b: {  	_ = 	snop  }
0x5c: {  	[hbm4b:s6+s2] =	stream.indirect_vreg.scatter [tilespmem:s10], [sflag:$0x1], $0x80, v3, vm0, $0xb8;
	[tilespmem:$0x10100] =	vst v63  }
0x5d: {  	_ = 	snop  }
0x5e: {  	[hbm4b:s7+s2] =	stream.indirect_vreg.scatter [tilespmem:s20], [sflag:$0x1], $0x80, v3, vm0, $0xb8;
	[tilespmem:$0x10100] =	vst v63  }
0x5f: {  	v3 =	vld [tilespmem:$0x30];
	_ =	sdelay $0x4  }
0x60: {  	v59 =	vshll.u32 v3, $0x3  }
0x61: {  	v3 =	vand.u32 $0x7, v3;
	v4 =	vand.u32 $0xFFFFFFC0, v59  }
0x62: {  	v3 =	vor.u32 v3, v4  }
0x63: {  	v4 =	vperm.xlane v3, v0;
	_ =	sdelay $0x1  }
0x64: {  	v4 =	vadd.s32 v1, v4;
	_ =	sdelay $0x3  }
0x65: {  	s0 =	simm.s32 $0xC100  }
0x66: {  	[hbm4b:s3+s2] =	stream.indirect_vreg.scatter [tilespmem:s0], [sflag:$0x1], $0x80, v4, vm0, $0xb8;
	[tilespmem:$0x10100] =	vst v63  }
0x67: {  	v3 =	vperm.xlane v3, v2;
	s0 =	simm.s32 $0xC900  }
0x68: {  	[hbm4b:s5+s2] =	stream.indirect_vreg.scatter [tilespmem:s0], [sflag:$0x1], $0x80, v4, vm0, $0xb8;
	[tilespmem:$0x10100] =	vst v63  }
0x69: {  	v3 =	vadd.s32 v1, v3;
	s0 =	simm.s32 $0xD100  }
0x6a: {  	[hbm4b:s6+s2] =	stream.indirect_vreg.scatter [tilespmem:s0], [sflag:$0x1], $0x80, v4, vm0, $0xb8;
	[tilespmem:$0x10100] =	vst v63  }
0x6b: {  	s0 =	simm.s32 $0xD900  }
0x6c: {  	[hbm4b:s7+s2] =	stream.indirect_vreg.scatter [tilespmem:s0], [sflag:$0x1], $0x80, v4, vm0, $0xb8;
	[tilespmem:$0x10100] =	vst v63  }
0x6d: {  	s0 =	simm.s32 $0xE100  }
0x6e: {  	[hbm4b:s3+s2] =	stream.indirect_vreg.scatter [tilespmem:s0], [sflag:$0x1], $0x80, v3, vm0, $0xb8;
	[tilespmem:$0x10100] =	vst v63  }
0x6f: {  	s0 =	simm.s32 $0xE900  }
0x70: {  	[hbm4b:s5+s2] =	stream.indirect_vreg.scatter [tilespmem:s0], [sflag:$0x1], $0x80, v3, vm0, $0xb8;
	[tilespmem:$0x10100] =	vst v63  }
0x71: {  	s0 =	simm.s32 $0xF100  }
0x72: {  	[hbm4b:s6+s2] =	stream.indirect_vreg.scatter [tilespmem:s0], [sflag:$0x1], $0x80, v3, vm0, $0xb8;
	[tilespmem:$0x10100] =	vst v63  }
0x73: {  	s0 =	simm.s32 $0xF900  }
0x74: {  	[hbm4b:s7+s2] =	stream.indirect_vreg.scatter [tilespmem:s0], [sflag:$0x1], $0x80, v3, vm0, $0xb8;
	[tilespmem:$0x10100] =	vst v63  }
0x75: {  	v3 =	vld [tilespmem:$0x80];
	_ =	sdelay $0x4  }
0x76: {  	v60 =	vshll.u32 v3, $0x3  }
0x77: {  	v3 =	vand.u32 $0x7, v3;
	v4 =	vand.u32 $0xFFFFFFC0, v60  }
0x78: {  	v3 =	vor.u32 v3, v4  }
0x79: {  	v4 =	vperm.xlane v3, v0;
	_ =	sdelay $0x1  }
0x7a: {  	v4 =	vadd.s32 v1, v4;
	_ =	sdelay $0x4  }
0x7b: {  	[hbm4b:s3+s2] =	stream.indirect_vreg.scatter [tilespmem:s19], [sflag:$0x2], $0x80, v4, vm0, $0xb8;
	[tilespmem:$0x10100] =	vst v63  }
0x7c: {  	v3 =	vperm.xlane v3, v2  }
0x7d: {  	[hbm4b:s5+s2] =	stream.indirect_vreg.scatter [tilespmem:s21], [sflag:$0x2], $0x80, v4, vm0, $0xb8;
	[tilespmem:$0x10100] =	vst v63  }
0x7e: {  	v3 =	vadd.s32 v1, v3  }
0x7f: {  	[hbm4b:s6+s2] =	stream.indirect_vreg.scatter [tilespmem:s22], [sflag:$0x2], $0x80, v4, vm0, $0xb8;
	[tilespmem:$0x10100] =	vst v63  }
0x80: {  	_ = 	snop  }
0x81: {  	[hbm4b:s7+s2] =	stream.indirect_vreg.scatter [tilespmem:s23], [sflag:$0x2], $0x80, v4, vm0, $0xb8;
	[tilespmem:$0x10100] =	vst v63  }
0x82: {  	_ = 	snop  }
0x83: {  	[hbm4b:s3+s2] =	stream.indirect_vreg.scatter [tilespmem:s24], [sflag:$0x2], $0x80, v3, vm0, $0xb8;
	[tilespmem:$0x10100] =	vst v63  }
0x84: {  	_ = 	snop  }
0x85: {  	[hbm4b:s5+s2] =	stream.indirect_vreg.scatter [tilespmem:s25], [sflag:$0x2], $0x80, v3, vm0, $0xb8;
	[tilespmem:$0x10100] =	vst v63  }
0x86: {  	_ = 	snop  }
0x87: {  	[hbm4b:s6+s2] =	stream.indirect_vreg.scatter [tilespmem:s26], [sflag:$0x2], $0x80, v3, vm0, $0xb8;
	[tilespmem:$0x10100] =	vst v63  }
0x88: {  	_ = 	snop  }
0x89: {  	[hbm4b:s7+s2] =	stream.indirect_vreg.scatter [tilespmem:s28], [sflag:$0x2], $0x80, v3, vm0, $0xb8;
	[tilespmem:$0x10100] =	vst v63  }
0x8a: {  	v3 =	vld [tilespmem:$0x90];
	_ =	sdelay $0x4  }
0x8b: {  	v61 =	vshll.u32 v3, $0x3  }
0x8c: {  	v3 =	vand.u32 $0x7, v3;
	v4 =	vand.u32 $0xFFFFFFC0, v61  }
0x8d: {  	v3 =	vor.u32 v3, v4  }
0x8e: {  	v4 =	vperm.xlane v3, v0;
	_ =	sdelay $0x1  }
0x8f: {  	v4 =	vadd.s32 v1, v4;
	_ =	sdelay $0x4  }
0x90: {  	[hbm4b:s3+s2] =	stream.indirect_vreg.scatter [tilespmem:s29], [sflag:$0x2], $0x80, v4, vm0, $0xb8;
	[tilespmem:$0x10100] =	vst v63  }
0x91: {  	v3 =	vperm.xlane v3, v2  }
0x92: {  	[hbm4b:s5+s2] =	stream.indirect_vreg.scatter [tilespmem:s30], [sflag:$0x2], $0x80, v4, vm0, $0xb8;
	[tilespmem:$0x10100] =	vst v63  }
0x93: {  	v3 =	vadd.s32 v1, v3  }
0x94: {  	[hbm4b:s6+s2] =	stream.indirect_vreg.scatter [tilespmem:s31], [sflag:$0x2], $0x80, v4, vm0, $0xb8;
	[tilespmem:$0x10100] =	vst v63  }
0x95: {  	s22 =	simm.s32 $0x5900  }
0x96: {  	[hbm4b:s7+s2] =	stream.indirect_vreg.scatter [tilespmem:s22], [sflag:$0x2], $0x80, v4, vm0, $0xb8;
	[tilespmem:$0x10100] =	vst v63  }
0x97: {  	_ = 	snop  }
0x98: {  	[hbm4b:s3+s2] =	stream.indirect_vreg.scatter [tilespmem:s1], [sflag:$0x2], $0x80, v3, vm0, $0xb8;
	[tilespmem:$0x10100] =	vst v63  }
0x99: {  	_ = 	snop  }
0x9a: {  	[hbm4b:s5+s2] =	stream.indirect_vreg.scatter [tilespmem:s4], [sflag:$0x2], $0x80, v3, vm0, $0xb8;
	[tilespmem:$0x10100] =	vst v63  }
0x9b: {  	_ = 	snop  }
0x9c: {  	[hbm4b:s6+s2] =	stream.indirect_vreg.scatter [tilespmem:s11], [sflag:$0x2], $0x80, v3, vm0, $0xb8;
	[tilespmem:$0x10100] =	vst v63  }
0x9d: {  	_ = 	snop  }
0x9e: {  	[hbm4b:s7+s2] =	stream.indirect_vreg.scatter [tilespmem:s12], [sflag:$0x2], $0x80, v3, vm0, $0xb8;
	[tilespmem:$0x10100] =	vst v63  }
0x9f: {  	v3 =	vld [tilespmem:$0xA0];
	_ =	sdelay $0x4  }
0xa0: {  	v62 =	vshll.u32 v3, $0x3  }
0xa1: {  	v3 =	vand.u32 $0x7, v3;
	v4 =	vand.u32 $0xFFFFFFC0, v62  }
0xa2: {  	v3 =	vor.u32 v3, v4  }
0xa3: {  	v4 =	vperm.xlane v3, v0;
	_ =	sdelay $0x1  }
0xa4: {  	v4 =	vadd.s32 v1, v4;
	_ =	sdelay $0x4  }
0xa5: {  	[hbm4b:s3+s2] =	stream.indirect_vreg.scatter [tilespmem:s13], [sflag:$0x2], $0x80, v4, vm0, $0xb8;
	[tilespmem:$0x10100] =	vst v63  }
0xa6: {  	v3 =	vperm.xlane v3, v2  }
0xa7: {  	[hbm4b:s5+s2] =	stream.indirect_vreg.scatter [tilespmem:s14], [sflag:$0x2], $0x80, v4, vm0, $0xb8;
	[tilespmem:$0x10100] =	vst v63  }
0xa8: {  	v3 =	vadd.s32 v1, v3  }
0xa9: {  	[hbm4b:s6+s2] =	stream.indirect_vreg.scatter [tilespmem:s15], [sflag:$0x2], $0x80, v4, vm0, $0xb8;
	[tilespmem:$0x10100] =	vst v63  }
0xaa: {  	_ = 	snop  }
0xab: {  	[hbm4b:s7+s2] =	stream.indirect_vreg.scatter [tilespmem:s16], [sflag:$0x2], $0x80, v4, vm0, $0xb8;
	[tilespmem:$0x10100] =	vst v63  }
0xac: {  	_ = 	snop  }
0xad: {  	[hbm4b:s3+s2] =	stream.indirect_vreg.scatter [tilespmem:s17], [sflag:$0x2], $0x80, v3, vm0, $0xb8;
	[tilespmem:$0x10100] =	vst v63  }
0xae: {  	_ = 	snop  }
0xaf: {  	[hbm4b:s5+s2] =	stream.indirect_vreg.scatter [tilespmem:s18], [sflag:$0x2], $0x80, v3, vm0, $0xb8;
	[tilespmem:$0x10100] =	vst v63  }
0xb0: {  	_ = 	snop  }
0xb1: {  	[hbm4b:s6+s2] =	stream.indirect_vreg.scatter [tilespmem:s10], [sflag:$0x2], $0x80, v3, vm0, $0xb8;
	[tilespmem:$0x10100] =	vst v63  }
0xb2: {  	_ = 	snop  }
0xb3: {  	[hbm4b:s7+s2] =	stream.indirect_vreg.scatter [tilespmem:s20], [sflag:$0x2], $0x80, v3, vm0, $0xb8;
	[tilespmem:$0x10100] =	vst v63  }
0xb4: {  	v3 =	vld [tilespmem:$0xB0];
	_ =	sdelay $0x4  }
0xb5: {  	v63 =	vshll.u32 v3, $0x3  }
0xb6: {  	v3 =	vand.u32 $0x7, v3;
	v4 =	vand.u32 $0xFFFFFFC0, v63  }
0xb7: {  	v3 =	vor.u32 v3, v4  }
0xb8: {  	v4 =	vperm.xlane v3, v0;
	_ =	sdelay $0x1  }
0xb9: {  	v4 =	vadd.s32 v1, v4;
	_ =	sdelay $0x3  }
0xba: {  	s19 =	simm.s32 $0xC100  }
0xbb: {  	[hbm4b:s3+s2] =	stream.indirect_vreg.scatter [tilespmem:s19], [sflag:$0x2], $0x80, v4, vm0, $0xb8;
	[tilespmem:$0x10100] =	vst v63  }
0xbc: {  	s21 =	simm.s32 $0xC900;
	v3 =	vperm.xlane v3, v2  }
0xbd: {  	[hbm4b:s5+s2] =	stream.indirect_vreg.scatter [tilespmem:s21], [sflag:$0x2], $0x80, v4, vm0, $0xb8;
	[tilespmem:$0x10100] =	vst v63  }
0xbe: {  	s22 =	simm.s32 $0xD100;
	v3 =	vadd.s32 v1, v3  }
0xbf: {  	[hbm4b:s6+s2] =	stream.indirect_vreg.scatter [tilespmem:s22], [sflag:$0x2], $0x80, v4, vm0, $0xb8;
	[tilespmem:$0x10100] =	vst v63  }
0xc0: {  	s19 =	simm.s32 $0xD900  }
0xc1: {  	[hbm4b:s7+s2] =	stream.indirect_vreg.scatter [tilespmem:s19], [sflag:$0x2], $0x80, v4, vm0, $0xb8;
	[tilespmem:$0x10100] =	vst v63  }
0xc2: {  	s21 =	simm.s32 $0xE100  }
0xc3: {  	[hbm4b:s3+s2] =	stream.indirect_vreg.scatter [tilespmem:s21], [sflag:$0x2], $0x80, v3, vm0, $0xb8;
	[tilespmem:$0x10100] =	vst v63  }
0xc4: {  	s22 =	simm.s32 $0xE900  }
0xc5: {  	[hbm4b:s5+s2] =	stream.indirect_vreg.scatter [tilespmem:s22], [sflag:$0x2], $0x80, v3, vm0, $0xb8;
	[tilespmem:$0x10100] =	vst v63  }
0xc6: {  	s19 =	simm.s32 $0xF100  }
0xc7: {  	[hbm4b:s6+s2] =	stream.indirect_vreg.scatter [tilespmem:s19], [sflag:$0x2], $0x80, v3, vm0, $0xb8;
	[tilespmem:$0x10100] =	vst v63  }
0xc8: {  	s21 =	simm.s32 $0x1  }
0xc9: {  	[hbm4b:s7+s2] =	stream.indirect_vreg.scatter [tilespmem:s0], [sflag:$0x2], $0x80, v3, vm0, $0xb8;
	[tilespmem:$0x10100] =	vst v63  }
0xca: {  	p0 =	sne.s32 s8, $0x1;
	_ =	swait.ge [sflag:s21], $0x10000  }
.Ltmp0:
0xcb: {  	[sflag:s21] =	ssyncset.done $0x0;
	(pc) =	sbr.rel @p0 .LBB2_1-.Ltmp0, $4  }
0xcc: {  	s22 =	simm.s32 $0x2;
	[sflag:s21] =	ssyncadd.s32 $0xFFFF0000  }
0xcd: {  	_ =	swait.ge [sflag:s22], $0x10000  }
0xce: {  	[sflag:s22] =	ssyncset.done $0x0  }
0xcf: {  	s8 =	sadd.s32 $0xFFFFFFFF, s8;
	[sflag:s22] =	ssyncadd.s32 $0xFFFF0000  }
0xd0: {  	_ =	sfence.sel $0x180000  }
0xd1: {  	[bflag:$0x0] =	sbarrier.arrive $0xFFFF  }
0xd2: {  	_ =	strace $0x90000047  }
0xd3: {  	s0 =	stileid.u32;
	[bflag:$0x2] =	sbarrier.arrive $0xFFFF  }
0xd4: {  	p0 =	sne.s32 s0, $0x0;
	s0 =	rddreg [dreg:$0x2]  }
0xd5: {  	s0 =	sadd.s32 @!p0 $0x100000, s0  }
0xd6: {  	[sflag:s0] =	ssyncadd.tile.s32 @!p0 $0x1;
	_ =	shalt  }
.Lfunc_end2:
_tile_overlayer_lowered:
.L_overlay_start_2:
0xd7: {  	(tag) =	ssettag $0x2  }
0xd8: {  	s0 =	rddreg [dreg:$0x0];
	s2 =	stileid.u32  }
0xd9: {  	s1 =	rddreg [dreg:$0x1];
	p0 =	sne.s32 s2, $0x0  }
0xda: {  	s3 =	rddreg [dreg:$0x2];
	[bflag:$0x3] =	sbarrier.arrive $0xFFFF;
	s2 =	simm.s32 @!p0 $0x1C03  }
0xdb: {  	[timem:s3], [sflag:s2] =	dma.local @!p0 [hbm:s0], s1  }
0xdc: {  	s0 =	simm.s32 @!p0 $0x3  }
0xdd: {  	_ =	swait.ge @!p0 [sflag:s0], s1  }
0xde: {  	s1 =	ssub.s32 @!p0 $0x0, s1;
	[sflag:s0] =	ssyncset.done @!p0 $0x0  }
0xdf: {  	[sflag:s0] =	ssyncadd.s32 @!p0 s1  }
0xe0: {  	[bflag:$0x3] =	sbarrier.arrive $0xFFFF  }
0xe1: {  	_ =	shalt  }

// kernel: kernel.9.cloned.1.call-start
scs
__scs_entry_jumppad:
0x0: {  	(pc) =	sbr.rel $0x88, $3  }
0x1: {  	(tag) =	ssettag $0x0;
	lr =	simm.s32 $0x1  }
0x2: {  	[smem:$0x3F9A] =	sst lr;
	_ =	strace $0xD0000000  }
0x3: {  	_ = 	snop  }
0x4: {  	_ = 	snop  }
0x5: {  	_ = 	snop  }
0x6: {  	_ = 	snop  }
0x7: {  	_ = 	snop  }
__scs_overlays_trampoline_lowered:
0x8: {  	[smem:$0x3FA9] =	sst s0  }
0x9: {  	[smem:$0x3FAA] =	sst s1  }
0xa: {  	[smem:$0x3FAB] =	sst s2  }
0xb: {  	[smem:$0x3FAC] =	sst s3  }
0xc: {  	[smem:$0x3FAD] =	sst s4  }
0xd: {  	[smem:$0x3FAE] =	sst s5  }
0xe: {  	[smem:$0x3FAF] =	sst s6  }
0xf: {  	[smem:$0x3FB0] =	sst s7  }
0x10: {  	[smem:$0x3FB1] =	sst s8  }
0x11: {  	[smem:$0x3FB2] =	sst s9;
	s0 =	simm.s32 @!p0 $0x0  }
0x12: {  	s1 =	sld [smem:$0x3F98];
	s0 =	simm.s32 @p0 $0x1  }
0x13: {  	[smem:$0x3FB3] =	sst s0;
	s0 =	simm.s32 @!p1 $0x0  }
0x14: {  	s2 =	sld [smem:$0x3F97];
	s0 =	simm.s32 @p1 $0x1  }
0x15: {  	[smem:$0x3FB4] =	sst s0;
	s0 =	simm.s32 @!p2 $0x0  }
0x16: {  	s3 =	sld [smem:$0x3FDB];
	s0 =	simm.s32 @p2 $0x1  }
0x17: {  	s4 =	simm.s32 $0x1BF5;
	[smem:$0x3FB6] =	sst s0  }
0x18: {  	s0 =	sld [smem:$0x3F99];
	_ =	swait.ge [sflag:s4], $0x0  }
0x19: {  	s7 =	sld [smem:$0x3F9A]  }
0x1a: {  	s8 =	sadd.s32 $0xFFFFE003, lr  }
0x1b: {  	s9 =	sadd.s32 $0xFFFFFEF7, lr;
	s5 =	simm.s32 $0xFFFFFFFF;
	p2 =	slt.u32 s8, $0xFFFFF086  }
0x1c: {  	p1 =	slt.u32 s9, $0xF7A;
	s5 =	simm.s32 @!p2 $0x0  }
0x1d: {  	s5 =	simm.s32 @p1 $0x1;
	p0 =	seq.s32 s7, s2  }
0x1e: {  	s7 =	smul.u32 @!p0 $0xF7A, s2;
	p2 =	seq.s32 @!p0 s5, $0x0  }
0x1f: {  	s9 =	smul.u32 $0xF7A, s1;
	s8 =	simm.s32 @!p0 $0x1BF5;
	p2 =	por !p2, p0  }
0x20: {  	[sflag:s8] =	ssyncset.s32 @!p0 $0xFFFFF086;
	s6 =	sadd.s32 @!p0 s3, s7;
	s7 =	simm.s32 @!p0 $0x108  }
0x21: {  	s3 =	sadd.s32 s3, s9;
	s6 =	sadd.s32 @!p0 $0x88, s6;
	s7 =	simm.s32 @p2 $0x1082  }
0x22: {  	[simem:s7], [sflag:s8] =	dma.local @!p0 [hbm:s6], $0xF7A  }
0x23: {  	s9 =	sor.u32 $0xD0000000, s2;
	s6 =	simm.s32 $0x108;
	_ =	swait.ge @!p0 [sflag:s8], $0x0  }
0x24: {  	s3 =	sadd.s32 $0x88, s3;
	s6 =	simm.s32 @!p1 $0x1082;
	[sflag:s4] =	ssyncset.s32 $0xFFFFF086  }
0x25: {  	[simem:s6], [sflag:s4] =	dma.local [hbm:s3], $0xF7A  }
0x26: {  	[smem:$0x3F9A] =	sst s1;
	(tag) =	ssettag s2;
	_ =	strace s9  }
0x27: {  	s1 =	sld [smem:$0x3FAA]  }
0x28: {  	s2 =	sld [smem:$0x3FAB]  }
0x29: {  	s4 =	sld [smem:$0x3FAD]  }
0x2a: {  	p0 =	seq.s32 s5, $0x0;
	s5 =	sld [smem:$0x3FAE]  }
0x2b: {  	s6 =	sld [smem:$0x3FAF]  }
0x2c: {  	s7 =	sld [smem:$0x3FB0]  }
0x2d: {  	s3 =	simm.s32 $0x108;
	s8 =	sld [smem:$0x3FB1]  }
0x2e: {  	s3 =	simm.s32 @!p0 $0x1082;
	s9 =	sld [smem:$0x3FB2]  }
0x2f: {  	lr =	sadd.s32 s0, s3;
	s0 =	sld [smem:$0x3FA9]  }
0x30: {  	s3 =	sld [smem:$0x3FAC]  }
0x31: {  	[smem:$0x3FB5] =	sst s10  }
0x32: {  	s10 =	sld [smem:$0x3FB3];
	_ =	sdelay $0x3  }
0x33: {  	p0 =	seq.s32 s10, $0x1;
	s10 =	sld [smem:$0x3FB5];
	_ =	sdelay $0x3  }
0x34: {  	[smem:$0x3FB5] =	sst s10  }
0x35: {  	s10 =	sld [smem:$0x3FB4];
	_ =	sdelay $0x3  }
0x36: {  	p1 =	seq.s32 s10, $0x1;
	s10 =	sld [smem:$0x3FB5];
	_ =	sdelay $0x3  }
0x37: {  	[smem:$0x3FB5] =	sst s10  }
0x38: {  	s10 =	sld [smem:$0x3FB6]  }
0x39: {  	_ = 	snop;
	(pc) =	sbr.ind lr, $3  }
0x3a: {  	_ = 	snop  }
0x3b: {  	_ = 	snop  }
0x3c: {  	p2 =	seq.s32 s10, $0x1;
	s10 =	sld [smem:$0x3FB5]  }
0x3d: {  	_ =	shalt  }
0x3e: {  	_ =	shalt  }
0x3f: {  	_ =	shalt  }
0x40: {  	_ =	shalt  }
0x41: {  	_ =	shalt  }
0x42: {  	_ =	shalt  }
0x43: {  	_ =	shalt  }
0x44: {  	_ =	shalt  }
0x45: {  	_ =	shalt  }
0x46: {  	_ =	shalt  }
0x47: {  	_ =	shalt  }
0x48: {  	_ =	shalt  }
0x49: {  	_ =	shalt  }
0x4a: {  	_ =	shalt  }
0x4b: {  	_ =	shalt  }
0x4c: {  	_ =	shalt  }
0x4d: {  	_ =	shalt  }
0x4e: {  	_ =	shalt  }
0x4f: {  	_ =	shalt  }
0x50: {  	_ =	shalt  }
0x51: {  	_ =	shalt  }
0x52: {  	_ =	shalt  }
0x53: {  	_ =	shalt  }
0x54: {  	_ =	shalt  }
0x55: {  	_ =	shalt  }
0x56: {  	_ =	shalt  }
0x57: {  	_ =	shalt  }
0x58: {  	_ =	shalt  }
0x59: {  	_ =	shalt  }
0x5a: {  	_ =	shalt  }
0x5b: {  	_ =	shalt  }
0x5c: {  	_ =	shalt  }
0x5d: {  	_ =	shalt  }
0x5e: {  	_ =	shalt  }
0x5f: {  	_ =	shalt  }
0x60: {  	_ =	shalt  }
0x61: {  	_ =	shalt  }
0x62: {  	_ =	shalt  }
0x63: {  	_ =	shalt  }
0x64: {  	_ =	shalt  }
0x65: {  	_ =	shalt  }
0x66: {  	_ =	shalt  }
0x67: {  	_ =	shalt  }
0x68: {  	_ =	shalt  }
0x69: {  	_ =	shalt  }
0x6a: {  	_ =	shalt  }
0x6b: {  	_ =	shalt  }
0x6c: {  	_ =	shalt  }
0x6d: {  	_ =	shalt  }
0x6e: {  	_ =	shalt  }
0x6f: {  	_ =	shalt  }
0x70: {  	_ =	shalt  }
0x71: {  	_ =	shalt  }
0x72: {  	_ =	shalt  }
0x73: {  	_ =	shalt  }
0x74: {  	_ =	shalt  }
0x75: {  	_ =	shalt  }
0x76: {  	_ =	shalt  }
0x77: {  	_ =	shalt  }
0x78: {  	_ =	shalt  }
0x79: {  	_ =	shalt  }
0x7a: {  	_ =	shalt  }
0x7b: {  	_ =	shalt  }
0x7c: {  	_ =	shalt  }
0x7d: {  	_ =	shalt  }
0x7e: {  	_ =	shalt  }
0x7f: {  	_ =	shalt  }
0x80: {  	_ =	shalt  }
0x81: {  	_ =	shalt  }
0x82: {  	_ =	shalt  }
0x83: {  	_ =	shalt  }
0x84: {  	_ =	shalt  }
0x85: {  	_ =	shalt  }
0x86: {  	_ =	shalt  }
0x87: {  	_ =	shalt  }
.Lfunc_end0:
.L_simem_size_0:
called_computation.1_lowered:
.L_overlay_start_0:
0x88: {  	s2 =	sld [smem:$0x3FD9]  }
0x89: {  	s3 =	sld [smem:$0x3FFE];
	_ =	sdelay $0x1  }
0x8a: {  	s1 =	srdreg.scid  }
0x8b: {  	s0 =	sand.u32 $0x1, s1  }
0x8c: {  	s14 =	sshll.u32 s0, $0xA;
	s2 =	sadd.s32 s3, s2  }
0x8d: {  	s2 =	sadd.s32 s2, s14  }
0x8e: {  	[smem:$0x3FC1] =	sst s2  }
0x8f: {  	_ = 	snop  }
0x90: {  	s2 =	sld [smem:$0x3FD0];
	_ =	sdelay $0x2  }
0x91: {  	s15 =	simm.s32 $0xA;
	s4 =	simm.s32 $0x10  }
0x92: {  	[smem:s4], [sflag:s15] =	dma.local [hbm:s2], $0x1  }
0x93: {  	_ =	swait.eq [sflag:s15], $0x1  }
0x94: {  	[sflag:s15] =	ssyncset.done $0x0  }
0x95: {  	[sflag:s15] =	ssyncadd.s32 $0xFFFFFFFF  }
0x96: {  	s16 =	sld [smem:$0x10];
	(tm) =	ssettm $0x1  }
0x97: {  	s17 =	sld [smem:$0x3FFB];
	_ =	sdelay $0x3  }
0x98: {  	_ =	strace s17  }
0x99: {  	s3 =	sld [smem:$0x3FFC];
	_ =	sdelay $0x3  }
0x9a: {  	_ =	strace s3  }
0x9b: {  	s3 =	sld [smem:$0x3FFD];
	_ =	sdelay $0x3  }
0x9c: {  	_ =	strace s3  }
0x9d: {  	_ =	strace $0x8FFFFFFF  }
0x9e: {  	s18 =	sld [smem:$0x3FDB];
	_ =	sdelay $0x1  }
0x9f: {  	s19 =	simm.s32 $_scs_section_size  }
0xa0: {  	s5 =	simm.s32 $_size__tile_overlayer_lowered;
	s6 =	simm.s32 $_tile_overlayer_lowered  }
0xa1: {  	s22 =	simm.s32 $0x1BFF;
	s21 =	sshll.u32 s6, $0x1;
	s3 =	sadd.s32 s19, s18  }
0xa2: {  	s7 =	simm.s32 $0x0;
	s20 =	sshll.u32 s5, $0x1;
	s5 =	sadd.s32 s21, s3  }
0xa3: {  	[timem:s7], [sflag:s22] =	dma.local [hbm:s5], s20  }
0xa4: {  	_ =	swait.ge [sflag:s22], s20  }
0xa5: {  	s4 =	ssub.s32 $0x0, s20;
	[sflag:s22] =	ssyncset.done $0x0  }
0xa6: {  	[sflag:s22] =	ssyncadd.s32 s4;
	_ =	sdelay $0x1  }
0xa7: {  	s23 =	simm.s32 $0x1B8B  }
0xa8: {  	_ =	swait.ge [sflag:s23], $0x1  }
0xa9: {  	[sflag:s23] =	ssyncset.done $0x0  }
0xaa: {  	s25 =	simm.s32 $0x1B8E;
	s24 =	sld [smem:$0x3FFE];
	[sflag:s23] =	ssyncadd.s32 $0xFFFFFFFF  }
0xab: {  	s26 =	simm.s32 $execute0_lowered;
	[smem:$0x3FD2] =	sst s25  }
0xac: {  	s5 =	sshll.u32 s26, $0x1;
	_ =	strace $0x80000049;
	[dreg:$0x1] =	wrdreg $0xFFFFFFFF  }
0xad: {  	s28 =	simm.s32 $_size_execute0_lowered;
	s3 =	sadd.s32 s3, s5;
	[dreg:$0x0] =	wrdreg $0x0  }
0xae: {  	s5 =	sshll.u32 s28, $0x1;
	[dreg:$0x2] =	wrdreg s3  }
0xaf: {  	[dreg:$0x3] =	wrdreg s5  }
0xb0: {  	[dreg:$0x4] =	wrdreg $0xC0  }
0xb1: {  	_ =	task [dreg:s7], $0x5FFFF  }
0xb2: {  	[dreg:$0x1] =	wrdreg $0xFFFFFFFF  }
0xb3: {  	[dreg:$0x0] =	wrdreg $0x60  }
0xb4: {  	[dreg:$0x2] =	wrdreg s24  }
0xb5: {  	[dreg:$0x3] =	wrdreg s16  }
0xb6: {  	[dreg:$0x4] =	wrdreg $0x9  }
0xb7: {  	_ =	task.clear_ibuf [dreg:s7], $0x5FFFF;
	_ =	strace $0x90000049  }
0xb8: {  	s29 =	simm.s32 $0x9;
	_ =	strace $0x8000004B  }
0xb9: {  	_ =	swait.ge [sflag:s29], $0x1  }
0xba: {  	[sflag:s29] =	ssyncadd.s32 $0xFFFFFFFF  }
0xbb: {  	_ =	strace $0x9000004B  }
0xbc: {  	_ =	sfence  }
0xbd: {  	s30 =	sld [smem:$0x0];
	_ =	sdelay $0x2  }
0xbe: {  	s31 =	sshll.u32 s1, $0xD;
	s1 =	sshrl.u32 s1, $0x2  }
0xbf: {  	s3 =	sand.u32 $0x4000, s31;
	s1 =	sadd.s32 s1, s30  }
0xc0: {  	s0 =	sor.u32 s3, s0;
	s1 =	sshll.u32 s1, $0x11  }
0xc1: {  	s0 =	sor.u32 s1, s0  }
0xc2: {  	s0 =	sadd.s32 $0x8F2B, s0  }
0xc3: {  	[sflag:s0] =	ssyncadd.remote.s32 $0x1  }
0xc4: {  	_ =	sfence.sel $0xFFFF  }
0xc5: {  	[dreg:$0x0] =	wrdreg $0xFFFFFFFF;
	(pc) =	sbr.abs _section_cstart, $3  }
0xc6: {  	[dreg:$0x1] =	wrdreg $0xFFFFFFFF  }
0xc7: {  	_ =	task.clear_ibuf [dreg:s7], $0x2FFFF;
	_ =	strace $0x9FFFFFFF  }
0xc8: {  	(tm) =	ssettm $0x7FFFFFFF  }
0xc9: {  	_ =	shalt  }
tec
execute0_lowered:
.L_overlay_start_1:
0x0: {  	(tag) =	ssettag $0x1  }
0x1: {  	s0 =	rddreg [dreg:$0x0]  }
0x2: {  	s1 =	rddreg [dreg:$0x1];
	s2 =	simm.s32 $0x0;
	s3 =	srdreg.scid  }
0x3: {  	s5 =	stileid.u32;
	s29 =	simm.s32 $0x3;
	s31 =	simm.s32 $0x100  }
0x4: {  	[smem:$0x7FF] =	sst s2;
	s4 =	sand.u32 $0x1, s3;
	s3 =	sadd.s32 $0x80E00, s0  }
0x5: {  	s5 =	sshll.u32 s5, $0x7;
	s7 =	sadd.s32 $0x200, s0;
	s26 =	sadd.s32 $0x80800, s0  }
0x6: {  	s10 =	sadd.s32 $0x80A00, s0;
	s6 =	sshll.u32 s4, $0x6;
	s4 =	ssub.s32 $0x2, s4  }
0x7: {  	_ =	strace $0x8000004A;
	s5 =	sor.u32 s6, s5;
	s8 =	sshrl.u32 s4, $0x1  }
0x8: {  	s6 =	simm.s32 $0x1A00;
	s9 =	sshrl.u32 s5, $0x3;
	s4 =	ssub.s32 s4, s8  }
0x9: {  	s12 =	sor.u32 $0x10, s5;
	s13 =	sshll.u32 s5, $0x7;
	s17 =	sor.u32 $0x20, s5  }
0xa: {  	s5 =	sor.u32 $0x30, s5;
	s28 =	sadd.s32 s0, s9;
	s30 =	sadd.s32 s7, s9  }
0xb: {  	s11 =	sadd.s32 s26, s9;
	s9 =	sadd.s32 s10, s9;
	[dreg:$0x3] =	wrdreg s28  }
0xc: {  	s8 =	sshll.u32 s12, $0x7;
	s18 =	sshrl.u32 s17, $0x3;
	[dreg:$0x4] =	wrdreg s30  }
0xd: {  	s21 =	sshll.u32 s5, $0x7;
	s23 =	sshrl.u32 s5, $0x3;
	[dreg:$0x5] =	wrdreg s11  }
0xe: {  	[dreg:$0x6] =	wrdreg s9;
	s11 =	sshrl.u32 s12, $0x3;
	s9 =	sadd.s32 s1, s13  }
0xf: {  	s8 =	sadd.s32 s1, s8;
	s19 =	sadd.s32 s0, s18;
	[dreg:$0x7] =	wrdreg s9  }
0x10: {  	s20 =	sadd.s32 s7, s18;
	s22 =	sadd.s32 s26, s18;
	[dreg:$0xc] =	wrdreg s8  }
0x11: {  	s24 =	sadd.s32 s10, s18;
	s25 =	sadd.s32 s7, s23;
	[dreg:$0xd] =	wrdreg s19  }
0x12: {  	s28 =	sadd.s32 s10, s23;
	s30 =	smax.u32 s4, $0x1;
	[dreg:$0xe] =	wrdreg s20  }
0x13: {  	s12 =	simm.s32 $0x4A00;
	s13 =	simm.s32 $0x5200;
	[dreg:$0x11] =	wrdreg s22  }
0x14: {  	s18 =	simm.s32 $0x7A00;
	s14 =	sadd.s32 s0, s11;
	[dreg:$0x12] =	wrdreg s24  }
0x15: {  	s15 =	sadd.s32 s7, s11;
	s16 =	sadd.s32 s26, s11;
	[dreg:$0x13] =	wrdreg s25  }
0x16: {  	s11 =	sadd.s32 s10, s11;
	s9 =	sshll.u32 s17, $0x7;
	[dreg:$0x15] =	wrdreg s28  }
0x17: {  	s26 =	sadd.s32 s26, s23;
	s24 =	sadd.s32 $0x80F00, s0;
	[dreg:$0x17] =	wrdreg s30  }
0x18: {  	s25 =	sadd.s32 $0x81000, s0;
	s7 =	simm.s32 $0x2200;
	[dreg:$0x8] =	wrdreg s14  }
0x19: {  	s8 =	simm.s32 $0x2A00;
	s10 =	simm.s32 $0x3A00;
	[dreg:$0x9] =	wrdreg s15  }
0x1a: {  	s17 =	simm.s32 $0x7200;
	s19 =	simm.s32 $0x1;
	[dreg:$0xa] =	wrdreg s16  }
0x1b: {  	s20 =	simm.s32 $0x2;
	s22 =	simm.s32 $0x0;
	[dreg:$0xb] =	wrdreg s11  }
0x1c: {  	v2 =	vlaneseq.u32;
	s9 =	sadd.s32 s1, s9;
	s1 =	sadd.s32 s1, s21;
	[dreg:$0x14] =	wrdreg s26  }
0x1d: {  	v0 =	vand.u32 $0x7, v2;
	v1 =	vshrl.u32 v2, $0x3;
	s26 =	sadd.s32 $0x81100, s0;
	s11 =	simm.s32 $0x4200;
	s14 =	simm.s32 $0x5A00  }
0x1e: {  	v63 =	vor.u32 $0x8, v2;
	[tilespmem:$0x1FFD0] =	vst v0;
	v62 =	vmul.u32 $0x8, v1;
	s15 =	simm.s32 $0x6200;
	s16 =	simm.s32 $0x6A00;
	[dreg:$0xf] =	wrdreg s9  }
0x1f: {  	[tilespmem:$0x1FFF0] =	vst v63;
	s21 =	simm.s32 $0x8200;
	[dreg:$0x10] =	wrdreg s1;
	s1 =	sadd.s32 s0, s23  }
0x20: {  	vm0 =	vmmov $0xffff;
	[tilespmem:$0x1FFE0] =	vst v62;
	s0 =	simm.s32 $0x180;
	s9 =	simm.s32 $0x3200;
	[dreg:$0x16] =	wrdreg s1  }
.LBB2_1:
0x21: {  	s1 =	rddreg [dreg:$0x3]  }
0x22: {  	[tilespmem:s2], [sflag:$0x3] =	stream.linear.gather [hbm4b:s1+s2], $0x10, $0x38;
	[tilespmem:$0xC200] =	vst v63  }
0x23: {  	_ =	swait.ge [sflag:s29], $0x10  }
0x24: {  	[sflag:s29] =	ssyncset.done $0x0  }
0x25: {  	s4 =	simm.s32 $0x80;
	s23 =	rddreg [dreg:$0x4];
	[sflag:s29] =	ssyncadd.s32 $0xFFFFFFF0  }
0x26: {  	[tilespmem:s4], [sflag:$0x3] =	stream.linear.gather [hbm4b:s23+s2], $0x10, $0x38;
	[tilespmem:$0xC200] =	vst v63  }
0x27: {  	_ =	swait.ge [sflag:s29], $0x10  }
0x28: {  	[sflag:s29] =	ssyncset.done $0x0  }
0x29: {  	s5 =	rddreg [dreg:$0x5];
	[sflag:s29] =	ssyncadd.s32 $0xFFFFFFF0  }
0x2a: {  	[tilespmem:s31], [sflag:$0x3] =	stream.linear.gather [hbm4b:s5+s2], $0x10, $0x38;
	[tilespmem:$0xC200] =	vst v63  }
0x2b: {  	_ =	swait.ge [sflag:s29], $0x10  }
0x2c: {  	[sflag:s29] =	ssyncset.done $0x0  }
0x2d: {  	s23 =	rddreg [dreg:$0x6];
	[sflag:s29] =	ssyncadd.s32 $0xFFFFFFF0  }
0x2e: {  	[tilespmem:s0], [sflag:$0x3] =	stream.linear.gather [hbm4b:s23+s2], $0x10, $0x38;
	[tilespmem:$0xC200] =	vst v63  }
0x2f: {  	_ =	swait.ge [sflag:s29], $0x10  }
0x30: {  	[sflag:s29] =	ssyncset.done $0x0  }
0x31: {  	[sflag:s29] =	ssyncadd.s32 $0xFFFFFFF0  }
0x32: {  	v3 =	vld [tilespmem:$0x0];
	_ =	sdelay $0x2  }
0x33: {  	v0 =	vld [tilespmem:$0x1FFD0];
	_ =	sdelay $0x1  }
0x34: {  	v1 =	vld [tilespmem:$0x1FFE0];
	v4 =	vshll.u32 v3, $0x3  }
0x35: {  	v3 =	vand.u32 $0x7, v3;
	v4 =	vand.u32 $0xFFFFFFC0, v4  }
0x36: {  	v3 =	vor.u32 v3, v4  }
0x37: {  	v4 =	vperm.xlane v3, v0;
	_ =	sdelay $0x1  }
0x38: {  	v4 =	vadd.s32 v1, v4  }
0x39: {  	v2 =	vld [tilespmem:$0x1FFF0];
	_ =	sdelay $0x2  }
0x3a: {  	s4 =	simm.s32 $0x200  }
0x3b: {  	[tilespmem:s4], [sflag:$0x1] =	stream.indirect_vreg.gather [hbm4b:s3+s2], $0x80, v4, vm0, $0xb8;
	[tilespmem:$0xC200] =	vst v63  }
0x3c: {  	s5 =	simm.s32 $0xA00;
	v3 =	vperm.xlane v3, v2  }
0x3d: {  	[tilespmem:s5], [sflag:$0x1] =	stream.indirect_vreg.gather [hbm4b:s24+s2], $0x80, v4, vm0, $0xb8;
	[tilespmem:$0xC200] =	vst v63  }
0x3e: {  	s23 =	simm.s32 $0x1200;
	v3 =	vadd.s32 v1, v3  }
0x3f: {  	[tilespmem:s23], [sflag:$0x1] =	stream.indirect_vreg.gather [hbm4b:s25+s2], $0x80, v4, vm0, $0xb8;
	[tilespmem:$0xC200] =	vst v63  }
0x40: {  	_ = 	snop  }
0x41: {  	[tilespmem:s6], [sflag:$0x1] =	stream.indirect_vreg.gather [hbm4b:s26+s2], $0x80, v4, vm0, $0xb8;
	[tilespmem:$0xC200] =	vst v63  }
0x42: {  	_ = 	snop  }
0x43: {  	[tilespmem:s7], [sflag:$0x1] =	stream.indirect_vreg.gather [hbm4b:s3+s2], $0x80, v3, vm0, $0xb8;
	[tilespmem:$0xC200] =	vst v63  }
0x44: {  	_ = 	snop  }
0x45: {  	[tilespmem:s8], [sflag:$0x1] =	stream.indirect_vreg.gather [hbm4b:s24+s2], $0x80, v3, vm0, $0xb8;
	[tilespmem:$0xC200] =	vst v63  }
0x46: {  	_ = 	snop  }
0x47: {  	[tilespmem:s9], [sflag:$0x1] =	stream.indirect_vreg.gather [hbm4b:s25+s2], $0x80, v3, vm0, $0xb8;
	[tilespmem:$0xC200] =	vst v63  }
0x48: {  	_ = 	snop  }
0x49: {  	[tilespmem:s10], [sflag:$0x1] =	stream.indirect_vreg.gather [hbm4b:s26+s2], $0x80, v3, vm0, $0xb8;
	[tilespmem:$0xC200] =	vst v63  }
0x4a: {  	v3 =	vld [tilespmem:$0x80];
	_ =	sdelay $0x4  }
0x4b: {  	v63 =	vshll.u32 v3, $0x3  }
0x4c: {  	v3 =	vand.u32 $0x7, v3;
	v4 =	vand.u32 $0xFFFFFFC0, v63  }
0x4d: {  	v3 =	vor.u32 v3, v4  }
0x4e: {  	v4 =	vperm.xlane v3, v0;
	_ =	sdelay $0x1  }
0x4f: {  	v4 =	vadd.s32 v1, v4;
	_ =	sdelay $0x4  }
0x50: {  	[tilespmem:s11], [sflag:$0x2] =	stream.indirect_vreg.gather [hbm4b:s3+s2], $0x80, v4, vm0, $0xb8;
	[tilespmem:$0xC200] =	vst v63  }
0x51: {  	v3 =	vperm.xlane v3, v2  }
0x52: {  	[tilespmem:s12], [sflag:$0x2] =	stream.indirect_vreg.gather [hbm4b:s24+s2], $0x80, v4, vm0, $0xb8;
	[tilespmem:$0xC200] =	vst v63  }
0x53: {  	v3 =	vadd.s32 v1, v3  }
0x54: {  	[tilespmem:s13], [sflag:$0x2] =	stream.indirect_vreg.gather [hbm4b:s25+s2], $0x80, v4, vm0, $0xb8;
	[tilespmem:$0xC200] =	vst v63  }
0x55: {  	_ = 	snop  }
0x56: {  	[tilespmem:s14], [sflag:$0x2] =	stream.indirect_vreg.gather [hbm4b:s26+s2], $0x80, v4, vm0, $0xb8;
	[tilespmem:$0xC200] =	vst v63  }
0x57: {  	_ = 	snop  }
0x58: {  	[tilespmem:s15], [sflag:$0x2] =	stream.indirect_vreg.gather [hbm4b:s3+s2], $0x80, v3, vm0, $0xb8;
	[tilespmem:$0xC200] =	vst v63  }
0x59: {  	_ = 	snop  }
0x5a: {  	[tilespmem:s16], [sflag:$0x2] =	stream.indirect_vreg.gather [hbm4b:s24+s2], $0x80, v3, vm0, $0xb8;
	[tilespmem:$0xC200] =	vst v63  }
0x5b: {  	_ = 	snop  }
0x5c: {  	[tilespmem:s17], [sflag:$0x2] =	stream.indirect_vreg.gather [hbm4b:s25+s2], $0x80, v3, vm0, $0xb8;
	[tilespmem:$0xC200] =	vst v63  }
0x5d: {  	_ = 	snop  }
0x5e: {  	[tilespmem:s18], [sflag:$0x2] =	stream.indirect_vreg.gather [hbm4b:s26+s2], $0x80, v3, vm0, $0xb8;
	[tilespmem:$0xC200] =	vst v63  }
0x5f: {  	_ =	swait.ge [sflag:s19], $0x4000  }
0x60: {  	[sflag:s19] =	ssyncset.done $0x0  }
0x61: {  	[sflag:s19] =	ssyncadd.s32 $0xFFFFC000  }
0x62: {  	_ =	swait.ge [sflag:s20], $0x4000  }
0x63: {  	s28 =	simm.s32 $0x0;
	s30 =	simm.s32 $0x0;
	[sflag:s20] =	ssyncset.done $0x0  }
0x64: {  	s1 =	simm.s32 $0x0;
	s23 =	simm.s32 $0x0;
	[sflag:s20] =	ssyncadd.s32 $0xFFFFC000  }
.LBB2_2:
0x65: {  	s4 =	sand.u32 $0x2000, s28;
	s5 =	sand.u32 $0x380, s30  }
0x66: {  	s4 =	sor.u32 s5, s4  }
0x67: {  	v6 =	vld [tilespmem:s4+$0x200]  }
0x68: {  	v7 =	vld [tilespmem:s4+$0x4200]  }
0x69: {  	v10 =	vld [tilespmem:s4+$0x210]  }
0x6a: {  	v11 =	vld [tilespmem:s4+$0x4210]  }
0x6b: {  	v14 =	vld [tilespmem:s4+$0x220]  }
0x6c: {  	v17 =	vld [tilespmem:s4+$0x4220]  }
0x6d: {  	v20 =	vld [tilespmem:s4+$0x230]  }
0x6e: {  	v21 =	vld [tilespmem:s4+$0x4230]  }
0x6f: {  	v26 =	vld [tilespmem:s4+$0x240]  }
0x70: {  	v27 =	vld [tilespmem:s4+$0x4240]  }
0x71: {  	v28 =	vld [tilespmem:s4+$0x250]  }
0x72: {  	v29 =	vld [tilespmem:s4+$0x4250]  }
0x73: {  	v30 =	vld [tilespmem:s4+$0x260]  }
0x74: {  	v31 =	vld [tilespmem:s4+$0x4260]  }
0x75: {  	v32 =	vld [tilespmem:s4+$0x270]  }
0x76: {  	v33 =	vld [tilespmem:s4+$0x4270]  }
0x77: {  	v34 =	vld [tilespmem:s4+$0x600]  }
0x78: {  	v35 =	vld [tilespmem:s4+$0x4600]  }
0x79: {  	v36 =	vld [tilespmem:s4+$0x610]  }
0x7a: {  	v37 =	vld [tilespmem:s4+$0x4610]  }
0x7b: {  	v38 =	vld [tilespmem:s4+$0x620]  }
0x7c: {  	v39 =	vld [tilespmem:s4+$0x4620]  }
0x7d: {  	v40 =	vld [tilespmem:s4+$0x630]  }
0x7e: {  	v41 =	vld [tilespmem:s4+$0x4630]  }
0x7f: {  	v42 =	vld [tilespmem:s4+$0x640]  }
0x80: {  	v43 =	vld [tilespmem:s4+$0x4640]  }
0x81: {  	v44 =	vld [tilespmem:s4+$0x650]  }
0x82: {  	v45 =	vld [tilespmem:s4+$0x4650]  }
0x83: {  	v46 =	vld [tilespmem:s4+$0x660]  }
0x84: {  	v47 =	vld [tilespmem:s4+$0x4660]  }
0x85: {  	v48 =	vld [tilespmem:s4+$0x670]  }
0x86: {  	v49 =	vld [tilespmem:s4+$0x4670]  }
0x87: {  	v50 =	vld [tilespmem:s4+$0xA00]  }
0x88: {  	v51 =	vld [tilespmem:s4+$0x4A00]  }
0x89: {  	v52 =	vld [tilespmem:s4+$0xA10]  }
0x8a: {  	v53 =	vld [tilespmem:s4+$0x4A10]  }
0x8b: {  	v54 =	vld [tilespmem:s4+$0xA20]  }
0x8c: {  	v55 =	vld [tilespmem:s4+$0x4A20]  }
0x8d: {  	v56 =	vld [tilespmem:s4+$0xA30]  }
0x8e: {  	v57 =	vld [tilespmem:s4+$0x4A30]  }
0x8f: {  	v58 =	vld [tilespmem:s4+$0xA40]  }
0x90: {  	v59 =	vld [tilespmem:s4+$0x4A40]  }
0x91: {  	v60 =	vld [tilespmem:s4+$0xA50]  }
0x92: {  	v61 =	vld [tilespmem:s4+$0x4A50]  }
0x93: {  	v62 =	vld [tilespmem:s4+$0xA60]  }
0x94: {  	v63 =	vld [tilespmem:s4+$0x4A60]  }
0x95: {  	v5 =	vld [tilespmem:s4+$0xA70]  }
0x96: {  	v2 =	vld [tilespmem:s4+$0x4A70]  }
0x97: {  	v24 =	vld [tilespmem:s4+$0xE00]  }
0x98: {  	v25 =	vld [tilespmem:s4+$0x4E00]  }
0x99: {  	v22 =	vld [tilespmem:s4+$0xE10]  }
0x9a: {  	v4 =	vmov s1;
	v23 =	vld [tilespmem:s4+$0x4E10]  }
0x9b: {  	v18 =	vld [tilespmem:s4+$0xE20]  }
0x9c: {  	v19 =	vld [tilespmem:s4+$0x4E20]  }
0x9d: {  	v15 =	vld [tilespmem:s4+$0xE30]  }
0x9e: {  	v0 =	vld [tilespmem:s4+$0xE60]  }
0x9f: {  	v3 =	vld.idx.msk [tilespmem:v4+s31+$0x0], $0xffff  }
0xa0: {  	v4 =	vld.idx.msk [tilespmem:v4+s0+$0x0], $0xffff  }
0xa1: {  	v16 =	vld [tilespmem:s4+$0x4E30]  }
0xa2: {  	v12 =	vld [tilespmem:s4+$0xE40]  }
0xa3: {  	v13 =	vld [tilespmem:s4+$0x4E40]  }
0xa4: {  	v8 =	vld [tilespmem:s4+$0xE50];
	v1 =	vmul.f32 v6, v3  }
0xa5: {  	v9 =	vld [tilespmem:s4+$0x4E50];
	[tilespmem:$0x1FFC0] =	vst v0;
	v0 =	vmul.f32 v7, v4;
	v10 =	vmul.f32 v10, v3  }
0xa6: {  	v7 =	vld [tilespmem:s4+$0x4E60];
	v11 =	vmul.f32 v11, v4;
	v14 =	vmul.f32 v14, v3  }
0xa7: {  	v6 =	vld [tilespmem:s4+$0xE70];
	v17 =	vmul.f32 v17, v4;
	v20 =	vmul.f32 v20, v3  }
0xa8: {  	v21 =	vmul.f32 v21, v4;
	v26 =	vmul.f32 v26, v3;
	v1 =	vadd.f32 v0, v1;
	v0 =	vld [tilespmem:s4+$0x4E70]  }
0xa9: {  	v5 =	vmul.f32 v5, v3;
	v2 =	vmul.f32 v2, v4;
	v10 =	vadd.f32 v11, v10;
	v11 =	vld [tilespmem:s4+$0x1200]  }
0xaa: {  	v24 =	vmul.f32 v24, v3;
	v25 =	vmul.f32 v25, v4;
	[tilespmem:s4+$0x8200] =	vst v1;
	v1 =	vadd.f32 v17, v14;
	v14 =	vld [tilespmem:s4+$0x5200]  }
0xab: {  	[tilespmem:s4+$0x8210] =	vst v10;
	v10 =	vadd.f32 v21, v20;
	v21 =	vmul.f32 v28, v3;
	v28 =	vmul.f32 v29, v4;
	v17 =	vld [tilespmem:s4+$0x1210]  }
0xac: {  	v27 =	vmul.f32 v27, v4;
	v34 =	vmul.f32 v34, v3;
	v2 =	vadd.f32 v2, v5;
	v20 =	vld [tilespmem:s4+$0x5210]  }
0xad: {  	v35 =	vmul.f32 v35, v4;
	v25 =	vadd.f32 v25, v24;
	[tilespmem:s4+$0x8230] =	vst v10;
	v10 =	vadd.f32 v28, v21;
	v21 =	vld [tilespmem:s4+$0x1220]  }
0xae: {  	v29 =	vmul.f32 v33, v4;
	[tilespmem:s4+$0x8220] =	vst v1;
	v1 =	vadd.f32 v27, v26;
	v27 =	vmul.f32 v31, v4;
	v31 =	vld [tilespmem:s4+$0x1230]  }
0xaf: {  	[tilespmem:s4+$0x8A70] =	vst v2;
	v26 =	vmul.f32 v30, v3;
	v28 =	vmul.f32 v32, v3;
	v32 =	vld [tilespmem:s4+$0x5230]  }
0xb0: {  	v38 =	vmul.f32 v38, v3;
	[tilespmem:s4+$0x8E00] =	vst v25;
	v30 =	vmul.f32 v15, v3;
	v15 =	vld [tilespmem:s4+$0x1640]  }
0xb1: {  	v39 =	vmul.f32 v39, v4;
	v33 =	vadd.f32 v27, v26;
	v26 =	vld [tilespmem:s4+$0x5220];
	[tilespmem:s4+$0x8250] =	vst v10;
	v10 =	vadd.f32 v29, v28  }
0xb2: {  	[tilespmem:s4+$0x8240] =	vst v1;
	v28 =	vmul.f32 v36, v3;
	v36 =	vmul.f32 v37, v4;
	v37 =	vadd.f32 v35, v34;
	v34 =	vld [tilespmem:s4+$0x5240]  }
0xb3: {  	v40 =	vmul.f32 v40, v3;
	v52 =	vmul.f32 v52, v3;
	v35 =	vld [tilespmem:s4+$0x1250];
	[tilespmem:s4+$0x8260] =	vst v33  }
0xb4: {  	v18 =	vmul.f32 v18, v3;
	v27 =	vld [tilespmem:s4+$0x5620];
	[tilespmem:s4+$0x8270] =	vst v10;
	v10 =	vadd.f32 v36, v28;
	v36 =	vmul.f32 v41, v4  }
0xb5: {  	v33 =	vld [tilespmem:s4+$0x1240];
	[tilespmem:s4+$0x8600] =	vst v37;
	v37 =	vadd.f32 v39, v38;
	v38 =	vmul.f32 v42, v3;
	v39 =	vmul.f32 v43, v4  }
0xb6: {  	v41 =	vmul.f32 v45, v4;
	v28 =	vld [tilespmem:s4+$0x1620];
	[tilespmem:s4+$0x8610] =	vst v10;
	v10 =	vadd.f32 v36, v40;
	v40 =	vmul.f32 v44, v3  }
0xb7: {  	v43 =	vmul.f32 v46, v3;
	[tilespmem:s4+$0x8620] =	vst v37;
	v42 =	vadd.f32 v39, v38;
	v44 =	vmul.f32 v47, v4;
	v36 =	vld [tilespmem:s4+$0x5250]  }
0xb8: {  	v46 =	vmul.f32 v48, v3;
	v47 =	vmul.f32 v49, v4;
	v37 =	vld [tilespmem:s4+$0x1260];
	[tilespmem:s4+$0x8630] =	vst v10;
	v45 =	vadd.f32 v41, v40  }
0xb9: {  	v49 =	vmul.f32 v50, v3;
	v50 =	vmul.f32 v51, v4;
	v38 =	vld [tilespmem:s4+$0x5260];
	[tilespmem:s4+$0x8640] =	vst v42;
	v48 =	vadd.f32 v44, v43  }
0xba: {  	v19 =	vmul.f32 v19, v4;
	v39 =	vld [tilespmem:s4+$0x1270];
	v51 =	vadd.f32 v47, v46;
	v44 =	vmul.f32 v53, v4;
	[tilespmem:s4+$0x8650] =	vst v45  }
0xbb: {  	v46 =	vmul.f32 v54, v3;
	v47 =	vmul.f32 v55, v4;
	v40 =	vld [tilespmem:s4+$0x5270];
	[tilespmem:s4+$0x8660] =	vst v48;
	v45 =	vadd.f32 v50, v49  }
0xbc: {  	v41 =	vld [tilespmem:s4+$0x1600];
	v53 =	vmul.f32 v59, v4;
	v55 =	vmul.f32 v60, v3;
	[tilespmem:s4+$0x8670] =	vst v51;
	v48 =	vadd.f32 v44, v52  }
0xbd: {  	v42 =	vld [tilespmem:s4+$0x5600];
	v49 =	vmul.f32 v56, v3;
	v50 =	vmul.f32 v57, v4;
	v51 =	vadd.f32 v47, v46;
	[tilespmem:s4+$0x8A00] =	vst v45  }
0xbe: {  	v43 =	vld [tilespmem:s4+$0x1610];
	v59 =	vmul.f32 v63, v4;
	v52 =	vmul.f32 v58, v3;
	v46 =	vadd.f32 v19, v18;
	[tilespmem:s4+$0x8A10] =	vst v48  }
0xbf: {  	v63 =	vmul.f32 v23, v4;
	v23 =	vld [tilespmem:s4+$0x5630];
	v56 =	vmul.f32 v61, v4;
	v54 =	vadd.f32 v50, v49;
	[tilespmem:s4+$0x8A20] =	vst v51  }
0xc0: {  	v58 =	vmul.f32 v62, v3;
	v44 =	vld [tilespmem:s4+$0x5610];
	v57 =	vadd.f32 v53, v52;
	[tilespmem:s4+$0x8E20] =	vst v46  }
0xc1: {  	v62 =	vmul.f32 v22, v3;
	v22 =	vld [tilespmem:s4+$0x1630];
	v60 =	vadd.f32 v56, v55;
	[tilespmem:s4+$0x8A30] =	vst v54  }
0xc2: {  	v12 =	vmul.f32 v12, v3;
	v13 =	vmul.f32 v13, v4;
	v18 =	vld [tilespmem:s4+$0x1A10];
	v61 =	vadd.f32 v59, v58;
	[tilespmem:s4+$0x8A40] =	vst v57  }
0xc3: {  	v25 =	vmul.f32 v34, v4;
	v24 =	vmul.f32 v33, v3;
	v19 =	vld [tilespmem:s4+$0x5A10];
	v29 =	vadd.f32 v63, v62;
	[tilespmem:s4+$0x8A50] =	vst v60  }
0xc4: {  	v45 =	vmul.f32 v16, v4;
	v16 =	vld [tilespmem:s4+$0x5640];
	v48 =	vmul.f32 v8, v3;
	v50 =	vadd.f32 v13, v12;
	[tilespmem:s4+$0x8A60] =	vst v61  }
0xc5: {  	v49 =	vmul.f32 v9, v4;
	v9 =	vld [tilespmem:s4+$0x1650];
	v63 =	vmul.f32 v31, v3;
	v31 =	vadd.f32 v25, v24;
	[tilespmem:s4+$0x8E10] =	vst v29  }
0xc6: {  	v0 =	vmul.f32 v0, v4;
	v51 =	vld [tilespmem:$0x1FFC0];
	v53 =	vmul.f32 v6, v3;
	v47 =	vadd.f32 v45, v30;
	[tilespmem:s4+$0x8E40] =	vst v50  }
0xc7: {  	v12 =	vld [tilespmem:s4+$0x5650];
	v55 =	vmul.f32 v11, v3;
	v56 =	vmul.f32 v14, v4;
	v52 =	vadd.f32 v49, v48;
	[tilespmem:s4+$0x9240] =	vst v31  }
0xc8: {  	v6 =	vld [tilespmem:s4+$0x1660];
	v58 =	vmul.f32 v20, v4;
	v20 =	vmul.f32 v32, v4;
	v0 =	vadd.f32 v0, v53;
	[tilespmem:s4+$0x8E30] =	vst v47  }
0xc9: {  	v33 =	vmul.f32 v38, v4;
	v11 =	vld [tilespmem:s4+$0x1670];
	v32 =	vmul.f32 v37, v3;
	v59 =	vadd.f32 v56, v55;
	[tilespmem:s4+$0x8E50] =	vst v52  }
0xca: {  	v13 =	vld [tilespmem:s4+$0x5670];
	v57 =	vmul.f32 v17, v3;
	v61 =	vmul.f32 v26, v4;
	v26 =	vadd.f32 v20, v63;
	[tilespmem:s4+$0x8E70] =	vst v0  }
0xcb: {  	v7 =	vmul.f32 v7, v4;
	v14 =	vld [tilespmem:s4+$0x1A00];
	v60 =	vmul.f32 v21, v3;
	v37 =	vadd.f32 v33, v32;
	[tilespmem:s4+$0x9200] =	vst v59  }
0xcc: {  	v17 =	vld [tilespmem:s4+$0x5A00];
	v29 =	vmul.f32 v35, v3;
	v30 =	vmul.f32 v36, v4;
	v62 =	vadd.f32 v58, v57;
	[tilespmem:s4+$0x9230] =	vst v26  }
0xcd: {  	v35 =	vmul.f32 v39, v3;
	v36 =	vmul.f32 v40, v4;
	v20 =	vld [tilespmem:s4+$0x1A20];
	v21 =	vadd.f32 v61, v60;
	[tilespmem:s4+$0x9260] =	vst v37  }
0xce: {  	v38 =	vmul.f32 v41, v3;
	v39 =	vmul.f32 v42, v4;
	v40 =	vld [tilespmem:s4+$0x5A20];
	v34 =	vadd.f32 v30, v29;
	[tilespmem:s4+$0x9210] =	vst v62  }
0xcf: {  	v42 =	vmul.f32 v43, v3;
	v48 =	vld [tilespmem:s4+$0x5A30];
	v43 =	vmul.f32 v44, v4;
	v41 =	vadd.f32 v36, v35;
	[tilespmem:s4+$0x9220] =	vst v21  }
0xd0: {  	v46 =	vmul.f32 v28, v3;
	v56 =	vld [tilespmem:s4+$0x5A40];
	v45 =	vadd.f32 v39, v38;
	v47 =	vmul.f32 v27, v4;
	[tilespmem:s4+$0x9250] =	vst v34  }
0xd1: {  	v63 =	vld [tilespmem:s4+$0x5A50];
	v50 =	vmul.f32 v22, v3;
	v10 =	vmul.f32 v51, v3;
	v49 =	vadd.f32 v43, v42;
	[tilespmem:s4+$0x9270] =	vst v41  }
0xd2: {  	v31 =	vld [tilespmem:s4+$0x5A60];
	v33 =	vmul.f32 v18, v3;
	v51 =	vmul.f32 v23, v4;
	[tilespmem:s4+$0x9600] =	vst v45;
	v53 =	vadd.f32 v47, v46  }
0xd3: {  	v44 =	vld [tilespmem:s4+$0x1A30];
	v58 =	vmul.f32 v9, v3;
	v59 =	vmul.f32 v12, v4;
	v54 =	vadd.f32 v7, v10;
	[tilespmem:s4+$0x9610] =	vst v49  }
0xd4: {  	v52 =	vld [tilespmem:s4+$0x1A40];
	v23 =	vmul.f32 v11, v3;
	v26 =	vmul.f32 v13, v4;
	v57 =	vadd.f32 v51, v50;
	[tilespmem:s4+$0x9620] =	vst v53  }
0xd5: {  	v60 =	vld [tilespmem:s4+$0x1A50];
	v55 =	vmul.f32 v16, v4;
	v34 =	vmul.f32 v19, v4;
	v16 =	vadd.f32 v59, v58;
	[tilespmem:s4+$0x8E60] =	vst v54  }
0xd6: {  	v27 =	vld [tilespmem:s4+$0x1A60];
	v29 =	vmul.f32 v14, v3;
	v30 =	vmul.f32 v17, v4;
	v32 =	vadd.f32 v26, v23;
	[tilespmem:s4+$0x9630] =	vst v57  }
0xd7: {  	v35 =	vld [tilespmem:s4+$0x1A70];
	v37 =	vmul.f32 v20, v3;
	v38 =	vmul.f32 v40, v4;
	v40 =	vadd.f32 v34, v33;
	[tilespmem:s4+$0x9650] =	vst v16  }
0xd8: {  	v39 =	vld [tilespmem:s4+$0x5A70];
	v42 =	vmul.f32 v48, v4;
	v41 =	vmul.f32 v44, v3;
	v36 =	vadd.f32 v30, v29;
	[tilespmem:s4+$0x9670] =	vst v32  }
0xd9: {  	v10 =	vld [tilespmem:s4+$0x5660];
	v54 =	vmul.f32 v15, v3;
	v43 =	vadd.f32 v38, v37;
	[tilespmem:s4+$0x9A10] =	vst v40  }
0xda: {  	v45 =	vmul.f32 v56, v4;
	v44 =	vmul.f32 v52, v3;
	v46 =	vadd.f32 v42, v41;
	[tilespmem:s4+$0x9A00] =	vst v36  }
0xdb: {  	v48 =	vmul.f32 v63, v4;
	v47 =	vmul.f32 v60, v3;
	v61 =	vadd.f32 v55, v54;
	[tilespmem:s4+$0x9A20] =	vst v43  }
0xdc: {  	v51 =	vmul.f32 v31, v4;
	v50 =	vmul.f32 v27, v3;
	v49 =	vadd.f32 v45, v44;
	[tilespmem:s4+$0x9A30] =	vst v46  }
0xdd: {  	v53 =	vmul.f32 v35, v3;
	v52 =	vadd.f32 v48, v47;
	v54 =	vmul.f32 v39, v4;
	[tilespmem:s4+$0x9640] =	vst v61  }
0xde: {  	v6 =	vmul.f32 v6, v3;
	v55 =	vadd.f32 v51, v50;
	v62 =	vmul.f32 v10, v4;
	[tilespmem:s4+$0x9A40] =	vst v49  }
0xdf: {  	s5 =	sand.u32 $0x7, s23;
	[tilespmem:s4+$0x9A50] =	vst v52;
	v56 =	vadd.f32 v54, v53  }
0xe0: {  	s5 =	sshll.u32 s5, $0x7;
	[tilespmem:s4+$0x9A60] =	vst v55;
	v28 =	vadd.f32 v62, v6  }
0xe1: {  	s5 =	sadd.s32 s5, s28;
	[tilespmem:s4+$0x9A70] =	vst v56  }
0xe2: {  	[tilespmem:s4+$0x9660] =	vst v28;
	s4 =	sor.u32 $0x1C00, s5  }
0xe3: {  	v0 =	vld [tilespmem:s4+$0x200]  }
0xe4: {  	v1 =	vld [tilespmem:s4+$0x4200];
	_ =	sdelay $0x4  }
0xe5: {  	v0 =	vmul.f32 v0, v3;
	v1 =	vmul.f32 v1, v4;
	_ =	sdelay $0x1  }
0xe6: {  	v0 =	vadd.f32 v1, v0;
	_ =	sdelay $0x1  }
0xe7: {  	[tilespmem:s4+$0x8200] =	vst v0;
	s4 =	sor.u32 $0x1C10, s5  }
0xe8: {  	v0 =	vld [tilespmem:s4+$0x200]  }
0xe9: {  	v57 =	vld [tilespmem:s4+$0x4200];
	_ =	sdelay $0x4  }
0xea: {  	v0 =	vmul.f32 v0, v3;
	v1 =	vmul.f32 v57, v4;
	_ =	sdelay $0x1  }
0xeb: {  	v0 =	vadd.f32 v1, v0;
	_ =	sdelay $0x1  }
0xec: {  	[tilespmem:s4+$0x8200] =	vst v0;
	s4 =	sor.u32 $0x1C20, s5  }
0xed: {  	v0 =	vld [tilespmem:s4+$0x200]  }
0xee: {  	v58 =	vld [tilespmem:s4+$0x4200];
	_ =	sdelay $0x4  }
0xef: {  	v0 =	vmul.f32 v0, v3;
	v1 =	vmul.f32 v58, v4;
	_ =	sdelay $0x1  }
0xf0: {  	v0 =	vadd.f32 v1, v0;
	_ =	sdelay $0x1  }
0xf1: {  	[tilespmem:s4+$0x8200] =	vst v0;
	s4 =	sor.u32 $0x1C30, s5  }
0xf2: {  	v0 =	vld [tilespmem:s4+$0x200]  }
0xf3: {  	v59 =	vld [tilespmem:s4+$0x4200];
	_ =	sdelay $0x4  }
0xf4: {  	v0 =	vmul.f32 v0, v3;
	v1 =	vmul.f32 v59, v4;
	_ =	sdelay $0x1  }
0xf5: {  	v0 =	vadd.f32 v1, v0;
	_ =	sdelay $0x1  }
0xf6: {  	[tilespmem:s4+$0x8200] =	vst v0;
	s4 =	sor.u32 $0x1C40, s5  }
0xf7: {  	v0 =	vld [tilespmem:s4+$0x200]  }
0xf8: {  	v60 =	vld [tilespmem:s4+$0x4200];
	_ =	sdelay $0x4  }
0xf9: {  	v0 =	vmul.f32 v0, v3;
	v1 =	vmul.f32 v60, v4;
	_ =	sdelay $0x1  }
0xfa: {  	v0 =	vadd.f32 v1, v0;
	_ =	sdelay $0x1  }
0xfb: {  	[tilespmem:s4+$0x8200] =	vst v0;
	s4 =	sor.u32 $0x1C50, s5  }
0xfc: {  	v0 =	vld [tilespmem:s4+$0x200]  }
0xfd: {  	v61 =	vld [tilespmem:s4+$0x4200];
	_ =	sdelay $0x4  }
0xfe: {  	v0 =	vmul.f32 v0, v3;
	v1 =	vmul.f32 v61, v4;
	_ =	sdelay $0x1  }
0xff: {  	v0 =	vadd.f32 v1, v0;
	_ =	sdelay $0x1  }
0x100: {  	[tilespmem:s4+$0x8200] =	vst v0;
	s4 =	sor.u32 $0x1C60, s5  }
0x101: {  	v0 =	vld [tilespmem:s4+$0x200]  }
0x102: {  	v62 =	vld [tilespmem:s4+$0x4200];
	_ =	sdelay $0x4  }
0x103: {  	v0 =	vmul.f32 v0, v3;
	v1 =	vmul.f32 v62, v4;
	_ =	sdelay $0x1  }
0x104: {  	v0 =	vadd.f32 v1, v0;
	_ =	sdelay $0x1  }
0x105: {  	s5 =	sor.u32 $0x1C70, s5;
	[tilespmem:s4+$0x8200] =	vst v0  }
0x106: {  	v0 =	vld [tilespmem:s5+$0x200]  }
0x107: {  	v63 =	vld [tilespmem:s5+$0x4200];
	_ =	sdelay $0x3  }
0x108: {  	p0 =	sne.s32 s1, $0xF  }
.Ltmp0:
0x109: {  	v0 =	vmul.f32 v0, v3;
	v1 =	vmul.f32 v63, v4;
	(pc) =	sbr.rel @p0 .LBB2_2-.Ltmp0, $4  }
0x10a: {  	_ = 	snop  }
0x10b: {  	v0 =	vadd.f32 v1, v0  }
0x10c: {  	s30 =	sadd.s32 $0x80, s30  }
0x10d: {  	s1 =	sadd.s32 $0x1, s1;
	s23 =	sadd.s32 $0x1, s23;
	s28 =	sadd.s32 $0x400, s28;
	[tilespmem:s5+$0x8200] =	vst v0  }
0x10e: {  	s23 =	simm.s32 $0x0;
	s1 =	rddreg [dreg:$0x7]  }
0x10f: {  	[hbm4b:s1+s23] =	stream.linear.scatter [tilespmem:s21], [sflag:$0x3], $0x4000, $0x38;
	[tilespmem:$0xC200] =	vst v63  }
0x110: {  	_ =	swait.ge [sflag:s29], $0x4000  }
0x111: {  	[sflag:s29] =	ssyncset.done $0x0  }
0x112: {  	s4 =	rddreg [dreg:$0x8];
	[sflag:s29] =	ssyncadd.s32 $0xFFFFC000  }
0x113: {  	[tilespmem:s23], [sflag:$0x3] =	stream.linear.gather [hbm4b:s4+s23], $0x10, $0x38;
	[tilespmem:$0xC200] =	vst v63  }
0x114: {  	_ =	swait.ge [sflag:s29], $0x10  }
0x115: {  	[sflag:s29] =	ssyncset.done $0x0  }
0x116: {  	s4 =	simm.s32 $0x80;
	s5 =	rddreg [dreg:$0x9];
	[sflag:s29] =	ssyncadd.s32 $0xFFFFFFF0  }
0x117: {  	[tilespmem:s4], [sflag:$0x3] =	stream.linear.gather [hbm4b:s5+s23], $0x10, $0x38;
	[tilespmem:$0xC200] =	vst v63  }
0x118: {  	_ =	swait.ge [sflag:s29], $0x10  }
0x119: {  	[sflag:s29] =	ssyncset.done $0x0  }
0x11a: {  	s5 =	rddreg [dreg:$0xa];
	[sflag:s29] =	ssyncadd.s32 $0xFFFFFFF0  }
0x11b: {  	[tilespmem:s31], [sflag:$0x3] =	stream.linear.gather [hbm4b:s5+s23], $0x10, $0x38;
	[tilespmem:$0xC200] =	vst v63  }
0x11c: {  	_ =	swait.ge [sflag:s29], $0x10  }
0x11d: {  	[sflag:s29] =	ssyncset.done $0x0  }
0x11e: {  	s4 =	rddreg [dreg:$0xb];
	[sflag:s29] =	ssyncadd.s32 $0xFFFFFFF0  }
0x11f: {  	[tilespmem:s0], [sflag:$0x3] =	stream.linear.gather [hbm4b:s4+s23], $0x10, $0x38;
	[tilespmem:$0xC200] =	vst v63  }
0x120: {  	_ =	swait.ge [sflag:s29], $0x10  }
0x121: {  	[sflag:s29] =	ssyncset.done $0x0  }
0x122: {  	[sflag:s29] =	ssyncadd.s32 $0xFFFFFFF0  }
0x123: {  	v0 =	vld [tilespmem:$0x0];
	_ =	sdelay $0x2  }
0x124: {  	v2 =	vld [tilespmem:$0x1FFD0];
	_ =	sdelay $0x1  }
0x125: {  	v3 =	vld [tilespmem:$0x1FFE0];
	v1 =	vshll.u32 v0, $0x3  }
0x126: {  	v0 =	vand.u32 $0x7, v0;
	v1 =	vand.u32 $0xFFFFFFC0, v1  }
0x127: {  	v0 =	vor.u32 v0, v1  }
0x128: {  	v1 =	vperm.xlane v0, v2;
	_ =	sdelay $0x1  }
0x129: {  	v1 =	vadd.s32 v3, v1  }
0x12a: {  	v4 =	vld [tilespmem:$0x1FFF0];
	_ =	sdelay $0x2  }
0x12b: {  	s5 =	simm.s32 $0x200  }
0x12c: {  	[tilespmem:s5], [sflag:$0x1] =	stream.indirect_vreg.gather [hbm4b:s3+s23], $0x80, v1, vm0, $0xb8;
	[tilespmem:$0xC200] =	vst v63  }
0x12d: {  	s4 =	simm.s32 $0xA00;
	v0 =	vperm.xlane v0, v4  }
0x12e: {  	[tilespmem:s4], [sflag:$0x1] =	stream.indirect_vreg.gather [hbm4b:s24+s23], $0x80, v1, vm0, $0xb8;
	[tilespmem:$0xC200] =	vst v63  }
0x12f: {  	v0 =	vadd.s32 v3, v0;
	s5 =	simm.s32 $0x1200  }
0x130: {  	[tilespmem:s5], [sflag:$0x1] =	stream.indirect_vreg.gather [hbm4b:s25+s23], $0x80, v1, vm0, $0xb8;
	[tilespmem:$0xC200] =	vst v63  }
0x131: {  	_ = 	snop  }
0x132: {  	[tilespmem:s6], [sflag:$0x1] =	stream.indirect_vreg.gather [hbm4b:s26+s23], $0x80, v1, vm0, $0xb8;
	[tilespmem:$0xC200] =	vst v63  }
0x133: {  	_ = 	snop  }
0x134: {  	[tilespmem:s7], [sflag:$0x1] =	stream.indirect_vreg.gather [hbm4b:s3+s23], $0x80, v0, vm0, $0xb8;
	[tilespmem:$0xC200] =	vst v63  }
0x135: {  	_ = 	snop  }
0x136: {  	[tilespmem:s8], [sflag:$0x1] =	stream.indirect_vreg.gather [hbm4b:s24+s23], $0x80, v0, vm0, $0xb8;
	[tilespmem:$0xC200] =	vst v63  }
0x137: {  	_ = 	snop  }
0x138: {  	[tilespmem:s9], [sflag:$0x1] =	stream.indirect_vreg.gather [hbm4b:s25+s23], $0x80, v0, vm0, $0xb8;
	[tilespmem:$0xC200] =	vst v63  }
0x139: {  	_ = 	snop  }
0x13a: {  	[tilespmem:s10], [sflag:$0x1] =	stream.indirect_vreg.gather [hbm4b:s26+s23], $0x80, v0, vm0, $0xb8;
	[tilespmem:$0xC200] =	vst v63  }
0x13b: {  	v0 =	vld [tilespmem:$0x80];
	_ =	sdelay $0x4  }
0x13c: {  	v63 =	vshll.u32 v0, $0x3  }
0x13d: {  	v0 =	vand.u32 $0x7, v0;
	v1 =	vand.u32 $0xFFFFFFC0, v63  }
0x13e: {  	v0 =	vor.u32 v0, v1  }
0x13f: {  	v1 =	vperm.xlane v0, v2;
	_ =	sdelay $0x1  }
0x140: {  	v1 =	vadd.s32 v3, v1;
	_ =	sdelay $0x4  }
0x141: {  	[tilespmem:s11], [sflag:$0x2] =	stream.indirect_vreg.gather [hbm4b:s3+s23], $0x80, v1, vm0, $0xb8;
	[tilespmem:$0xC200] =	vst v63  }
0x142: {  	v0 =	vperm.xlane v0, v4  }
0x143: {  	[tilespmem:s12], [sflag:$0x2] =	stream.indirect_vreg.gather [hbm4b:s24+s23], $0x80, v1, vm0, $0xb8;
	[tilespmem:$0xC200] =	vst v63  }
0x144: {  	v0 =	vadd.s32 v3, v0  }
0x145: {  	[tilespmem:s13], [sflag:$0x2] =	stream.indirect_vreg.gather [hbm4b:s25+s23], $0x80, v1, vm0, $0xb8;
	[tilespmem:$0xC200] =	vst v63  }
0x146: {  	_ = 	snop  }
0x147: {  	[tilespmem:s14], [sflag:$0x2] =	stream.indirect_vreg.gather [hbm4b:s26+s23], $0x80, v1, vm0, $0xb8;
	[tilespmem:$0xC200] =	vst v63  }
0x148: {  	_ = 	snop  }
0x149: {  	[tilespmem:s15], [sflag:$0x2] =	stream.indirect_vreg.gather [hbm4b:s3+s23], $0x80, v0, vm0, $0xb8;
	[tilespmem:$0xC200] =	vst v63  }
0x14a: {  	_ = 	snop  }
0x14b: {  	[tilespmem:s16], [sflag:$0x2] =	stream.indirect_vreg.gather [hbm4b:s24+s23], $0x80, v0, vm0, $0xb8;
	[tilespmem:$0xC200] =	vst v63  }
0x14c: {  	_ = 	snop  }
0x14d: {  	[tilespmem:s17], [sflag:$0x2] =	stream.indirect_vreg.gather [hbm4b:s25+s23], $0x80, v0, vm0, $0xb8;
	[tilespmem:$0xC200] =	vst v63  }
0x14e: {  	_ = 	snop  }
0x14f: {  	[tilespmem:s18], [sflag:$0x2] =	stream.indirect_vreg.gather [hbm4b:s26+s23], $0x80, v0, vm0, $0xb8;
	[tilespmem:$0xC200] =	vst v63  }
0x150: {  	_ =	swait.ge [sflag:s19], $0x4000  }
0x151: {  	[sflag:s19] =	ssyncset.done $0x0  }
0x152: {  	[sflag:s19] =	ssyncadd.s32 $0xFFFFC000  }
0x153: {  	_ =	swait.ge [sflag:s20], $0x4000  }
0x154: {  	s28 =	simm.s32 $0x0;
	[sflag:s20] =	ssyncset.done $0x0  }
0x155: {  	s30 =	simm.s32 $0x0;
	s1 =	simm.s32 $0x0;
	[sflag:s20] =	ssyncadd.s32 $0xFFFFC000  }
.LBB2_4:
0x156: {  	s4 =	sand.u32 $0x2000, s28;
	s5 =	sand.u32 $0x380, s30  }
0x157: {  	s4 =	sor.u32 s5, s4  }
0x158: {  	v1 =	vld [tilespmem:s4+$0x4200]  }
0x159: {  	v2 =	vld [tilespmem:s4+$0x210]  }
0x15a: {  	v6 =	vld [tilespmem:s4+$0x4210]  }
0x15b: {  	v10 =	vld [tilespmem:s4+$0x220]  }
0x15c: {  	v11 =	vld [tilespmem:s4+$0x4220]  }
0x15d: {  	v14 =	vld [tilespmem:s4+$0x230]  }
0x15e: {  	v17 =	vld [tilespmem:s4+$0x4230]  }
0x15f: {  	v20 =	vld [tilespmem:s4+$0x240]  }
0x160: {  	v21 =	vld [tilespmem:s4+$0x4240]  }
0x161: {  	v26 =	vld [tilespmem:s4+$0x250]  }
0x162: {  	v27 =	vld [tilespmem:s4+$0x4250]  }
0x163: {  	v28 =	vld [tilespmem:s4+$0x260]  }
0x164: {  	v29 =	vld [tilespmem:s4+$0x4260]  }
0x165: {  	v30 =	vld [tilespmem:s4+$0x270]  }
0x166: {  	v31 =	vld [tilespmem:s4+$0x4270]  }
0x167: {  	v32 =	vld [tilespmem:s4+$0x600]  }
0x168: {  	v33 =	vld [tilespmem:s4+$0x4600]  }
0x169: {  	v34 =	vld [tilespmem:s4+$0x610]  }
0x16a: {  	v35 =	vld [tilespmem:s4+$0x4610]  }
0x16b: {  	v36 =	vld [tilespmem:s4+$0x620]  }
0x16c: {  	v37 =	vld [tilespmem:s4+$0x4620]  }
0x16d: {  	v38 =	vld [tilespmem:s4+$0x630]  }
0x16e: {  	v39 =	vld [tilespmem:s4+$0x4630]  }
0x16f: {  	v40 =	vld [tilespmem:s4+$0x640]  }
0x170: {  	v41 =	vld [tilespmem:s4+$0x4640]  }
0x171: {  	v42 =	vld [tilespmem:s4+$0x650]  }
0x172: {  	v43 =	vld [tilespmem:s4+$0x4650]  }
0x173: {  	v44 =	vld [tilespmem:s4+$0x660]  }
0x174: {  	v45 =	vld [tilespmem:s4+$0x4660]  }
0x175: {  	v46 =	vld [tilespmem:s4+$0x670]  }
0x176: {  	v47 =	vld [tilespmem:s4+$0x4670]  }
0x177: {  	v48 =	vld [tilespmem:s4+$0xA00]  }
0x178: {  	v49 =	vld [tilespmem:s4+$0x4A00]  }
0x179: {  	v50 =	vld [tilespmem:s4+$0xA10]  }
0x17a: {  	v51 =	vld [tilespmem:s4+$0x4A10]  }
0x17b: {  	v52 =	vld [tilespmem:s4+$0xA20]  }
0x17c: {  	v53 =	vld [tilespmem:s4+$0x4A20]  }
0x17d: {  	v54 =	vld [tilespmem:s4+$0xA30]  }
0x17e: {  	v55 =	vld [tilespmem:s4+$0x4A30]  }
0x17f: {  	v56 =	vld [tilespmem:s4+$0xA40]  }
0x180: {  	v57 =	vld [tilespmem:s4+$0x4A40]  }
0x181: {  	v58 =	vld [tilespmem:s4+$0xA50]  }
0x182: {  	v59 =	vld [tilespmem:s4+$0x4A50]  }
0x183: {  	v60 =	vld [tilespmem:s4+$0xA60]  }
0x184: {  	v61 =	vld [tilespmem:s4+$0x4A60]  }
0x185: {  	v62 =	vld [tilespmem:s4+$0xA70]  }
0x186: {  	v63 =	vld [tilespmem:s4+$0x4A70]  }
0x187: {  	v24 =	vld [tilespmem:s4+$0xE00]  }
0x188: {  	v25 =	vld [tilespmem:s4+$0x4E00]  }
0x189: {  	v22 =	vld [tilespmem:s4+$0xE10]  }
0x18a: {  	v0 =	vmov s1;
	v23 =	vld [tilespmem:s4+$0x4E10]  }
0x18b: {  	v18 =	vld [tilespmem:s4+$0xE20]  }
0x18c: {  	v19 =	vld [tilespmem:s4+$0x4E20]  }
0x18d: {  	v15 =	vld [tilespmem:s4+$0xE30]  }
0x18e: {  	v16 =	vld [tilespmem:s4+$0x4E30]  }
0x18f: {  	v3 =	vld.idx.msk [tilespmem:v0+s31+$0x0], $0xffff  }
0x190: {  	v4 =	vld.idx.msk [tilespmem:v0+s0+$0x0], $0xffff  }
0x191: {  	v0 =	vld [tilespmem:s4+$0x200]  }
0x192: {  	v5 =	vld [tilespmem:s4+$0xE60]  }
0x193: {  	v12 =	vld [tilespmem:s4+$0xE40]  }
0x194: {  	v13 =	vld [tilespmem:s4+$0x4E40]  }
0x195: {  	v8 =	vld [tilespmem:s4+$0xE50]  }
0x196: {  	v9 =	vld [tilespmem:s4+$0x4E50];
	v0 =	vmul.f32 v0, v3;
	v1 =	vmul.f32 v1, v4  }
0x197: {  	v7 =	vld [tilespmem:s4+$0x4E60];
	[tilespmem:$0x1FFA0] =	vst v5;
	v5 =	vmul.f32 v2, v3;
	v2 =	vmul.f32 v6, v4  }
0x198: {  	v6 =	vld [tilespmem:s4+$0xE70];
	v17 =	vmul.f32 v17, v4;
	v0 =	vadd.f32 v1, v0  }
0x199: {  	v1 =	vmul.f32 v10, v3;
	v10 =	vld [tilespmem:s4+$0x4E70];
	v5 =	vadd.f32 v2, v5;
	v2 =	vmul.f32 v14, v3  }
0x19a: {  	v11 =	vmul.f32 v11, v4;
	v14 =	vld [tilespmem:s4+$0x5200]  }
0x19b: {  	v26 =	vmul.f32 v26, v3;
	v2 =	vadd.f32 v17, v2;
	v17 =	vld [tilespmem:s4+$0x1210]  }
0x19c: {  	[tilespmem:s4+$0x8200] =	vst v0;
	v0 =	vadd.f32 v11, v1;
	v1 =	vmul.f32 v20, v3;
	v11 =	vmul.f32 v21, v4;
	v20 =	vld [tilespmem:s4+$0x5210]  }
0x19d: {  	v27 =	vmul.f32 v27, v4;
	v30 =	vmul.f32 v30, v3;
	v21 =	vld [tilespmem:s4+$0x1220];
	[tilespmem:$0x1FFB0] =	vst v6  }
0x19e: {  	v31 =	vmul.f32 v31, v4;
	v33 =	vmul.f32 v33, v4;
	v6 =	vld [tilespmem:s4+$0x1200];
	[tilespmem:s4+$0x8220] =	vst v0;
	v0 =	vadd.f32 v11, v1  }
0x19f: {  	v1 =	vmul.f32 v28, v3;
	v11 =	vmul.f32 v29, v4;
	[tilespmem:s4+$0x8230] =	vst v2;
	v2 =	vadd.f32 v27, v26;
	v26 =	vld [tilespmem:s4+$0x5220]  }
0x1a0: {  	[tilespmem:s4+$0x8210] =	vst v5;
	v5 =	vmul.f32 v34, v3;
	v34 =	vmul.f32 v37, v4;
	v28 =	vld [tilespmem:s4+$0x1230]  }
0x1a1: {  	v37 =	vmul.f32 v39, v4;
	v29 =	vld [tilespmem:s4+$0x5230];
	[tilespmem:s4+$0x8240] =	vst v0;
	v0 =	vadd.f32 v11, v1;
	v1 =	vmul.f32 v32, v3  }
0x1a2: {  	v27 =	vmul.f32 v16, v4;
	v16 =	vld [tilespmem:s4+$0x1640];
	[tilespmem:s4+$0x8250] =	vst v2;
	v2 =	vadd.f32 v31, v30;
	v32 =	vmul.f32 v35, v4  }
0x1a3: {  	v30 =	vld [tilespmem:s4+$0x1240];
	[tilespmem:s4+$0x8260] =	vst v0;
	v0 =	vadd.f32 v33, v1;
	v33 =	vmul.f32 v36, v3;
	v36 =	vmul.f32 v38, v3  }
0x1a4: {  	v39 =	vmul.f32 v40, v3;
	v40 =	vmul.f32 v41, v4;
	v31 =	vld [tilespmem:s4+$0x5240];
	[tilespmem:s4+$0x8270] =	vst v2;
	v35 =	vadd.f32 v32, v5  }
0x1a5: {  	v42 =	vmul.f32 v42, v3;
	v11 =	vld [tilespmem:s4+$0x5650];
	[tilespmem:s4+$0x8600] =	vst v0;
	v38 =	vadd.f32 v34, v33;
	v41 =	vadd.f32 v37, v36  }
0x1a6: {  	v32 =	vld [tilespmem:s4+$0x1250];
	[tilespmem:s4+$0x8610] =	vst v35;
	v36 =	vmul.f32 v43, v4;
	v37 =	vadd.f32 v40, v39;
	v39 =	vmul.f32 v45, v4  }
0x1a7: {  	v33 =	vld [tilespmem:s4+$0x5250];
	v45 =	vmul.f32 v49, v4;
	[tilespmem:s4+$0x8620] =	vst v38;
	v38 =	vmul.f32 v44, v3  }
0x1a8: {  	v34 =	vld [tilespmem:s4+$0x1260];
	[tilespmem:s4+$0x8630] =	vst v41;
	v40 =	vadd.f32 v36, v42;
	v41 =	vmul.f32 v46, v3;
	v42 =	vmul.f32 v47, v4  }
0x1a9: {  	v35 =	vld [tilespmem:s4+$0x5260];
	[tilespmem:s4+$0x8640] =	vst v37;
	v44 =	vmul.f32 v48, v3;
	v47 =	vmul.f32 v50, v3;
	v43 =	vadd.f32 v39, v38  }
0x1aa: {  	v48 =	vmul.f32 v51, v4;
	v36 =	vld [tilespmem:s4+$0x1270];
	v50 =	vmul.f32 v52, v3;
	[tilespmem:s4+$0x8650] =	vst v40;
	v46 =	vadd.f32 v42, v41  }
0x1ab: {  	v51 =	vmul.f32 v53, v4;
	v37 =	vld [tilespmem:s4+$0x5270];
	v53 =	vmul.f32 v54, v3;
	v49 =	vadd.f32 v45, v44;
	[tilespmem:s4+$0x8660] =	vst v43  }
0x1ac: {  	v54 =	vmul.f32 v55, v4;
	v52 =	vadd.f32 v48, v47;
	v38 =	vld [tilespmem:s4+$0x1600];
	v44 =	vmul.f32 v56, v3;
	[tilespmem:s4+$0x8670] =	vst v46  }
0x1ad: {  	v55 =	vadd.f32 v51, v50;
	v45 =	vmul.f32 v57, v4;
	v39 =	vld [tilespmem:s4+$0x5600];
	v47 =	vmul.f32 v58, v3;
	[tilespmem:s4+$0x8A00] =	vst v49  }
0x1ae: {  	v48 =	vmul.f32 v59, v4;
	v40 =	vld [tilespmem:s4+$0x1610];
	v50 =	vmul.f32 v60, v3;
	[tilespmem:s4+$0x8A10] =	vst v52;
	v46 =	vadd.f32 v54, v53  }
0x1af: {  	v51 =	vmul.f32 v61, v4;
	v41 =	vld [tilespmem:s4+$0x5610];
	v56 =	vmul.f32 v24, v3;
	[tilespmem:s4+$0x8A20] =	vst v55;
	v49 =	vadd.f32 v45, v44  }
0x1b0: {  	v42 =	vld [tilespmem:s4+$0x1620];
	v57 =	vmul.f32 v25, v4;
	v59 =	vmul.f32 v22, v3;
	v52 =	vadd.f32 v48, v47;
	[tilespmem:s4+$0x8A30] =	vst v46  }
0x1b1: {  	v24 =	vld [tilespmem:s4+$0x5620];
	v60 =	vmul.f32 v23, v4;
	v25 =	vmul.f32 v15, v3;
	v55 =	vadd.f32 v51, v50;
	[tilespmem:s4+$0x8A40] =	vst v49  }
0x1b2: {  	v23 =	vld [tilespmem:s4+$0x1630];
	v53 =	vmul.f32 v62, v3;
	v54 =	vmul.f32 v63, v4;
	v61 =	vadd.f32 v57, v56;
	[tilespmem:s4+$0x8A50] =	vst v52  }
0x1b3: {  	v15 =	vld [tilespmem:s4+$0x1A00];
	v62 =	vmul.f32 v18, v3;
	v63 =	vmul.f32 v19, v4;
	v22 =	vadd.f32 v60, v59;
	[tilespmem:s4+$0x8A60] =	vst v55  }
0x1b4: {  	v18 =	vld [tilespmem:s4+$0x5630];
	v44 =	vmul.f32 v12, v3;
	v45 =	vmul.f32 v13, v4;
	v58 =	vadd.f32 v54, v53;
	[tilespmem:s4+$0x8E00] =	vst v61  }
0x1b5: {  	v12 =	vld [tilespmem:s4+$0x5640];
	v47 =	vmul.f32 v8, v3;
	v48 =	vmul.f32 v9, v4;
	v43 =	vadd.f32 v63, v62;
	[tilespmem:s4+$0x8E10] =	vst v22  }
0x1b6: {  	v9 =	vld [tilespmem:s4+$0x1650];
	v56 =	vmul.f32 v14, v4;
	v59 =	vmul.f32 v20, v4;
	v46 =	vadd.f32 v27, v25;
	[tilespmem:s4+$0x8A70] =	vst v58  }
0x1b7: {  	v50 =	vld [tilespmem:$0x1FFA0];
	v20 =	vmul.f32 v28, v3;
	v49 =	vadd.f32 v45, v44;
	v55 =	vmul.f32 v6, v3;
	[tilespmem:s4+$0x8E20] =	vst v43  }
0x1b8: {  	v13 =	vld [tilespmem:s4+$0x1670];
	v51 =	vadd.f32 v48, v47;
	v61 =	vmul.f32 v21, v3;
	v62 =	vmul.f32 v26, v4;
	[tilespmem:s4+$0x8E30] =	vst v46  }
0x1b9: {  	v14 =	vld [tilespmem:s4+$0x5670];
	v28 =	vmul.f32 v32, v3;
	v21 =	vmul.f32 v29, v4;
	[tilespmem:s4+$0x8E40] =	vst v49;
	v60 =	vadd.f32 v56, v55  }
0x1ba: {  	v19 =	vld [tilespmem:s4+$0x1A10];
	v25 =	vmul.f32 v30, v3;
	v26 =	vmul.f32 v31, v4;
	[tilespmem:s4+$0x8E50] =	vst v51;
	v22 =	vadd.f32 v62, v61  }
0x1bb: {  	v32 =	vmul.f32 v35, v4;
	v52 =	vld [tilespmem:$0x1FFB0];
	v29 =	vmul.f32 v33, v4;
	v27 =	vadd.f32 v21, v20;
	[tilespmem:s4+$0x9200] =	vst v60  }
0x1bc: {  	v53 =	vmul.f32 v10, v4;
	v10 =	vld [tilespmem:s4+$0x1660];
	v31 =	vmul.f32 v34, v3;
	v30 =	vadd.f32 v26, v25;
	[tilespmem:s4+$0x9220] =	vst v22  }
0x1bd: {  	v35 =	vmul.f32 v37, v4;
	v34 =	vmul.f32 v36, v3;
	v44 =	vld [tilespmem:s4+$0x1A30];
	v33 =	vadd.f32 v29, v28;
	[tilespmem:s4+$0x9230] =	vst v27  }
0x1be: {  	v48 =	vld [tilespmem:s4+$0x5A30];
	v37 =	vmul.f32 v38, v3;
	v38 =	vmul.f32 v39, v4;
	v36 =	vadd.f32 v32, v31;
	[tilespmem:s4+$0x9240] =	vst v30  }
0x1bf: {  	v58 =	vmul.f32 v17, v3;
	v17 =	vld [tilespmem:s4+$0x5A00];
	v39 =	vadd.f32 v35, v34;
	[tilespmem:s4+$0x9250] =	vst v33  }
0x1c0: {  	v40 =	vmul.f32 v40, v3;
	v20 =	vld [tilespmem:s4+$0x5A10];
	v43 =	vmul.f32 v41, v4;
	v45 =	vadd.f32 v38, v37;
	[tilespmem:s4+$0x9260] =	vst v36  }
0x1c1: {  	v7 =	vmul.f32 v7, v4;
	v21 =	vld [tilespmem:s4+$0x1A20];
	v1 =	vmul.f32 v50, v3;
	v63 =	vadd.f32 v59, v58;
	[tilespmem:s4+$0x9270] =	vst v39  }
0x1c2: {  	v56 =	vld [tilespmem:s4+$0x5A40];
	v49 =	vadd.f32 v43, v40;
	v58 =	vmul.f32 v9, v3;
	v59 =	vmul.f32 v11, v4;
	[tilespmem:s4+$0x9600] =	vst v45  }
0x1c3: {  	v28 =	vld [tilespmem:s4+$0x1A60];
	v26 =	vmul.f32 v13, v3;
	v27 =	vmul.f32 v14, v4;
	v54 =	vadd.f32 v7, v1;
	[tilespmem:s4+$0x9210] =	vst v63  }
0x1c4: {  	v32 =	vld [tilespmem:s4+$0x5A60];
	v50 =	vmul.f32 v23, v3;
	v5 =	vmul.f32 v52, v3;
	[tilespmem:s4+$0x9610] =	vst v49;
	v23 =	vadd.f32 v59, v58  }
0x1c5: {  	v47 =	vmul.f32 v24, v4;
	v46 =	vmul.f32 v42, v3;
	v22 =	vld [tilespmem:s4+$0x5A20];
	v33 =	vadd.f32 v27, v26;
	[tilespmem:s4+$0x8E60] =	vst v54  }
0x1c6: {  	v60 =	vld [tilespmem:s4+$0x1A50];
	v42 =	vmul.f32 v44, v3;
	v43 =	vmul.f32 v48, v4;
	v57 =	vadd.f32 v53, v5;
	[tilespmem:s4+$0x9650] =	vst v23  }
0x1c7: {  	v51 =	vmul.f32 v18, v4;
	v36 =	vld [tilespmem:s4+$0x1A70];
	v53 =	vadd.f32 v47, v46;
	[tilespmem:s4+$0x9670] =	vst v33  }
0x1c8: {  	v55 =	vmul.f32 v12, v4;
	v40 =	vld [tilespmem:s4+$0x5A70];
	v54 =	vmul.f32 v16, v3;
	v47 =	vadd.f32 v43, v42;
	[tilespmem:s4+$0x8E70] =	vst v57  }
0x1c9: {  	v30 =	vmul.f32 v15, v3;
	v7 =	vld [tilespmem:s4+$0x5660];
	v31 =	vmul.f32 v17, v4;
	v57 =	vadd.f32 v51, v50;
	[tilespmem:s4+$0x9620] =	vst v53  }
0x1ca: {  	v34 =	vmul.f32 v19, v3;
	v52 =	vld [tilespmem:s4+$0x1A40];
	v35 =	vmul.f32 v20, v4;
	v61 =	vadd.f32 v55, v54;
	[tilespmem:s4+$0x9A30] =	vst v47  }
0x1cb: {  	v16 =	vld [tilespmem:s4+$0x5A50];
	v38 =	vmul.f32 v21, v3;
	v37 =	vadd.f32 v31, v30;
	v39 =	vmul.f32 v22, v4;
	[tilespmem:s4+$0x9630] =	vst v57  }
0x1cc: {  	v41 =	vadd.f32 v35, v34;
	v50 =	vmul.f32 v28, v3;
	v51 =	vmul.f32 v32, v4;
	[tilespmem:s4+$0x9640] =	vst v61  }
0x1cd: {  	v53 =	vmul.f32 v36, v3;
	v54 =	vmul.f32 v40, v4;
	[tilespmem:s4+$0x9A00] =	vst v37;
	v44 =	vadd.f32 v39, v38  }
0x1ce: {  	v62 =	vmul.f32 v10, v3;
	v63 =	vmul.f32 v7, v4;
	[tilespmem:s4+$0x9A10] =	vst v41;
	v55 =	vadd.f32 v51, v50  }
0x1cf: {  	v46 =	vmul.f32 v56, v4;
	v45 =	vmul.f32 v52, v3;
	v56 =	vadd.f32 v54, v53;
	[tilespmem:s4+$0x9A20] =	vst v44  }
0x1d0: {  	v48 =	vmul.f32 v60, v3;
	v29 =	vadd.f32 v63, v62;
	v7 =	vmul.f32 v16, v4;
	[tilespmem:s4+$0x9A60] =	vst v55  }
0x1d1: {  	s5 =	sand.u32 $0x7, s23;
	v49 =	vadd.f32 v46, v45;
	[tilespmem:s4+$0x9A70] =	vst v56  }
0x1d2: {  	s5 =	sshll.u32 s5, $0x7;
	[tilespmem:s4+$0x9660] =	vst v29;
	v52 =	vadd.f32 v7, v48  }
0x1d3: {  	s5 =	sadd.s32 s5, s28;
	[tilespmem:s4+$0x9A40] =	vst v49  }
0x1d4: {  	[tilespmem:s4+$0x9A50] =	vst v52;
	s4 =	sor.u32 $0x1C00, s5  }
0x1d5: {  	v0 =	vld [tilespmem:s4+$0x200]  }
0x1d6: {  	v1 =	vld [tilespmem:s4+$0x4200];
	_ =	sdelay $0x4  }
0x1d7: {  	v0 =	vmul.f32 v0, v3;
	v1 =	vmul.f32 v1, v4;
	_ =	sdelay $0x1  }
0x1d8: {  	v0 =	vadd.f32 v1, v0;
	_ =	sdelay $0x1  }
0x1d9: {  	[tilespmem:s4+$0x8200] =	vst v0;
	s4 =	sor.u32 $0x1C10, s5  }
0x1da: {  	v0 =	vld [tilespmem:s4+$0x200]  }
0x1db: {  	v57 =	vld [tilespmem:s4+$0x4200];
	_ =	sdelay $0x4  }
0x1dc: {  	v0 =	vmul.f32 v0, v3;
	v1 =	vmul.f32 v57, v4;
	_ =	sdelay $0x1  }
0x1dd: {  	v0 =	vadd.f32 v1, v0;
	_ =	sdelay $0x1  }
0x1de: {  	[tilespmem:s4+$0x8200] =	vst v0;
	s4 =	sor.u32 $0x1C20, s5  }
0x1df: {  	v0 =	vld [tilespmem:s4+$0x200]  }
0x1e0: {  	v58 =	vld [tilespmem:s4+$0x4200];
	_ =	sdelay $0x4  }
0x1e1: {  	v0 =	vmul.f32 v0, v3;
	v1 =	vmul.f32 v58, v4;
	_ =	sdelay $0x1  }
0x1e2: {  	v0 =	vadd.f32 v1, v0;
	_ =	sdelay $0x1  }
0x1e3: {  	[tilespmem:s4+$0x8200] =	vst v0;
	s4 =	sor.u32 $0x1C30, s5  }
0x1e4: {  	v0 =	vld [tilespmem:s4+$0x200]  }
0x1e5: {  	v59 =	vld [tilespmem:s4+$0x4200];
	_ =	sdelay $0x4  }
0x1e6: {  	v0 =	vmul.f32 v0, v3;
	v1 =	vmul.f32 v59, v4;
	_ =	sdelay $0x1  }
0x1e7: {  	v0 =	vadd.f32 v1, v0;
	_ =	sdelay $0x1  }
0x1e8: {  	[tilespmem:s4+$0x8200] =	vst v0;
	s4 =	sor.u32 $0x1C40, s5  }
0x1e9: {  	v0 =	vld [tilespmem:s4+$0x200]  }
0x1ea: {  	v60 =	vld [tilespmem:s4+$0x4200];
	_ =	sdelay $0x4  }
0x1eb: {  	v0 =	vmul.f32 v0, v3;
	v1 =	vmul.f32 v60, v4;
	_ =	sdelay $0x1  }
0x1ec: {  	v0 =	vadd.f32 v1, v0;
	_ =	sdelay $0x1  }
0x1ed: {  	[tilespmem:s4+$0x8200] =	vst v0;
	s4 =	sor.u32 $0x1C50, s5  }
0x1ee: {  	v0 =	vld [tilespmem:s4+$0x200]  }
0x1ef: {  	v61 =	vld [tilespmem:s4+$0x4200];
	_ =	sdelay $0x4  }
0x1f0: {  	v0 =	vmul.f32 v0, v3;
	v1 =	vmul.f32 v61, v4;
	_ =	sdelay $0x1  }
0x1f1: {  	v0 =	vadd.f32 v1, v0;
	_ =	sdelay $0x1  }
0x1f2: {  	[tilespmem:s4+$0x8200] =	vst v0;
	s4 =	sor.u32 $0x1C60, s5  }
0x1f3: {  	v0 =	vld [tilespmem:s4+$0x200]  }
0x1f4: {  	v62 =	vld [tilespmem:s4+$0x4200];
	_ =	sdelay $0x4  }
0x1f5: {  	v0 =	vmul.f32 v0, v3;
	v1 =	vmul.f32 v62, v4;
	_ =	sdelay $0x1  }
0x1f6: {  	v0 =	vadd.f32 v1, v0;
	_ =	sdelay $0x1  }
0x1f7: {  	s5 =	sor.u32 $0x1C70, s5;
	[tilespmem:s4+$0x8200] =	vst v0  }
0x1f8: {  	v0 =	vld [tilespmem:s5+$0x200]  }
0x1f9: {  	v63 =	vld [tilespmem:s5+$0x4200];
	_ =	sdelay $0x3  }
0x1fa: {  	p0 =	sne.s32 s1, $0xF  }
.Ltmp1:
0x1fb: {  	v0 =	vmul.f32 v0, v3;
	v1 =	vmul.f32 v63, v4;
	(pc) =	sbr.rel @p0 .LBB2_4-.Ltmp1, $4  }
0x1fc: {  	_ = 	snop  }
0x1fd: {  	v0 =	vadd.f32 v1, v0  }
0x1fe: {  	s30 =	sadd.s32 $0x80, s30  }
0x1ff: {  	s1 =	sadd.s32 $0x1, s1;
	s23 =	sadd.s32 $0x1, s23;
	s28 =	sadd.s32 $0x400, s28;
	[tilespmem:s5+$0x8200] =	vst v0  }
0x200: {  	s23 =	simm.s32 $0x0;
	s1 =	rddreg [dreg:$0xc]  }
0x201: {  	[hbm4b:s1+s23] =	stream.linear.scatter [tilespmem:s21], [sflag:$0x3], $0x4000, $0x38;
	[tilespmem:$0xC200] =	vst v63  }
0x202: {  	_ =	swait.ge [sflag:s29], $0x4000  }
0x203: {  	[sflag:s29] =	ssyncset.done $0x0  }
0x204: {  	s4 =	rddreg [dreg:$0xd];
	[sflag:s29] =	ssyncadd.s32 $0xFFFFC000  }
0x205: {  	[tilespmem:s23], [sflag:$0x3] =	stream.linear.gather [hbm4b:s4+s23], $0x10, $0x38;
	[tilespmem:$0xC200] =	vst v63  }
0x206: {  	_ =	swait.ge [sflag:s29], $0x10  }
0x207: {  	[sflag:s29] =	ssyncset.done $0x0  }
0x208: {  	s4 =	simm.s32 $0x80;
	s5 =	rddreg [dreg:$0xe];
	[sflag:s29] =	ssyncadd.s32 $0xFFFFFFF0  }
0x209: {  	[tilespmem:s4], [sflag:$0x3] =	stream.linear.gather [hbm4b:s5+s23], $0x10, $0x38;
	[tilespmem:$0xC200] =	vst v63  }
0x20a: {  	_ =	swait.ge [sflag:s29], $0x10  }
0x20b: {  	[sflag:s29] =	ssyncset.done $0x0  }
0x20c: {  	s5 =	rddreg [dreg:$0x11];
	[sflag:s29] =	ssyncadd.s32 $0xFFFFFFF0  }
0x20d: {  	[tilespmem:s31], [sflag:$0x3] =	stream.linear.gather [hbm4b:s5+s23], $0x10, $0x38;
	[tilespmem:$0xC200] =	vst v63  }
0x20e: {  	_ =	swait.ge [sflag:s29], $0x10  }
0x20f: {  	[sflag:s29] =	ssyncset.done $0x0  }
0x210: {  	s4 =	rddreg [dreg:$0x12];
	[sflag:s29] =	ssyncadd.s32 $0xFFFFFFF0  }
0x211: {  	[tilespmem:s0], [sflag:$0x3] =	stream.linear.gather [hbm4b:s4+s23], $0x10, $0x38;
	[tilespmem:$0xC200] =	vst v63  }
0x212: {  	_ =	swait.ge [sflag:s29], $0x10  }
0x213: {  	[sflag:s29] =	ssyncset.done $0x0  }
0x214: {  	[sflag:s29] =	ssyncadd.s32 $0xFFFFFFF0  }
0x215: {  	v0 =	vld [tilespmem:$0x0];
	_ =	sdelay $0x2  }
0x216: {  	v2 =	vld [tilespmem:$0x1FFD0];
	_ =	sdelay $0x1  }
0x217: {  	v3 =	vld [tilespmem:$0x1FFE0];
	v1 =	vshll.u32 v0, $0x3  }
0x218: {  	v0 =	vand.u32 $0x7, v0;
	v1 =	vand.u32 $0xFFFFFFC0, v1  }
0x219: {  	v0 =	vor.u32 v0, v1  }
0x21a: {  	v1 =	vperm.xlane v0, v2;
	_ =	sdelay $0x1  }
0x21b: {  	v1 =	vadd.s32 v3, v1  }
0x21c: {  	v4 =	vld [tilespmem:$0x1FFF0];
	_ =	sdelay $0x2  }
0x21d: {  	s5 =	simm.s32 $0x200  }
0x21e: {  	[tilespmem:s5], [sflag:$0x1] =	stream.indirect_vreg.gather [hbm4b:s3+s23], $0x80, v1, vm0, $0xb8;
	[tilespmem:$0xC200] =	vst v63  }
0x21f: {  	s4 =	simm.s32 $0xA00;
	v0 =	vperm.xlane v0, v4  }
0x220: {  	[tilespmem:s4], [sflag:$0x1] =	stream.indirect_vreg.gather [hbm4b:s24+s23], $0x80, v1, vm0, $0xb8;
	[tilespmem:$0xC200] =	vst v63  }
0x221: {  	v0 =	vadd.s32 v3, v0;
	s5 =	simm.s32 $0x1200  }
0x222: {  	[tilespmem:s5], [sflag:$0x1] =	stream.indirect_vreg.gather [hbm4b:s25+s23], $0x80, v1, vm0, $0xb8;
	[tilespmem:$0xC200] =	vst v63  }
0x223: {  	_ = 	snop  }
0x224: {  	[tilespmem:s6], [sflag:$0x1] =	stream.indirect_vreg.gather [hbm4b:s26+s23], $0x80, v1, vm0, $0xb8;
	[tilespmem:$0xC200] =	vst v63  }
0x225: {  	_ = 	snop  }
0x226: {  	[tilespmem:s7], [sflag:$0x1] =	stream.indirect_vreg.gather [hbm4b:s3+s23], $0x80, v0, vm0, $0xb8;
	[tilespmem:$0xC200] =	vst v63  }
0x227: {  	_ = 	snop  }
0x228: {  	[tilespmem:s8], [sflag:$0x1] =	stream.indirect_vreg.gather [hbm4b:s24+s23], $0x80, v0, vm0, $0xb8;
	[tilespmem:$0xC200] =	vst v63  }
0x229: {  	_ = 	snop  }
0x22a: {  	[tilespmem:s9], [sflag:$0x1] =	stream.indirect_vreg.gather [hbm4b:s25+s23], $0x80, v0, vm0, $0xb8;
	[tilespmem:$0xC200] =	vst v63  }
0x22b: {  	_ = 	snop  }
0x22c: {  	[tilespmem:s10], [sflag:$0x1] =	stream.indirect_vreg.gather [hbm4b:s26+s23], $0x80, v0, vm0, $0xb8;
	[tilespmem:$0xC200] =	vst v63  }
0x22d: {  	v0 =	vld [tilespmem:$0x80];
	_ =	sdelay $0x4  }
0x22e: {  	v63 =	vshll.u32 v0, $0x3  }
0x22f: {  	v0 =	vand.u32 $0x7, v0;
	v1 =	vand.u32 $0xFFFFFFC0, v63  }
0x230: {  	v0 =	vor.u32 v0, v1  }
0x231: {  	v1 =	vperm.xlane v0, v2;
	_ =	sdelay $0x1  }
0x232: {  	v1 =	vadd.s32 v3, v1;
	_ =	sdelay $0x4  }
0x233: {  	[tilespmem:s11], [sflag:$0x2] =	stream.indirect_vreg.gather [hbm4b:s3+s23], $0x80, v1, vm0, $0xb8;
	[tilespmem:$0xC200] =	vst v63  }
0x234: {  	v0 =	vperm.xlane v0, v4  }
0x235: {  	[tilespmem:s12], [sflag:$0x2] =	stream.indirect_vreg.gather [hbm4b:s24+s23], $0x80, v1, vm0, $0xb8;
	[tilespmem:$0xC200] =	vst v63  }
0x236: {  	v0 =	vadd.s32 v3, v0  }
0x237: {  	[tilespmem:s13], [sflag:$0x2] =	stream.indirect_vreg.gather [hbm4b:s25+s23], $0x80, v1, vm0, $0xb8;
	[tilespmem:$0xC200] =	vst v63  }
0x238: {  	_ = 	snop  }
0x239: {  	[tilespmem:s14], [sflag:$0x2] =	stream.indirect_vreg.gather [hbm4b:s26+s23], $0x80, v1, vm0, $0xb8;
	[tilespmem:$0xC200] =	vst v63  }
0x23a: {  	_ = 	snop  }
0x23b: {  	[tilespmem:s15], [sflag:$0x2] =	stream.indirect_vreg.gather [hbm4b:s3+s23], $0x80, v0, vm0, $0xb8;
	[tilespmem:$0xC200] =	vst v63  }
0x23c: {  	_ = 	snop  }
0x23d: {  	[tilespmem:s16], [sflag:$0x2] =	stream.indirect_vreg.gather [hbm4b:s24+s23], $0x80, v0, vm0, $0xb8;
	[tilespmem:$0xC200] =	vst v63  }
0x23e: {  	_ = 	snop  }
0x23f: {  	[tilespmem:s17], [sflag:$0x2] =	stream.indirect_vreg.gather [hbm4b:s25+s23], $0x80, v0, vm0, $0xb8;
	[tilespmem:$0xC200] =	vst v63  }
0x240: {  	_ = 	snop  }
0x241: {  	[tilespmem:s18], [sflag:$0x2] =	stream.indirect_vreg.gather [hbm4b:s26+s23], $0x80, v0, vm0, $0xb8;
	[tilespmem:$0xC200] =	vst v63  }
0x242: {  	_ =	swait.ge [sflag:s19], $0x4000  }
0x243: {  	[sflag:s19] =	ssyncset.done $0x0  }
0x244: {  	[sflag:s19] =	ssyncadd.s32 $0xFFFFC000  }
0x245: {  	_ =	swait.ge [sflag:s20], $0x4000  }
0x246: {  	s28 =	simm.s32 $0x0;
	[sflag:s20] =	ssyncset.done $0x0  }
0x247: {  	s30 =	simm.s32 $0x0;
	s1 =	simm.s32 $0x0;
	[sflag:s20] =	ssyncadd.s32 $0xFFFFC000  }
.LBB2_6:
0x248: {  	s4 =	sand.u32 $0x2000, s28;
	s5 =	sand.u32 $0x380, s30  }
0x249: {  	s4 =	sor.u32 s5, s4  }
0x24a: {  	v1 =	vld [tilespmem:s4+$0x4200]  }
0x24b: {  	v2 =	vld [tilespmem:s4+$0x210]  }
0x24c: {  	v6 =	vld [tilespmem:s4+$0x4210]  }
0x24d: {  	v10 =	vld [tilespmem:s4+$0x220]  }
0x24e: {  	v11 =	vld [tilespmem:s4+$0x4220]  }
0x24f: {  	v14 =	vld [tilespmem:s4+$0x230]  }
0x250: {  	v17 =	vld [tilespmem:s4+$0x4230]  }
0x251: {  	v20 =	vld [tilespmem:s4+$0x240]  }
0x252: {  	v21 =	vld [tilespmem:s4+$0x4240]  }
0x253: {  	v26 =	vld [tilespmem:s4+$0x250]  }
0x254: {  	v27 =	vld [tilespmem:s4+$0x4250]  }
0x255: {  	v28 =	vld [tilespmem:s4+$0x260]  }
0x256: {  	v29 =	vld [tilespmem:s4+$0x4260]  }
0x257: {  	v30 =	vld [tilespmem:s4+$0x270]  }
0x258: {  	v31 =	vld [tilespmem:s4+$0x4270]  }
0x259: {  	v32 =	vld [tilespmem:s4+$0x600]  }
0x25a: {  	v33 =	vld [tilespmem:s4+$0x4600]  }
0x25b: {  	v34 =	vld [tilespmem:s4+$0x610]  }
0x25c: {  	v35 =	vld [tilespmem:s4+$0x4610]  }
0x25d: {  	v36 =	vld [tilespmem:s4+$0x620]  }
0x25e: {  	v37 =	vld [tilespmem:s4+$0x4620]  }
0x25f: {  	v38 =	vld [tilespmem:s4+$0x630]  }
0x260: {  	v39 =	vld [tilespmem:s4+$0x4630]  }
0x261: {  	v40 =	vld [tilespmem:s4+$0x640]  }
0x262: {  	v41 =	vld [tilespmem:s4+$0x4640]  }
0x263: {  	v42 =	vld [tilespmem:s4+$0x650]  }
0x264: {  	v43 =	vld [tilespmem:s4+$0x4650]  }
0x265: {  	v44 =	vld [tilespmem:s4+$0x660]  }
0x266: {  	v45 =	vld [tilespmem:s4+$0x4660]  }
0x267: {  	v46 =	vld [tilespmem:s4+$0x670]  }
0x268: {  	v47 =	vld [tilespmem:s4+$0x4670]  }
0x269: {  	v48 =	vld [tilespmem:s4+$0xA00]  }
0x26a: {  	v49 =	vld [tilespmem:s4+$0x4A00]  }
0x26b: {  	v50 =	vld [tilespmem:s4+$0xA10]  }
0x26c: {  	v51 =	vld [tilespmem:s4+$0x4A10]  }
0x26d: {  	v52 =	vld [tilespmem:s4+$0xA20]  }
0x26e: {  	v53 =	vld [tilespmem:s4+$0x4A20]  }
0x26f: {  	v54 =	vld [tilespmem:s4+$0xA30]  }
0x270: {  	v55 =	vld [tilespmem:s4+$0x4A30]  }
0x271: {  	v56 =	vld [tilespmem:s4+$0xA40]  }
0x272: {  	v57 =	vld [tilespmem:s4+$0x4A40]  }
0x273: {  	v58 =	vld [tilespmem:s4+$0xA50]  }
0x274: {  	v59 =	vld [tilespmem:s4+$0x4A50]  }
0x275: {  	v60 =	vld [tilespmem:s4+$0xA60]  }
0x276: {  	v61 =	vld [tilespmem:s4+$0x4A60]  }
0x277: {  	v62 =	vld [tilespmem:s4+$0xA70]  }
0x278: {  	v63 =	vld [tilespmem:s4+$0x4A70]  }
0x279: {  	v24 =	vld [tilespmem:s4+$0xE00]  }
0x27a: {  	v25 =	vld [tilespmem:s4+$0x4E00]  }
0x27b: {  	v22 =	vld [tilespmem:s4+$0xE10]  }
0x27c: {  	v0 =	vmov s1;
	v23 =	vld [tilespmem:s4+$0x4E10]  }
0x27d: {  	v18 =	vld [tilespmem:s4+$0xE20]  }
0x27e: {  	v19 =	vld [tilespmem:s4+$0x4E20]  }
0x27f: {  	v15 =	vld [tilespmem:s4+$0xE30]  }
0x280: {  	v16 =	vld [tilespmem:s4+$0x4E30]  }
0x281: {  	v3 =	vld.idx.msk [tilespmem:v0+s31+$0x0], $0xffff  }
0x282: {  	v4 =	vld.idx.msk [tilespmem:v0+s0+$0x0], $0xffff  }
0x283: {  	v0 =	vld [tilespmem:s4+$0x200]  }
0x284: {  	v5 =	vld [tilespmem:s4+$0xE60]  }
0x285: {  	v12 =	vld [tilespmem:s4+$0xE40]  }
0x286: {  	v13 =	vld [tilespmem:s4+$0x4E40]  }
0x287: {  	v8 =	vld [tilespmem:s4+$0xE50]  }
0x288: {  	v9 =	vld [tilespmem:s4+$0x4E50];
	v0 =	vmul.f32 v0, v3;
	v1 =	vmul.f32 v1, v4  }
0x289: {  	v7 =	vld [tilespmem:s4+$0x4E60];
	[tilespmem:$0x1FF80] =	vst v5;
	v5 =	vmul.f32 v2, v3;
	v2 =	vmul.f32 v6, v4  }
0x28a: {  	v6 =	vld [tilespmem:s4+$0xE70];
	v17 =	vmul.f32 v17, v4;
	v0 =	vadd.f32 v1, v0  }
0x28b: {  	v1 =	vmul.f32 v10, v3;
	v10 =	vld [tilespmem:s4+$0x4E70];
	v5 =	vadd.f32 v2, v5;
	v2 =	vmul.f32 v14, v3  }
0x28c: {  	v11 =	vmul.f32 v11, v4;
	v14 =	vld [tilespmem:s4+$0x5200]  }
0x28d: {  	v26 =	vmul.f32 v26, v3;
	v2 =	vadd.f32 v17, v2;
	v17 =	vld [tilespmem:s4+$0x1210]  }
0x28e: {  	[tilespmem:s4+$0x8200] =	vst v0;
	v0 =	vadd.f32 v11, v1;
	v1 =	vmul.f32 v20, v3;
	v11 =	vmul.f32 v21, v4;
	v20 =	vld [tilespmem:s4+$0x5210]  }
0x28f: {  	v27 =	vmul.f32 v27, v4;
	v30 =	vmul.f32 v30, v3;
	v21 =	vld [tilespmem:s4+$0x1220];
	[tilespmem:$0x1FF90] =	vst v6  }
0x290: {  	v31 =	vmul.f32 v31, v4;
	v33 =	vmul.f32 v33, v4;
	v6 =	vld [tilespmem:s4+$0x1200];
	[tilespmem:s4+$0x8220] =	vst v0;
	v0 =	vadd.f32 v11, v1  }
0x291: {  	v1 =	vmul.f32 v28, v3;
	v11 =	vmul.f32 v29, v4;
	[tilespmem:s4+$0x8230] =	vst v2;
	v2 =	vadd.f32 v27, v26;
	v26 =	vld [tilespmem:s4+$0x5220]  }
0x292: {  	[tilespmem:s4+$0x8210] =	vst v5;
	v5 =	vmul.f32 v34, v3;
	v34 =	vmul.f32 v37, v4;
	v28 =	vld [tilespmem:s4+$0x1230]  }
0x293: {  	v37 =	vmul.f32 v39, v4;
	v29 =	vld [tilespmem:s4+$0x5230];
	[tilespmem:s4+$0x8240] =	vst v0;
	v0 =	vadd.f32 v11, v1;
	v1 =	vmul.f32 v32, v3  }
0x294: {  	v27 =	vmul.f32 v16, v4;
	v16 =	vld [tilespmem:s4+$0x1640];
	[tilespmem:s4+$0x8250] =	vst v2;
	v2 =	vadd.f32 v31, v30;
	v32 =	vmul.f32 v35, v4  }
0x295: {  	v30 =	vld [tilespmem:s4+$0x1240];
	[tilespmem:s4+$0x8260] =	vst v0;
	v0 =	vadd.f32 v33, v1;
	v33 =	vmul.f32 v36, v3;
	v36 =	vmul.f32 v38, v3  }
0x296: {  	v39 =	vmul.f32 v40, v3;
	v40 =	vmul.f32 v41, v4;
	v31 =	vld [tilespmem:s4+$0x5240];
	[tilespmem:s4+$0x8270] =	vst v2;
	v35 =	vadd.f32 v32, v5  }
0x297: {  	v42 =	vmul.f32 v42, v3;
	v11 =	vld [tilespmem:s4+$0x5650];
	[tilespmem:s4+$0x8600] =	vst v0;
	v38 =	vadd.f32 v34, v33;
	v41 =	vadd.f32 v37, v36  }
0x298: {  	v32 =	vld [tilespmem:s4+$0x1250];
	[tilespmem:s4+$0x8610] =	vst v35;
	v36 =	vmul.f32 v43, v4;
	v37 =	vadd.f32 v40, v39;
	v39 =	vmul.f32 v45, v4  }
0x299: {  	v33 =	vld [tilespmem:s4+$0x5250];
	v45 =	vmul.f32 v49, v4;
	[tilespmem:s4+$0x8620] =	vst v38;
	v38 =	vmul.f32 v44, v3  }
0x29a: {  	v34 =	vld [tilespmem:s4+$0x1260];
	[tilespmem:s4+$0x8630] =	vst v41;
	v40 =	vadd.f32 v36, v42;
	v41 =	vmul.f32 v46, v3;
	v42 =	vmul.f32 v47, v4  }
0x29b: {  	v35 =	vld [tilespmem:s4+$0x5260];
	[tilespmem:s4+$0x8640] =	vst v37;
	v44 =	vmul.f32 v48, v3;
	v47 =	vmul.f32 v50, v3;
	v43 =	vadd.f32 v39, v38  }
0x29c: {  	v48 =	vmul.f32 v51, v4;
	v36 =	vld [tilespmem:s4+$0x1270];
	v50 =	vmul.f32 v52, v3;
	[tilespmem:s4+$0x8650] =	vst v40;
	v46 =	vadd.f32 v42, v41  }
0x29d: {  	v51 =	vmul.f32 v53, v4;
	v37 =	vld [tilespmem:s4+$0x5270];
	v53 =	vmul.f32 v54, v3;
	v49 =	vadd.f32 v45, v44;
	[tilespmem:s4+$0x8660] =	vst v43  }
0x29e: {  	v54 =	vmul.f32 v55, v4;
	v52 =	vadd.f32 v48, v47;
	v38 =	vld [tilespmem:s4+$0x1600];
	v44 =	vmul.f32 v56, v3;
	[tilespmem:s4+$0x8670] =	vst v46  }
0x29f: {  	v55 =	vadd.f32 v51, v50;
	v45 =	vmul.f32 v57, v4;
	v39 =	vld [tilespmem:s4+$0x5600];
	v47 =	vmul.f32 v58, v3;
	[tilespmem:s4+$0x8A00] =	vst v49  }
0x2a0: {  	v48 =	vmul.f32 v59, v4;
	v40 =	vld [tilespmem:s4+$0x1610];
	v50 =	vmul.f32 v60, v3;
	[tilespmem:s4+$0x8A10] =	vst v52;
	v46 =	vadd.f32 v54, v53  }
0x2a1: {  	v51 =	vmul.f32 v61, v4;
	v41 =	vld [tilespmem:s4+$0x5610];
	v56 =	vmul.f32 v24, v3;
	[tilespmem:s4+$0x8A20] =	vst v55;
	v49 =	vadd.f32 v45, v44  }
0x2a2: {  	v42 =	vld [tilespmem:s4+$0x1620];
	v57 =	vmul.f32 v25, v4;
	v59 =	vmul.f32 v22, v3;
	v52 =	vadd.f32 v48, v47;
	[tilespmem:s4+$0x8A30] =	vst v46  }
0x2a3: {  	v24 =	vld [tilespmem:s4+$0x5620];
	v60 =	vmul.f32 v23, v4;
	v25 =	vmul.f32 v15, v3;
	v55 =	vadd.f32 v51, v50;
	[tilespmem:s4+$0x8A40] =	vst v49  }
0x2a4: {  	v23 =	vld [tilespmem:s4+$0x1630];
	v53 =	vmul.f32 v62, v3;
	v54 =	vmul.f32 v63, v4;
	v61 =	vadd.f32 v57, v56;
	[tilespmem:s4+$0x8A50] =	vst v52  }
0x2a5: {  	v15 =	vld [tilespmem:s4+$0x1A00];
	v62 =	vmul.f32 v18, v3;
	v63 =	vmul.f32 v19, v4;
	v22 =	vadd.f32 v60, v59;
	[tilespmem:s4+$0x8A60] =	vst v55  }
0x2a6: {  	v18 =	vld [tilespmem:s4+$0x5630];
	v44 =	vmul.f32 v12, v3;
	v45 =	vmul.f32 v13, v4;
	v58 =	vadd.f32 v54, v53;
	[tilespmem:s4+$0x8E00] =	vst v61  }
0x2a7: {  	v12 =	vld [tilespmem:s4+$0x5640];
	v47 =	vmul.f32 v8, v3;
	v48 =	vmul.f32 v9, v4;
	v43 =	vadd.f32 v63, v62;
	[tilespmem:s4+$0x8E10] =	vst v22  }
0x2a8: {  	v9 =	vld [tilespmem:s4+$0x1650];
	v56 =	vmul.f32 v14, v4;
	v59 =	vmul.f32 v20, v4;
	v46 =	vadd.f32 v27, v25;
	[tilespmem:s4+$0x8A70] =	vst v58  }
0x2a9: {  	v50 =	vld [tilespmem:$0x1FF80];
	v20 =	vmul.f32 v28, v3;
	v49 =	vadd.f32 v45, v44;
	v55 =	vmul.f32 v6, v3;
	[tilespmem:s4+$0x8E20] =	vst v43  }
0x2aa: {  	v13 =	vld [tilespmem:s4+$0x1670];
	v51 =	vadd.f32 v48, v47;
	v61 =	vmul.f32 v21, v3;
	v62 =	vmul.f32 v26, v4;
	[tilespmem:s4+$0x8E30] =	vst v46  }
0x2ab: {  	v14 =	vld [tilespmem:s4+$0x5670];
	v28 =	vmul.f32 v32, v3;
	v21 =	vmul.f32 v29, v4;
	[tilespmem:s4+$0x8E40] =	vst v49;
	v60 =	vadd.f32 v56, v55  }
0x2ac: {  	v19 =	vld [tilespmem:s4+$0x1A10];
	v25 =	vmul.f32 v30, v3;
	v26 =	vmul.f32 v31, v4;
	[tilespmem:s4+$0x8E50] =	vst v51;
	v22 =	vadd.f32 v62, v61  }
0x2ad: {  	v32 =	vmul.f32 v35, v4;
	v52 =	vld [tilespmem:$0x1FF90];
	v29 =	vmul.f32 v33, v4;
	v27 =	vadd.f32 v21, v20;
	[tilespmem:s4+$0x9200] =	vst v60  }
0x2ae: {  	v53 =	vmul.f32 v10, v4;
	v10 =	vld [tilespmem:s4+$0x1660];
	v31 =	vmul.f32 v34, v3;
	v30 =	vadd.f32 v26, v25;
	[tilespmem:s4+$0x9220] =	vst v22  }
0x2af: {  	v35 =	vmul.f32 v37, v4;
	v34 =	vmul.f32 v36, v3;
	v44 =	vld [tilespmem:s4+$0x1A30];
	v33 =	vadd.f32 v29, v28;
	[tilespmem:s4+$0x9230] =	vst v27  }
0x2b0: {  	v48 =	vld [tilespmem:s4+$0x5A30];
	v37 =	vmul.f32 v38, v3;
	v38 =	vmul.f32 v39, v4;
	v36 =	vadd.f32 v32, v31;
	[tilespmem:s4+$0x9240] =	vst v30  }
0x2b1: {  	v58 =	vmul.f32 v17, v3;
	v17 =	vld [tilespmem:s4+$0x5A00];
	v39 =	vadd.f32 v35, v34;
	[tilespmem:s4+$0x9250] =	vst v33  }
0x2b2: {  	v40 =	vmul.f32 v40, v3;
	v20 =	vld [tilespmem:s4+$0x5A10];
	v43 =	vmul.f32 v41, v4;
	v45 =	vadd.f32 v38, v37;
	[tilespmem:s4+$0x9260] =	vst v36  }
0x2b3: {  	v7 =	vmul.f32 v7, v4;
	v21 =	vld [tilespmem:s4+$0x1A20];
	v1 =	vmul.f32 v50, v3;
	v63 =	vadd.f32 v59, v58;
	[tilespmem:s4+$0x9270] =	vst v39  }
0x2b4: {  	v56 =	vld [tilespmem:s4+$0x5A40];
	v49 =	vadd.f32 v43, v40;
	v58 =	vmul.f32 v9, v3;
	v59 =	vmul.f32 v11, v4;
	[tilespmem:s4+$0x9600] =	vst v45  }
0x2b5: {  	v28 =	vld [tilespmem:s4+$0x1A60];
	v26 =	vmul.f32 v13, v3;
	v27 =	vmul.f32 v14, v4;
	v54 =	vadd.f32 v7, v1;
	[tilespmem:s4+$0x9210] =	vst v63  }
0x2b6: {  	v32 =	vld [tilespmem:s4+$0x5A60];
	v50 =	vmul.f32 v23, v3;
	v5 =	vmul.f32 v52, v3;
	[tilespmem:s4+$0x9610] =	vst v49;
	v23 =	vadd.f32 v59, v58  }
0x2b7: {  	v47 =	vmul.f32 v24, v4;
	v46 =	vmul.f32 v42, v3;
	v22 =	vld [tilespmem:s4+$0x5A20];
	v33 =	vadd.f32 v27, v26;
	[tilespmem:s4+$0x8E60] =	vst v54  }
0x2b8: {  	v60 =	vld [tilespmem:s4+$0x1A50];
	v42 =	vmul.f32 v44, v3;
	v43 =	vmul.f32 v48, v4;
	v57 =	vadd.f32 v53, v5;
	[tilespmem:s4+$0x9650] =	vst v23  }
0x2b9: {  	v51 =	vmul.f32 v18, v4;
	v36 =	vld [tilespmem:s4+$0x1A70];
	v53 =	vadd.f32 v47, v46;
	[tilespmem:s4+$0x9670] =	vst v33  }
0x2ba: {  	v55 =	vmul.f32 v12, v4;
	v40 =	vld [tilespmem:s4+$0x5A70];
	v54 =	vmul.f32 v16, v3;
	v47 =	vadd.f32 v43, v42;
	[tilespmem:s4+$0x8E70] =	vst v57  }
0x2bb: {  	v30 =	vmul.f32 v15, v3;
	v7 =	vld [tilespmem:s4+$0x5660];
	v31 =	vmul.f32 v17, v4;
	v57 =	vadd.f32 v51, v50;
	[tilespmem:s4+$0x9620] =	vst v53  }
0x2bc: {  	v34 =	vmul.f32 v19, v3;
	v52 =	vld [tilespmem:s4+$0x1A40];
	v35 =	vmul.f32 v20, v4;
	v61 =	vadd.f32 v55, v54;
	[tilespmem:s4+$0x9A30] =	vst v47  }
0x2bd: {  	v16 =	vld [tilespmem:s4+$0x5A50];
	v38 =	vmul.f32 v21, v3;
	v37 =	vadd.f32 v31, v30;
	v39 =	vmul.f32 v22, v4;
	[tilespmem:s4+$0x9630] =	vst v57  }
0x2be: {  	v41 =	vadd.f32 v35, v34;
	v50 =	vmul.f32 v28, v3;
	v51 =	vmul.f32 v32, v4;
	[tilespmem:s4+$0x9640] =	vst v61  }
0x2bf: {  	v53 =	vmul.f32 v36, v3;
	v54 =	vmul.f32 v40, v4;
	[tilespmem:s4+$0x9A00] =	vst v37;
	v44 =	vadd.f32 v39, v38  }
0x2c0: {  	v62 =	vmul.f32 v10, v3;
	v63 =	vmul.f32 v7, v4;
	[tilespmem:s4+$0x9A10] =	vst v41;
	v55 =	vadd.f32 v51, v50  }
0x2c1: {  	v46 =	vmul.f32 v56, v4;
	v45 =	vmul.f32 v52, v3;
	v56 =	vadd.f32 v54, v53;
	[tilespmem:s4+$0x9A20] =	vst v44  }
0x2c2: {  	v48 =	vmul.f32 v60, v3;
	v29 =	vadd.f32 v63, v62;
	v7 =	vmul.f32 v16, v4;
	[tilespmem:s4+$0x9A60] =	vst v55  }
0x2c3: {  	s5 =	sand.u32 $0x7, s23;
	v49 =	vadd.f32 v46, v45;
	[tilespmem:s4+$0x9A70] =	vst v56  }
0x2c4: {  	s5 =	sshll.u32 s5, $0x7;
	[tilespmem:s4+$0x9660] =	vst v29;
	v52 =	vadd.f32 v7, v48  }
0x2c5: {  	s5 =	sadd.s32 s5, s28;
	[tilespmem:s4+$0x9A40] =	vst v49  }
0x2c6: {  	[tilespmem:s4+$0x9A50] =	vst v52;
	s4 =	sor.u32 $0x1C00, s5  }
0x2c7: {  	v0 =	vld [tilespmem:s4+$0x200]  }
0x2c8: {  	v1 =	vld [tilespmem:s4+$0x4200];
	_ =	sdelay $0x4  }
0x2c9: {  	v0 =	vmul.f32 v0, v3;
	v1 =	vmul.f32 v1, v4;
	_ =	sdelay $0x1  }
0x2ca: {  	v0 =	vadd.f32 v1, v0;
	_ =	sdelay $0x1  }
0x2cb: {  	[tilespmem:s4+$0x8200] =	vst v0;
	s4 =	sor.u32 $0x1C10, s5  }
0x2cc: {  	v0 =	vld [tilespmem:s4+$0x200]  }
0x2cd: {  	v57 =	vld [tilespmem:s4+$0x4200];
	_ =	sdelay $0x4  }
0x2ce: {  	v0 =	vmul.f32 v0, v3;
	v1 =	vmul.f32 v57, v4;
	_ =	sdelay $0x1  }
0x2cf: {  	v0 =	vadd.f32 v1, v0;
	_ =	sdelay $0x1  }
0x2d0: {  	[tilespmem:s4+$0x8200] =	vst v0;
	s4 =	sor.u32 $0x1C20, s5  }
0x2d1: {  	v0 =	vld [tilespmem:s4+$0x200]  }
0x2d2: {  	v58 =	vld [tilespmem:s4+$0x4200];
	_ =	sdelay $0x4  }
0x2d3: {  	v0 =	vmul.f32 v0, v3;
	v1 =	vmul.f32 v58, v4;
	_ =	sdelay $0x1  }
0x2d4: {  	v0 =	vadd.f32 v1, v0;
	_ =	sdelay $0x1  }
0x2d5: {  	[tilespmem:s4+$0x8200] =	vst v0;
	s4 =	sor.u32 $0x1C30, s5  }
0x2d6: {  	v0 =	vld [tilespmem:s4+$0x200]  }
0x2d7: {  	v59 =	vld [tilespmem:s4+$0x4200];
	_ =	sdelay $0x4  }
0x2d8: {  	v0 =	vmul.f32 v0, v3;
	v1 =	vmul.f32 v59, v4;
	_ =	sdelay $0x1  }
0x2d9: {  	v0 =	vadd.f32 v1, v0;
	_ =	sdelay $0x1  }
0x2da: {  	[tilespmem:s4+$0x8200] =	vst v0;
	s4 =	sor.u32 $0x1C40, s5  }
0x2db: {  	v0 =	vld [tilespmem:s4+$0x200]  }
0x2dc: {  	v60 =	vld [tilespmem:s4+$0x4200];
	_ =	sdelay $0x4  }
0x2dd: {  	v0 =	vmul.f32 v0, v3;
	v1 =	vmul.f32 v60, v4;
	_ =	sdelay $0x1  }
0x2de: {  	v0 =	vadd.f32 v1, v0;
	_ =	sdelay $0x1  }
0x2df: {  	[tilespmem:s4+$0x8200] =	vst v0;
	s4 =	sor.u32 $0x1C50, s5  }
0x2e0: {  	v0 =	vld [tilespmem:s4+$0x200]  }
0x2e1: {  	v61 =	vld [tilespmem:s4+$0x4200];
	_ =	sdelay $0x4  }
0x2e2: {  	v0 =	vmul.f32 v0, v3;
	v1 =	vmul.f32 v61, v4;
	_ =	sdelay $0x1  }
0x2e3: {  	v0 =	vadd.f32 v1, v0;
	_ =	sdelay $0x1  }
0x2e4: {  	[tilespmem:s4+$0x8200] =	vst v0;
	s4 =	sor.u32 $0x1C60, s5  }
0x2e5: {  	v0 =	vld [tilespmem:s4+$0x200]  }
0x2e6: {  	v62 =	vld [tilespmem:s4+$0x4200];
	_ =	sdelay $0x4  }
0x2e7: {  	v0 =	vmul.f32 v0, v3;
	v1 =	vmul.f32 v62, v4;
	_ =	sdelay $0x1  }
0x2e8: {  	v0 =	vadd.f32 v1, v0;
	_ =	sdelay $0x1  }
0x2e9: {  	s5 =	sor.u32 $0x1C70, s5;
	[tilespmem:s4+$0x8200] =	vst v0  }
0x2ea: {  	v0 =	vld [tilespmem:s5+$0x200]  }
0x2eb: {  	v63 =	vld [tilespmem:s5+$0x4200];
	_ =	sdelay $0x3  }
0x2ec: {  	p0 =	sne.s32 s1, $0xF  }
.Ltmp2:
0x2ed: {  	v0 =	vmul.f32 v0, v3;
	v1 =	vmul.f32 v63, v4;
	(pc) =	sbr.rel @p0 .LBB2_6-.Ltmp2, $4  }
0x2ee: {  	_ = 	snop  }
0x2ef: {  	v0 =	vadd.f32 v1, v0  }
0x2f0: {  	s30 =	sadd.s32 $0x80, s30  }
0x2f1: {  	s1 =	sadd.s32 $0x1, s1;
	s23 =	sadd.s32 $0x1, s23;
	s28 =	sadd.s32 $0x400, s28;
	[tilespmem:s5+$0x8200] =	vst v0  }
0x2f2: {  	s23 =	simm.s32 $0x0;
	s1 =	rddreg [dreg:$0xf]  }
0x2f3: {  	[hbm4b:s1+s23] =	stream.linear.scatter [tilespmem:s21], [sflag:$0x3], $0x4000, $0x38;
	[tilespmem:$0xC200] =	vst v63  }
0x2f4: {  	_ =	swait.ge [sflag:s29], $0x4000  }
0x2f5: {  	[sflag:s29] =	ssyncset.done $0x0  }
0x2f6: {  	s4 =	rddreg [dreg:$0x16];
	[sflag:s29] =	ssyncadd.s32 $0xFFFFC000  }
0x2f7: {  	[tilespmem:s23], [sflag:$0x3] =	stream.linear.gather [hbm4b:s4+s23], $0x10, $0x38;
	[tilespmem:$0xC200] =	vst v63  }
0x2f8: {  	_ =	swait.ge [sflag:s29], $0x10  }
0x2f9: {  	[sflag:s29] =	ssyncset.done $0x0  }
0x2fa: {  	s4 =	simm.s32 $0x80;
	s5 =	rddreg [dreg:$0x13];
	[sflag:s29] =	ssyncadd.s32 $0xFFFFFFF0  }
0x2fb: {  	[tilespmem:s4], [sflag:$0x3] =	stream.linear.gather [hbm4b:s5+s23], $0x10, $0x38;
	[tilespmem:$0xC200] =	vst v63  }
0x2fc: {  	_ =	swait.ge [sflag:s29], $0x10  }
0x2fd: {  	[sflag:s29] =	ssyncset.done $0x0  }
0x2fe: {  	s5 =	rddreg [dreg:$0x14];
	[sflag:s29] =	ssyncadd.s32 $0xFFFFFFF0  }
0x2ff: {  	[tilespmem:s31], [sflag:$0x3] =	stream.linear.gather [hbm4b:s5+s23], $0x10, $0x38;
	[tilespmem:$0xC200] =	vst v63  }
0x300: {  	_ =	swait.ge [sflag:s29], $0x10  }
0x301: {  	[sflag:s29] =	ssyncset.done $0x0  }
0x302: {  	s4 =	rddreg [dreg:$0x15];
	[sflag:s29] =	ssyncadd.s32 $0xFFFFFFF0  }
0x303: {  	[tilespmem:s0], [sflag:$0x3] =	stream.linear.gather [hbm4b:s4+s23], $0x10, $0x38;
	[tilespmem:$0xC200] =	vst v63  }
0x304: {  	_ =	swait.ge [sflag:s29], $0x10  }
0x305: {  	[sflag:s29] =	ssyncset.done $0x0  }
0x306: {  	[sflag:s29] =	ssyncadd.s32 $0xFFFFFFF0  }
0x307: {  	v0 =	vld [tilespmem:$0x0];
	_ =	sdelay $0x2  }
0x308: {  	v2 =	vld [tilespmem:$0x1FFD0];
	_ =	sdelay $0x1  }
0x309: {  	v3 =	vld [tilespmem:$0x1FFE0];
	v1 =	vshll.u32 v0, $0x3  }
0x30a: {  	v0 =	vand.u32 $0x7, v0;
	v1 =	vand.u32 $0xFFFFFFC0, v1  }
0x30b: {  	v0 =	vor.u32 v0, v1  }
0x30c: {  	v1 =	vperm.xlane v0, v2;
	_ =	sdelay $0x1  }
0x30d: {  	v1 =	vadd.s32 v3, v1  }
0x30e: {  	v4 =	vld [tilespmem:$0x1FFF0];
	_ =	sdelay $0x2  }
0x30f: {  	s5 =	simm.s32 $0x200  }
0x310: {  	[tilespmem:s5], [sflag:$0x1] =	stream.indirect_vreg.gather [hbm4b:s3+s23], $0x80, v1, vm0, $0xb8;
	[tilespmem:$0xC200] =	vst v63  }
0x311: {  	s4 =	simm.s32 $0xA00;
	v0 =	vperm.xlane v0, v4  }
0x312: {  	[tilespmem:s4], [sflag:$0x1] =	stream.indirect_vreg.gather [hbm4b:s24+s23], $0x80, v1, vm0, $0xb8;
	[tilespmem:$0xC200] =	vst v63  }
0x313: {  	v0 =	vadd.s32 v3, v0;
	s5 =	simm.s32 $0x1200  }
0x314: {  	[tilespmem:s5], [sflag:$0x1] =	stream.indirect_vreg.gather [hbm4b:s25+s23], $0x80, v1, vm0, $0xb8;
	[tilespmem:$0xC200] =	vst v63  }
0x315: {  	_ = 	snop  }
0x316: {  	[tilespmem:s6], [sflag:$0x1] =	stream.indirect_vreg.gather [hbm4b:s26+s23], $0x80, v1, vm0, $0xb8;
	[tilespmem:$0xC200] =	vst v63  }
0x317: {  	_ = 	snop  }
0x318: {  	[tilespmem:s7], [sflag:$0x1] =	stream.indirect_vreg.gather [hbm4b:s3+s23], $0x80, v0, vm0, $0xb8;
	[tilespmem:$0xC200] =	vst v63  }
0x319: {  	_ = 	snop  }
0x31a: {  	[tilespmem:s8], [sflag:$0x1] =	stream.indirect_vreg.gather [hbm4b:s24+s23], $0x80, v0, vm0, $0xb8;
	[tilespmem:$0xC200] =	vst v63  }
0x31b: {  	_ = 	snop  }
0x31c: {  	[tilespmem:s9], [sflag:$0x1] =	stream.indirect_vreg.gather [hbm4b:s25+s23], $0x80, v0, vm0, $0xb8;
	[tilespmem:$0xC200] =	vst v63  }
0x31d: {  	_ = 	snop  }
0x31e: {  	[tilespmem:s10], [sflag:$0x1] =	stream.indirect_vreg.gather [hbm4b:s26+s23], $0x80, v0, vm0, $0xb8;
	[tilespmem:$0xC200] =	vst v63  }
0x31f: {  	v0 =	vld [tilespmem:$0x80];
	_ =	sdelay $0x4  }
0x320: {  	v63 =	vshll.u32 v0, $0x3  }
0x321: {  	v0 =	vand.u32 $0x7, v0;
	v1 =	vand.u32 $0xFFFFFFC0, v63  }
0x322: {  	v0 =	vor.u32 v0, v1  }
0x323: {  	v1 =	vperm.xlane v0, v2;
	_ =	sdelay $0x1  }
0x324: {  	v1 =	vadd.s32 v3, v1;
	_ =	sdelay $0x4  }
0x325: {  	[tilespmem:s11], [sflag:$0x2] =	stream.indirect_vreg.gather [hbm4b:s3+s23], $0x80, v1, vm0, $0xb8;
	[tilespmem:$0xC200] =	vst v63  }
0x326: {  	v0 =	vperm.xlane v0, v4  }
0x327: {  	[tilespmem:s12], [sflag:$0x2] =	stream.indirect_vreg.gather [hbm4b:s24+s23], $0x80, v1, vm0, $0xb8;
	[tilespmem:$0xC200] =	vst v63  }
0x328: {  	v0 =	vadd.s32 v3, v0  }
0x329: {  	[tilespmem:s13], [sflag:$0x2] =	stream.indirect_vreg.gather [hbm4b:s25+s23], $0x80, v1, vm0, $0xb8;
	[tilespmem:$0xC200] =	vst v63  }
0x32a: {  	_ = 	snop  }
0x32b: {  	[tilespmem:s14], [sflag:$0x2] =	stream.indirect_vreg.gather [hbm4b:s26+s23], $0x80, v1, vm0, $0xb8;
	[tilespmem:$0xC200] =	vst v63  }
0x32c: {  	_ = 	snop  }
0x32d: {  	[tilespmem:s15], [sflag:$0x2] =	stream.indirect_vreg.gather [hbm4b:s3+s23], $0x80, v0, vm0, $0xb8;
	[tilespmem:$0xC200] =	vst v63  }
0x32e: {  	_ = 	snop  }
0x32f: {  	[tilespmem:s16], [sflag:$0x2] =	stream.indirect_vreg.gather [hbm4b:s24+s23], $0x80, v0, vm0, $0xb8;
	[tilespmem:$0xC200] =	vst v63  }
0x330: {  	_ = 	snop  }
0x331: {  	[tilespmem:s17], [sflag:$0x2] =	stream.indirect_vreg.gather [hbm4b:s25+s23], $0x80, v0, vm0, $0xb8;
	[tilespmem:$0xC200] =	vst v63  }
0x332: {  	_ = 	snop  }
0x333: {  	[tilespmem:s18], [sflag:$0x2] =	stream.indirect_vreg.gather [hbm4b:s26+s23], $0x80, v0, vm0, $0xb8;
	[tilespmem:$0xC200] =	vst v63  }
0x334: {  	_ =	swait.ge [sflag:s19], $0x4000  }
0x335: {  	[sflag:s19] =	ssyncset.done $0x0  }
0x336: {  	[sflag:s19] =	ssyncadd.s32 $0xFFFFC000  }
0x337: {  	_ =	swait.ge [sflag:s20], $0x4000  }
0x338: {  	s28 =	simm.s32 $0x0;
	[sflag:s20] =	ssyncset.done $0x0  }
0x339: {  	s30 =	simm.s32 $0x0;
	s1 =	simm.s32 $0x0;
	[sflag:s20] =	ssyncadd.s32 $0xFFFFC000  }
.LBB2_8:
0x33a: {  	s4 =	sand.u32 $0x2000, s28;
	s5 =	sand.u32 $0x380, s30  }
0x33b: {  	s4 =	sor.u32 s5, s4  }
0x33c: {  	v1 =	vld [tilespmem:s4+$0x4200]  }
0x33d: {  	v2 =	vld [tilespmem:s4+$0x210]  }
0x33e: {  	v6 =	vld [tilespmem:s4+$0x4210]  }
0x33f: {  	v10 =	vld [tilespmem:s4+$0x220]  }
0x340: {  	v11 =	vld [tilespmem:s4+$0x4220]  }
0x341: {  	v14 =	vld [tilespmem:s4+$0x230]  }
0x342: {  	v17 =	vld [tilespmem:s4+$0x4230]  }
0x343: {  	v20 =	vld [tilespmem:s4+$0x240]  }
0x344: {  	v21 =	vld [tilespmem:s4+$0x4240]  }
0x345: {  	v26 =	vld [tilespmem:s4+$0x250]  }
0x346: {  	v27 =	vld [tilespmem:s4+$0x4250]  }
0x347: {  	v28 =	vld [tilespmem:s4+$0x260]  }
0x348: {  	v29 =	vld [tilespmem:s4+$0x4260]  }
0x349: {  	v30 =	vld [tilespmem:s4+$0x270]  }
0x34a: {  	v31 =	vld [tilespmem:s4+$0x4270]  }
0x34b: {  	v32 =	vld [tilespmem:s4+$0x600]  }
0x34c: {  	v33 =	vld [tilespmem:s4+$0x4600]  }
0x34d: {  	v34 =	vld [tilespmem:s4+$0x610]  }
0x34e: {  	v35 =	vld [tilespmem:s4+$0x4610]  }
0x34f: {  	v36 =	vld [tilespmem:s4+$0x620]  }
0x350: {  	v37 =	vld [tilespmem:s4+$0x4620]  }
0x351: {  	v38 =	vld [tilespmem:s4+$0x630]  }
0x352: {  	v39 =	vld [tilespmem:s4+$0x4630]  }
0x353: {  	v40 =	vld [tilespmem:s4+$0x640]  }
0x354: {  	v41 =	vld [tilespmem:s4+$0x4640]  }
0x355: {  	v42 =	vld [tilespmem:s4+$0x650]  }
0x356: {  	v43 =	vld [tilespmem:s4+$0x4650]  }
0x357: {  	v44 =	vld [tilespmem:s4+$0x660]  }
0x358: {  	v45 =	vld [tilespmem:s4+$0x4660]  }
0x359: {  	v46 =	vld [tilespmem:s4+$0x670]  }
0x35a: {  	v47 =	vld [tilespmem:s4+$0x4670]  }
0x35b: {  	v48 =	vld [tilespmem:s4+$0xA00]  }
0x35c: {  	v49 =	vld [tilespmem:s4+$0x4A00]  }
0x35d: {  	v50 =	vld [tilespmem:s4+$0xA10]  }
0x35e: {  	v51 =	vld [tilespmem:s4+$0x4A10]  }
0x35f: {  	v52 =	vld [tilespmem:s4+$0xA20]  }
0x360: {  	v53 =	vld [tilespmem:s4+$0x4A20]  }
0x361: {  	v54 =	vld [tilespmem:s4+$0xA30]  }
0x362: {  	v55 =	vld [tilespmem:s4+$0x4A30]  }
0x363: {  	v56 =	vld [tilespmem:s4+$0xA40]  }
0x364: {  	v57 =	vld [tilespmem:s4+$0x4A40]  }
0x365: {  	v58 =	vld [tilespmem:s4+$0xA50]  }
0x366: {  	v59 =	vld [tilespmem:s4+$0x4A50]  }
0x367: {  	v60 =	vld [tilespmem:s4+$0xA60]  }
0x368: {  	v61 =	vld [tilespmem:s4+$0x4A60]  }
0x369: {  	v62 =	vld [tilespmem:s4+$0xA70]  }
0x36a: {  	v63 =	vld [tilespmem:s4+$0x4A70]  }
0x36b: {  	v24 =	vld [tilespmem:s4+$0xE00]  }
0x36c: {  	v25 =	vld [tilespmem:s4+$0x4E00]  }
0x36d: {  	v22 =	vld [tilespmem:s4+$0xE10]  }
0x36e: {  	v0 =	vmov s1;
	v23 =	vld [tilespmem:s4+$0x4E10]  }
0x36f: {  	v18 =	vld [tilespmem:s4+$0xE20]  }
0x370: {  	v19 =	vld [tilespmem:s4+$0x4E20]  }
0x371: {  	v15 =	vld [tilespmem:s4+$0xE30]  }
0x372: {  	v16 =	vld [tilespmem:s4+$0x4E30]  }
0x373: {  	v3 =	vld.idx.msk [tilespmem:v0+s31+$0x0], $0xffff  }
0x374: {  	v4 =	vld.idx.msk [tilespmem:v0+s0+$0x0], $0xffff  }
0x375: {  	v0 =	vld [tilespmem:s4+$0x200]  }
0x376: {  	v5 =	vld [tilespmem:s4+$0xE60]  }
0x377: {  	v12 =	vld [tilespmem:s4+$0xE40]  }
0x378: {  	v13 =	vld [tilespmem:s4+$0x4E40]  }
0x379: {  	v8 =	vld [tilespmem:s4+$0xE50]  }
0x37a: {  	v9 =	vld [tilespmem:s4+$0x4E50];
	v0 =	vmul.f32 v0, v3;
	v1 =	vmul.f32 v1, v4  }
0x37b: {  	v7 =	vld [tilespmem:s4+$0x4E60];
	[tilespmem:$0x1FF60] =	vst v5;
	v5 =	vmul.f32 v2, v3;
	v2 =	vmul.f32 v6, v4  }
0x37c: {  	v6 =	vld [tilespmem:s4+$0xE70];
	v17 =	vmul.f32 v17, v4;
	v0 =	vadd.f32 v1, v0  }
0x37d: {  	v1 =	vmul.f32 v10, v3;
	v10 =	vld [tilespmem:s4+$0x4E70];
	v5 =	vadd.f32 v2, v5;
	v2 =	vmul.f32 v14, v3  }
0x37e: {  	v11 =	vmul.f32 v11, v4;
	v14 =	vld [tilespmem:s4+$0x5200]  }
0x37f: {  	v26 =	vmul.f32 v26, v3;
	v2 =	vadd.f32 v17, v2;
	v17 =	vld [tilespmem:s4+$0x1210]  }
0x380: {  	[tilespmem:s4+$0x8200] =	vst v0;
	v0 =	vadd.f32 v11, v1;
	v1 =	vmul.f32 v20, v3;
	v11 =	vmul.f32 v21, v4;
	v20 =	vld [tilespmem:s4+$0x5210]  }
0x381: {  	v27 =	vmul.f32 v27, v4;
	v30 =	vmul.f32 v30, v3;
	v21 =	vld [tilespmem:s4+$0x1220];
	[tilespmem:$0x1FF70] =	vst v6  }
0x382: {  	v31 =	vmul.f32 v31, v4;
	v33 =	vmul.f32 v33, v4;
	v6 =	vld [tilespmem:s4+$0x1200];
	[tilespmem:s4+$0x8220] =	vst v0;
	v0 =	vadd.f32 v11, v1  }
0x383: {  	v1 =	vmul.f32 v28, v3;
	v11 =	vmul.f32 v29, v4;
	[tilespmem:s4+$0x8230] =	vst v2;
	v2 =	vadd.f32 v27, v26;
	v26 =	vld [tilespmem:s4+$0x5220]  }
0x384: {  	[tilespmem:s4+$0x8210] =	vst v5;
	v5 =	vmul.f32 v34, v3;
	v34 =	vmul.f32 v37, v4;
	v28 =	vld [tilespmem:s4+$0x1230]  }
0x385: {  	v37 =	vmul.f32 v39, v4;
	v29 =	vld [tilespmem:s4+$0x5230];
	[tilespmem:s4+$0x8240] =	vst v0;
	v0 =	vadd.f32 v11, v1;
	v1 =	vmul.f32 v32, v3  }
0x386: {  	v27 =	vmul.f32 v16, v4;
	v16 =	vld [tilespmem:s4+$0x1640];
	[tilespmem:s4+$0x8250] =	vst v2;
	v2 =	vadd.f32 v31, v30;
	v32 =	vmul.f32 v35, v4  }
0x387: {  	v30 =	vld [tilespmem:s4+$0x1240];
	[tilespmem:s4+$0x8260] =	vst v0;
	v0 =	vadd.f32 v33, v1;
	v33 =	vmul.f32 v36, v3;
	v36 =	vmul.f32 v38, v3  }
0x388: {  	v39 =	vmul.f32 v40, v3;
	v40 =	vmul.f32 v41, v4;
	v31 =	vld [tilespmem:s4+$0x5240];
	[tilespmem:s4+$0x8270] =	vst v2;
	v35 =	vadd.f32 v32, v5  }
0x389: {  	v42 =	vmul.f32 v42, v3;
	v11 =	vld [tilespmem:s4+$0x5650];
	[tilespmem:s4+$0x8600] =	vst v0;
	v38 =	vadd.f32 v34, v33;
	v41 =	vadd.f32 v37, v36  }
0x38a: {  	v32 =	vld [tilespmem:s4+$0x1250];
	[tilespmem:s4+$0x8610] =	vst v35;
	v36 =	vmul.f32 v43, v4;
	v37 =	vadd.f32 v40, v39;
	v39 =	vmul.f32 v45, v4  }
0x38b: {  	v33 =	vld [tilespmem:s4+$0x5250];
	v45 =	vmul.f32 v49, v4;
	[tilespmem:s4+$0x8620] =	vst v38;
	v38 =	vmul.f32 v44, v3  }
0x38c: {  	v34 =	vld [tilespmem:s4+$0x1260];
	[tilespmem:s4+$0x8630] =	vst v41;
	v40 =	vadd.f32 v36, v42;
	v41 =	vmul.f32 v46, v3;
	v42 =	vmul.f32 v47, v4  }
0x38d: {  	v35 =	vld [tilespmem:s4+$0x5260];
	[tilespmem:s4+$0x8640] =	vst v37;
	v44 =	vmul.f32 v48, v3;
	v47 =	vmul.f32 v50, v3;
	v43 =	vadd.f32 v39, v38  }
0x38e: {  	v48 =	vmul.f32 v51, v4;
	v36 =	vld [tilespmem:s4+$0x1270];
	v50 =	vmul.f32 v52, v3;
	[tilespmem:s4+$0x8650] =	vst v40;
	v46 =	vadd.f32 v42, v41  }
0x38f: {  	v51 =	vmul.f32 v53, v4;
	v37 =	vld [tilespmem:s4+$0x5270];
	v53 =	vmul.f32 v54, v3;
	v49 =	vadd.f32 v45, v44;
	[tilespmem:s4+$0x8660] =	vst v43  }
0x390: {  	v54 =	vmul.f32 v55, v4;
	v52 =	vadd.f32 v48, v47;
	v38 =	vld [tilespmem:s4+$0x1600];
	v44 =	vmul.f32 v56, v3;
	[tilespmem:s4+$0x8670] =	vst v46  }
0x391: {  	v55 =	vadd.f32 v51, v50;
	v45 =	vmul.f32 v57, v4;
	v39 =	vld [tilespmem:s4+$0x5600];
	v47 =	vmul.f32 v58, v3;
	[tilespmem:s4+$0x8A00] =	vst v49  }
0x392: {  	v48 =	vmul.f32 v59, v4;
	v40 =	vld [tilespmem:s4+$0x1610];
	v50 =	vmul.f32 v60, v3;
	[tilespmem:s4+$0x8A10] =	vst v52;
	v46 =	vadd.f32 v54, v53  }
0x393: {  	v51 =	vmul.f32 v61, v4;
	v41 =	vld [tilespmem:s4+$0x5610];
	v56 =	vmul.f32 v24, v3;
	[tilespmem:s4+$0x8A20] =	vst v55;
	v49 =	vadd.f32 v45, v44  }
0x394: {  	v42 =	vld [tilespmem:s4+$0x1620];
	v57 =	vmul.f32 v25, v4;
	v59 =	vmul.f32 v22, v3;
	v52 =	vadd.f32 v48, v47;
	[tilespmem:s4+$0x8A30] =	vst v46  }
0x395: {  	v24 =	vld [tilespmem:s4+$0x5620];
	v60 =	vmul.f32 v23, v4;
	v25 =	vmul.f32 v15, v3;
	v55 =	vadd.f32 v51, v50;
	[tilespmem:s4+$0x8A40] =	vst v49  }
0x396: {  	v23 =	vld [tilespmem:s4+$0x1630];
	v53 =	vmul.f32 v62, v3;
	v54 =	vmul.f32 v63, v4;
	v61 =	vadd.f32 v57, v56;
	[tilespmem:s4+$0x8A50] =	vst v52  }
0x397: {  	v15 =	vld [tilespmem:s4+$0x1A00];
	v62 =	vmul.f32 v18, v3;
	v63 =	vmul.f32 v19, v4;
	v22 =	vadd.f32 v60, v59;
	[tilespmem:s4+$0x8A60] =	vst v55  }
0x398: {  	v18 =	vld [tilespmem:s4+$0x5630];
	v44 =	vmul.f32 v12, v3;
	v45 =	vmul.f32 v13, v4;
	v58 =	vadd.f32 v54, v53;
	[tilespmem:s4+$0x8E00] =	vst v61  }
0x399: {  	v12 =	vld [tilespmem:s4+$0x5640];
	v47 =	vmul.f32 v8, v3;
	v48 =	vmul.f32 v9, v4;
	v43 =	vadd.f32 v63, v62;
	[tilespmem:s4+$0x8E10] =	vst v22  }
0x39a: {  	v9 =	vld [tilespmem:s4+$0x1650];
	v56 =	vmul.f32 v14, v4;
	v59 =	vmul.f32 v20, v4;
	v46 =	vadd.f32 v27, v25;
	[tilespmem:s4+$0x8A70] =	vst v58  }
0x39b: {  	v50 =	vld [tilespmem:$0x1FF60];
	v20 =	vmul.f32 v28, v3;
	v49 =	vadd.f32 v45, v44;
	v55 =	vmul.f32 v6, v3;
	[tilespmem:s4+$0x8E20] =	vst v43  }
0x39c: {  	v13 =	vld [tilespmem:s4+$0x1670];
	v51 =	vadd.f32 v48, v47;
	v61 =	vmul.f32 v21, v3;
	v62 =	vmul.f32 v26, v4;
	[tilespmem:s4+$0x8E30] =	vst v46  }
0x39d: {  	v14 =	vld [tilespmem:s4+$0x5670];
	v28 =	vmul.f32 v32, v3;
	v21 =	vmul.f32 v29, v4;
	[tilespmem:s4+$0x8E40] =	vst v49;
	v60 =	vadd.f32 v56, v55  }
0x39e: {  	v19 =	vld [tilespmem:s4+$0x1A10];
	v25 =	vmul.f32 v30, v3;
	v26 =	vmul.f32 v31, v4;
	[tilespmem:s4+$0x8E50] =	vst v51;
	v22 =	vadd.f32 v62, v61  }
0x39f: {  	v32 =	vmul.f32 v35, v4;
	v52 =	vld [tilespmem:$0x1FF70];
	v29 =	vmul.f32 v33, v4;
	v27 =	vadd.f32 v21, v20;
	[tilespmem:s4+$0x9200] =	vst v60  }
0x3a0: {  	v53 =	vmul.f32 v10, v4;
	v10 =	vld [tilespmem:s4+$0x1660];
	v31 =	vmul.f32 v34, v3;
	v30 =	vadd.f32 v26, v25;
	[tilespmem:s4+$0x9220] =	vst v22  }
0x3a1: {  	v35 =	vmul.f32 v37, v4;
	v34 =	vmul.f32 v36, v3;
	v44 =	vld [tilespmem:s4+$0x1A30];
	v33 =	vadd.f32 v29, v28;
	[tilespmem:s4+$0x9230] =	vst v27  }
0x3a2: {  	v48 =	vld [tilespmem:s4+$0x5A30];
	v37 =	vmul.f32 v38, v3;
	v38 =	vmul.f32 v39, v4;
	v36 =	vadd.f32 v32, v31;
	[tilespmem:s4+$0x9240] =	vst v30  }
0x3a3: {  	v58 =	vmul.f32 v17, v3;
	v17 =	vld [tilespmem:s4+$0x5A00];
	v39 =	vadd.f32 v35, v34;
	[tilespmem:s4+$0x9250] =	vst v33  }
0x3a4: {  	v40 =	vmul.f32 v40, v3;
	v20 =	vld [tilespmem:s4+$0x5A10];
	v43 =	vmul.f32 v41, v4;
	v45 =	vadd.f32 v38, v37;
	[tilespmem:s4+$0x9260] =	vst v36  }
0x3a5: {  	v7 =	vmul.f32 v7, v4;
	v21 =	vld [tilespmem:s4+$0x1A20];
	v1 =	vmul.f32 v50, v3;
	v63 =	vadd.f32 v59, v58;
	[tilespmem:s4+$0x9270] =	vst v39  }
0x3a6: {  	v56 =	vld [tilespmem:s4+$0x5A40];
	v49 =	vadd.f32 v43, v40;
	v58 =	vmul.f32 v9, v3;
	v59 =	vmul.f32 v11, v4;
	[tilespmem:s4+$0x9600] =	vst v45  }
0x3a7: {  	v28 =	vld [tilespmem:s4+$0x1A60];
	v26 =	vmul.f32 v13, v3;
	v27 =	vmul.f32 v14, v4;
	v54 =	vadd.f32 v7, v1;
	[tilespmem:s4+$0x9210] =	vst v63  }
0x3a8: {  	v32 =	vld [tilespmem:s4+$0x5A60];
	v50 =	vmul.f32 v23, v3;
	v5 =	vmul.f32 v52, v3;
	[tilespmem:s4+$0x9610] =	vst v49;
	v23 =	vadd.f32 v59, v58  }
0x3a9: {  	v47 =	vmul.f32 v24, v4;
	v46 =	vmul.f32 v42, v3;
	v22 =	vld [tilespmem:s4+$0x5A20];
	v33 =	vadd.f32 v27, v26;
	[tilespmem:s4+$0x8E60] =	vst v54  }
0x3aa: {  	v60 =	vld [tilespmem:s4+$0x1A50];
	v42 =	vmul.f32 v44, v3;
	v43 =	vmul.f32 v48, v4;
	v57 =	vadd.f32 v53, v5;
	[tilespmem:s4+$0x9650] =	vst v23  }
0x3ab: {  	v51 =	vmul.f32 v18, v4;
	v36 =	vld [tilespmem:s4+$0x1A70];
	v53 =	vadd.f32 v47, v46;
	[tilespmem:s4+$0x9670] =	vst v33  }
0x3ac: {  	v55 =	vmul.f32 v12, v4;
	v40 =	vld [tilespmem:s4+$0x5A70];
	v54 =	vmul.f32 v16, v3;
	v47 =	vadd.f32 v43, v42;
	[tilespmem:s4+$0x8E70] =	vst v57  }
0x3ad: {  	v30 =	vmul.f32 v15, v3;
	v7 =	vld [tilespmem:s4+$0x5660];
	v31 =	vmul.f32 v17, v4;
	v57 =	vadd.f32 v51, v50;
	[tilespmem:s4+$0x9620] =	vst v53  }
0x3ae: {  	v34 =	vmul.f32 v19, v3;
	v52 =	vld [tilespmem:s4+$0x1A40];
	v35 =	vmul.f32 v20, v4;
	v61 =	vadd.f32 v55, v54;
	[tilespmem:s4+$0x9A30] =	vst v47  }
0x3af: {  	v16 =	vld [tilespmem:s4+$0x5A50];
	v38 =	vmul.f32 v21, v3;
	v37 =	vadd.f32 v31, v30;
	v39 =	vmul.f32 v22, v4;
	[tilespmem:s4+$0x9630] =	vst v57  }
0x3b0: {  	v41 =	vadd.f32 v35, v34;
	v50 =	vmul.f32 v28, v3;
	v51 =	vmul.f32 v32, v4;
	[tilespmem:s4+$0x9640] =	vst v61  }
0x3b1: {  	v53 =	vmul.f32 v36, v3;
	v54 =	vmul.f32 v40, v4;
	[tilespmem:s4+$0x9A00] =	vst v37;
	v44 =	vadd.f32 v39, v38  }
0x3b2: {  	v62 =	vmul.f32 v10, v3;
	v63 =	vmul.f32 v7, v4;
	[tilespmem:s4+$0x9A10] =	vst v41;
	v55 =	vadd.f32 v51, v50  }
0x3b3: {  	v46 =	vmul.f32 v56, v4;
	v45 =	vmul.f32 v52, v3;
	v56 =	vadd.f32 v54, v53;
	[tilespmem:s4+$0x9A20] =	vst v44  }
0x3b4: {  	v48 =	vmul.f32 v60, v3;
	v29 =	vadd.f32 v63, v62;
	v7 =	vmul.f32 v16, v4;
	[tilespmem:s4+$0x9A60] =	vst v55  }
0x3b5: {  	s5 =	sand.u32 $0x7, s23;
	v49 =	vadd.f32 v46, v45;
	[tilespmem:s4+$0x9A70] =	vst v56  }
0x3b6: {  	s5 =	sshll.u32 s5, $0x7;
	[tilespmem:s4+$0x9660] =	vst v29;
	v52 =	vadd.f32 v7, v48  }
0x3b7: {  	s5 =	sadd.s32 s5, s28;
	[tilespmem:s4+$0x9A40] =	vst v49  }
0x3b8: {  	[tilespmem:s4+$0x9A50] =	vst v52;
	s4 =	sor.u32 $0x1C00, s5  }
0x3b9: {  	v0 =	vld [tilespmem:s4+$0x200]  }
0x3ba: {  	v1 =	vld [tilespmem:s4+$0x4200];
	_ =	sdelay $0x4  }
0x3bb: {  	v0 =	vmul.f32 v0, v3;
	v1 =	vmul.f32 v1, v4;
	_ =	sdelay $0x1  }
0x3bc: {  	v0 =	vadd.f32 v1, v0;
	_ =	sdelay $0x1  }
0x3bd: {  	[tilespmem:s4+$0x8200] =	vst v0;
	s4 =	sor.u32 $0x1C10, s5  }
0x3be: {  	v0 =	vld [tilespmem:s4+$0x200]  }
0x3bf: {  	v57 =	vld [tilespmem:s4+$0x4200];
	_ =	sdelay $0x4  }
0x3c0: {  	v0 =	vmul.f32 v0, v3;
	v1 =	vmul.f32 v57, v4;
	_ =	sdelay $0x1  }
0x3c1: {  	v0 =	vadd.f32 v1, v0;
	_ =	sdelay $0x1  }
0x3c2: {  	[tilespmem:s4+$0x8200] =	vst v0;
	s4 =	sor.u32 $0x1C20, s5  }
0x3c3: {  	v0 =	vld [tilespmem:s4+$0x200]  }
0x3c4: {  	v58 =	vld [tilespmem:s4+$0x4200];
	_ =	sdelay $0x4  }
0x3c5: {  	v0 =	vmul.f32 v0, v3;
	v1 =	vmul.f32 v58, v4;
	_ =	sdelay $0x1  }
0x3c6: {  	v0 =	vadd.f32 v1, v0;
	_ =	sdelay $0x1  }
0x3c7: {  	[tilespmem:s4+$0x8200] =	vst v0;
	s4 =	sor.u32 $0x1C30, s5  }
0x3c8: {  	v0 =	vld [tilespmem:s4+$0x200]  }
0x3c9: {  	v59 =	vld [tilespmem:s4+$0x4200];
	_ =	sdelay $0x4  }
0x3ca: {  	v0 =	vmul.f32 v0, v3;
	v1 =	vmul.f32 v59, v4;
	_ =	sdelay $0x1  }
0x3cb: {  	v0 =	vadd.f32 v1, v0;
	_ =	sdelay $0x1  }
0x3cc: {  	[tilespmem:s4+$0x8200] =	vst v0;
	s4 =	sor.u32 $0x1C40, s5  }
0x3cd: {  	v0 =	vld [tilespmem:s4+$0x200]  }
0x3ce: {  	v60 =	vld [tilespmem:s4+$0x4200];
	_ =	sdelay $0x4  }
0x3cf: {  	v0 =	vmul.f32 v0, v3;
	v1 =	vmul.f32 v60, v4;
	_ =	sdelay $0x1  }
0x3d0: {  	v0 =	vadd.f32 v1, v0;
	_ =	sdelay $0x1  }
0x3d1: {  	[tilespmem:s4+$0x8200] =	vst v0;
	s4 =	sor.u32 $0x1C50, s5  }
0x3d2: {  	v0 =	vld [tilespmem:s4+$0x200]  }
0x3d3: {  	v61 =	vld [tilespmem:s4+$0x4200];
	_ =	sdelay $0x4  }
0x3d4: {  	v0 =	vmul.f32 v0, v3;
	v1 =	vmul.f32 v61, v4;
	_ =	sdelay $0x1  }
0x3d5: {  	v0 =	vadd.f32 v1, v0;
	_ =	sdelay $0x1  }
0x3d6: {  	[tilespmem:s4+$0x8200] =	vst v0;
	s4 =	sor.u32 $0x1C60, s5  }
0x3d7: {  	v0 =	vld [tilespmem:s4+$0x200]  }
0x3d8: {  	v62 =	vld [tilespmem:s4+$0x4200];
	_ =	sdelay $0x4  }
0x3d9: {  	v0 =	vmul.f32 v0, v3;
	v1 =	vmul.f32 v62, v4;
	_ =	sdelay $0x1  }
0x3da: {  	v0 =	vadd.f32 v1, v0;
	_ =	sdelay $0x1  }
0x3db: {  	s5 =	sor.u32 $0x1C70, s5;
	[tilespmem:s4+$0x8200] =	vst v0  }
0x3dc: {  	v0 =	vld [tilespmem:s5+$0x200]  }
0x3dd: {  	v63 =	vld [tilespmem:s5+$0x4200];
	_ =	sdelay $0x3  }
0x3de: {  	p0 =	sne.s32 s1, $0xF  }
.Ltmp3:
0x3df: {  	v0 =	vmul.f32 v0, v3;
	v1 =	vmul.f32 v63, v4;
	(pc) =	sbr.rel @p0 .LBB2_8-.Ltmp3, $4  }
0x3e0: {  	_ = 	snop  }
0x3e1: {  	v0 =	vadd.f32 v1, v0  }
0x3e2: {  	s30 =	sadd.s32 $0x80, s30  }
0x3e3: {  	s1 =	sadd.s32 $0x1, s1;
	s23 =	sadd.s32 $0x1, s23;
	s28 =	sadd.s32 $0x400, s28;
	[tilespmem:s5+$0x8200] =	vst v0  }
0x3e4: {  	s1 =	rddreg [dreg:$0x10]  }
0x3e5: {  	[hbm4b:s1+s2] =	stream.linear.scatter [tilespmem:s21], [sflag:$0x3], $0x4000, $0x38;
	[tilespmem:$0xC200] =	vst v63  }
0x3e6: {  	_ =	swait.ge [sflag:s29], $0x4000  }
0x3e7: {  	s22 =	sadd.s32 $0x1, s22;
	s30 =	rddreg [dreg:$0x17]  }
0x3e8: {  	p0 =	sne.s32 s22, s30  }
.Ltmp4:
0x3e9: {  	_ = 	snop;
	(pc) =	sbr.rel @p0 .LBB2_1-.Ltmp4, $3  }
0x3ea: {  	_ =	sdelay $0x1  }
0x3eb: {  	[sflag:s29] =	ssyncset.done $0x0  }
0x3ec: {  	[sflag:s29] =	ssyncadd.s32 $0xFFFFC000  }
0x3ed: {  	_ =	sfence.sel $0x180000  }
0x3ee: {  	[bflag:$0x0] =	sbarrier.arrive $0xFFFF  }
0x3ef: {  	_ =	strace $0x9000004A  }
0x3f0: {  	s0 =	stileid.u32;
	[bflag:$0x2] =	sbarrier.arrive $0xFFFF  }
0x3f1: {  	p0 =	sne.s32 s0, $0x0;
	s0 =	rddreg [dreg:$0x2]  }
0x3f2: {  	s0 =	sadd.s32 @!p0 $0x100000, s0  }
0x3f3: {  	[sflag:s0] =	ssyncadd.tile.s32 @!p0 $0x1;
	_ =	shalt  }
.Lfunc_end2:
_tile_overlayer_lowered:
.L_overlay_start_2:
0x3f4: {  	(tag) =	ssettag $0x2  }
0x3f5: {  	s0 =	rddreg [dreg:$0x0];
	s2 =	stileid.u32  }
0x3f6: {  	s1 =	rddreg [dreg:$0x1];
	p0 =	sne.s32 s2, $0x0  }
0x3f7: {  	s3 =	rddreg [dreg:$0x2];
	[bflag:$0x3] =	sbarrier.arrive $0xFFFF;
	s2 =	simm.s32 @!p0 $0x1C03  }
0x3f8: {  	[timem:s3], [sflag:s2] =	dma.local @!p0 [hbm:s0], s1  }
0x3f9: {  	s0 =	simm.s32 @!p0 $0x3  }
0x3fa: {  	_ =	swait.ge @!p0 [sflag:s0], s1  }
0x3fb: {  	s1 =	ssub.s32 @!p0 $0x0, s1;
	[sflag:s0] =	ssyncset.done @!p0 $0x0  }
0x3fc: {  	[sflag:s0] =	ssyncadd.s32 @!p0 s1  }
0x3fd: {  	[bflag:$0x3] =	sbarrier.arrive $0xFFFF  }
0x3fe: {  	_ =	shalt  }

</sc_bundles>
